<compile_context>
chip_gen: v7x
topology: tpu7x:2x2x1
jax: 0.10.2.dev20260603
libtpu: 0.0.44.dev20260713+nightly
codegen_flags: <defaults>
</compile_context>

<pallas_src>
import jax
import jax.numpy as jnp
from jax import lax
from jax.experimental import pallas as pl
from jax.experimental.pallas import tpu as pltpu
from jax.experimental.pallas import tpu_sc as plsc

N = 20000
NPAD = 20480
NTILES = 16
CH = NPAD // NTILES
TOPK = 5000
K5 = 5120
SB = K5 // NTILES
BLK = 160
NBLK = K5 // BLK
KEEP = 750
_BIG = 1 << 30
_EXPB = 0x3F000000
_MANT = 0x007FFFFF

_iota = lambda: lax.iota(jnp.int32, 16)


def BIGc():
    return jnp.int32(_BIG)


def _splat(v):
    return jnp.full((16,), v)


def _iou_sup(bx1, by1, bx2, by2, ba, x1, y1, x2, y2, a):
    xx1 = jnp.maximum(bx1, x1)
    yy1 = jnp.maximum(by1, y1)
    xx2 = jnp.minimum(bx2, x2)
    yy2 = jnp.minimum(by2, y2)
    w = jnp.maximum(jnp.float32(0.0), xx2 - xx1 + jnp.float32(1.0))
    h = jnp.maximum(jnp.float32(0.0), yy2 - yy1 + jnp.float32(1.0))
    inter = w * h
    ovr = inter / (ba + a - inter)
    return ovr > jnp.float32(0.4)


def _body(scores_hbm, bx1_hbm, by1_hbm, bx2_hbm, by2_hbm, out_hbm,
          sp_k0, sp_v0, sp_k1, sp_v1, sp_grid,
          sp_blk,
          sp_kx1, sp_ky1, sp_kx2, sp_ky2, sp_ks, sp_kcnt,
          ls, lk, lv, loff2, gvm, lh, lofs, ttot,
          lb1, lb2, lb3, lb4, cx1, cy1, cx2, cy2, ca, cs, cpos, cal, ral,
          lpv, pv, pbs, kv, det):
    w = lax.axis_index("s")
    cb = w * CH
    i16 = _iota()

    pltpu.sync_copy(scores_hbm.at[pl.ds(cb, CH)], ls)

    def _mkkey(i, _):
        s = ls[pl.ds(i * 16, 16)]
        b = plsc.bitcast(s, jnp.int32)
        key = jnp.where(s > jnp.float32(0.5), b & jnp.int32(_MANT), jnp.int32(0))
        lk[pl.ds(i * 16, 16)] = key
        lv[pl.ds(i * 16, 16)] = cb + i * 16 + i16
        return 0
    lax.fori_loop(0, CH // 16, _mkkey, 0)

    def _radix_pass(shift, dst_k, dst_v):
        def _z(i, _):
            lh[pl.ds(i * 16, 16)] = jnp.zeros((16,), jnp.int32)
            return 0
        lax.fori_loop(0, 16, _z, 0)

        def _hist(i, _):
            k16 = lk[pl.ds(i * 16, 16)]
            rd = jnp.int32(255) - ((k16 >> shift) & jnp.int32(255))
            rank, last = plsc.scan_count(rd)
            plsc.addupdate_scatter(lh, [rd], rank, mask=last)
            return 0
        lax.fori_loop(0, CH // 16, _hist, 0)

        pltpu.sync_copy(lh, sp_grid.at[w])
        plsc.subcore_barrier()
        pltpu.sync_copy(sp_grid, gvm)

        def _scan_d(dv, _):
            def _acc(t, c):
                tot, myp = c
                g = gvm[t, pl.ds(dv * 16, 16)]
                return (tot + g, myp + jnp.where(t < w, g, jnp.int32(0)))
            tot, myp = lax.fori_loop(
                0, NTILES, _acc,
                (jnp.zeros((16,), jnp.int32), jnp.zeros((16,), jnp.int32)))
            ttot[pl.ds(dv * 16, 16)] = tot
            lofs[pl.ds(dv * 16, 16)] = myp
            return 0
        lax.fori_loop(0, 16, _scan_d, 0)

        def _excl(dv, base):
            t16 = ttot[pl.ds(dv * 16, 16)]
            c = plsc.cumsum(t16)
            lofs[pl.ds(dv * 16, 16)] = lofs[pl.ds(dv * 16, 16)] + base + c - t16
            return base + c[15]
        lax.fori_loop(0, 16, _excl, jnp.int32(0))

        def _rank(i, _):
            k16 = lk[pl.ds(i * 16, 16)]
            rd = jnp.int32(255) - ((k16 >> shift) & jnp.int32(255))
            rank, last = plsc.scan_count(rd)
            base16 = plsc.load_gather(lofs, [rd])
            plsc.addupdate_scatter(lofs, [rd], rank, mask=last)
            loff2[i >> 3, pl.ds((i & 7) * 16, 16)] = base16 + rank - 1
            return 0
        lax.fori_loop(0, CH // 16, _rank, 0)

        def _scat(r, _):
            pltpu.sync_copy(lk.at[pl.ds(r * 128, 128)], dst_k.at[loff2.at[r]])
            pltpu.sync_copy(lv.at[pl.ds(r * 128, 128)], dst_v.at[loff2.at[r]])
            return 0
        lax.fori_loop(0, CH // 128, _scat, 0)
        plsc.subcore_barrier()

    _radix_pass(jnp.int32(0), sp_k0, sp_v0)
    pltpu.sync_copy(sp_k0.at[pl.ds(cb, CH)], lk)
    pltpu.sync_copy(sp_v0.at[pl.ds(cb, CH)], lv)
    _radix_pass(jnp.int32(8), sp_k1, sp_v1)
    pltpu.sync_copy(sp_k1.at[pl.ds(cb, CH)], lk)
    pltpu.sync_copy(sp_v1.at[pl.ds(cb, CH)], lv)
    _radix_pass(jnp.int32(16), sp_k0, sp_v0)

    sb = w * SB
    pltpu.sync_copy(sp_k0.at[pl.ds(sb, SB)], lk.at[pl.ds(0, SB)])
    pltpu.sync_copy(sp_v0.at[pl.ds(sb, SB)], lv.at[pl.ds(0, SB)])

    pltpu.sync_copy(bx1_hbm, lb1)
    pltpu.sync_copy(by1_hbm, lb2)
    pltpu.sync_copy(bx2_hbm, lb3)
    pltpu.sync_copy(by2_hbm, lb4)

    def _prep(i, _):
        k16 = lk[pl.ds(i * 16, 16)]
        gpos = sb + i * 16 + i16
        val = (k16 > jnp.int32(0)) & (gpos < jnp.int32(TOPK))
        sc = plsc.bitcast(k16 | jnp.int32(_EXPB), jnp.float32)
        idx = lv[pl.ds(i * 16, 16)]
        x1 = plsc.load_gather(lb1, [idx])
        y1 = plsc.load_gather(lb2, [idx])
        x2 = plsc.load_gather(lb3, [idx])
        y2 = plsc.load_gather(lb4, [idx])
        cx1[pl.ds(i * 16, 16)] = x1
        cy1[pl.ds(i * 16, 16)] = y1
        cx2[pl.ds(i * 16, 16)] = x2
        cy2[pl.ds(i * 16, 16)] = y2
        ca[pl.ds(i * 16, 16)] = (x2 - x1 + jnp.float32(1.0)) * (
            y2 - y1 + jnp.float32(1.0))
        cs[pl.ds(i * 16, 16)] = sc
        cal[pl.ds(i * 16, 16)] = val.astype(jnp.int32)
        cpos[pl.ds(i * 16, 16)] = gpos
        return 0
    lax.fori_loop(0, SB // 16, _prep, 0)
    cpos[pl.ds(SB, 16)] = _splat(BIGc())
    cal[pl.ds(SB, 16)] = jnp.zeros((16,), jnp.int32)
    ral[pl.ds(SB, 16)] = jnp.zeros((16,), jnp.int32)

    def _cmp0(v, wp):
        m = cal[pl.ds(v * 16, 16)] != 0
        mi = m.astype(jnp.int32)
        pos = wp + plsc.cumsum(mi) - mi
        plsc.store_scatter(cx1, [pos], cx1[pl.ds(v * 16, 16)], mask=m)
        plsc.store_scatter(cy1, [pos], cy1[pl.ds(v * 16, 16)], mask=m)
        plsc.store_scatter(cx2, [pos], cx2[pl.ds(v * 16, 16)], mask=m)
        plsc.store_scatter(cy2, [pos], cy2[pl.ds(v * 16, 16)], mask=m)
        plsc.store_scatter(ca, [pos], ca[pl.ds(v * 16, 16)], mask=m)
        plsc.store_scatter(cs, [pos], cs[pl.ds(v * 16, 16)], mask=m)
        plsc.store_scatter(cpos, [pos], cpos[pl.ds(v * 16, 16)], mask=m)
        return wp + jnp.sum(mi)
    mc0 = lax.fori_loop(0, SB // 16, _cmp0, jnp.int32(0))

    def _wipe0(v, _):
        l16 = v * 16 + i16
        live = l16 < mc0
        cal[pl.ds(v * 16, 16)] = live.astype(jnp.int32)
        cpos[pl.ds(v * 16, 16)] = jnp.where(live, cpos[pl.ds(v * 16, 16)], BIGc())
        return 0
    lax.fori_loop(0, SB // 16, _wipe0, 0)

    @pl.when(w == 0)
    def _():
        kv[pl.ds(0, 16)] = jnp.zeros((16,), jnp.int32)

        def _zc(q, _):
            pltpu.sync_copy(kv.at[pl.ds(0, 16)], sp_kcnt.at[pl.ds(q * 16, 16)])
            return 0
        lax.fori_loop(0, NBLK // 16, _zc, 0)
    plsc.subcore_barrier()

    def _block(b, mc):
        hi = (b + 1) * BLK

        def _cnt(v, n):
            c16 = cpos[pl.ds(v * 16, 16)]
            return n + jnp.sum((c16 < hi).astype(jnp.int32))
        nb = jnp.where(
            w == (b >> 1),
            lax.fori_loop(0, SB // 16, _cnt, jnp.int32(0)), jnp.int32(0))

        @pl.when(nb > 0)
        def _resolve():
            def _ral(v, _):
                l16 = v * 16 + i16
                ral[pl.ds(v * 16, 16)] = (
                    (l16 < nb).astype(jnp.int32) * cal[pl.ds(v * 16, 16)])
                return 0
            lax.fori_loop(0, SB // 16 + 1, _ral, 0)

            def _piv(i, _):
                rv = ral[pl.ds(i, 16)][0]

                @pl.when(rv != 0)
                def _():
                    bx1 = _splat(cx1[pl.ds(i, 16)][0])
                    by1 = _splat(cy1[pl.ds(i, 16)][0])
                    bx2 = _splat(cx2[pl.ds(i, 16)][0])
                    by2 = _splat(cy2[pl.ds(i, 16)][0])
                    ba = _splat(ca[pl.ds(i, 16)][0])

                    def _sup(v, _):
                        jl = v * 16 + i16
                        r16 = ral[pl.ds(v * 16, 16)]
                        sup = _iou_sup(bx1, by1, bx2, by2, ba,
                                       cx1[pl.ds(v * 16, 16)],
                                       cy1[pl.ds(v * 16, 16)],
                                       cx2[pl.ds(v * 16, 16)],
                                       cy2[pl.ds(v * 16, 16)],
                                       ca[pl.ds(v * 16, 16)])
                        kill = sup & (jl > i)
                        ral[pl.ds(v * 16, 16)] = jnp.where(
                            kill, jnp.int32(0), r16)
                        return 0
                    lax.fori_loop(i >> 4, (nb + 15) >> 4, _sup, 0)
                return 0
            lax.fori_loop(0, nb, _piv, 0)

            z16 = _splat(jnp.int32(0))
            zR1, zR2, zR3, zR4, zR5 = (z16 + 1, z16 + 2, z16 + 3,
                                       z16 + 4, z16 + 5)

            def _cmp(v, wp):
                m = ral[pl.ds(v * 16, 16)] != 0
                mi = m.astype(jnp.int32)
                pos = wp + plsc.cumsum(mi) - mi
                plsc.store_scatter(lpv, [zR1, pos], cx1[pl.ds(v * 16, 16)], mask=m)
                plsc.store_scatter(lpv, [zR2, pos], cy1[pl.ds(v * 16, 16)], mask=m)
                plsc.store_scatter(lpv, [zR3, pos], cx2[pl.ds(v * 16, 16)], mask=m)
                plsc.store_scatter(lpv, [zR4, pos], cy2[pl.ds(v * 16, 16)], mask=m)
                plsc.store_scatter(lpv, [zR5, pos], ca[pl.ds(v * 16, 16)], mask=m)
                plsc.store_scatter(pbs, [pos], cs[pl.ds(v * 16, 16)], mask=m)
                return wp + jnp.sum(mi)
            kb = lax.fori_loop(0, BLK // 16, _cmp, jnp.int32(0))

            pad_i = kb + i16
            pad_m = i16 < ((-kb) & 3)
            sent = _splat(jnp.float32(-4e6))
            plsc.store_scatter(lpv, [zR1, pad_i], sent, mask=pad_m)
            plsc.store_scatter(lpv, [zR2, pad_i], sent, mask=pad_m)
            plsc.store_scatter(lpv, [zR3, pad_i], sent, mask=pad_m)
            plsc.store_scatter(lpv, [zR4, pad_i], sent, mask=pad_m)
            plsc.store_scatter(lpv, [zR5, pad_i], _splat(jnp.float32(1.0)),
                               mask=pad_m)

            pltpu.sync_copy(lpv.at[1], sp_blk.at[pl.ds(256, 256)])
            pltpu.sync_copy(lpv.at[2], sp_blk.at[pl.ds(512, 256)])
            pltpu.sync_copy(lpv.at[3], sp_blk.at[pl.ds(768, 256)])
            pltpu.sync_copy(lpv.at[4], sp_blk.at[pl.ds(1024, 256)])
            pltpu.sync_copy(lpv.at[5], sp_blk.at[pl.ds(1280, 256)])
            pltpu.sync_copy(lpv.at[1], sp_kx1.at[pl.ds(b * 256, 256)])
            pltpu.sync_copy(lpv.at[2], sp_ky1.at[pl.ds(b * 256, 256)])
            pltpu.sync_copy(lpv.at[3], sp_kx2.at[pl.ds(b * 256, 256)])
            pltpu.sync_copy(lpv.at[4], sp_ky2.at[pl.ds(b * 256, 256)])
            pltpu.sync_copy(pbs, sp_ks.at[pl.ds(b * 256, 256)])
            ch = (b >> 4) * 16
            pltpu.sync_copy(sp_kcnt.at[pl.ds(ch, 16)], kv.at[pl.ds(0, 16)])
            kv16 = kv[pl.ds(0, 16)]
            kv[pl.ds(0, 16)] = jnp.where(i16 == b - ch, kb, kv16)
            pltpu.sync_copy(kv.at[pl.ds(0, 16)], sp_kcnt.at[pl.ds(ch, 16)])

            def _shift(v, _):
                src = nb + v * 16 + i16
                msk = src < mc
                cx1[pl.ds(v * 16, 16)] = plsc.load_gather(cx1, [src], mask=msk)
                cy1[pl.ds(v * 16, 16)] = plsc.load_gather(cy1, [src], mask=msk)
                cx2[pl.ds(v * 16, 16)] = plsc.load_gather(cx2, [src], mask=msk)
                cy2[pl.ds(v * 16, 16)] = plsc.load_gather(cy2, [src], mask=msk)
                ca[pl.ds(v * 16, 16)] = plsc.load_gather(ca, [src], mask=msk)
                cs[pl.ds(v * 16, 16)] = plsc.load_gather(cs, [src], mask=msk)
                cal[pl.ds(v * 16, 16)] = jnp.where(
                    msk, plsc.load_gather(cal, [src], mask=msk), jnp.int32(0))
                cpos[pl.ds(v * 16, 16)] = jnp.where(
                    msk, plsc.load_gather(cpos, [src], mask=msk), BIGc())
                return 0
            lax.fori_loop(0, SB // 16, _shift, 0)

        mc = jnp.where(nb > 0, mc - nb, mc)
        kv[pl.ds(NBLK, 16)] = _splat(mc)
        plsc.subcore_barrier()

        ch = (b >> 4) * 16
        pltpu.sync_copy(sp_kcnt.at[pl.ds(ch, 16)], kv.at[pl.ds(0, 16)])
        kb_s = kv[pl.ds(0, 16)][_splat(b - ch)][0]

        @pl.when((kb_s > 0) & (mc > 0))
        def _apply():
            pltpu.sync_copy(sp_blk.at[pl.ds(256, 256)], pv.at[1])
            pltpu.sync_copy(sp_blk.at[pl.ds(512, 256)], pv.at[2])
            pltpu.sync_copy(sp_blk.at[pl.ds(768, 256)], pv.at[3])
            pltpu.sync_copy(sp_blk.at[pl.ds(1024, 256)], pv.at[4])
            pltpu.sync_copy(sp_blk.at[pl.ds(1280, 256)], pv.at[5])
            nv = (mc + 15) >> 4
            kb4 = (kb_s + 3) >> 2

            def _pv(p4, _):
                p = p4 * 4

                def _bc(row, off):
                    return _splat(pv[row, pl.ds(p + off, 16)][0])
                ax1, ay1, ax2, ay2, aa = (_bc(1, 0), _bc(2, 0), _bc(3, 0),
                                          _bc(4, 0), _bc(5, 0))
                bx1, by1, bx2, by2, ba = (_bc(1, 1), _bc(2, 1), _bc(3, 1),
                                          _bc(4, 1), _bc(5, 1))
                dx1, dy1, dx2, dy2, da = (_bc(1, 2), _bc(2, 2), _bc(3, 2),
                                          _bc(4, 2), _bc(5, 2))
                ex1, ey1, ex2, ey2, ea = (_bc(1, 3), _bc(2, 3), _bc(3, 3),
                                          _bc(4, 3), _bc(5, 3))

                def _sup(v, _):
                    a16 = cal[pl.ds(v * 16, 16)]
                    x1 = cx1[pl.ds(v * 16, 16)]
                    y1 = cy1[pl.ds(v * 16, 16)]
                    x2 = cx2[pl.ds(v * 16, 16)]
                    y2 = cy2[pl.ds(v * 16, 16)]
                    a = ca[pl.ds(v * 16, 16)]
                    s0 = _iou_sup(ax1, ay1, ax2, ay2, aa, x1, y1, x2, y2, a)
                    s1 = _iou_sup(bx1, by1, bx2, by2, ba, x1, y1, x2, y2, a)
                    s2 = _iou_sup(dx1, dy1, dx2, dy2, da, x1, y1, x2, y2, a)
                    s3 = _iou_sup(ex1, ey1, ex2, ey2, ea, x1, y1, x2, y2, a)
                    sup = (s0 | s1) | (s2 | s3)
                    cal[pl.ds(v * 16, 16)] = jnp.where(sup, jnp.int32(0), a16)
                    return 0
                lax.fori_loop(0, nv, _sup, 0)
                return 0
            lax.fori_loop(0, kb4, _pv, 0)

            def _cmp2(v, wp):
                m = cal[pl.ds(v * 16, 16)] != 0
                mi = m.astype(jnp.int32)
                pos = wp + plsc.cumsum(mi) - mi
                plsc.store_scatter(cx1, [pos], cx1[pl.ds(v * 16, 16)], mask=m)
                plsc.store_scatter(cy1, [pos], cy1[pl.ds(v * 16, 16)], mask=m)
                plsc.store_scatter(cx2, [pos], cx2[pl.ds(v * 16, 16)], mask=m)
                plsc.store_scatter(cy2, [pos], cy2[pl.ds(v * 16, 16)], mask=m)
                plsc.store_scatter(ca, [pos], ca[pl.ds(v * 16, 16)], mask=m)
                plsc.store_scatter(cs, [pos], cs[pl.ds(v * 16, 16)], mask=m)
                plsc.store_scatter(cpos, [pos], cpos[pl.ds(v * 16, 16)], mask=m)
                return wp + jnp.sum(mi)
            wp = lax.fori_loop(0, nv, _cmp2, jnp.int32(0))

            def _wipe(v, _):
                l16 = v * 16 + i16
                live = l16 < wp
                cal[pl.ds(v * 16, 16)] = live.astype(jnp.int32)
                cpos[pl.ds(v * 16, 16)] = jnp.where(
                    live, cpos[pl.ds(v * 16, 16)], BIGc())
                return 0
            lax.fori_loop(0, SB // 16, _wipe, 0)
            kv[pl.ds(NBLK, 16)] = _splat(wp)
        return kv[pl.ds(NBLK, 16)][0]

    mc = lax.fori_loop(0, NBLK, _block, mc0)
    del mc
    plsc.subcore_barrier()

    @pl.when(w == 0)
    def _emit():
        pltpu.sync_copy(sp_kcnt, kv.at[pl.ds(0, NBLK)])

        def _zero(v, _):
            det[pl.ds(v * 16, 16)] = jnp.zeros((16,), jnp.float32)
            return 0
        lax.fori_loop(0, det.shape[0] // 16, _zero, 0)

        def _blk(b, off):
            chv = (b >> 4) * 16
            kb = kv[pl.ds(chv, 16)][_splat(b - chv)][0]

            @pl.when(kb > 0)
            def _():
                pltpu.sync_copy(sp_kx1.at[pl.ds(b * 256, 256)], pv.at[1])
                pltpu.sync_copy(sp_ky1.at[pl.ds(b * 256, 256)], pv.at[2])
                pltpu.sync_copy(sp_kx2.at[pl.ds(b * 256, 256)], pv.at[3])
                pltpu.sync_copy(sp_ky2.at[pl.ds(b * 256, 256)], pv.at[4])
                pltpu.sync_copy(sp_ks.at[pl.ds(b * 256, 256)], pbs)

                def _row(v, _):
                    l16 = v * 16 + i16
                    ridx = off + l16
                    m = (l16 < kb) & (ridx < jnp.int32(KEEP))
                    base5 = ridx * 5
                    plsc.store_scatter(det, [base5], pv[1, pl.ds(v * 16, 16)], mask=m)
                    plsc.store_scatter(det, [base5 + 1], pv[2, pl.ds(v * 16, 16)], mask=m)
                    plsc.store_scatter(det, [base5 + 2], pv[3, pl.ds(v * 16, 16)], mask=m)
                    plsc.store_scatter(det, [base5 + 3], pv[4, pl.ds(v * 16, 16)], mask=m)
                    plsc.store_scatter(det, [base5 + 4], pbs[pl.ds(v * 16, 16)], mask=m)
                    return 0
                lax.fori_loop(0, BLK // 16, _row, 0)
            return off + kb
        lax.fori_loop(0, NBLK, _blk, jnp.int32(0))
        pltpu.sync_copy(det.at[pl.ds(0, 3760)], out_hbm)


def kernel(boxes, scores):
    scores_p = jnp.zeros((NPAD,), jnp.float32).at[:N].set(scores)
    boxes_t = jnp.zeros((4, NPAD), jnp.float32).at[:, :N].set(boxes.T)
    b1, b2, b3, b4 = boxes_t[0], boxes_t[1], boxes_t[2], boxes_t[3]

    mesh = plsc.VectorSubcoreMesh(
        core_axis_name="c", subcore_axis_name="s", num_cores=1)

    f = pl.kernel(
        _body,
        out_type=jax.ShapeDtypeStruct((3760,), jnp.float32),
        mesh=mesh,
        compiler_params=pltpu.CompilerParams(needs_layout_passes=False),
        scratch_types=[
            pltpu.VMEM_SHARED((NPAD,), jnp.int32),
            pltpu.VMEM_SHARED((NPAD,), jnp.int32),
            pltpu.VMEM_SHARED((NPAD,), jnp.int32),
            pltpu.VMEM_SHARED((NPAD,), jnp.int32),
            pltpu.VMEM_SHARED((NTILES, 256), jnp.int32),
            pltpu.VMEM_SHARED((1536,), jnp.float32),
            pltpu.VMEM_SHARED((NBLK * 256,), jnp.float32),
            pltpu.VMEM_SHARED((NBLK * 256,), jnp.float32),
            pltpu.VMEM_SHARED((NBLK * 256,), jnp.float32),
            pltpu.VMEM_SHARED((NBLK * 256,), jnp.float32),
            pltpu.VMEM_SHARED((NBLK * 256,), jnp.float32),
            pltpu.VMEM_SHARED((NBLK,), jnp.int32),
            pltpu.VMEM((CH,), jnp.float32),
            pltpu.VMEM((CH,), jnp.int32),
            pltpu.VMEM((CH,), jnp.int32),
            pltpu.VMEM((CH // 128, 128), jnp.int32),
            pltpu.VMEM((NTILES, 256), jnp.int32),
            pltpu.VMEM((256,), jnp.int32),
            pltpu.VMEM((256,), jnp.int32),
            pltpu.VMEM((256,), jnp.int32),
            pltpu.VMEM((NPAD,), jnp.float32),
            pltpu.VMEM((NPAD,), jnp.float32),
            pltpu.VMEM((NPAD,), jnp.float32),
            pltpu.VMEM((NPAD,), jnp.float32),
            pltpu.VMEM((SB + 16,), jnp.float32),
            pltpu.VMEM((SB + 16,), jnp.float32),
            pltpu.VMEM((SB + 16,), jnp.float32),
            pltpu.VMEM((SB + 16,), jnp.float32),
            pltpu.VMEM((SB + 16,), jnp.float32),
            pltpu.VMEM((SB + 16,), jnp.float32),
            pltpu.VMEM((SB + 16,), jnp.int32),
            pltpu.VMEM((SB + 16,), jnp.int32),
            pltpu.VMEM((SB + 16,), jnp.int32),
            pltpu.VMEM((6, 256), jnp.float32),
            pltpu.VMEM((6, 256), jnp.float32),
            pltpu.VMEM((256,), jnp.float32),
            pltpu.VMEM((NBLK + 32,), jnp.int32),
            pltpu.VMEM((3760,), jnp.float32),
        ],
    )
    out = f(scores_p, b1, b2, b3, b4)
    return out[:3750].reshape(KEEP, 5)

# --- scband reference (transcript-rebuilt; emitter-appended) ---
"""Pipeline reference for scband-retina-face-detector-19911468384920 (READ-ONLY COPY).

The authoritative reference and input builder live on the scoring server;
editing this copy changes nothing except your own understanding.
"""

import jax, jax.numpy as jnp
import numpy as np

CONF_THRESH = 0.5
NMS_THRESH = 0.4
TOP_K = 5000
KEEP_TOP_K = 750
N = 20000


def setup_inputs(seed: int = 0) -> dict:
    key = jax.random.key(seed)
    k1, k2, k3 = jax.random.split(key, 3)
    cxcy = jax.random.uniform(k1, (N, 2), dtype=jnp.float32) * 640.0
    wh = jax.random.uniform(k2, (N, 2), dtype=jnp.float32) * 96.0 + 8.0
    boxes = jnp.concatenate([cxcy - wh / 2.0, cxcy + wh / 2.0], axis=1).astype(jnp.float32)
    scores = jax.random.uniform(k3, (N,), dtype=jnp.float32)
    return {"boxes": boxes, "scores": scores}


def _nms_keep_mask(boxes, valid):
    # greedy NMS over boxes already sorted by descending score; faithful to the
    # torch nms() loop: suppress later boxes with IoU > NMS_THRESH (keep iff ovr <= thresh)
    n = boxes.shape[0]
    x1, y1, x2, y2 = boxes[:, 0], boxes[:, 1], boxes[:, 2], boxes[:, 3]
    areas = (x2 - x1 + 1.0) * (y2 - y1 + 1.0)
    idxs = jnp.arange(n)

    def body(i, suppressed):
        cur_dead = suppressed[i] | (~valid[i])
        xx1 = jnp.maximum(x1[i], x1)
        yy1 = jnp.maximum(y1[i], y1)
        xx2 = jnp.minimum(x2[i], x2)
        yy2 = jnp.minimum(y2[i], y2)
        w = jnp.maximum(0.0, xx2 - xx1 + 1.0)
        h = jnp.maximum(0.0, yy2 - yy1 + 1.0)
        inter = w * h
        ovr = inter / (areas[i] + areas - inter)
        sup_new = suppressed | ((ovr > NMS_THRESH) & (idxs > i))
        return jnp.where(cur_dead, suppressed, sup_new)

    suppressed = jax.lax.fori_loop(0, n, body, jnp.zeros((n,), dtype=bool))
    return (~suppressed) & valid


def reference(boxes, scores):
    # confidence threshold filter (mask-based for fixed shapes)
    valid = scores > CONF_THRESH
    masked = jnp.where(valid, scores, -jnp.inf)
    # keep top_k by score (descending sort, as torch.flip(argsort))
    order = jnp.argsort(-masked)[:TOP_K]
    b = jnp.take(boxes, order, axis=0)
    s = jnp.take(scores, order, axis=0)
    v = jnp.take(valid, order, axis=0)
    keep = _nms_keep_mask(jax.lax.stop_gradient(b), v)
    # select kept dets, sorted by score desc, capped at keep_top_k
    keep_scores = jnp.where(keep, jax.lax.stop_gradient(s), -jnp.inf)
    kidx = jnp.argsort(-keep_scores)[:KEEP_TOP_K]
    dets = jnp.concatenate([jnp.take(b, kidx, axis=0), jnp.take(s, kidx, axis=0)[:, None]], axis=1)
    n_kept = jnp.sum(keep.astype(jnp.int32))
    row_valid = jnp.arange(KEEP_TOP_K) < n_kept
    dets = jnp.where(row_valid[:, None], dets, 0.0)
    return dets

if __name__ == "__main__":
    import jax
    _d = setup_inputs()
    print(jax.jit(kernel)(*tuple(_d.values())))

</pallas_src>

<mosaic_0001>
#map = affine_map<(d0, d1) -> (0)>
module attributes {stable_mosaic.version = 14 : i64} {
  func.func @_body(%arg0: i32, %arg1: i32, %arg2: memref<20480xf32, #tpu.memory_space<hbm>>, %arg3: memref<20480xf32, #tpu.memory_space<hbm>>, %arg4: memref<20480xf32, #tpu.memory_space<hbm>>, %arg5: memref<20480xf32, #tpu.memory_space<hbm>>, %arg6: memref<20480xf32, #tpu.memory_space<hbm>>, %arg7: memref<3760xf32, #tpu.memory_space<hbm>>, %arg8: memref<20480xi32, #tpu.memory_space<vmem_shared>>, %arg9: memref<20480xi32, #tpu.memory_space<vmem_shared>>, %arg10: memref<20480xi32, #tpu.memory_space<vmem_shared>>, %arg11: memref<20480xi32, #tpu.memory_space<vmem_shared>>, %arg12: memref<16x256xi32, #tpu.memory_space<vmem_shared>>, %arg13: memref<1536xf32, #tpu.memory_space<vmem_shared>>, %arg14: memref<8192xf32, #tpu.memory_space<vmem_shared>>, %arg15: memref<8192xf32, #tpu.memory_space<vmem_shared>>, %arg16: memref<8192xf32, #tpu.memory_space<vmem_shared>>, %arg17: memref<8192xf32, #tpu.memory_space<vmem_shared>>, %arg18: memref<8192xf32, #tpu.memory_space<vmem_shared>>, %arg19: memref<32xi32, #tpu.memory_space<vmem_shared>>, %arg20: memref<1280xf32, #tpu.memory_space<vmem>>, %arg21: memref<1280xi32, #tpu.memory_space<vmem>>, %arg22: memref<1280xi32, #tpu.memory_space<vmem>>, %arg23: memref<10x128xi32, #tpu.memory_space<vmem>>, %arg24: memref<16x256xi32, #tpu.memory_space<vmem>>, %arg25: memref<256xi32, #tpu.memory_space<vmem>>, %arg26: memref<256xi32, #tpu.memory_space<vmem>>, %arg27: memref<256xi32, #tpu.memory_space<vmem>>, %arg28: memref<20480xf32, #tpu.memory_space<vmem>>, %arg29: memref<20480xf32, #tpu.memory_space<vmem>>, %arg30: memref<20480xf32, #tpu.memory_space<vmem>>, %arg31: memref<20480xf32, #tpu.memory_space<vmem>>, %arg32: memref<336xf32, #tpu.memory_space<vmem>>, %arg33: memref<336xf32, #tpu.memory_space<vmem>>, %arg34: memref<336xf32, #tpu.memory_space<vmem>>, %arg35: memref<336xf32, #tpu.memory_space<vmem>>, %arg36: memref<336xf32, #tpu.memory_space<vmem>>, %arg37: memref<336xf32, #tpu.memory_space<vmem>>, %arg38: memref<336xi32, #tpu.memory_space<vmem>>, %arg39: memref<336xi32, #tpu.memory_space<vmem>>, %arg40: memref<336xi32, #tpu.memory_space<vmem>>, %arg41: memref<6x256xf32, #tpu.memory_space<vmem>>, %arg42: memref<6x256xf32, #tpu.memory_space<vmem>>, %arg43: memref<256xf32, #tpu.memory_space<vmem>>, %arg44: memref<64xi32, #tpu.memory_space<vmem>>, %arg45: memref<3760xf32, #tpu.memory_space<vmem>>) attributes {dimension_semantics = [#tpu.dimension_semantics<core_parallel>, #tpu.dimension_semantics<subcore_parallel>], iteration_bounds = array<i64: 1, 16>, scalar_prefetch = 0 : i64, scratch_operands = 38 : i64, tpu.core_type = #tpu.core_type<sc_vector_subcore>, window_params = [{transform_indices = #map}, {transform_indices = #map}, {transform_indices = #map}, {transform_indices = #map}, {transform_indices = #map}, {transform_indices = #map}]} {
    %mul3A = arith.constant 1280 : i32
    %mul3A_0 = arith.muli %arg1, %mul3A : i32
    %iota3A = tpu.iota {dimensions = array<i32: 0>} : vector<16xi32>
    "tpu.region"() ({
      %run_scoped3A = tpu.sem_alloc : memref<!tpu.dma_semaphore, #tpu.memory_space<semaphore_mem>>
      %dma_start3A = tpu.memref_slice %arg2[%mul3A_0] : memref<20480xf32, #tpu.memory_space<hbm>> -> memref<1280xf32, #tpu.memory_space<hbm>>
      %dma_start3A_192 = tpu.memref_slice %arg2[%mul3A_0] : memref<20480xf32, #tpu.memory_space<hbm>> -> memref<1280xf32, #tpu.memory_space<hbm>>
      tpu.enqueue_dma source(%dma_start3A_192 : memref<1280xf32, #tpu.memory_space<hbm>>) target(%arg20 : memref<1280xf32, #tpu.memory_space<vmem>>) target_semaphore(%run_scoped3A : memref<!tpu.dma_semaphore, #tpu.memory_space<semaphore_mem>>)
      %dma_wait3A = tpu.memref_slice %arg2[%mul3A_0] : memref<20480xf32, #tpu.memory_space<hbm>> -> memref<1280xf32, #tpu.memory_space<hbm>>
      %dma_wait3A_193 = tpu.memref_slice %arg2[%mul3A_0] : memref<20480xf32, #tpu.memory_space<hbm>> -> memref<1280xf32, #tpu.memory_space<hbm>>
      tpu.wait_dma2 semaphore(%run_scoped3A : memref<!tpu.dma_semaphore, #tpu.memory_space<semaphore_mem>>) src(%dma_wait3A_193 : memref<1280xf32, #tpu.memory_space<hbm>>) dst(%arg20 : memref<1280xf32, #tpu.memory_space<vmem>>)
      tpu.yield
    }) : () -> ()
    %scan3A = arith.constant 0 : i32
    %scan3A_1 = arith.constant 0 : i32
    %scan3A_2 = arith.constant 80 : i32
    %scan3A_3 = arith.addi %scan3A_1, %scan3A_2 : i32
    %scan3A_4 = arith.constant 1 : i32
    %scan3A_5 = scf.for %scan3A_192 = %scan3A_1 to %scan3A_3 step %scan3A_4 iter_args(%scan3A_193 = %scan3A) -> (i32)  : i32 {
      %mul3A_194 = arith.constant 16 : i32
      %mul3A_195 = arith.muli %scan3A_192, %mul3A_194 : i32
      %get3A = arith.index_cast %mul3A_195 : i32 to index
      %get3A_196 = tpu.vector_load %arg20[%get3A] {strides = array<i32>} : memref<1280xf32, #tpu.memory_space<vmem>>, vector<16xf32>,
      %bitcast3A = vector.bitcast %get3A_196 : vector<16xf32> to vector<16xi32>
      %gt3A = arith.constant 5.000000e-01 : f32
      %gt3A_197 = vector.broadcast %gt3A : f32 to vector<16xf32>
      %gt3A_198 = arith.cmpf ogt, %get3A_196, %gt3A_197 : vector<16xf32>
      %and3A = arith.constant 8388607 : i32
      %and3A_199 = vector.broadcast %and3A : i32 to vector<16xi32>
      %and3A_200 = arith.andi %bitcast3A, %and3A_199 : vector<16xi32>
      %jit3A = arith.constant 0 : i32
      %broadcast_in_dim3A_201 = vector.broadcast %jit3A : i32 to vector<16xi32>
      %select_n3A = arith.select %gt3A_198, %and3A_200, %broadcast_in_dim3A_201 : vector<16xi1>, vector<16xi32>
      %mul3A_202 = arith.constant 16 : i32
      %mul3A_203 = arith.muli %scan3A_192, %mul3A_202 : i32
      %swap3A_204 = arith.index_cast %mul3A_203 : i32 to index
      %swap3A_205 = tpu.vector_load %arg21[%swap3A_204] {strides = array<i32>} : memref<1280xi32, #tpu.memory_space<vmem>>, vector<16xi32>,
      tpu.vector_store %arg21[%swap3A_204], %select_n3A {strides = array<i32>} : memref<1280xi32, #tpu.memory_space<vmem>>, vector<16xi32>,
      %mul3A_206 = arith.constant 16 : i32
      %mul3A_207 = arith.muli %scan3A_192, %mul3A_206 : i32
      %add3A = arith.addi %mul3A_0, %mul3A_207 : i32
      %add3A_208 = vector.broadcast %add3A : i32 to vector<16xi32>
      %add3A_209 = arith.addi %add3A_208, %iota3A : vector<16xi32>
      %mul3A_210 = arith.constant 16 : i32
      %mul3A_211 = arith.muli %scan3A_192, %mul3A_210 : i32
      %swap3A_212 = arith.index_cast %mul3A_211 : i32 to index
      %swap3A_213 = tpu.vector_load %arg22[%swap3A_212] {strides = array<i32>} : memref<1280xi32, #tpu.memory_space<vmem>>, vector<16xi32>,
      tpu.vector_store %arg22[%swap3A_212], %add3A_209 {strides = array<i32>} : memref<1280xi32, #tpu.memory_space<vmem>>, vector<16xi32>,
      %scan3A_214 = arith.constant 0 : i32
      scf.yield %scan3A_214 : i32
    }
    %scan3A_6 = arith.constant 80 : i32
    %scan3A_7 = arith.constant 0 : i32
    %scan3A_8 = arith.constant 0 : i32
    %scan3A_9 = arith.constant 16 : i32
    %scan3A_10 = arith.addi %scan3A_8, %scan3A_9 : i32
    %scan3A_11 = arith.constant 1 : i32
    %scan3A_12 = scf.for %scan3A_192 = %scan3A_8 to %scan3A_10 step %scan3A_11 iter_args(%scan3A_193 = %scan3A_7) -> (i32)  : i32 {
      %broadcast_in_dim3A_194 = arith.constant 0 : i32
      %broadcast_in_dim3A_195 = vector.broadcast %broadcast_in_dim3A_194 : i32 to vector<16xi32>
      %mul3A_196 = arith.constant 16 : i32
      %mul3A_197 = arith.muli %scan3A_192, %mul3A_196 : i32
      %swap3A_198 = arith.index_cast %mul3A_197 : i32 to index
      %swap3A_199 = tpu.vector_load %arg25[%swap3A_198] {strides = array<i32>} : memref<256xi32, #tpu.memory_space<vmem>>, vector<16xi32>,
      tpu.vector_store %arg25[%swap3A_198], %broadcast_in_dim3A_195 {strides = array<i32>} : memref<256xi32, #tpu.memory_space<vmem>>, vector<16xi32>,
      %scan3A_200 = arith.constant 0 : i32
      scf.yield %scan3A_200 : i32
    }
    %scan3A_13 = arith.constant 16 : i32
    %scan3A_14 = arith.constant 0 : i32
    %scan3A_15 = arith.constant 0 : i32
    %scan3A_16 = arith.constant 0 : i32
    %scan3A_17 = arith.constant 80 : i32
    %scan3A_18 = arith.addi %scan3A_16, %scan3A_17 : i32
    %scan3A_19 = arith.constant 1 : i32
    %scan3A_20 = scf.for %scan3A_192 = %scan3A_16 to %scan3A_18 step %scan3A_19 iter_args(%scan3A_193 = %scan3A_15) -> (i32)  : i32 {
      %mul3A_194 = arith.constant 16 : i32
      %mul3A_195 = arith.muli %scan3A_192, %mul3A_194 : i32
      %get3A = arith.index_cast %mul3A_195 : i32 to index
      %get3A_196 = tpu.vector_load %arg21[%get3A] {strides = array<i32>} : memref<1280xi32, #tpu.memory_space<vmem>>, vector<16xi32>,
      %shift_right_arithmetic3A = vector.broadcast %scan3A_14 : i32 to vector<16xi32>
      %shift_right_arithmetic3A_197 = arith.shrsi %get3A_196, %shift_right_arithmetic3A : vector<16xi32>
      %and3A = arith.constant 255 : i32
      %and3A_198 = vector.broadcast %and3A : i32 to vector<16xi32>
      %and3A_199 = arith.andi %shift_right_arithmetic3A_197, %and3A_198 : vector<16xi32>
      %sub3A = arith.constant 255 : i32
      %sub3A_200 = vector.broadcast %sub3A : i32 to vector<16xi32>
      %sub3A_201 = arith.subi %sub3A_200, %and3A_199 : vector<16xi32>
      %broadcast_in_dim3A_202 = arith.constant true
      %broadcast_in_dim3A_203 = vector.broadcast %broadcast_in_dim3A_202 : i1 to vector<16xi1>
      %unique3A, %unique3A_204 = tpu.scan_count mask(%broadcast_in_dim3A_203 : vector<16xi1>) value(%sub3A_201 : vector<16xi32>) : vector<16xi1>, vector<16xi32>
      tpu.vector_store_idx %arg25[%sub3A_201], %unique3A_204 masked %unique3A {add = true} : memref<256xi32, #tpu.memory_space<vmem>>[vector<16xi32>], vector<16xi32>, vector<16xi1>
      %scan3A_205 = arith.constant 0 : i32
      scf.yield %scan3A_205 : i32
    }
    %scan3A_21 = arith.constant 80 : i32
    "tpu.region"() ({
      %run_scoped3A = tpu.sem_alloc : memref<!tpu.dma_semaphore, #tpu.memory_space<semaphore_mem>>
      %dma_start3A = arith.constant 0 : i32
      %dma_start3A_192 = tpu.memref_slice %arg12[%arg1, %dma_start3A] : memref<16x256xi32, #tpu.memory_space<vmem_shared>> -> memref<1x256xi32, #tpu.memory_space<vmem_shared>>
      %dma_start3A_193 = tpu.memref_squeeze %dma_start3A_192 : memref<1x256xi32, #tpu.memory_space<vmem_shared>> -> memref<256xi32, #tpu.memory_space<vmem_shared>>
      %dma_start3A_194 = arith.constant 0 : i32
      %dma_start3A_195 = tpu.memref_slice %arg12[%arg1, %dma_start3A_194] : memref<16x256xi32, #tpu.memory_space<vmem_shared>> -> memref<1x256xi32, #tpu.memory_space<vmem_shared>>
      %dma_start3A_196 = tpu.memref_squeeze %dma_start3A_195 : memref<1x256xi32, #tpu.memory_space<vmem_shared>> -> memref<256xi32, #tpu.memory_space<vmem_shared>>
      tpu.enqueue_dma source(%arg25 : memref<256xi32, #tpu.memory_space<vmem>>) target(%dma_start3A_196 : memref<256xi32, #tpu.memory_space<vmem_shared>>) target_semaphore(%run_scoped3A : memref<!tpu.dma_semaphore, #tpu.memory_space<semaphore_mem>>)
      %dma_wait3A = arith.constant 0 : i32
      %dma_wait3A_197 = tpu.memref_slice %arg12[%arg1, %dma_wait3A] : memref<16x256xi32, #tpu.memory_space<vmem_shared>> -> memref<1x256xi32, #tpu.memory_space<vmem_shared>>
      %dma_wait3A_198 = tpu.memref_squeeze %dma_wait3A_197 : memref<1x256xi32, #tpu.memory_space<vmem_shared>> -> memref<256xi32, #tpu.memory_space<vmem_shared>>
      %dma_wait3A_199 = arith.constant 0 : i32
      %dma_wait3A_200 = tpu.memref_slice %arg12[%arg1, %dma_wait3A_199] : memref<16x256xi32, #tpu.memory_space<vmem_shared>> -> memref<1x256xi32, #tpu.memory_space<vmem_shared>>
      %dma_wait3A_201 = tpu.memref_squeeze %dma_wait3A_200 : memref<1x256xi32, #tpu.memory_space<vmem_shared>> -> memref<256xi32, #tpu.memory_space<vmem_shared>>
      tpu.wait_dma2 semaphore(%run_scoped3A : memref<!tpu.dma_semaphore, #tpu.memory_space<semaphore_mem>>) src(%arg25 : memref<256xi32, #tpu.memory_space<vmem>>) dst(%dma_wait3A_201 : memref<256xi32, #tpu.memory_space<vmem_shared>>)
      tpu.yield
    }) : () -> ()
    %barrier3A = arith.constant 0 : index
    tpu.barrier barrier_id(%barrier3A)
    "tpu.region"() ({
      %run_scoped3A = tpu.sem_alloc : memref<!tpu.dma_semaphore, #tpu.memory_space<semaphore_mem>>
      tpu.enqueue_dma source(%arg12 : memref<16x256xi32, #tpu.memory_space<vmem_shared>>) target(%arg24 : memref<16x256xi32, #tpu.memory_space<vmem>>) target_semaphore(%run_scoped3A : memref<!tpu.dma_semaphore, #tpu.memory_space<semaphore_mem>>)
      tpu.wait_dma2 semaphore(%run_scoped3A : memref<!tpu.dma_semaphore, #tpu.memory_space<semaphore_mem>>) src(%arg12 : memref<16x256xi32, #tpu.memory_space<vmem_shared>>) dst(%arg24 : memref<16x256xi32, #tpu.memory_space<vmem>>)
      tpu.yield
    }) : () -> ()
    %scan3A_22 = arith.constant 0 : i32
    %scan3A_23 = arith.constant 0 : i32
    %scan3A_24 = arith.constant 16 : i32
    %scan3A_25 = arith.addi %scan3A_23, %scan3A_24 : i32
    %scan3A_26 = arith.constant 1 : i32
    %scan3A_27 = scf.for %scan3A_192 = %scan3A_23 to %scan3A_25 step %scan3A_26 iter_args(%scan3A_193 = %scan3A_22) -> (i32)  : i32 {
      %broadcast_in_dim3A_194 = arith.constant 0 : i32
      %broadcast_in_dim3A_195 = vector.broadcast %broadcast_in_dim3A_194 : i32 to vector<16xi32>
      %broadcast_in_dim3A_196 = arith.constant 0 : i32
      %broadcast_in_dim3A_197 = vector.broadcast %broadcast_in_dim3A_196 : i32 to vector<16xi32>
      %scan3A_198 = arith.constant 0 : i32
      %scan3A_199 = arith.constant 16 : i32
      %scan3A_200 = arith.addi %scan3A_198, %scan3A_199 : i32
      %scan3A_201 = arith.constant 1 : i32
      %scan3A_202:2 = scf.for %scan3A_213 = %scan3A_198 to %scan3A_200 step %scan3A_201 iter_args(%scan3A_214 = %broadcast_in_dim3A_195, %scan3A_215 = %broadcast_in_dim3A_197) -> (vector<16xi32>, vector<16xi32>)  : i32 {
        %mul3A_216 = arith.constant 16 : i32
        %mul3A_217 = arith.muli %scan3A_192, %mul3A_216 : i32
        %get3A = arith.index_cast %scan3A_213 : i32 to index
        %get3A_218 = arith.index_cast %mul3A_217 : i32 to index
        %get3A_219 = tpu.vector_load %arg24[%get3A, %get3A_218] {strides = array<i32>} : memref<16x256xi32, #tpu.memory_space<vmem>>, vector<16xi32>,
        %add3A = arith.addi %scan3A_214, %get3A_219 : vector<16xi32>
        %lt3A = arith.cmpi slt, %scan3A_213, %arg1 : i32
        %jit3A = arith.constant 0 : i32
        %broadcast_in_dim3A_220 = vector.broadcast %jit3A : i32 to vector<16xi32>
        %select_n3A = arith.select %lt3A, %get3A_219, %broadcast_in_dim3A_220 : vector<16xi32>
        %add3A_221 = arith.addi %scan3A_215, %select_n3A : vector<16xi32>
        scf.yield %add3A, %add3A_221 : vector<16xi32>, vector<16xi32>
      }
      %scan3A_203 = arith.constant 16 : i32
      %mul3A_204 = arith.constant 16 : i32
      %mul3A_205 = arith.muli %scan3A_192, %mul3A_204 : i32
      %swap3A_206 = arith.index_cast %mul3A_205 : i32 to index
      %swap3A_207 = tpu.vector_load %arg27[%swap3A_206] {strides = array<i32>} : memref<256xi32, #tpu.memory_space<vmem>>, vector<16xi32>,
      tpu.vector_store %arg27[%swap3A_206], %scan3A_202#0 {strides = array<i32>} : memref<256xi32, #tpu.memory_space<vmem>>, vector<16xi32>,
      %mul3A_208 = arith.constant 16 : i32
      %mul3A_209 = arith.muli %scan3A_192, %mul3A_208 : i32
      %swap3A_210 = arith.index_cast %mul3A_209 : i32 to index
      %swap3A_211 = tpu.vector_load %arg26[%swap3A_210] {strides = array<i32>} : memref<256xi32, #tpu.memory_space<vmem>>, vector<16xi32>,
      tpu.vector_store %arg26[%swap3A_210], %scan3A_202#1 {strides = array<i32>} : memref<256xi32, #tpu.memory_space<vmem>>, vector<16xi32>,
      %scan3A_212 = arith.constant 0 : i32
      scf.yield %scan3A_212 : i32
    }
    %scan3A_28 = arith.constant 16 : i32
    %scan3A_29 = arith.constant 0 : i32
    %scan3A_30 = arith.constant 0 : i32
    %scan3A_31 = arith.constant 16 : i32
    %scan3A_32 = arith.addi %scan3A_30, %scan3A_31 : i32
    %scan3A_33 = arith.constant 1 : i32
    %scan3A_34 = scf.for %scan3A_192 = %scan3A_30 to %scan3A_32 step %scan3A_33 iter_args(%scan3A_193 = %scan3A_29) -> (i32)  : i32 {
      %mul3A_194 = arith.constant 16 : i32
      %mul3A_195 = arith.muli %scan3A_192, %mul3A_194 : i32
      %get3A = arith.index_cast %mul3A_195 : i32 to index
      %get3A_196 = tpu.vector_load %arg27[%get3A] {strides = array<i32>} : memref<256xi32, #tpu.memory_space<vmem>>, vector<16xi32>,
      %broadcast_in_dim3A_197 = arith.constant true
      %broadcast_in_dim3A_198 = vector.broadcast %broadcast_in_dim3A_197 : i1 to vector<16xi1>
      %masked_cumsum3A = tpu.scan <sum>, %get3A_196 masked %broadcast_in_dim3A_198 : vector<16xi32>, vector<16xi1> -> vector<16xi32>
      %mul3A_199 = arith.constant 16 : i32
      %mul3A_200 = arith.muli %scan3A_192, %mul3A_199 : i32
      %get3A_201 = arith.index_cast %mul3A_200 : i32 to index
      %get3A_202 = tpu.vector_load %arg26[%get3A_201] {strides = array<i32>} : memref<256xi32, #tpu.memory_space<vmem>>, vector<16xi32>,
      %add3A = vector.broadcast %scan3A_193 : i32 to vector<16xi32>
      %add3A_203 = arith.addi %get3A_202, %add3A : vector<16xi32>
      %add3A_204 = arith.addi %add3A_203, %masked_cumsum3A : vector<16xi32>
      %sub3A = arith.subi %add3A_204, %get3A_196 : vector<16xi32>
      %mul3A_205 = arith.constant 16 : i32
      %mul3A_206 = arith.muli %scan3A_192, %mul3A_205 : i32
      %swap3A_207 = arith.index_cast %mul3A_206 : i32 to index
      %swap3A_208 = tpu.vector_load %arg26[%swap3A_207] {strides = array<i32>} : memref<256xi32, #tpu.memory_space<vmem>>, vector<16xi32>,
      tpu.vector_store %arg26[%swap3A_207], %sub3A {strides = array<i32>} : memref<256xi32, #tpu.memory_space<vmem>>, vector<16xi32>,
      %slice3A = vector.extract_strided_slice %masked_cumsum3A {offsets = [15], sizes = [1], strides = [1]} : vector<16xi32> to vector<1xi32>
      %squeeze3A = vector.extract %slice3A[0] : i32 from vector<1xi32>
      %add3A_209 = arith.addi %scan3A_193, %squeeze3A : i32
      scf.yield %add3A_209 : i32
    }
    %scan3A_35 = arith.constant 16 : i32
    %scan3A_36 = arith.constant 0 : i32
    %scan3A_37 = arith.constant 0 : i32
    %scan3A_38 = arith.constant 0 : i32
    %scan3A_39 = arith.constant 80 : i32
    %scan3A_40 = arith.addi %scan3A_38, %scan3A_39 : i32
    %scan3A_41 = arith.constant 1 : i32
    %scan3A_42 = scf.for %scan3A_192 = %scan3A_38 to %scan3A_40 step %scan3A_41 iter_args(%scan3A_193 = %scan3A_37) -> (i32)  : i32 {
      %mul3A_194 = arith.constant 16 : i32
      %mul3A_195 = arith.muli %scan3A_192, %mul3A_194 : i32
      %get3A = arith.index_cast %mul3A_195 : i32 to index
      %get3A_196 = tpu.vector_load %arg21[%get3A] {strides = array<i32>} : memref<1280xi32, #tpu.memory_space<vmem>>, vector<16xi32>,
      %shift_right_arithmetic3A = vector.broadcast %scan3A_36 : i32 to vector<16xi32>
      %shift_right_arithmetic3A_197 = arith.shrsi %get3A_196, %shift_right_arithmetic3A : vector<16xi32>
      %and3A = arith.constant 255 : i32
      %and3A_198 = vector.broadcast %and3A : i32 to vector<16xi32>
      %and3A_199 = arith.andi %shift_right_arithmetic3A_197, %and3A_198 : vector<16xi32>
      %sub3A = arith.constant 255 : i32
      %sub3A_200 = vector.broadcast %sub3A : i32 to vector<16xi32>
      %sub3A_201 = arith.subi %sub3A_200, %and3A_199 : vector<16xi32>
      %broadcast_in_dim3A_202 = arith.constant true
      %broadcast_in_dim3A_203 = vector.broadcast %broadcast_in_dim3A_202 : i1 to vector<16xi1>
      %unique3A, %unique3A_204 = tpu.scan_count mask(%broadcast_in_dim3A_203 : vector<16xi1>) value(%sub3A_201 : vector<16xi32>) : vector<16xi1>, vector<16xi32>
      %gather3A = tpu.vector_load_idx %arg26[%sub3A_201] : memref<256xi32, #tpu.memory_space<vmem>>[vector<16xi32>], vector<16xi32>,
      tpu.vector_store_idx %arg26[%sub3A_201], %unique3A_204 masked %unique3A {add = true} : memref<256xi32, #tpu.memory_space<vmem>>[vector<16xi32>], vector<16xi32>, vector<16xi1>
      %add3A = arith.addi %gather3A, %unique3A_204 : vector<16xi32>
      %sub3A_205 = arith.constant 1 : i32
      %sub3A_206 = vector.broadcast %sub3A_205 : i32 to vector<16xi32>
      %sub3A_207 = arith.subi %add3A, %sub3A_206 : vector<16xi32>
      %shift_right_arithmetic3A_208 = arith.constant 3 : i32
      %shift_right_arithmetic3A_209 = arith.shrsi %scan3A_192, %shift_right_arithmetic3A_208 : i32
      %and3A_210 = arith.constant 7 : i32
      %and3A_211 = arith.andi %scan3A_192, %and3A_210 : i32
      %mul3A_212 = arith.constant 16 : i32
      %mul3A_213 = arith.muli %and3A_211, %mul3A_212 : i32
      %swap3A_214 = arith.index_cast %shift_right_arithmetic3A_209 : i32 to index
      %swap3A_215 = arith.index_cast %mul3A_213 : i32 to index
      %swap3A_216 = tpu.vector_load %arg23[%swap3A_214, %swap3A_215] {strides = array<i32>} : memref<10x128xi32, #tpu.memory_space<vmem>>, vector<16xi32>,
      tpu.vector_store %arg23[%swap3A_214, %swap3A_215], %sub3A_207 {strides = array<i32>} : memref<10x128xi32, #tpu.memory_space<vmem>>, vector<16xi32>,
      %scan3A_217 = arith.constant 0 : i32
      scf.yield %scan3A_217 : i32
    }
    %scan3A_43 = arith.constant 80 : i32
    %scan3A_44 = arith.constant 0 : i32
    %scan3A_45 = arith.constant 0 : i32
    %scan3A_46 = arith.constant 10 : i32
    %scan3A_47 = arith.addi %scan3A_45, %scan3A_46 : i32
    %scan3A_48 = arith.constant 1 : i32
    %scan3A_49 = scf.for %scan3A_192 = %scan3A_45 to %scan3A_47 step %scan3A_48 iter_args(%scan3A_193 = %scan3A_44) -> (i32)  : i32 {
      %mul3A_194 = arith.constant 128 : i32
      %mul3A_195 = arith.muli %scan3A_192, %mul3A_194 : i32
      "tpu.region"() ({
        %run_scoped3A = tpu.sem_alloc : memref<!tpu.dma_semaphore, #tpu.memory_space<semaphore_mem>>
        %dma_start3A = tpu.memref_slice %arg21[%mul3A_195] : memref<1280xi32, #tpu.memory_space<vmem>> -> memref<128xi32, #tpu.memory_space<vmem>>
        %dma_start3A_199 = arith.constant 0 : i32
        %dma_start3A_200 = tpu.memref_slice %arg23[%scan3A_192, %dma_start3A_199] : memref<10x128xi32, #tpu.memory_space<vmem>> -> memref<1x128xi32, #tpu.memory_space<vmem>>
        %dma_start3A_201 = tpu.memref_squeeze %dma_start3A_200 : memref<1x128xi32, #tpu.memory_space<vmem>> -> memref<128xi32, #tpu.memory_space<vmem>>
        %dma_start3A_202 = arith.constant 0 : i32
        %dma_start3A_203 = tpu.memref_slice %arg8[%dma_start3A_202] : memref<20480xi32, #tpu.memory_space<vmem_shared>> -> memref<20480xi32, #tpu.memory_space<vmem_shared>>
        tpu.enqueue_indirect_dma source(%dma_start3A : memref<128xi32, #tpu.memory_space<vmem>>) target(%dma_start3A_203 : memref<20480xi32, #tpu.memory_space<vmem_shared>>) offsets(%dma_start3A_201 : memref<128xi32, #tpu.memory_space<vmem>>) semaphore(%run_scoped3A : memref<!tpu.dma_semaphore, #tpu.memory_space<semaphore_mem>>)
        %dma_wait3A = tpu.memref_slice %arg21[%mul3A_195] : memref<1280xi32, #tpu.memory_space<vmem>> -> memref<128xi32, #tpu.memory_space<vmem>>
        %dma_wait3A_204 = arith.constant 0 : i32
        %dma_wait3A_205 = tpu.memref_slice %arg23[%scan3A_192, %dma_wait3A_204] : memref<10x128xi32, #tpu.memory_space<vmem>> -> memref<1x128xi32, #tpu.memory_space<vmem>>
        %dma_wait3A_206 = tpu.memref_squeeze %dma_wait3A_205 : memref<1x128xi32, #tpu.memory_space<vmem>> -> memref<128xi32, #tpu.memory_space<vmem>>
        %dma_wait3A_207 = arith.constant 0 : i32
        %dma_wait3A_208 = tpu.memref_slice %arg8[%dma_wait3A_207] : memref<20480xi32, #tpu.memory_space<vmem_shared>> -> memref<20480xi32, #tpu.memory_space<vmem_shared>>
        tpu.wait_indirect_dma semaphore(%run_scoped3A : memref<!tpu.dma_semaphore, #tpu.memory_space<semaphore_mem>>) src(%dma_wait3A : memref<128xi32, #tpu.memory_space<vmem>>) dst(%dma_wait3A_208 : memref<20480xi32, #tpu.memory_space<vmem_shared>>)
        tpu.yield
      }) : () -> ()
      %mul3A_196 = arith.constant 128 : i32
      %mul3A_197 = arith.muli %scan3A_192, %mul3A_196 : i32
      "tpu.region"() ({
        %run_scoped3A = tpu.sem_alloc : memref<!tpu.dma_semaphore, #tpu.memory_space<semaphore_mem>>
        %dma_start3A = tpu.memref_slice %arg22[%mul3A_197] : memref<1280xi32, #tpu.memory_space<vmem>> -> memref<128xi32, #tpu.memory_space<vmem>>
        %dma_start3A_199 = arith.constant 0 : i32
        %dma_start3A_200 = tpu.memref_slice %arg23[%scan3A_192, %dma_start3A_199] : memref<10x128xi32, #tpu.memory_space<vmem>> -> memref<1x128xi32, #tpu.memory_space<vmem>>
        %dma_start3A_201 = tpu.memref_squeeze %dma_start3A_200 : memref<1x128xi32, #tpu.memory_space<vmem>> -> memref<128xi32, #tpu.memory_space<vmem>>
        %dma_start3A_202 = arith.constant 0 : i32
        %dma_start3A_203 = tpu.memref_slice %arg9[%dma_start3A_202] : memref<20480xi32, #tpu.memory_space<vmem_shared>> -> memref<20480xi32, #tpu.memory_space<vmem_shared>>
        tpu.enqueue_indirect_dma source(%dma_start3A : memref<128xi32, #tpu.memory_space<vmem>>) target(%dma_start3A_203 : memref<20480xi32, #tpu.memory_space<vmem_shared>>) offsets(%dma_start3A_201 : memref<128xi32, #tpu.memory_space<vmem>>) semaphore(%run_scoped3A : memref<!tpu.dma_semaphore, #tpu.memory_space<semaphore_mem>>)
        %dma_wait3A = tpu.memref_slice %arg22[%mul3A_197] : memref<1280xi32, #tpu.memory_space<vmem>> -> memref<128xi32, #tpu.memory_space<vmem>>
        %dma_wait3A_204 = arith.constant 0 : i32
        %dma_wait3A_205 = tpu.memref_slice %arg23[%scan3A_192, %dma_wait3A_204] : memref<10x128xi32, #tpu.memory_space<vmem>> -> memref<1x128xi32, #tpu.memory_space<vmem>>
        %dma_wait3A_206 = tpu.memref_squeeze %dma_wait3A_205 : memref<1x128xi32, #tpu.memory_space<vmem>> -> memref<128xi32, #tpu.memory_space<vmem>>
        %dma_wait3A_207 = arith.constant 0 : i32
        %dma_wait3A_208 = tpu.memref_slice %arg9[%dma_wait3A_207] : memref<20480xi32, #tpu.memory_space<vmem_shared>> -> memref<20480xi32, #tpu.memory_space<vmem_shared>>
        tpu.wait_indirect_dma semaphore(%run_scoped3A : memref<!tpu.dma_semaphore, #tpu.memory_space<semaphore_mem>>) src(%dma_wait3A : memref<128xi32, #tpu.memory_space<vmem>>) dst(%dma_wait3A_208 : memref<20480xi32, #tpu.memory_space<vmem_shared>>)
        tpu.yield
      }) : () -> ()
      %scan3A_198 = arith.constant 0 : i32
      scf.yield %scan3A_198 : i32
    }
    %scan3A_50 = arith.constant 10 : i32
    %barrier3A_51 = arith.constant 0 : index
    tpu.barrier barrier_id(%barrier3A_51)
    "tpu.region"() ({
      %run_scoped3A = tpu.sem_alloc : memref<!tpu.dma_semaphore, #tpu.memory_space<semaphore_mem>>
      %dma_start3A = tpu.memref_slice %arg8[%mul3A_0] : memref<20480xi32, #tpu.memory_space<vmem_shared>> -> memref<1280xi32, #tpu.memory_space<vmem_shared>>
      %dma_start3A_192 = tpu.memref_slice %arg8[%mul3A_0] : memref<20480xi32, #tpu.memory_space<vmem_shared>> -> memref<1280xi32, #tpu.memory_space<vmem_shared>>
      tpu.enqueue_dma source(%dma_start3A_192 : memref<1280xi32, #tpu.memory_space<vmem_shared>>) target(%arg21 : memref<1280xi32, #tpu.memory_space<vmem>>) target_semaphore(%run_scoped3A : memref<!tpu.dma_semaphore, #tpu.memory_space<semaphore_mem>>)
      %dma_wait3A = tpu.memref_slice %arg8[%mul3A_0] : memref<20480xi32, #tpu.memory_space<vmem_shared>> -> memref<1280xi32, #tpu.memory_space<vmem_shared>>
      %dma_wait3A_193 = tpu.memref_slice %arg8[%mul3A_0] : memref<20480xi32, #tpu.memory_space<vmem_shared>> -> memref<1280xi32, #tpu.memory_space<vmem_shared>>
      tpu.wait_dma2 semaphore(%run_scoped3A : memref<!tpu.dma_semaphore, #tpu.memory_space<semaphore_mem>>) src(%dma_wait3A_193 : memref<1280xi32, #tpu.memory_space<vmem_shared>>) dst(%arg21 : memref<1280xi32, #tpu.memory_space<vmem>>)
      tpu.yield
    }) : () -> ()
    "tpu.region"() ({
      %run_scoped3A = tpu.sem_alloc : memref<!tpu.dma_semaphore, #tpu.memory_space<semaphore_mem>>
      %dma_start3A = tpu.memref_slice %arg9[%mul3A_0] : memref<20480xi32, #tpu.memory_space<vmem_shared>> -> memref<1280xi32, #tpu.memory_space<vmem_shared>>
      %dma_start3A_192 = tpu.memref_slice %arg9[%mul3A_0] : memref<20480xi32, #tpu.memory_space<vmem_shared>> -> memref<1280xi32, #tpu.memory_space<vmem_shared>>
      tpu.enqueue_dma source(%dma_start3A_192 : memref<1280xi32, #tpu.memory_space<vmem_shared>>) target(%arg22 : memref<1280xi32, #tpu.memory_space<vmem>>) target_semaphore(%run_scoped3A : memref<!tpu.dma_semaphore, #tpu.memory_space<semaphore_mem>>)
      %dma_wait3A = tpu.memref_slice %arg9[%mul3A_0] : memref<20480xi32, #tpu.memory_space<vmem_shared>> -> memref<1280xi32, #tpu.memory_space<vmem_shared>>
      %dma_wait3A_193 = tpu.memref_slice %arg9[%mul3A_0] : memref<20480xi32, #tpu.memory_space<vmem_shared>> -> memref<1280xi32, #tpu.memory_space<vmem_shared>>
      tpu.wait_dma2 semaphore(%run_scoped3A : memref<!tpu.dma_semaphore, #tpu.memory_space<semaphore_mem>>) src(%dma_wait3A_193 : memref<1280xi32, #tpu.memory_space<vmem_shared>>) dst(%arg22 : memref<1280xi32, #tpu.memory_space<vmem>>)
      tpu.yield
    }) : () -> ()
    %scan3A_52 = arith.constant 0 : i32
    %scan3A_53 = arith.constant 0 : i32
    %scan3A_54 = arith.constant 16 : i32
    %scan3A_55 = arith.addi %scan3A_53, %scan3A_54 : i32
    %scan3A_56 = arith.constant 1 : i32
    %scan3A_57 = scf.for %scan3A_192 = %scan3A_53 to %scan3A_55 step %scan3A_56 iter_args(%scan3A_193 = %scan3A_52) -> (i32)  : i32 {
      %broadcast_in_dim3A_194 = arith.constant 0 : i32
      %broadcast_in_dim3A_195 = vector.broadcast %broadcast_in_dim3A_194 : i32 to vector<16xi32>
      %mul3A_196 = arith.constant 16 : i32
      %mul3A_197 = arith.muli %scan3A_192, %mul3A_196 : i32
      %swap3A_198 = arith.index_cast %mul3A_197 : i32 to index
      %swap3A_199 = tpu.vector_load %arg25[%swap3A_198] {strides = array<i32>} : memref<256xi32, #tpu.memory_space<vmem>>, vector<16xi32>,
      tpu.vector_store %arg25[%swap3A_198], %broadcast_in_dim3A_195 {strides = array<i32>} : memref<256xi32, #tpu.memory_space<vmem>>, vector<16xi32>,
      %scan3A_200 = arith.constant 0 : i32
      scf.yield %scan3A_200 : i32
    }
    %scan3A_58 = arith.constant 16 : i32
    %scan3A_59 = arith.constant 8 : i32
    %scan3A_60 = arith.constant 0 : i32
    %scan3A_61 = arith.constant 0 : i32
    %scan3A_62 = arith.constant 80 : i32
    %scan3A_63 = arith.addi %scan3A_61, %scan3A_62 : i32
    %scan3A_64 = arith.constant 1 : i32
    %scan3A_65 = scf.for %scan3A_192 = %scan3A_61 to %scan3A_63 step %scan3A_64 iter_args(%scan3A_193 = %scan3A_60) -> (i32)  : i32 {
      %mul3A_194 = arith.constant 16 : i32
      %mul3A_195 = arith.muli %scan3A_192, %mul3A_194 : i32
      %get3A = arith.index_cast %mul3A_195 : i32 to index
      %get3A_196 = tpu.vector_load %arg21[%get3A] {strides = array<i32>} : memref<1280xi32, #tpu.memory_space<vmem>>, vector<16xi32>,
      %shift_right_arithmetic3A = vector.broadcast %scan3A_59 : i32 to vector<16xi32>
      %shift_right_arithmetic3A_197 = arith.shrsi %get3A_196, %shift_right_arithmetic3A : vector<16xi32>
      %and3A = arith.constant 255 : i32
      %and3A_198 = vector.broadcast %and3A : i32 to vector<16xi32>
      %and3A_199 = arith.andi %shift_right_arithmetic3A_197, %and3A_198 : vector<16xi32>
      %sub3A = arith.constant 255 : i32
      %sub3A_200 = vector.broadcast %sub3A : i32 to vector<16xi32>
      %sub3A_201 = arith.subi %sub3A_200, %and3A_199 : vector<16xi32>
      %broadcast_in_dim3A_202 = arith.constant true
      %broadcast_in_dim3A_203 = vector.broadcast %broadcast_in_dim3A_202 : i1 to vector<16xi1>
      %unique3A, %unique3A_204 = tpu.scan_count mask(%broadcast_in_dim3A_203 : vector<16xi1>) value(%sub3A_201 : vector<16xi32>) : vector<16xi1>, vector<16xi32>
      tpu.vector_store_idx %arg25[%sub3A_201], %unique3A_204 masked %unique3A {add = true} : memref<256xi32, #tpu.memory_space<vmem>>[vector<16xi32>], vector<16xi32>, vector<16xi1>
      %scan3A_205 = arith.constant 0 : i32
      scf.yield %scan3A_205 : i32
    }
    %scan3A_66 = arith.constant 80 : i32
    "tpu.region"() ({
      %run_scoped3A = tpu.sem_alloc : memref<!tpu.dma_semaphore, #tpu.memory_space<semaphore_mem>>
      %dma_start3A = arith.constant 0 : i32
      %dma_start3A_192 = tpu.memref_slice %arg12[%arg1, %dma_start3A] : memref<16x256xi32, #tpu.memory_space<vmem_shared>> -> memref<1x256xi32, #tpu.memory_space<vmem_shared>>
      %dma_start3A_193 = tpu.memref_squeeze %dma_start3A_192 : memref<1x256xi32, #tpu.memory_space<vmem_shared>> -> memref<256xi32, #tpu.memory_space<vmem_shared>>
      %dma_start3A_194 = arith.constant 0 : i32
      %dma_start3A_195 = tpu.memref_slice %arg12[%arg1, %dma_start3A_194] : memref<16x256xi32, #tpu.memory_space<vmem_shared>> -> memref<1x256xi32, #tpu.memory_space<vmem_shared>>
      %dma_start3A_196 = tpu.memref_squeeze %dma_start3A_195 : memref<1x256xi32, #tpu.memory_space<vmem_shared>> -> memref<256xi32, #tpu.memory_space<vmem_shared>>
      tpu.enqueue_dma source(%arg25 : memref<256xi32, #tpu.memory_space<vmem>>) target(%dma_start3A_196 : memref<256xi32, #tpu.memory_space<vmem_shared>>) target_semaphore(%run_scoped3A : memref<!tpu.dma_semaphore, #tpu.memory_space<semaphore_mem>>)
      %dma_wait3A = arith.constant 0 : i32
      %dma_wait3A_197 = tpu.memref_slice %arg12[%arg1, %dma_wait3A] : memref<16x256xi32, #tpu.memory_space<vmem_shared>> -> memref<1x256xi32, #tpu.memory_space<vmem_shared>>
      %dma_wait3A_198 = tpu.memref_squeeze %dma_wait3A_197 : memref<1x256xi32, #tpu.memory_space<vmem_shared>> -> memref<256xi32, #tpu.memory_space<vmem_shared>>
      %dma_wait3A_199 = arith.constant 0 : i32
      %dma_wait3A_200 = tpu.memref_slice %arg12[%arg1, %dma_wait3A_199] : memref<16x256xi32, #tpu.memory_space<vmem_shared>> -> memref<1x256xi32, #tpu.memory_space<vmem_shared>>
      %dma_wait3A_201 = tpu.memref_squeeze %dma_wait3A_200 : memref<1x256xi32, #tpu.memory_space<vmem_shared>> -> memref<256xi32, #tpu.memory_space<vmem_shared>>
      tpu.wait_dma2 semaphore(%run_scoped3A : memref<!tpu.dma_semaphore, #tpu.memory_space<semaphore_mem>>) src(%arg25 : memref<256xi32, #tpu.memory_space<vmem>>) dst(%dma_wait3A_201 : memref<256xi32, #tpu.memory_space<vmem_shared>>)
      tpu.yield
    }) : () -> ()
    %barrier3A_67 = arith.constant 0 : index
    tpu.barrier barrier_id(%barrier3A_67)
    "tpu.region"() ({
      %run_scoped3A = tpu.sem_alloc : memref<!tpu.dma_semaphore, #tpu.memory_space<semaphore_mem>>
      tpu.enqueue_dma source(%arg12 : memref<16x256xi32, #tpu.memory_space<vmem_shared>>) target(%arg24 : memref<16x256xi32, #tpu.memory_space<vmem>>) target_semaphore(%run_scoped3A : memref<!tpu.dma_semaphore, #tpu.memory_space<semaphore_mem>>)
      tpu.wait_dma2 semaphore(%run_scoped3A : memref<!tpu.dma_semaphore, #tpu.memory_space<semaphore_mem>>) src(%arg12 : memref<16x256xi32, #tpu.memory_space<vmem_shared>>) dst(%arg24 : memref<16x256xi32, #tpu.memory_space<vmem>>)
      tpu.yield
    }) : () -> ()
    %scan3A_68 = arith.constant 0 : i32
    %scan3A_69 = arith.constant 0 : i32
    %scan3A_70 = arith.constant 16 : i32
    %scan3A_71 = arith.addi %scan3A_69, %scan3A_70 : i32
    %scan3A_72 = arith.constant 1 : i32
    %scan3A_73 = scf.for %scan3A_192 = %scan3A_69 to %scan3A_71 step %scan3A_72 iter_args(%scan3A_193 = %scan3A_68) -> (i32)  : i32 {
      %broadcast_in_dim3A_194 = arith.constant 0 : i32
      %broadcast_in_dim3A_195 = vector.broadcast %broadcast_in_dim3A_194 : i32 to vector<16xi32>
      %broadcast_in_dim3A_196 = arith.constant 0 : i32
      %broadcast_in_dim3A_197 = vector.broadcast %broadcast_in_dim3A_196 : i32 to vector<16xi32>
      %scan3A_198 = arith.constant 0 : i32
      %scan3A_199 = arith.constant 16 : i32
      %scan3A_200 = arith.addi %scan3A_198, %scan3A_199 : i32
      %scan3A_201 = arith.constant 1 : i32
      %scan3A_202:2 = scf.for %scan3A_213 = %scan3A_198 to %scan3A_200 step %scan3A_201 iter_args(%scan3A_214 = %broadcast_in_dim3A_195, %scan3A_215 = %broadcast_in_dim3A_197) -> (vector<16xi32>, vector<16xi32>)  : i32 {
        %mul3A_216 = arith.constant 16 : i32
        %mul3A_217 = arith.muli %scan3A_192, %mul3A_216 : i32
        %get3A = arith.index_cast %scan3A_213 : i32 to index
        %get3A_218 = arith.index_cast %mul3A_217 : i32 to index
        %get3A_219 = tpu.vector_load %arg24[%get3A, %get3A_218] {strides = array<i32>} : memref<16x256xi32, #tpu.memory_space<vmem>>, vector<16xi32>,
        %add3A = arith.addi %scan3A_214, %get3A_219 : vector<16xi32>
        %lt3A = arith.cmpi slt, %scan3A_213, %arg1 : i32
        %jit3A = arith.constant 0 : i32
        %broadcast_in_dim3A_220 = vector.broadcast %jit3A : i32 to vector<16xi32>
        %select_n3A = arith.select %lt3A, %get3A_219, %broadcast_in_dim3A_220 : vector<16xi32>
        %add3A_221 = arith.addi %scan3A_215, %select_n3A : vector<16xi32>
        scf.yield %add3A, %add3A_221 : vector<16xi32>, vector<16xi32>
      }
      %scan3A_203 = arith.constant 16 : i32
      %mul3A_204 = arith.constant 16 : i32
      %mul3A_205 = arith.muli %scan3A_192, %mul3A_204 : i32
      %swap3A_206 = arith.index_cast %mul3A_205 : i32 to index
      %swap3A_207 = tpu.vector_load %arg27[%swap3A_206] {strides = array<i32>} : memref<256xi32, #tpu.memory_space<vmem>>, vector<16xi32>,
      tpu.vector_store %arg27[%swap3A_206], %scan3A_202#0 {strides = array<i32>} : memref<256xi32, #tpu.memory_space<vmem>>, vector<16xi32>,
      %mul3A_208 = arith.constant 16 : i32
      %mul3A_209 = arith.muli %scan3A_192, %mul3A_208 : i32
      %swap3A_210 = arith.index_cast %mul3A_209 : i32 to index
      %swap3A_211 = tpu.vector_load %arg26[%swap3A_210] {strides = array<i32>} : memref<256xi32, #tpu.memory_space<vmem>>, vector<16xi32>,
      tpu.vector_store %arg26[%swap3A_210], %scan3A_202#1 {strides = array<i32>} : memref<256xi32, #tpu.memory_space<vmem>>, vector<16xi32>,
      %scan3A_212 = arith.constant 0 : i32
      scf.yield %scan3A_212 : i32
    }
    %scan3A_74 = arith.constant 16 : i32
    %scan3A_75 = arith.constant 0 : i32
    %scan3A_76 = arith.constant 0 : i32
    %scan3A_77 = arith.constant 16 : i32
    %scan3A_78 = arith.addi %scan3A_76, %scan3A_77 : i32
    %scan3A_79 = arith.constant 1 : i32
    %scan3A_80 = scf.for %scan3A_192 = %scan3A_76 to %scan3A_78 step %scan3A_79 iter_args(%scan3A_193 = %scan3A_75) -> (i32)  : i32 {
      %mul3A_194 = arith.constant 16 : i32
      %mul3A_195 = arith.muli %scan3A_192, %mul3A_194 : i32
      %get3A = arith.index_cast %mul3A_195 : i32 to index
      %get3A_196 = tpu.vector_load %arg27[%get3A] {strides = array<i32>} : memref<256xi32, #tpu.memory_space<vmem>>, vector<16xi32>,
      %broadcast_in_dim3A_197 = arith.constant true
      %broadcast_in_dim3A_198 = vector.broadcast %broadcast_in_dim3A_197 : i1 to vector<16xi1>
      %masked_cumsum3A = tpu.scan <sum>, %get3A_196 masked %broadcast_in_dim3A_198 : vector<16xi32>, vector<16xi1> -> vector<16xi32>
      %mul3A_199 = arith.constant 16 : i32
      %mul3A_200 = arith.muli %scan3A_192, %mul3A_199 : i32
      %get3A_201 = arith.index_cast %mul3A_200 : i32 to index
      %get3A_202 = tpu.vector_load %arg26[%get3A_201] {strides = array<i32>} : memref<256xi32, #tpu.memory_space<vmem>>, vector<16xi32>,
      %add3A = vector.broadcast %scan3A_193 : i32 to vector<16xi32>
      %add3A_203 = arith.addi %get3A_202, %add3A : vector<16xi32>
      %add3A_204 = arith.addi %add3A_203, %masked_cumsum3A : vector<16xi32>
      %sub3A = arith.subi %add3A_204, %get3A_196 : vector<16xi32>
      %mul3A_205 = arith.constant 16 : i32
      %mul3A_206 = arith.muli %scan3A_192, %mul3A_205 : i32
      %swap3A_207 = arith.index_cast %mul3A_206 : i32 to index
      %swap3A_208 = tpu.vector_load %arg26[%swap3A_207] {strides = array<i32>} : memref<256xi32, #tpu.memory_space<vmem>>, vector<16xi32>,
      tpu.vector_store %arg26[%swap3A_207], %sub3A {strides = array<i32>} : memref<256xi32, #tpu.memory_space<vmem>>, vector<16xi32>,
      %slice3A = vector.extract_strided_slice %masked_cumsum3A {offsets = [15], sizes = [1], strides = [1]} : vector<16xi32> to vector<1xi32>
      %squeeze3A = vector.extract %slice3A[0] : i32 from vector<1xi32>
      %add3A_209 = arith.addi %scan3A_193, %squeeze3A : i32
      scf.yield %add3A_209 : i32
    }
    %scan3A_81 = arith.constant 16 : i32
    %scan3A_82 = arith.constant 8 : i32
    %scan3A_83 = arith.constant 0 : i32
    %scan3A_84 = arith.constant 0 : i32
    %scan3A_85 = arith.constant 80 : i32
    %scan3A_86 = arith.addi %scan3A_84, %scan3A_85 : i32
    %scan3A_87 = arith.constant 1 : i32
    %scan3A_88 = scf.for %scan3A_192 = %scan3A_84 to %scan3A_86 step %scan3A_87 iter_args(%scan3A_193 = %scan3A_83) -> (i32)  : i32 {
      %mul3A_194 = arith.constant 16 : i32
      %mul3A_195 = arith.muli %scan3A_192, %mul3A_194 : i32
      %get3A = arith.index_cast %mul3A_195 : i32 to index
      %get3A_196 = tpu.vector_load %arg21[%get3A] {strides = array<i32>} : memref<1280xi32, #tpu.memory_space<vmem>>, vector<16xi32>,
      %shift_right_arithmetic3A = vector.broadcast %scan3A_82 : i32 to vector<16xi32>
      %shift_right_arithmetic3A_197 = arith.shrsi %get3A_196, %shift_right_arithmetic3A : vector<16xi32>
      %and3A = arith.constant 255 : i32
      %and3A_198 = vector.broadcast %and3A : i32 to vector<16xi32>
      %and3A_199 = arith.andi %shift_right_arithmetic3A_197, %and3A_198 : vector<16xi32>
      %sub3A = arith.constant 255 : i32
      %sub3A_200 = vector.broadcast %sub3A : i32 to vector<16xi32>
      %sub3A_201 = arith.subi %sub3A_200, %and3A_199 : vector<16xi32>
      %broadcast_in_dim3A_202 = arith.constant true
      %broadcast_in_dim3A_203 = vector.broadcast %broadcast_in_dim3A_202 : i1 to vector<16xi1>
      %unique3A, %unique3A_204 = tpu.scan_count mask(%broadcast_in_dim3A_203 : vector<16xi1>) value(%sub3A_201 : vector<16xi32>) : vector<16xi1>, vector<16xi32>
      %gather3A = tpu.vector_load_idx %arg26[%sub3A_201] : memref<256xi32, #tpu.memory_space<vmem>>[vector<16xi32>], vector<16xi32>,
      tpu.vector_store_idx %arg26[%sub3A_201], %unique3A_204 masked %unique3A {add = true} : memref<256xi32, #tpu.memory_space<vmem>>[vector<16xi32>], vector<16xi32>, vector<16xi1>
      %add3A = arith.addi %gather3A, %unique3A_204 : vector<16xi32>
      %sub3A_205 = arith.constant 1 : i32
      %sub3A_206 = vector.broadcast %sub3A_205 : i32 to vector<16xi32>
      %sub3A_207 = arith.subi %add3A, %sub3A_206 : vector<16xi32>
      %shift_right_arithmetic3A_208 = arith.constant 3 : i32
      %shift_right_arithmetic3A_209 = arith.shrsi %scan3A_192, %shift_right_arithmetic3A_208 : i32
      %and3A_210 = arith.constant 7 : i32
      %and3A_211 = arith.andi %scan3A_192, %and3A_210 : i32
      %mul3A_212 = arith.constant 16 : i32
      %mul3A_213 = arith.muli %and3A_211, %mul3A_212 : i32
      %swap3A_214 = arith.index_cast %shift_right_arithmetic3A_209 : i32 to index
      %swap3A_215 = arith.index_cast %mul3A_213 : i32 to index
      %swap3A_216 = tpu.vector_load %arg23[%swap3A_214, %swap3A_215] {strides = array<i32>} : memref<10x128xi32, #tpu.memory_space<vmem>>, vector<16xi32>,
      tpu.vector_store %arg23[%swap3A_214, %swap3A_215], %sub3A_207 {strides = array<i32>} : memref<10x128xi32, #tpu.memory_space<vmem>>, vector<16xi32>,
      %scan3A_217 = arith.constant 0 : i32
      scf.yield %scan3A_217 : i32
    }
    %scan3A_89 = arith.constant 80 : i32
    %scan3A_90 = arith.constant 0 : i32
    %scan3A_91 = arith.constant 0 : i32
    %scan3A_92 = arith.constant 10 : i32
    %scan3A_93 = arith.addi %scan3A_91, %scan3A_92 : i32
    %scan3A_94 = arith.constant 1 : i32
    %scan3A_95 = scf.for %scan3A_192 = %scan3A_91 to %scan3A_93 step %scan3A_94 iter_args(%scan3A_193 = %scan3A_90) -> (i32)  : i32 {
      %mul3A_194 = arith.constant 128 : i32
      %mul3A_195 = arith.muli %scan3A_192, %mul3A_194 : i32
      "tpu.region"() ({
        %run_scoped3A = tpu.sem_alloc : memref<!tpu.dma_semaphore, #tpu.memory_space<semaphore_mem>>
        %dma_start3A = tpu.memref_slice %arg21[%mul3A_195] : memref<1280xi32, #tpu.memory_space<vmem>> -> memref<128xi32, #tpu.memory_space<vmem>>
        %dma_start3A_199 = arith.constant 0 : i32
        %dma_start3A_200 = tpu.memref_slice %arg23[%scan3A_192, %dma_start3A_199] : memref<10x128xi32, #tpu.memory_space<vmem>> -> memref<1x128xi32, #tpu.memory_space<vmem>>
        %dma_start3A_201 = tpu.memref_squeeze %dma_start3A_200 : memref<1x128xi32, #tpu.memory_space<vmem>> -> memref<128xi32, #tpu.memory_space<vmem>>
        %dma_start3A_202 = arith.constant 0 : i32
        %dma_start3A_203 = tpu.memref_slice %arg10[%dma_start3A_202] : memref<20480xi32, #tpu.memory_space<vmem_shared>> -> memref<20480xi32, #tpu.memory_space<vmem_shared>>
        tpu.enqueue_indirect_dma source(%dma_start3A : memref<128xi32, #tpu.memory_space<vmem>>) target(%dma_start3A_203 : memref<20480xi32, #tpu.memory_space<vmem_shared>>) offsets(%dma_start3A_201 : memref<128xi32, #tpu.memory_space<vmem>>) semaphore(%run_scoped3A : memref<!tpu.dma_semaphore, #tpu.memory_space<semaphore_mem>>)
        %dma_wait3A = tpu.memref_slice %arg21[%mul3A_195] : memref<1280xi32, #tpu.memory_space<vmem>> -> memref<128xi32, #tpu.memory_space<vmem>>
        %dma_wait3A_204 = arith.constant 0 : i32
        %dma_wait3A_205 = tpu.memref_slice %arg23[%scan3A_192, %dma_wait3A_204] : memref<10x128xi32, #tpu.memory_space<vmem>> -> memref<1x128xi32, #tpu.memory_space<vmem>>
        %dma_wait3A_206 = tpu.memref_squeeze %dma_wait3A_205 : memref<1x128xi32, #tpu.memory_space<vmem>> -> memref<128xi32, #tpu.memory_space<vmem>>
        %dma_wait3A_207 = arith.constant 0 : i32
        %dma_wait3A_208 = tpu.memref_slice %arg10[%dma_wait3A_207] : memref<20480xi32, #tpu.memory_space<vmem_shared>> -> memref<20480xi32, #tpu.memory_space<vmem_shared>>
        tpu.wait_indirect_dma semaphore(%run_scoped3A : memref<!tpu.dma_semaphore, #tpu.memory_space<semaphore_mem>>) src(%dma_wait3A : memref<128xi32, #tpu.memory_space<vmem>>) dst(%dma_wait3A_208 : memref<20480xi32, #tpu.memory_space<vmem_shared>>)
        tpu.yield
      }) : () -> ()
      %mul3A_196 = arith.constant 128 : i32
      %mul3A_197 = arith.muli %scan3A_192, %mul3A_196 : i32
      "tpu.region"() ({
        %run_scoped3A = tpu.sem_alloc : memref<!tpu.dma_semaphore, #tpu.memory_space<semaphore_mem>>
        %dma_start3A = tpu.memref_slice %arg22[%mul3A_197] : memref<1280xi32, #tpu.memory_space<vmem>> -> memref<128xi32, #tpu.memory_space<vmem>>
        %dma_start3A_199 = arith.constant 0 : i32
        %dma_start3A_200 = tpu.memref_slice %arg23[%scan3A_192, %dma_start3A_199] : memref<10x128xi32, #tpu.memory_space<vmem>> -> memref<1x128xi32, #tpu.memory_space<vmem>>
        %dma_start3A_201 = tpu.memref_squeeze %dma_start3A_200 : memref<1x128xi32, #tpu.memory_space<vmem>> -> memref<128xi32, #tpu.memory_space<vmem>>
        %dma_start3A_202 = arith.constant 0 : i32
        %dma_start3A_203 = tpu.memref_slice %arg11[%dma_start3A_202] : memref<20480xi32, #tpu.memory_space<vmem_shared>> -> memref<20480xi32, #tpu.memory_space<vmem_shared>>
        tpu.enqueue_indirect_dma source(%dma_start3A : memref<128xi32, #tpu.memory_space<vmem>>) target(%dma_start3A_203 : memref<20480xi32, #tpu.memory_space<vmem_shared>>) offsets(%dma_start3A_201 : memref<128xi32, #tpu.memory_space<vmem>>) semaphore(%run_scoped3A : memref<!tpu.dma_semaphore, #tpu.memory_space<semaphore_mem>>)
        %dma_wait3A = tpu.memref_slice %arg22[%mul3A_197] : memref<1280xi32, #tpu.memory_space<vmem>> -> memref<128xi32, #tpu.memory_space<vmem>>
        %dma_wait3A_204 = arith.constant 0 : i32
        %dma_wait3A_205 = tpu.memref_slice %arg23[%scan3A_192, %dma_wait3A_204] : memref<10x128xi32, #tpu.memory_space<vmem>> -> memref<1x128xi32, #tpu.memory_space<vmem>>
        %dma_wait3A_206 = tpu.memref_squeeze %dma_wait3A_205 : memref<1x128xi32, #tpu.memory_space<vmem>> -> memref<128xi32, #tpu.memory_space<vmem>>
        %dma_wait3A_207 = arith.constant 0 : i32
        %dma_wait3A_208 = tpu.memref_slice %arg11[%dma_wait3A_207] : memref<20480xi32, #tpu.memory_space<vmem_shared>> -> memref<20480xi32, #tpu.memory_space<vmem_shared>>
        tpu.wait_indirect_dma semaphore(%run_scoped3A : memref<!tpu.dma_semaphore, #tpu.memory_space<semaphore_mem>>) src(%dma_wait3A : memref<128xi32, #tpu.memory_space<vmem>>) dst(%dma_wait3A_208 : memref<20480xi32, #tpu.memory_space<vmem_shared>>)
        tpu.yield
      }) : () -> ()
      %scan3A_198 = arith.constant 0 : i32
      scf.yield %scan3A_198 : i32
    }
    %scan3A_96 = arith.constant 10 : i32
    %barrier3A_97 = arith.constant 0 : index
    tpu.barrier barrier_id(%barrier3A_97)
    "tpu.region"() ({
      %run_scoped3A = tpu.sem_alloc : memref<!tpu.dma_semaphore, #tpu.memory_space<semaphore_mem>>
      %dma_start3A = tpu.memref_slice %arg10[%mul3A_0] : memref<20480xi32, #tpu.memory_space<vmem_shared>> -> memref<1280xi32, #tpu.memory_space<vmem_shared>>
      %dma_start3A_192 = tpu.memref_slice %arg10[%mul3A_0] : memref<20480xi32, #tpu.memory_space<vmem_shared>> -> memref<1280xi32, #tpu.memory_space<vmem_shared>>
      tpu.enqueue_dma source(%dma_start3A_192 : memref<1280xi32, #tpu.memory_space<vmem_shared>>) target(%arg21 : memref<1280xi32, #tpu.memory_space<vmem>>) target_semaphore(%run_scoped3A : memref<!tpu.dma_semaphore, #tpu.memory_space<semaphore_mem>>)
      %dma_wait3A = tpu.memref_slice %arg10[%mul3A_0] : memref<20480xi32, #tpu.memory_space<vmem_shared>> -> memref<1280xi32, #tpu.memory_space<vmem_shared>>
      %dma_wait3A_193 = tpu.memref_slice %arg10[%mul3A_0] : memref<20480xi32, #tpu.memory_space<vmem_shared>> -> memref<1280xi32, #tpu.memory_space<vmem_shared>>
      tpu.wait_dma2 semaphore(%run_scoped3A : memref<!tpu.dma_semaphore, #tpu.memory_space<semaphore_mem>>) src(%dma_wait3A_193 : memref<1280xi32, #tpu.memory_space<vmem_shared>>) dst(%arg21 : memref<1280xi32, #tpu.memory_space<vmem>>)
      tpu.yield
    }) : () -> ()
    "tpu.region"() ({
      %run_scoped3A = tpu.sem_alloc : memref<!tpu.dma_semaphore, #tpu.memory_space<semaphore_mem>>
      %dma_start3A = tpu.memref_slice %arg11[%mul3A_0] : memref<20480xi32, #tpu.memory_space<vmem_shared>> -> memref<1280xi32, #tpu.memory_space<vmem_shared>>
      %dma_start3A_192 = tpu.memref_slice %arg11[%mul3A_0] : memref<20480xi32, #tpu.memory_space<vmem_shared>> -> memref<1280xi32, #tpu.memory_space<vmem_shared>>
      tpu.enqueue_dma source(%dma_start3A_192 : memref<1280xi32, #tpu.memory_space<vmem_shared>>) target(%arg22 : memref<1280xi32, #tpu.memory_space<vmem>>) target_semaphore(%run_scoped3A : memref<!tpu.dma_semaphore, #tpu.memory_space<semaphore_mem>>)
      %dma_wait3A = tpu.memref_slice %arg11[%mul3A_0] : memref<20480xi32, #tpu.memory_space<vmem_shared>> -> memref<1280xi32, #tpu.memory_space<vmem_shared>>
      %dma_wait3A_193 = tpu.memref_slice %arg11[%mul3A_0] : memref<20480xi32, #tpu.memory_space<vmem_shared>> -> memref<1280xi32, #tpu.memory_space<vmem_shared>>
      tpu.wait_dma2 semaphore(%run_scoped3A : memref<!tpu.dma_semaphore, #tpu.memory_space<semaphore_mem>>) src(%dma_wait3A_193 : memref<1280xi32, #tpu.memory_space<vmem_shared>>) dst(%arg22 : memref<1280xi32, #tpu.memory_space<vmem>>)
      tpu.yield
    }) : () -> ()
    %scan3A_98 = arith.constant 0 : i32
    %scan3A_99 = arith.constant 0 : i32
    %scan3A_100 = arith.constant 16 : i32
    %scan3A_101 = arith.addi %scan3A_99, %scan3A_100 : i32
    %scan3A_102 = arith.constant 1 : i32
    %scan3A_103 = scf.for %scan3A_192 = %scan3A_99 to %scan3A_101 step %scan3A_102 iter_args(%scan3A_193 = %scan3A_98) -> (i32)  : i32 {
      %broadcast_in_dim3A_194 = arith.constant 0 : i32
      %broadcast_in_dim3A_195 = vector.broadcast %broadcast_in_dim3A_194 : i32 to vector<16xi32>
      %mul3A_196 = arith.constant 16 : i32
      %mul3A_197 = arith.muli %scan3A_192, %mul3A_196 : i32
      %swap3A_198 = arith.index_cast %mul3A_197 : i32 to index
      %swap3A_199 = tpu.vector_load %arg25[%swap3A_198] {strides = array<i32>} : memref<256xi32, #tpu.memory_space<vmem>>, vector<16xi32>,
      tpu.vector_store %arg25[%swap3A_198], %broadcast_in_dim3A_195 {strides = array<i32>} : memref<256xi32, #tpu.memory_space<vmem>>, vector<16xi32>,
      %scan3A_200 = arith.constant 0 : i32
      scf.yield %scan3A_200 : i32
    }
    %scan3A_104 = arith.constant 16 : i32
    %scan3A_105 = arith.constant 16 : i32
    %scan3A_106 = arith.constant 0 : i32
    %scan3A_107 = arith.constant 0 : i32
    %scan3A_108 = arith.constant 80 : i32
    %scan3A_109 = arith.addi %scan3A_107, %scan3A_108 : i32
    %scan3A_110 = arith.constant 1 : i32
    %scan3A_111 = scf.for %scan3A_192 = %scan3A_107 to %scan3A_109 step %scan3A_110 iter_args(%scan3A_193 = %scan3A_106) -> (i32)  : i32 {
      %mul3A_194 = arith.constant 16 : i32
      %mul3A_195 = arith.muli %scan3A_192, %mul3A_194 : i32
      %get3A = arith.index_cast %mul3A_195 : i32 to index
      %get3A_196 = tpu.vector_load %arg21[%get3A] {strides = array<i32>} : memref<1280xi32, #tpu.memory_space<vmem>>, vector<16xi32>,
      %shift_right_arithmetic3A = vector.broadcast %scan3A_105 : i32 to vector<16xi32>
      %shift_right_arithmetic3A_197 = arith.shrsi %get3A_196, %shift_right_arithmetic3A : vector<16xi32>
      %and3A = arith.constant 255 : i32
      %and3A_198 = vector.broadcast %and3A : i32 to vector<16xi32>
      %and3A_199 = arith.andi %shift_right_arithmetic3A_197, %and3A_198 : vector<16xi32>
      %sub3A = arith.constant 255 : i32
      %sub3A_200 = vector.broadcast %sub3A : i32 to vector<16xi32>
      %sub3A_201 = arith.subi %sub3A_200, %and3A_199 : vector<16xi32>
      %broadcast_in_dim3A_202 = arith.constant true
      %broadcast_in_dim3A_203 = vector.broadcast %broadcast_in_dim3A_202 : i1 to vector<16xi1>
      %unique3A, %unique3A_204 = tpu.scan_count mask(%broadcast_in_dim3A_203 : vector<16xi1>) value(%sub3A_201 : vector<16xi32>) : vector<16xi1>, vector<16xi32>
      tpu.vector_store_idx %arg25[%sub3A_201], %unique3A_204 masked %unique3A {add = true} : memref<256xi32, #tpu.memory_space<vmem>>[vector<16xi32>], vector<16xi32>, vector<16xi1>
      %scan3A_205 = arith.constant 0 : i32
      scf.yield %scan3A_205 : i32
    }
    %scan3A_112 = arith.constant 80 : i32
    "tpu.region"() ({
      %run_scoped3A = tpu.sem_alloc : memref<!tpu.dma_semaphore, #tpu.memory_space<semaphore_mem>>
      %dma_start3A = arith.constant 0 : i32
      %dma_start3A_192 = tpu.memref_slice %arg12[%arg1, %dma_start3A] : memref<16x256xi32, #tpu.memory_space<vmem_shared>> -> memref<1x256xi32, #tpu.memory_space<vmem_shared>>
      %dma_start3A_193 = tpu.memref_squeeze %dma_start3A_192 : memref<1x256xi32, #tpu.memory_space<vmem_shared>> -> memref<256xi32, #tpu.memory_space<vmem_shared>>
      %dma_start3A_194 = arith.constant 0 : i32
      %dma_start3A_195 = tpu.memref_slice %arg12[%arg1, %dma_start3A_194] : memref<16x256xi32, #tpu.memory_space<vmem_shared>> -> memref<1x256xi32, #tpu.memory_space<vmem_shared>>
      %dma_start3A_196 = tpu.memref_squeeze %dma_start3A_195 : memref<1x256xi32, #tpu.memory_space<vmem_shared>> -> memref<256xi32, #tpu.memory_space<vmem_shared>>
      tpu.enqueue_dma source(%arg25 : memref<256xi32, #tpu.memory_space<vmem>>) target(%dma_start3A_196 : memref<256xi32, #tpu.memory_space<vmem_shared>>) target_semaphore(%run_scoped3A : memref<!tpu.dma_semaphore, #tpu.memory_space<semaphore_mem>>)
      %dma_wait3A = arith.constant 0 : i32
      %dma_wait3A_197 = tpu.memref_slice %arg12[%arg1, %dma_wait3A] : memref<16x256xi32, #tpu.memory_space<vmem_shared>> -> memref<1x256xi32, #tpu.memory_space<vmem_shared>>
      %dma_wait3A_198 = tpu.memref_squeeze %dma_wait3A_197 : memref<1x256xi32, #tpu.memory_space<vmem_shared>> -> memref<256xi32, #tpu.memory_space<vmem_shared>>
      %dma_wait3A_199 = arith.constant 0 : i32
      %dma_wait3A_200 = tpu.memref_slice %arg12[%arg1, %dma_wait3A_199] : memref<16x256xi32, #tpu.memory_space<vmem_shared>> -> memref<1x256xi32, #tpu.memory_space<vmem_shared>>
      %dma_wait3A_201 = tpu.memref_squeeze %dma_wait3A_200 : memref<1x256xi32, #tpu.memory_space<vmem_shared>> -> memref<256xi32, #tpu.memory_space<vmem_shared>>
      tpu.wait_dma2 semaphore(%run_scoped3A : memref<!tpu.dma_semaphore, #tpu.memory_space<semaphore_mem>>) src(%arg25 : memref<256xi32, #tpu.memory_space<vmem>>) dst(%dma_wait3A_201 : memref<256xi32, #tpu.memory_space<vmem_shared>>)
      tpu.yield
    }) : () -> ()
    %barrier3A_113 = arith.constant 0 : index
    tpu.barrier barrier_id(%barrier3A_113)
    "tpu.region"() ({
      %run_scoped3A = tpu.sem_alloc : memref<!tpu.dma_semaphore, #tpu.memory_space<semaphore_mem>>
      tpu.enqueue_dma source(%arg12 : memref<16x256xi32, #tpu.memory_space<vmem_shared>>) target(%arg24 : memref<16x256xi32, #tpu.memory_space<vmem>>) target_semaphore(%run_scoped3A : memref<!tpu.dma_semaphore, #tpu.memory_space<semaphore_mem>>)
      tpu.wait_dma2 semaphore(%run_scoped3A : memref<!tpu.dma_semaphore, #tpu.memory_space<semaphore_mem>>) src(%arg12 : memref<16x256xi32, #tpu.memory_space<vmem_shared>>) dst(%arg24 : memref<16x256xi32, #tpu.memory_space<vmem>>)
      tpu.yield
    }) : () -> ()
    %scan3A_114 = arith.constant 0 : i32
    %scan3A_115 = arith.constant 0 : i32
    %scan3A_116 = arith.constant 16 : i32
    %scan3A_117 = arith.addi %scan3A_115, %scan3A_116 : i32
    %scan3A_118 = arith.constant 1 : i32
    %scan3A_119 = scf.for %scan3A_192 = %scan3A_115 to %scan3A_117 step %scan3A_118 iter_args(%scan3A_193 = %scan3A_114) -> (i32)  : i32 {
      %broadcast_in_dim3A_194 = arith.constant 0 : i32
      %broadcast_in_dim3A_195 = vector.broadcast %broadcast_in_dim3A_194 : i32 to vector<16xi32>
      %broadcast_in_dim3A_196 = arith.constant 0 : i32
      %broadcast_in_dim3A_197 = vector.broadcast %broadcast_in_dim3A_196 : i32 to vector<16xi32>
      %scan3A_198 = arith.constant 0 : i32
      %scan3A_199 = arith.constant 16 : i32
      %scan3A_200 = arith.addi %scan3A_198, %scan3A_199 : i32
      %scan3A_201 = arith.constant 1 : i32
      %scan3A_202:2 = scf.for %scan3A_213 = %scan3A_198 to %scan3A_200 step %scan3A_201 iter_args(%scan3A_214 = %broadcast_in_dim3A_195, %scan3A_215 = %broadcast_in_dim3A_197) -> (vector<16xi32>, vector<16xi32>)  : i32 {
        %mul3A_216 = arith.constant 16 : i32
        %mul3A_217 = arith.muli %scan3A_192, %mul3A_216 : i32
        %get3A = arith.index_cast %scan3A_213 : i32 to index
        %get3A_218 = arith.index_cast %mul3A_217 : i32 to index
        %get3A_219 = tpu.vector_load %arg24[%get3A, %get3A_218] {strides = array<i32>} : memref<16x256xi32, #tpu.memory_space<vmem>>, vector<16xi32>,
        %add3A = arith.addi %scan3A_214, %get3A_219 : vector<16xi32>
        %lt3A = arith.cmpi slt, %scan3A_213, %arg1 : i32
        %jit3A = arith.constant 0 : i32
        %broadcast_in_dim3A_220 = vector.broadcast %jit3A : i32 to vector<16xi32>
        %select_n3A = arith.select %lt3A, %get3A_219, %broadcast_in_dim3A_220 : vector<16xi32>
        %add3A_221 = arith.addi %scan3A_215, %select_n3A : vector<16xi32>
        scf.yield %add3A, %add3A_221 : vector<16xi32>, vector<16xi32>
      }
      %scan3A_203 = arith.constant 16 : i32
      %mul3A_204 = arith.constant 16 : i32
      %mul3A_205 = arith.muli %scan3A_192, %mul3A_204 : i32
      %swap3A_206 = arith.index_cast %mul3A_205 : i32 to index
      %swap3A_207 = tpu.vector_load %arg27[%swap3A_206] {strides = array<i32>} : memref<256xi32, #tpu.memory_space<vmem>>, vector<16xi32>,
      tpu.vector_store %arg27[%swap3A_206], %scan3A_202#0 {strides = array<i32>} : memref<256xi32, #tpu.memory_space<vmem>>, vector<16xi32>,
      %mul3A_208 = arith.constant 16 : i32
      %mul3A_209 = arith.muli %scan3A_192, %mul3A_208 : i32
      %swap3A_210 = arith.index_cast %mul3A_209 : i32 to index
      %swap3A_211 = tpu.vector_load %arg26[%swap3A_210] {strides = array<i32>} : memref<256xi32, #tpu.memory_space<vmem>>, vector<16xi32>,
      tpu.vector_store %arg26[%swap3A_210], %scan3A_202#1 {strides = array<i32>} : memref<256xi32, #tpu.memory_space<vmem>>, vector<16xi32>,
      %scan3A_212 = arith.constant 0 : i32
      scf.yield %scan3A_212 : i32
    }
    %scan3A_120 = arith.constant 16 : i32
    %scan3A_121 = arith.constant 0 : i32
    %scan3A_122 = arith.constant 0 : i32
    %scan3A_123 = arith.constant 16 : i32
    %scan3A_124 = arith.addi %scan3A_122, %scan3A_123 : i32
    %scan3A_125 = arith.constant 1 : i32
    %scan3A_126 = scf.for %scan3A_192 = %scan3A_122 to %scan3A_124 step %scan3A_125 iter_args(%scan3A_193 = %scan3A_121) -> (i32)  : i32 {
      %mul3A_194 = arith.constant 16 : i32
      %mul3A_195 = arith.muli %scan3A_192, %mul3A_194 : i32
      %get3A = arith.index_cast %mul3A_195 : i32 to index
      %get3A_196 = tpu.vector_load %arg27[%get3A] {strides = array<i32>} : memref<256xi32, #tpu.memory_space<vmem>>, vector<16xi32>,
      %broadcast_in_dim3A_197 = arith.constant true
      %broadcast_in_dim3A_198 = vector.broadcast %broadcast_in_dim3A_197 : i1 to vector<16xi1>
      %masked_cumsum3A = tpu.scan <sum>, %get3A_196 masked %broadcast_in_dim3A_198 : vector<16xi32>, vector<16xi1> -> vector<16xi32>
      %mul3A_199 = arith.constant 16 : i32
      %mul3A_200 = arith.muli %scan3A_192, %mul3A_199 : i32
      %get3A_201 = arith.index_cast %mul3A_200 : i32 to index
      %get3A_202 = tpu.vector_load %arg26[%get3A_201] {strides = array<i32>} : memref<256xi32, #tpu.memory_space<vmem>>, vector<16xi32>,
      %add3A = vector.broadcast %scan3A_193 : i32 to vector<16xi32>
      %add3A_203 = arith.addi %get3A_202, %add3A : vector<16xi32>
      %add3A_204 = arith.addi %add3A_203, %masked_cumsum3A : vector<16xi32>
      %sub3A = arith.subi %add3A_204, %get3A_196 : vector<16xi32>
      %mul3A_205 = arith.constant 16 : i32
      %mul3A_206 = arith.muli %scan3A_192, %mul3A_205 : i32
      %swap3A_207 = arith.index_cast %mul3A_206 : i32 to index
      %swap3A_208 = tpu.vector_load %arg26[%swap3A_207] {strides = array<i32>} : memref<256xi32, #tpu.memory_space<vmem>>, vector<16xi32>,
      tpu.vector_store %arg26[%swap3A_207], %sub3A {strides = array<i32>} : memref<256xi32, #tpu.memory_space<vmem>>, vector<16xi32>,
      %slice3A = vector.extract_strided_slice %masked_cumsum3A {offsets = [15], sizes = [1], strides = [1]} : vector<16xi32> to vector<1xi32>
      %squeeze3A = vector.extract %slice3A[0] : i32 from vector<1xi32>
      %add3A_209 = arith.addi %scan3A_193, %squeeze3A : i32
      scf.yield %add3A_209 : i32
    }
    %scan3A_127 = arith.constant 16 : i32
    %scan3A_128 = arith.constant 16 : i32
    %scan3A_129 = arith.constant 0 : i32
    %scan3A_130 = arith.constant 0 : i32
    %scan3A_131 = arith.constant 80 : i32
    %scan3A_132 = arith.addi %scan3A_130, %scan3A_131 : i32
    %scan3A_133 = arith.constant 1 : i32
    %scan3A_134 = scf.for %scan3A_192 = %scan3A_130 to %scan3A_132 step %scan3A_133 iter_args(%scan3A_193 = %scan3A_129) -> (i32)  : i32 {
      %mul3A_194 = arith.constant 16 : i32
      %mul3A_195 = arith.muli %scan3A_192, %mul3A_194 : i32
      %get3A = arith.index_cast %mul3A_195 : i32 to index
      %get3A_196 = tpu.vector_load %arg21[%get3A] {strides = array<i32>} : memref<1280xi32, #tpu.memory_space<vmem>>, vector<16xi32>,
      %shift_right_arithmetic3A = vector.broadcast %scan3A_128 : i32 to vector<16xi32>
      %shift_right_arithmetic3A_197 = arith.shrsi %get3A_196, %shift_right_arithmetic3A : vector<16xi32>
      %and3A = arith.constant 255 : i32
      %and3A_198 = vector.broadcast %and3A : i32 to vector<16xi32>
      %and3A_199 = arith.andi %shift_right_arithmetic3A_197, %and3A_198 : vector<16xi32>
      %sub3A = arith.constant 255 : i32
      %sub3A_200 = vector.broadcast %sub3A : i32 to vector<16xi32>
      %sub3A_201 = arith.subi %sub3A_200, %and3A_199 : vector<16xi32>
      %broadcast_in_dim3A_202 = arith.constant true
      %broadcast_in_dim3A_203 = vector.broadcast %broadcast_in_dim3A_202 : i1 to vector<16xi1>
      %unique3A, %unique3A_204 = tpu.scan_count mask(%broadcast_in_dim3A_203 : vector<16xi1>) value(%sub3A_201 : vector<16xi32>) : vector<16xi1>, vector<16xi32>
      %gather3A = tpu.vector_load_idx %arg26[%sub3A_201] : memref<256xi32, #tpu.memory_space<vmem>>[vector<16xi32>], vector<16xi32>,
      tpu.vector_store_idx %arg26[%sub3A_201], %unique3A_204 masked %unique3A {add = true} : memref<256xi32, #tpu.memory_space<vmem>>[vector<16xi32>], vector<16xi32>, vector<16xi1>
      %add3A = arith.addi %gather3A, %unique3A_204 : vector<16xi32>
      %sub3A_205 = arith.constant 1 : i32
      %sub3A_206 = vector.broadcast %sub3A_205 : i32 to vector<16xi32>
      %sub3A_207 = arith.subi %add3A, %sub3A_206 : vector<16xi32>
      %shift_right_arithmetic3A_208 = arith.constant 3 : i32
      %shift_right_arithmetic3A_209 = arith.shrsi %scan3A_192, %shift_right_arithmetic3A_208 : i32
      %and3A_210 = arith.constant 7 : i32
      %and3A_211 = arith.andi %scan3A_192, %and3A_210 : i32
      %mul3A_212 = arith.constant 16 : i32
      %mul3A_213 = arith.muli %and3A_211, %mul3A_212 : i32
      %swap3A_214 = arith.index_cast %shift_right_arithmetic3A_209 : i32 to index
      %swap3A_215 = arith.index_cast %mul3A_213 : i32 to index
      %swap3A_216 = tpu.vector_load %arg23[%swap3A_214, %swap3A_215] {strides = array<i32>} : memref<10x128xi32, #tpu.memory_space<vmem>>, vector<16xi32>,
      tpu.vector_store %arg23[%swap3A_214, %swap3A_215], %sub3A_207 {strides = array<i32>} : memref<10x128xi32, #tpu.memory_space<vmem>>, vector<16xi32>,
      %scan3A_217 = arith.constant 0 : i32
      scf.yield %scan3A_217 : i32
    }
    %scan3A_135 = arith.constant 80 : i32
    %scan3A_136 = arith.constant 0 : i32
    %scan3A_137 = arith.constant 0 : i32
    %scan3A_138 = arith.constant 10 : i32
    %scan3A_139 = arith.addi %scan3A_137, %scan3A_138 : i32
    %scan3A_140 = arith.constant 1 : i32
    %scan3A_141 = scf.for %scan3A_192 = %scan3A_137 to %scan3A_139 step %scan3A_140 iter_args(%scan3A_193 = %scan3A_136) -> (i32)  : i32 {
      %mul3A_194 = arith.constant 128 : i32
      %mul3A_195 = arith.muli %scan3A_192, %mul3A_194 : i32
      "tpu.region"() ({
        %run_scoped3A = tpu.sem_alloc : memref<!tpu.dma_semaphore, #tpu.memory_space<semaphore_mem>>
        %dma_start3A = tpu.memref_slice %arg21[%mul3A_195] : memref<1280xi32, #tpu.memory_space<vmem>> -> memref<128xi32, #tpu.memory_space<vmem>>
        %dma_start3A_199 = arith.constant 0 : i32
        %dma_start3A_200 = tpu.memref_slice %arg23[%scan3A_192, %dma_start3A_199] : memref<10x128xi32, #tpu.memory_space<vmem>> -> memref<1x128xi32, #tpu.memory_space<vmem>>
        %dma_start3A_201 = tpu.memref_squeeze %dma_start3A_200 : memref<1x128xi32, #tpu.memory_space<vmem>> -> memref<128xi32, #tpu.memory_space<vmem>>
        %dma_start3A_202 = arith.constant 0 : i32
        %dma_start3A_203 = tpu.memref_slice %arg8[%dma_start3A_202] : memref<20480xi32, #tpu.memory_space<vmem_shared>> -> memref<20480xi32, #tpu.memory_space<vmem_shared>>
        tpu.enqueue_indirect_dma source(%dma_start3A : memref<128xi32, #tpu.memory_space<vmem>>) target(%dma_start3A_203 : memref<20480xi32, #tpu.memory_space<vmem_shared>>) offsets(%dma_start3A_201 : memref<128xi32, #tpu.memory_space<vmem>>) semaphore(%run_scoped3A : memref<!tpu.dma_semaphore, #tpu.memory_space<semaphore_mem>>)
        %dma_wait3A = tpu.memref_slice %arg21[%mul3A_195] : memref<1280xi32, #tpu.memory_space<vmem>> -> memref<128xi32, #tpu.memory_space<vmem>>
        %dma_wait3A_204 = arith.constant 0 : i32
        %dma_wait3A_205 = tpu.memref_slice %arg23[%scan3A_192, %dma_wait3A_204] : memref<10x128xi32, #tpu.memory_space<vmem>> -> memref<1x128xi32, #tpu.memory_space<vmem>>
        %dma_wait3A_206 = tpu.memref_squeeze %dma_wait3A_205 : memref<1x128xi32, #tpu.memory_space<vmem>> -> memref<128xi32, #tpu.memory_space<vmem>>
        %dma_wait3A_207 = arith.constant 0 : i32
        %dma_wait3A_208 = tpu.memref_slice %arg8[%dma_wait3A_207] : memref<20480xi32, #tpu.memory_space<vmem_shared>> -> memref<20480xi32, #tpu.memory_space<vmem_shared>>
        tpu.wait_indirect_dma semaphore(%run_scoped3A : memref<!tpu.dma_semaphore, #tpu.memory_space<semaphore_mem>>) src(%dma_wait3A : memref<128xi32, #tpu.memory_space<vmem>>) dst(%dma_wait3A_208 : memref<20480xi32, #tpu.memory_space<vmem_shared>>)
        tpu.yield
      }) : () -> ()
      %mul3A_196 = arith.constant 128 : i32
      %mul3A_197 = arith.muli %scan3A_192, %mul3A_196 : i32
      "tpu.region"() ({
        %run_scoped3A = tpu.sem_alloc : memref<!tpu.dma_semaphore, #tpu.memory_space<semaphore_mem>>
        %dma_start3A = tpu.memref_slice %arg22[%mul3A_197] : memref<1280xi32, #tpu.memory_space<vmem>> -> memref<128xi32, #tpu.memory_space<vmem>>
        %dma_start3A_199 = arith.constant 0 : i32
        %dma_start3A_200 = tpu.memref_slice %arg23[%scan3A_192, %dma_start3A_199] : memref<10x128xi32, #tpu.memory_space<vmem>> -> memref<1x128xi32, #tpu.memory_space<vmem>>
        %dma_start3A_201 = tpu.memref_squeeze %dma_start3A_200 : memref<1x128xi32, #tpu.memory_space<vmem>> -> memref<128xi32, #tpu.memory_space<vmem>>
        %dma_start3A_202 = arith.constant 0 : i32
        %dma_start3A_203 = tpu.memref_slice %arg9[%dma_start3A_202] : memref<20480xi32, #tpu.memory_space<vmem_shared>> -> memref<20480xi32, #tpu.memory_space<vmem_shared>>
        tpu.enqueue_indirect_dma source(%dma_start3A : memref<128xi32, #tpu.memory_space<vmem>>) target(%dma_start3A_203 : memref<20480xi32, #tpu.memory_space<vmem_shared>>) offsets(%dma_start3A_201 : memref<128xi32, #tpu.memory_space<vmem>>) semaphore(%run_scoped3A : memref<!tpu.dma_semaphore, #tpu.memory_space<semaphore_mem>>)
        %dma_wait3A = tpu.memref_slice %arg22[%mul3A_197] : memref<1280xi32, #tpu.memory_space<vmem>> -> memref<128xi32, #tpu.memory_space<vmem>>
        %dma_wait3A_204 = arith.constant 0 : i32
        %dma_wait3A_205 = tpu.memref_slice %arg23[%scan3A_192, %dma_wait3A_204] : memref<10x128xi32, #tpu.memory_space<vmem>> -> memref<1x128xi32, #tpu.memory_space<vmem>>
        %dma_wait3A_206 = tpu.memref_squeeze %dma_wait3A_205 : memref<1x128xi32, #tpu.memory_space<vmem>> -> memref<128xi32, #tpu.memory_space<vmem>>
        %dma_wait3A_207 = arith.constant 0 : i32
        %dma_wait3A_208 = tpu.memref_slice %arg9[%dma_wait3A_207] : memref<20480xi32, #tpu.memory_space<vmem_shared>> -> memref<20480xi32, #tpu.memory_space<vmem_shared>>
        tpu.wait_indirect_dma semaphore(%run_scoped3A : memref<!tpu.dma_semaphore, #tpu.memory_space<semaphore_mem>>) src(%dma_wait3A : memref<128xi32, #tpu.memory_space<vmem>>) dst(%dma_wait3A_208 : memref<20480xi32, #tpu.memory_space<vmem_shared>>)
        tpu.yield
      }) : () -> ()
      %scan3A_198 = arith.constant 0 : i32
      scf.yield %scan3A_198 : i32
    }
    %scan3A_142 = arith.constant 10 : i32
    %barrier3A_143 = arith.constant 0 : index
    tpu.barrier barrier_id(%barrier3A_143)
    %mul3A_144 = arith.constant 320 : i32
    %mul3A_145 = arith.muli %arg1, %mul3A_144 : i32
    "tpu.region"() ({
      %run_scoped3A = tpu.sem_alloc : memref<!tpu.dma_semaphore, #tpu.memory_space<semaphore_mem>>
      %dma_start3A = arith.constant 0 : i32
      %dma_start3A_192 = tpu.memref_slice %arg21[%dma_start3A] : memref<1280xi32, #tpu.memory_space<vmem>> -> memref<320xi32, #tpu.memory_space<vmem>>
      %dma_start3A_193 = tpu.memref_slice %arg8[%mul3A_145] : memref<20480xi32, #tpu.memory_space<vmem_shared>> -> memref<320xi32, #tpu.memory_space<vmem_shared>>
      %dma_start3A_194 = arith.constant 0 : i32
      %dma_start3A_195 = tpu.memref_slice %arg21[%dma_start3A_194] : memref<1280xi32, #tpu.memory_space<vmem>> -> memref<320xi32, #tpu.memory_space<vmem>>
      %dma_start3A_196 = tpu.memref_slice %arg8[%mul3A_145] : memref<20480xi32, #tpu.memory_space<vmem_shared>> -> memref<320xi32, #tpu.memory_space<vmem_shared>>
      tpu.enqueue_dma source(%dma_start3A_196 : memref<320xi32, #tpu.memory_space<vmem_shared>>) target(%dma_start3A_195 : memref<320xi32, #tpu.memory_space<vmem>>) target_semaphore(%run_scoped3A : memref<!tpu.dma_semaphore, #tpu.memory_space<semaphore_mem>>)
      %dma_wait3A = arith.constant 0 : i32
      %dma_wait3A_197 = tpu.memref_slice %arg21[%dma_wait3A] : memref<1280xi32, #tpu.memory_space<vmem>> -> memref<320xi32, #tpu.memory_space<vmem>>
      %dma_wait3A_198 = tpu.memref_slice %arg8[%mul3A_145] : memref<20480xi32, #tpu.memory_space<vmem_shared>> -> memref<320xi32, #tpu.memory_space<vmem_shared>>
      %dma_wait3A_199 = arith.constant 0 : i32
      %dma_wait3A_200 = tpu.memref_slice %arg21[%dma_wait3A_199] : memref<1280xi32, #tpu.memory_space<vmem>> -> memref<320xi32, #tpu.memory_space<vmem>>
      %dma_wait3A_201 = tpu.memref_slice %arg8[%mul3A_145] : memref<20480xi32, #tpu.memory_space<vmem_shared>> -> memref<320xi32, #tpu.memory_space<vmem_shared>>
      tpu.wait_dma2 semaphore(%run_scoped3A : memref<!tpu.dma_semaphore, #tpu.memory_space<semaphore_mem>>) src(%dma_wait3A_201 : memref<320xi32, #tpu.memory_space<vmem_shared>>) dst(%dma_wait3A_200 : memref<320xi32, #tpu.memory_space<vmem>>)
      tpu.yield
    }) : () -> ()
    "tpu.region"() ({
      %run_scoped3A = tpu.sem_alloc : memref<!tpu.dma_semaphore, #tpu.memory_space<semaphore_mem>>
      %dma_start3A = arith.constant 0 : i32
      %dma_start3A_192 = tpu.memref_slice %arg22[%dma_start3A] : memref<1280xi32, #tpu.memory_space<vmem>> -> memref<320xi32, #tpu.memory_space<vmem>>
      %dma_start3A_193 = tpu.memref_slice %arg9[%mul3A_145] : memref<20480xi32, #tpu.memory_space<vmem_shared>> -> memref<320xi32, #tpu.memory_space<vmem_shared>>
      %dma_start3A_194 = arith.constant 0 : i32
      %dma_start3A_195 = tpu.memref_slice %arg22[%dma_start3A_194] : memref<1280xi32, #tpu.memory_space<vmem>> -> memref<320xi32, #tpu.memory_space<vmem>>
      %dma_start3A_196 = tpu.memref_slice %arg9[%mul3A_145] : memref<20480xi32, #tpu.memory_space<vmem_shared>> -> memref<320xi32, #tpu.memory_space<vmem_shared>>
      tpu.enqueue_dma source(%dma_start3A_196 : memref<320xi32, #tpu.memory_space<vmem_shared>>) target(%dma_start3A_195 : memref<320xi32, #tpu.memory_space<vmem>>) target_semaphore(%run_scoped3A : memref<!tpu.dma_semaphore, #tpu.memory_space<semaphore_mem>>)
      %dma_wait3A = arith.constant 0 : i32
      %dma_wait3A_197 = tpu.memref_slice %arg22[%dma_wait3A] : memref<1280xi32, #tpu.memory_space<vmem>> -> memref<320xi32, #tpu.memory_space<vmem>>
      %dma_wait3A_198 = tpu.memref_slice %arg9[%mul3A_145] : memref<20480xi32, #tpu.memory_space<vmem_shared>> -> memref<320xi32, #tpu.memory_space<vmem_shared>>
      %dma_wait3A_199 = arith.constant 0 : i32
      %dma_wait3A_200 = tpu.memref_slice %arg22[%dma_wait3A_199] : memref<1280xi32, #tpu.memory_space<vmem>> -> memref<320xi32, #tpu.memory_space<vmem>>
      %dma_wait3A_201 = tpu.memref_slice %arg9[%mul3A_145] : memref<20480xi32, #tpu.memory_space<vmem_shared>> -> memref<320xi32, #tpu.memory_space<vmem_shared>>
      tpu.wait_dma2 semaphore(%run_scoped3A : memref<!tpu.dma_semaphore, #tpu.memory_space<semaphore_mem>>) src(%dma_wait3A_201 : memref<320xi32, #tpu.memory_space<vmem_shared>>) dst(%dma_wait3A_200 : memref<320xi32, #tpu.memory_space<vmem>>)
      tpu.yield
    }) : () -> ()
    "tpu.region"() ({
      %run_scoped3A = tpu.sem_alloc : memref<!tpu.dma_semaphore, #tpu.memory_space<semaphore_mem>>
      tpu.enqueue_dma source(%arg3 : memref<20480xf32, #tpu.memory_space<hbm>>) target(%arg28 : memref<20480xf32, #tpu.memory_space<vmem>>) target_semaphore(%run_scoped3A : memref<!tpu.dma_semaphore, #tpu.memory_space<semaphore_mem>>)
      tpu.wait_dma2 semaphore(%run_scoped3A : memref<!tpu.dma_semaphore, #tpu.memory_space<semaphore_mem>>) src(%arg3 : memref<20480xf32, #tpu.memory_space<hbm>>) dst(%arg28 : memref<20480xf32, #tpu.memory_space<vmem>>)
      tpu.yield
    }) : () -> ()
    "tpu.region"() ({
      %run_scoped3A = tpu.sem_alloc : memref<!tpu.dma_semaphore, #tpu.memory_space<semaphore_mem>>
      tpu.enqueue_dma source(%arg4 : memref<20480xf32, #tpu.memory_space<hbm>>) target(%arg29 : memref<20480xf32, #tpu.memory_space<vmem>>) target_semaphore(%run_scoped3A : memref<!tpu.dma_semaphore, #tpu.memory_space<semaphore_mem>>)
      tpu.wait_dma2 semaphore(%run_scoped3A : memref<!tpu.dma_semaphore, #tpu.memory_space<semaphore_mem>>) src(%arg4 : memref<20480xf32, #tpu.memory_space<hbm>>) dst(%arg29 : memref<20480xf32, #tpu.memory_space<vmem>>)
      tpu.yield
    }) : () -> ()
    "tpu.region"() ({
      %run_scoped3A = tpu.sem_alloc : memref<!tpu.dma_semaphore, #tpu.memory_space<semaphore_mem>>
      tpu.enqueue_dma source(%arg5 : memref<20480xf32, #tpu.memory_space<hbm>>) target(%arg30 : memref<20480xf32, #tpu.memory_space<vmem>>) target_semaphore(%run_scoped3A : memref<!tpu.dma_semaphore, #tpu.memory_space<semaphore_mem>>)
      tpu.wait_dma2 semaphore(%run_scoped3A : memref<!tpu.dma_semaphore, #tpu.memory_space<semaphore_mem>>) src(%arg5 : memref<20480xf32, #tpu.memory_space<hbm>>) dst(%arg30 : memref<20480xf32, #tpu.memory_space<vmem>>)
      tpu.yield
    }) : () -> ()
    "tpu.region"() ({
      %run_scoped3A = tpu.sem_alloc : memref<!tpu.dma_semaphore, #tpu.memory_space<semaphore_mem>>
      tpu.enqueue_dma source(%arg6 : memref<20480xf32, #tpu.memory_space<hbm>>) target(%arg31 : memref<20480xf32, #tpu.memory_space<vmem>>) target_semaphore(%run_scoped3A : memref<!tpu.dma_semaphore, #tpu.memory_space<semaphore_mem>>)
      tpu.wait_dma2 semaphore(%run_scoped3A : memref<!tpu.dma_semaphore, #tpu.memory_space<semaphore_mem>>) src(%arg6 : memref<20480xf32, #tpu.memory_space<hbm>>) dst(%arg31 : memref<20480xf32, #tpu.memory_space<vmem>>)
      tpu.yield
    }) : () -> ()
    %scan3A_146 = arith.constant 0 : i32
    %scan3A_147 = arith.constant 0 : i32
    %scan3A_148 = arith.constant 20 : i32
    %scan3A_149 = arith.addi %scan3A_147, %scan3A_148 : i32
    %scan3A_150 = arith.constant 1 : i32
    %scan3A_151 = scf.for %scan3A_192 = %scan3A_147 to %scan3A_149 step %scan3A_150 iter_args(%scan3A_193 = %scan3A_146) -> (i32)  : i32 {
      %mul3A_194 = arith.constant 16 : i32
      %mul3A_195 = arith.muli %scan3A_192, %mul3A_194 : i32
      %get3A = arith.index_cast %mul3A_195 : i32 to index
      %get3A_196 = tpu.vector_load %arg21[%get3A] {strides = array<i32>} : memref<1280xi32, #tpu.memory_space<vmem>>, vector<16xi32>,
      %mul3A_197 = arith.constant 16 : i32
      %mul3A_198 = arith.muli %scan3A_192, %mul3A_197 : i32
      %add3A = arith.addi %mul3A_145, %mul3A_198 : i32
      %add3A_199 = vector.broadcast %add3A : i32 to vector<16xi32>
      %add3A_200 = arith.addi %add3A_199, %iota3A : vector<16xi32>
      %gt3A = arith.constant 0 : i32
      %gt3A_201 = vector.broadcast %gt3A : i32 to vector<16xi32>
      %gt3A_202 = arith.cmpi sgt, %get3A_196, %gt3A_201 : vector<16xi32>
      %lt3A = arith.constant 5000 : i32
      %lt3A_203 = vector.broadcast %lt3A : i32 to vector<16xi32>
      %lt3A_204 = arith.cmpi slt, %add3A_200, %lt3A_203 : vector<16xi32>
      %and3A = arith.andi %gt3A_202, %lt3A_204 : vector<16xi1>
      %or3A = arith.constant 1056964608 : i32
      %or3A_205 = vector.broadcast %or3A : i32 to vector<16xi32>
      %or3A_206 = arith.ori %get3A_196, %or3A_205 : vector<16xi32>
      %bitcast3A = vector.bitcast %or3A_206 : vector<16xi32> to vector<16xf32>
      %mul3A_207 = arith.constant 16 : i32
      %mul3A_208 = arith.muli %scan3A_192, %mul3A_207 : i32
      %get3A_209 = arith.index_cast %mul3A_208 : i32 to index
      %get3A_210 = tpu.vector_load %arg22[%get3A_209] {strides = array<i32>} : memref<1280xi32, #tpu.memory_space<vmem>>, vector<16xi32>,
      %gather3A = tpu.vector_load_idx %arg28[%get3A_210] : memref<20480xf32, #tpu.memory_space<vmem>>[vector<16xi32>], vector<16xf32>,
      %gather3A_211 = tpu.vector_load_idx %arg29[%get3A_210] : memref<20480xf32, #tpu.memory_space<vmem>>[vector<16xi32>], vector<16xf32>,
      %gather3A_212 = tpu.vector_load_idx %arg30[%get3A_210] : memref<20480xf32, #tpu.memory_space<vmem>>[vector<16xi32>], vector<16xf32>,
      %gather3A_213 = tpu.vector_load_idx %arg31[%get3A_210] : memref<20480xf32, #tpu.memory_space<vmem>>[vector<16xi32>], vector<16xf32>,
      %mul3A_214 = arith.constant 16 : i32
      %mul3A_215 = arith.muli %scan3A_192, %mul3A_214 : i32
      %swap3A_216 = arith.index_cast %mul3A_215 : i32 to index
      %swap3A_217 = tpu.vector_load %arg32[%swap3A_216] {strides = array<i32>} : memref<336xf32, #tpu.memory_space<vmem>>, vector<16xf32>,
      tpu.vector_store %arg32[%swap3A_216], %gather3A {strides = array<i32>} : memref<336xf32, #tpu.memory_space<vmem>>, vector<16xf32>,
      %mul3A_218 = arith.constant 16 : i32
      %mul3A_219 = arith.muli %scan3A_192, %mul3A_218 : i32
      %swap3A_220 = arith.index_cast %mul3A_219 : i32 to index
      %swap3A_221 = tpu.vector_load %arg33[%swap3A_220] {strides = array<i32>} : memref<336xf32, #tpu.memory_space<vmem>>, vector<16xf32>,
      tpu.vector_store %arg33[%swap3A_220], %gather3A_211 {strides = array<i32>} : memref<336xf32, #tpu.memory_space<vmem>>, vector<16xf32>,
      %mul3A_222 = arith.constant 16 : i32
      %mul3A_223 = arith.muli %scan3A_192, %mul3A_222 : i32
      %swap3A_224 = arith.index_cast %mul3A_223 : i32 to index
      %swap3A_225 = tpu.vector_load %arg34[%swap3A_224] {strides = array<i32>} : memref<336xf32, #tpu.memory_space<vmem>>, vector<16xf32>,
      tpu.vector_store %arg34[%swap3A_224], %gather3A_212 {strides = array<i32>} : memref<336xf32, #tpu.memory_space<vmem>>, vector<16xf32>,
      %mul3A_226 = arith.constant 16 : i32
      %mul3A_227 = arith.muli %scan3A_192, %mul3A_226 : i32
      %swap3A_228 = arith.index_cast %mul3A_227 : i32 to index
      %swap3A_229 = tpu.vector_load %arg35[%swap3A_228] {strides = array<i32>} : memref<336xf32, #tpu.memory_space<vmem>>, vector<16xf32>,
      tpu.vector_store %arg35[%swap3A_228], %gather3A_213 {strides = array<i32>} : memref<336xf32, #tpu.memory_space<vmem>>, vector<16xf32>,
      %sub3A = arith.subf %gather3A_212, %gather3A : vector<16xf32>
      %add3A_230 = arith.constant 1.000000e+00 : f32
      %add3A_231 = vector.broadcast %add3A_230 : f32 to vector<16xf32>
      %add3A_232 = arith.addf %sub3A, %add3A_231 : vector<16xf32>
      %sub3A_233 = arith.subf %gather3A_213, %gather3A_211 : vector<16xf32>
      %add3A_234 = arith.constant 1.000000e+00 : f32
      %add3A_235 = vector.broadcast %add3A_234 : f32 to vector<16xf32>
      %add3A_236 = arith.addf %sub3A_233, %add3A_235 : vector<16xf32>
      %mul3A_237 = arith.mulf %add3A_232, %add3A_236 : vector<16xf32>
      %mul3A_238 = arith.constant 16 : i32
      %mul3A_239 = arith.muli %scan3A_192, %mul3A_238 : i32
      %swap3A_240 = arith.index_cast %mul3A_239 : i32 to index
      %swap3A_241 = tpu.vector_load %arg36[%swap3A_240] {strides = array<i32>} : memref<336xf32, #tpu.memory_space<vmem>>, vector<16xf32>,
      tpu.vector_store %arg36[%swap3A_240], %mul3A_237 {strides = array<i32>} : memref<336xf32, #tpu.memory_space<vmem>>, vector<16xf32>,
      %mul3A_242 = arith.constant 16 : i32
      %mul3A_243 = arith.muli %scan3A_192, %mul3A_242 : i32
      %swap3A_244 = arith.index_cast %mul3A_243 : i32 to index
      %swap3A_245 = tpu.vector_load %arg37[%swap3A_244] {strides = array<i32>} : memref<336xf32, #tpu.memory_space<vmem>>, vector<16xf32>,
      tpu.vector_store %arg37[%swap3A_244], %bitcast3A {strides = array<i32>} : memref<336xf32, #tpu.memory_space<vmem>>, vector<16xf32>,
      %convert_element_type3A_246 = arith.extui %and3A : vector<16xi1> to vector<16xi32>
      %mul3A_247 = arith.constant 16 : i32
      %mul3A_248 = arith.muli %scan3A_192, %mul3A_247 : i32
      %swap3A_249 = arith.index_cast %mul3A_248 : i32 to index
      %swap3A_250 = tpu.vector_load %arg39[%swap3A_249] {strides = array<i32>} : memref<336xi32, #tpu.memory_space<vmem>>, vector<16xi32>,
      tpu.vector_store %arg39[%swap3A_249], %convert_element_type3A_246 {strides = array<i32>} : memref<336xi32, #tpu.memory_space<vmem>>, vector<16xi32>,
      %mul3A_251 = arith.constant 16 : i32
      %mul3A_252 = arith.muli %scan3A_192, %mul3A_251 : i32
      %swap3A_253 = arith.index_cast %mul3A_252 : i32 to index
      %swap3A_254 = tpu.vector_load %arg38[%swap3A_253] {strides = array<i32>} : memref<336xi32, #tpu.memory_space<vmem>>, vector<16xi32>,
      tpu.vector_store %arg38[%swap3A_253], %add3A_200 {strides = array<i32>} : memref<336xi32, #tpu.memory_space<vmem>>, vector<16xi32>,
      %scan3A_255 = arith.constant 0 : i32
      scf.yield %scan3A_255 : i32
    }
    %scan3A_152 = arith.constant 20 : i32
    %broadcast_in_dim3A = arith.constant 1073741824 : i32
    %broadcast_in_dim3A_153 = vector.broadcast %broadcast_in_dim3A : i32 to vector<16xi32>
    %swap3A = arith.constant 320 : index
    %swap3A_154 = tpu.vector_load %arg38[%swap3A] {strides = array<i32>} : memref<336xi32, #tpu.memory_space<vmem>>, vector<16xi32>,
    tpu.vector_store %arg38[%swap3A], %broadcast_in_dim3A_153 {strides = array<i32>} : memref<336xi32, #tpu.memory_space<vmem>>, vector<16xi32>,
    %broadcast_in_dim3A_155 = arith.constant 0 : i32
    %broadcast_in_dim3A_156 = vector.broadcast %broadcast_in_dim3A_155 : i32 to vector<16xi32>
    %swap3A_157 = arith.constant 320 : index
    %swap3A_158 = tpu.vector_load %arg39[%swap3A_157] {strides = array<i32>} : memref<336xi32, #tpu.memory_space<vmem>>, vector<16xi32>,
    tpu.vector_store %arg39[%swap3A_157], %broadcast_in_dim3A_156 {strides = array<i32>} : memref<336xi32, #tpu.memory_space<vmem>>, vector<16xi32>,
    %broadcast_in_dim3A_159 = arith.constant 0 : i32
    %broadcast_in_dim3A_160 = vector.broadcast %broadcast_in_dim3A_159 : i32 to vector<16xi32>
    %swap3A_161 = arith.constant 320 : index
    %swap3A_162 = tpu.vector_load %arg40[%swap3A_161] {strides = array<i32>} : memref<336xi32, #tpu.memory_space<vmem>>, vector<16xi32>,
    tpu.vector_store %arg40[%swap3A_161], %broadcast_in_dim3A_160 {strides = array<i32>} : memref<336xi32, #tpu.memory_space<vmem>>, vector<16xi32>,
    %scan3A_163 = arith.constant 0 : i32
    %scan3A_164 = arith.constant 0 : i32
    %scan3A_165 = arith.constant 20 : i32
    %scan3A_166 = arith.addi %scan3A_164, %scan3A_165 : i32
    %scan3A_167 = arith.constant 1 : i32
    %scan3A_168 = scf.for %scan3A_192 = %scan3A_164 to %scan3A_166 step %scan3A_167 iter_args(%scan3A_193 = %scan3A_163) -> (i32)  : i32 {
      %mul3A_194 = arith.constant 16 : i32
      %mul3A_195 = arith.muli %scan3A_192, %mul3A_194 : i32
      %get3A = arith.index_cast %mul3A_195 : i32 to index
      %get3A_196 = tpu.vector_load %arg39[%get3A] {strides = array<i32>} : memref<336xi32, #tpu.memory_space<vmem>>, vector<16xi32>,
      %ne3A = arith.constant 0 : i32
      %ne3A_197 = vector.broadcast %ne3A : i32 to vector<16xi32>
      %ne3A_198 = arith.cmpi ne, %get3A_196, %ne3A_197 : vector<16xi32>
      %convert_element_type3A_199 = arith.extui %ne3A_198 : vector<16xi1> to vector<16xi32>
      %broadcast_in_dim3A_200 = arith.constant true
      %broadcast_in_dim3A_201 = vector.broadcast %broadcast_in_dim3A_200 : i1 to vector<16xi1>
      %masked_cumsum3A = tpu.scan <sum>, %convert_element_type3A_199 masked %broadcast_in_dim3A_201 : vector<16xi32>, vector<16xi1> -> vector<16xi32>
      %add3A = vector.broadcast %scan3A_193 : i32 to vector<16xi32>
      %add3A_202 = arith.addi %add3A, %masked_cumsum3A : vector<16xi32>
      %sub3A = arith.subi %add3A_202, %convert_element_type3A_199 : vector<16xi32>
      %mul3A_203 = arith.constant 16 : i32
      %mul3A_204 = arith.muli %scan3A_192, %mul3A_203 : i32
      %get3A_205 = arith.index_cast %mul3A_204 : i32 to index
      %get3A_206 = tpu.vector_load %arg32[%get3A_205] {strides = array<i32>} : memref<336xf32, #tpu.memory_space<vmem>>, vector<16xf32>,
      tpu.vector_store_idx %arg32[%sub3A], %get3A_206 masked %ne3A_198 : memref<336xf32, #tpu.memory_space<vmem>>[vector<16xi32>], vector<16xf32>, vector<16xi1>
      %mul3A_207 = arith.constant 16 : i32
      %mul3A_208 = arith.muli %scan3A_192, %mul3A_207 : i32
      %get3A_209 = arith.index_cast %mul3A_208 : i32 to index
      %get3A_210 = tpu.vector_load %arg33[%get3A_209] {strides = array<i32>} : memref<336xf32, #tpu.memory_space<vmem>>, vector<16xf32>,
      tpu.vector_store_idx %arg33[%sub3A], %get3A_210 masked %ne3A_198 : memref<336xf32, #tpu.memory_space<vmem>>[vector<16xi32>], vector<16xf32>, vector<16xi1>
      %mul3A_211 = arith.constant 16 : i32
      %mul3A_212 = arith.muli %scan3A_192, %mul3A_211 : i32
      %get3A_213 = arith.index_cast %mul3A_212 : i32 to index
      %get3A_214 = tpu.vector_load %arg34[%get3A_213] {strides = array<i32>} : memref<336xf32, #tpu.memory_space<vmem>>, vector<16xf32>,
      tpu.vector_store_idx %arg34[%sub3A], %get3A_214 masked %ne3A_198 : memref<336xf32, #tpu.memory_space<vmem>>[vector<16xi32>], vector<16xf32>, vector<16xi1>
      %mul3A_215 = arith.constant 16 : i32
      %mul3A_216 = arith.muli %scan3A_192, %mul3A_215 : i32
      %get3A_217 = arith.index_cast %mul3A_216 : i32 to index
      %get3A_218 = tpu.vector_load %arg35[%get3A_217] {strides = array<i32>} : memref<336xf32, #tpu.memory_space<vmem>>, vector<16xf32>,
      tpu.vector_store_idx %arg35[%sub3A], %get3A_218 masked %ne3A_198 : memref<336xf32, #tpu.memory_space<vmem>>[vector<16xi32>], vector<16xf32>, vector<16xi1>
      %mul3A_219 = arith.constant 16 : i32
      %mul3A_220 = arith.muli %scan3A_192, %mul3A_219 : i32
      %get3A_221 = arith.index_cast %mul3A_220 : i32 to index
      %get3A_222 = tpu.vector_load %arg36[%get3A_221] {strides = array<i32>} : memref<336xf32, #tpu.memory_space<vmem>>, vector<16xf32>,
      tpu.vector_store_idx %arg36[%sub3A], %get3A_222 masked %ne3A_198 : memref<336xf32, #tpu.memory_space<vmem>>[vector<16xi32>], vector<16xf32>, vector<16xi1>
      %mul3A_223 = arith.constant 16 : i32
      %mul3A_224 = arith.muli %scan3A_192, %mul3A_223 : i32
      %get3A_225 = arith.index_cast %mul3A_224 : i32 to index
      %get3A_226 = tpu.vector_load %arg37[%get3A_225] {strides = array<i32>} : memref<336xf32, #tpu.memory_space<vmem>>, vector<16xf32>,
      tpu.vector_store_idx %arg37[%sub3A], %get3A_226 masked %ne3A_198 : memref<336xf32, #tpu.memory_space<vmem>>[vector<16xi32>], vector<16xf32>, vector<16xi1>
      %mul3A_227 = arith.constant 16 : i32
      %mul3A_228 = arith.muli %scan3A_192, %mul3A_227 : i32
      %get3A_229 = arith.index_cast %mul3A_228 : i32 to index
      %get3A_230 = tpu.vector_load %arg38[%get3A_229] {strides = array<i32>} : memref<336xi32, #tpu.memory_space<vmem>>, vector<16xi32>,
      tpu.vector_store_idx %arg38[%sub3A], %get3A_230 masked %ne3A_198 : memref<336xi32, #tpu.memory_space<vmem>>[vector<16xi32>], vector<16xi32>, vector<16xi1>
      %reduce_sum3A = arith.constant true
      %reduce_sum3A_231 = vector.broadcast %reduce_sum3A : i1 to vector<16xi1>
      %reduce_sum3A_232 = tpu.scan <sum>, %convert_element_type3A_199 masked %reduce_sum3A_231 : vector<16xi32>, vector<16xi1> -> vector<16xi32>
      %reduce_sum3A_233 = vector.extract %reduce_sum3A_232[15] : i32 from vector<16xi32>
      %add3A_234 = arith.addi %scan3A_193, %reduce_sum3A_233 : i32
      scf.yield %add3A_234 : i32
    }
    %scan3A_169 = arith.constant 20 : i32
    %scan3A_170 = arith.constant 0 : i32
    %scan3A_171 = arith.constant 0 : i32
    %scan3A_172 = arith.constant 20 : i32
    %scan3A_173 = arith.addi %scan3A_171, %scan3A_172 : i32
    %scan3A_174 = arith.constant 1 : i32
    %scan3A_175 = scf.for %scan3A_192 = %scan3A_171 to %scan3A_173 step %scan3A_174 iter_args(%scan3A_193 = %scan3A_170) -> (i32)  : i32 {
      %mul3A_194 = arith.constant 16 : i32
      %mul3A_195 = arith.muli %scan3A_192, %mul3A_194 : i32
      %add3A = vector.broadcast %mul3A_195 : i32 to vector<16xi32>
      %add3A_196 = arith.addi %add3A, %iota3A : vector<16xi32>
      %lt3A = vector.broadcast %scan3A_168 : i32 to vector<16xi32>
      %lt3A_197 = arith.cmpi slt, %add3A_196, %lt3A : vector<16xi32>
      %convert_element_type3A_198 = arith.extui %lt3A_197 : vector<16xi1> to vector<16xi32>
      %mul3A_199 = arith.constant 16 : i32
      %mul3A_200 = arith.muli %scan3A_192, %mul3A_199 : i32
      %swap3A_201 = arith.index_cast %mul3A_200 : i32 to index
      %swap3A_202 = tpu.vector_load %arg39[%swap3A_201] {strides = array<i32>} : memref<336xi32, #tpu.memory_space<vmem>>, vector<16xi32>,
      tpu.vector_store %arg39[%swap3A_201], %convert_element_type3A_198 {strides = array<i32>} : memref<336xi32, #tpu.memory_space<vmem>>, vector<16xi32>,
      %mul3A_203 = arith.constant 16 : i32
      %mul3A_204 = arith.muli %scan3A_192, %mul3A_203 : i32
      %get3A = arith.index_cast %mul3A_204 : i32 to index
      %get3A_205 = tpu.vector_load %arg38[%get3A] {strides = array<i32>} : memref<336xi32, #tpu.memory_space<vmem>>, vector<16xi32>,
      %jit3A = arith.constant 1073741824 : i32
      %broadcast_in_dim3A_206 = vector.broadcast %jit3A : i32 to vector<16xi32>
      %select_n3A = arith.select %lt3A_197, %get3A_205, %broadcast_in_dim3A_206 : vector<16xi1>, vector<16xi32>
      %mul3A_207 = arith.constant 16 : i32
      %mul3A_208 = arith.muli %scan3A_192, %mul3A_207 : i32
      %swap3A_209 = arith.index_cast %mul3A_208 : i32 to index
      %swap3A_210 = tpu.vector_load %arg38[%swap3A_209] {strides = array<i32>} : memref<336xi32, #tpu.memory_space<vmem>>, vector<16xi32>,
      tpu.vector_store %arg38[%swap3A_209], %select_n3A {strides = array<i32>} : memref<336xi32, #tpu.memory_space<vmem>>, vector<16xi32>,
      %scan3A_211 = arith.constant 0 : i32
      scf.yield %scan3A_211 : i32
    }
    %scan3A_176 = arith.constant 20 : i32
    %eq3A = arith.constant 0 : i32
    %eq3A_177 = arith.cmpi eq, %arg1, %eq3A : i32
    %convert_element_type3A = arith.extui %eq3A_177 : i1 to i32
    %cond3A = arith.constant 0 : i32
    %cond3A_178 = arith.cmpi ne, %convert_element_type3A, %cond3A : i32
    scf.if %cond3A_178 {
      %broadcast_in_dim3A_192 = arith.constant 0 : i32
      %broadcast_in_dim3A_193 = vector.broadcast %broadcast_in_dim3A_192 : i32 to vector<16xi32>
      %swap3A_194 = arith.constant 0 : index
      %swap3A_195 = tpu.vector_load %arg44[%swap3A_194] {strides = array<i32>} : memref<64xi32, #tpu.memory_space<vmem>>, vector<16xi32>,
      tpu.vector_store %arg44[%swap3A_194], %broadcast_in_dim3A_193 {strides = array<i32>} : memref<64xi32, #tpu.memory_space<vmem>>, vector<16xi32>,
      %scan3A_196 = arith.constant 0 : i32
      %scan3A_197 = arith.constant 0 : i32
      %scan3A_198 = arith.constant 2 : i32
      %scan3A_199 = arith.addi %scan3A_197, %scan3A_198 : i32
      %scan3A_200 = arith.constant 1 : i32
      %scan3A_201 = scf.for %scan3A_203 = %scan3A_197 to %scan3A_199 step %scan3A_200 iter_args(%scan3A_204 = %scan3A_196) -> (i32)  : i32 {
        %mul3A_205 = arith.constant 16 : i32
        %mul3A_206 = arith.muli %scan3A_203, %mul3A_205 : i32
        "tpu.region"() ({
          %run_scoped3A = tpu.sem_alloc : memref<!tpu.dma_semaphore, #tpu.memory_space<semaphore_mem>>
          %dma_start3A = arith.constant 0 : i32
          %dma_start3A_208 = tpu.memref_slice %arg44[%dma_start3A] : memref<64xi32, #tpu.memory_space<vmem>> -> memref<16xi32, #tpu.memory_space<vmem>>
          %dma_start3A_209 = tpu.memref_slice %arg19[%mul3A_206] : memref<32xi32, #tpu.memory_space<vmem_shared>> -> memref<16xi32, #tpu.memory_space<vmem_shared>>
          %dma_start3A_210 = tpu.memref_slice %arg19[%mul3A_206] : memref<32xi32, #tpu.memory_space<vmem_shared>> -> memref<16xi32, #tpu.memory_space<vmem_shared>>
          %dma_start3A_211 = arith.constant 0 : i32
          %dma_start3A_212 = tpu.memref_slice %arg44[%dma_start3A_211] : memref<64xi32, #tpu.memory_space<vmem>> -> memref<16xi32, #tpu.memory_space<vmem>>
          tpu.enqueue_dma source(%dma_start3A_212 : memref<16xi32, #tpu.memory_space<vmem>>) target(%dma_start3A_210 : memref<16xi32, #tpu.memory_space<vmem_shared>>) target_semaphore(%run_scoped3A : memref<!tpu.dma_semaphore, #tpu.memory_space<semaphore_mem>>)
          %dma_wait3A = arith.constant 0 : i32
          %dma_wait3A_213 = tpu.memref_slice %arg44[%dma_wait3A] : memref<64xi32, #tpu.memory_space<vmem>> -> memref<16xi32, #tpu.memory_space<vmem>>
          %dma_wait3A_214 = tpu.memref_slice %arg19[%mul3A_206] : memref<32xi32, #tpu.memory_space<vmem_shared>> -> memref<16xi32, #tpu.memory_space<vmem_shared>>
          %dma_wait3A_215 = tpu.memref_slice %arg19[%mul3A_206] : memref<32xi32, #tpu.memory_space<vmem_shared>> -> memref<16xi32, #tpu.memory_space<vmem_shared>>
          %dma_wait3A_216 = arith.constant 0 : i32
          %dma_wait3A_217 = tpu.memref_slice %arg44[%dma_wait3A_216] : memref<64xi32, #tpu.memory_space<vmem>> -> memref<16xi32, #tpu.memory_space<vmem>>
          tpu.wait_dma2 semaphore(%run_scoped3A : memref<!tpu.dma_semaphore, #tpu.memory_space<semaphore_mem>>) src(%dma_wait3A_217 : memref<16xi32, #tpu.memory_space<vmem>>) dst(%dma_wait3A_215 : memref<16xi32, #tpu.memory_space<vmem_shared>>)
          tpu.yield
        }) : () -> ()
        %scan3A_207 = arith.constant 0 : i32
        scf.yield %scan3A_207 : i32
      }
      %scan3A_202 = arith.constant 2 : i32
    } else {
    }
    %barrier3A_179 = arith.constant 0 : index
    tpu.barrier barrier_id(%barrier3A_179)
    %scan3A_180 = arith.constant 0 : i32
    %scan3A_181 = arith.constant 32 : i32
    %scan3A_182 = arith.addi %scan3A_180, %scan3A_181 : i32
    %scan3A_183 = arith.constant 1 : i32
    %scan3A_184 = scf.for %scan3A_192 = %scan3A_180 to %scan3A_182 step %scan3A_183 iter_args(%scan3A_193 = %scan3A_168) -> (i32)  : i32 {
      %add3A = arith.constant 1 : i32
      %add3A_194 = arith.addi %scan3A_192, %add3A : i32
      %mul3A_195 = arith.constant 160 : i32
      %mul3A_196 = arith.muli %add3A_194, %mul3A_195 : i32
      %shift_right_arithmetic3A = arith.constant 1 : i32
      %shift_right_arithmetic3A_197 = arith.shrsi %scan3A_192, %shift_right_arithmetic3A : i32
      %eq3A_198 = arith.cmpi eq, %arg1, %shift_right_arithmetic3A_197 : i32
      %scan3A_199 = arith.constant 0 : i32
      %scan3A_200 = arith.constant 0 : i32
      %scan3A_201 = arith.constant 20 : i32
      %scan3A_202 = arith.addi %scan3A_200, %scan3A_201 : i32
      %scan3A_203 = arith.constant 1 : i32
      %scan3A_204 = scf.for %scan3A_243 = %scan3A_200 to %scan3A_202 step %scan3A_203 iter_args(%scan3A_244 = %scan3A_199) -> (i32)  : i32 {
        %mul3A_245 = arith.constant 16 : i32
        %mul3A_246 = arith.muli %scan3A_243, %mul3A_245 : i32
        %get3A_247 = arith.index_cast %mul3A_246 : i32 to index
        %get3A_248 = tpu.vector_load %arg38[%get3A_247] {strides = array<i32>} : memref<336xi32, #tpu.memory_space<vmem>>, vector<16xi32>,
        %lt3A_249 = vector.broadcast %mul3A_196 : i32 to vector<16xi32>
        %lt3A_250 = arith.cmpi slt, %get3A_248, %lt3A_249 : vector<16xi32>
        %convert_element_type3A_251 = arith.extui %lt3A_250 : vector<16xi1> to vector<16xi32>
        %reduce_sum3A = arith.constant true
        %reduce_sum3A_252 = vector.broadcast %reduce_sum3A : i1 to vector<16xi1>
        %reduce_sum3A_253 = tpu.scan <sum>, %convert_element_type3A_251 masked %reduce_sum3A_252 : vector<16xi32>, vector<16xi1> -> vector<16xi32>
        %reduce_sum3A_254 = vector.extract %reduce_sum3A_253[15] : i32 from vector<16xi32>
        %add3A_255 = arith.addi %scan3A_244, %reduce_sum3A_254 : i32
        scf.yield %add3A_255 : i32
      }
      %scan3A_205 = arith.constant 20 : i32
      %jit3A = arith.constant 0 : i32
      %select_n3A = arith.select %eq3A_198, %scan3A_204, %jit3A : i32
      %gt3A = arith.constant 0 : i32
      %gt3A_206 = arith.cmpi sgt, %select_n3A, %gt3A : i32
      %convert_element_type3A_207 = arith.extui %gt3A_206 : i1 to i32
      %cond3A_208 = arith.constant 0 : i32
      %cond3A_209 = arith.cmpi ne, %convert_element_type3A_207, %cond3A_208 : i32
      scf.if %cond3A_209 {
        %scan3A_243 = arith.constant 0 : i32
        %scan3A_244 = arith.constant 0 : i32
        %scan3A_245 = arith.constant 21 : i32
        %scan3A_246 = arith.addi %scan3A_244, %scan3A_245 : i32
        %scan3A_247 = arith.constant 1 : i32
        %scan3A_248 = scf.for %scan3A_334 = %scan3A_244 to %scan3A_246 step %scan3A_247 iter_args(%scan3A_335 = %scan3A_243) -> (i32)  : i32 {
          %mul3A_336 = arith.constant 16 : i32
          %mul3A_337 = arith.muli %scan3A_334, %mul3A_336 : i32
          %add3A_338 = vector.broadcast %mul3A_337 : i32 to vector<16xi32>
          %add3A_339 = arith.addi %add3A_338, %iota3A : vector<16xi32>
          %lt3A_340 = vector.broadcast %select_n3A : i32 to vector<16xi32>
          %lt3A_341 = arith.cmpi slt, %add3A_339, %lt3A_340 : vector<16xi32>
          %convert_element_type3A_342 = arith.extui %lt3A_341 : vector<16xi1> to vector<16xi32>
          %mul3A_343 = arith.constant 16 : i32
          %mul3A_344 = arith.muli %scan3A_334, %mul3A_343 : i32
          %get3A_345 = arith.index_cast %mul3A_344 : i32 to index
          %get3A_346 = tpu.vector_load %arg39[%get3A_345] {strides = array<i32>} : memref<336xi32, #tpu.memory_space<vmem>>, vector<16xi32>,
          %mul3A_347 = arith.muli %convert_element_type3A_342, %get3A_346 : vector<16xi32>
          %mul3A_348 = arith.constant 16 : i32
          %mul3A_349 = arith.muli %scan3A_334, %mul3A_348 : i32
          %swap3A_350 = arith.index_cast %mul3A_349 : i32 to index
          %swap3A_351 = tpu.vector_load %arg40[%swap3A_350] {strides = array<i32>} : memref<336xi32, #tpu.memory_space<vmem>>, vector<16xi32>,
          tpu.vector_store %arg40[%swap3A_350], %mul3A_347 {strides = array<i32>} : memref<336xi32, #tpu.memory_space<vmem>>, vector<16xi32>,
          %scan3A_352 = arith.constant 0 : i32
          scf.yield %scan3A_352 : i32
        }
        %scan3A_249 = arith.constant 21 : i32
        %while3A = arith.constant 0 : i32
        %while3A_250 = arith.constant 0 : i32
        %while3A_251 = arith.subi %select_n3A, %while3A : i32
        %while3A_252 = arith.addi %while3A, %while3A_251 : i32
        %while3A_253 = arith.constant 1 : i32
        %while3A_254 = arith.divsi %while3A_251, %while3A_253 : i32
        %while3A_255 = arith.muli %while3A_254, %while3A_253 : i32
        %while3A_256 = arith.addi %while3A, %while3A_255 : i32
        %while3A_257 = arith.constant 1 : i32
        %while3A_258 = scf.for %while3A_334 = %while3A to %while3A_256 step %while3A_257 iter_args(%while3A_335 = %while3A_250) -> (i32)  : i32 {
          %get3A_336 = arith.index_cast %while3A_334 : i32 to index
          %get3A_337 = tpu.vector_load %arg40[%get3A_336] {strides = array<i32>} : memref<336xi32, #tpu.memory_space<vmem>>, vector<16xi32>,
          %slice3A_338 = vector.extract_strided_slice %get3A_337 {offsets = [0], sizes = [1], strides = [1]} : vector<16xi32> to vector<1xi32>
          %squeeze3A_339 = vector.extract %slice3A_338[0] : i32 from vector<1xi32>
          %ne3A = arith.constant 0 : i32
          %ne3A_340 = arith.cmpi ne, %squeeze3A_339, %ne3A : i32
          %convert_element_type3A_341 = arith.extui %ne3A_340 : i1 to i32
          %cond3A_342 = arith.constant 0 : i32
          %cond3A_343 = arith.cmpi ne, %convert_element_type3A_341, %cond3A_342 : i32
          scf.if %cond3A_343 {
            %get3A_345 = arith.index_cast %while3A_334 : i32 to index
            %get3A_346 = tpu.vector_load %arg32[%get3A_345] {strides = array<i32>} : memref<336xf32, #tpu.memory_space<vmem>>, vector<16xf32>,
            %slice3A_347 = vector.extract_strided_slice %get3A_346 {offsets = [0], sizes = [1], strides = [1]} : vector<16xf32> to vector<1xf32>
            %squeeze3A_348 = vector.extract %slice3A_347[0] : f32 from vector<1xf32>
            %broadcast_in_dim3A_349 = vector.broadcast %squeeze3A_348 : f32 to vector<16xf32>
            %get3A_350 = arith.index_cast %while3A_334 : i32 to index
            %get3A_351 = tpu.vector_load %arg33[%get3A_350] {strides = array<i32>} : memref<336xf32, #tpu.memory_space<vmem>>, vector<16xf32>,
            %slice3A_352 = vector.extract_strided_slice %get3A_351 {offsets = [0], sizes = [1], strides = [1]} : vector<16xf32> to vector<1xf32>
            %squeeze3A_353 = vector.extract %slice3A_352[0] : f32 from vector<1xf32>
            %broadcast_in_dim3A_354 = vector.broadcast %squeeze3A_353 : f32 to vector<16xf32>
            %get3A_355 = arith.index_cast %while3A_334 : i32 to index
            %get3A_356 = tpu.vector_load %arg34[%get3A_355] {strides = array<i32>} : memref<336xf32, #tpu.memory_space<vmem>>, vector<16xf32>,
            %slice3A_357 = vector.extract_strided_slice %get3A_356 {offsets = [0], sizes = [1], strides = [1]} : vector<16xf32> to vector<1xf32>
            %squeeze3A_358 = vector.extract %slice3A_357[0] : f32 from vector<1xf32>
            %broadcast_in_dim3A_359 = vector.broadcast %squeeze3A_358 : f32 to vector<16xf32>
            %get3A_360 = arith.index_cast %while3A_334 : i32 to index
            %get3A_361 = tpu.vector_load %arg35[%get3A_360] {strides = array<i32>} : memref<336xf32, #tpu.memory_space<vmem>>, vector<16xf32>,
            %slice3A_362 = vector.extract_strided_slice %get3A_361 {offsets = [0], sizes = [1], strides = [1]} : vector<16xf32> to vector<1xf32>
            %squeeze3A_363 = vector.extract %slice3A_362[0] : f32 from vector<1xf32>
            %broadcast_in_dim3A_364 = vector.broadcast %squeeze3A_363 : f32 to vector<16xf32>
            %get3A_365 = arith.index_cast %while3A_334 : i32 to index
            %get3A_366 = tpu.vector_load %arg36[%get3A_365] {strides = array<i32>} : memref<336xf32, #tpu.memory_space<vmem>>, vector<16xf32>,
            %slice3A_367 = vector.extract_strided_slice %get3A_366 {offsets = [0], sizes = [1], strides = [1]} : vector<16xf32> to vector<1xf32>
            %squeeze3A_368 = vector.extract %slice3A_367[0] : f32 from vector<1xf32>
            %broadcast_in_dim3A_369 = vector.broadcast %squeeze3A_368 : f32 to vector<16xf32>
            %shift_right_arithmetic3A_370 = arith.constant 4 : i32
            %shift_right_arithmetic3A_371 = arith.shrsi %while3A_334, %shift_right_arithmetic3A_370 : i32
            %add3A_372 = arith.constant 15 : i32
            %add3A_373 = arith.addi %select_n3A, %add3A_372 : i32
            %shift_right_arithmetic3A_374 = arith.constant 4 : i32
            %shift_right_arithmetic3A_375 = arith.shrsi %add3A_373, %shift_right_arithmetic3A_374 : i32
            %while3A_376 = arith.constant 0 : i32
            %while3A_377 = arith.subi %shift_right_arithmetic3A_375, %shift_right_arithmetic3A_371 : i32
            %while3A_378 = arith.addi %shift_right_arithmetic3A_371, %while3A_377 : i32
            %while3A_379 = arith.constant 1 : i32
            %while3A_380 = arith.divsi %while3A_377, %while3A_379 : i32
            %while3A_381 = arith.muli %while3A_380, %while3A_379 : i32
            %while3A_382 = arith.addi %shift_right_arithmetic3A_371, %while3A_381 : i32
            %while3A_383 = arith.constant 1 : i32
            %while3A_384 = scf.for %while3A_387 = %shift_right_arithmetic3A_371 to %while3A_382 step %while3A_383 iter_args(%while3A_388 = %while3A_376) -> (i32)  : i32 {
              %mul3A_389 = arith.constant 16 : i32
              %mul3A_390 = arith.muli %while3A_387, %mul3A_389 : i32
              %add3A_391 = vector.broadcast %mul3A_390 : i32 to vector<16xi32>
              %add3A_392 = arith.addi %add3A_391, %iota3A : vector<16xi32>
              %mul3A_393 = arith.constant 16 : i32
              %mul3A_394 = arith.muli %while3A_387, %mul3A_393 : i32
              %get3A_395 = arith.index_cast %mul3A_394 : i32 to index
              %get3A_396 = tpu.vector_load %arg40[%get3A_395] {strides = array<i32>} : memref<336xi32, #tpu.memory_space<vmem>>, vector<16xi32>,
              %mul3A_397 = arith.constant 16 : i32
              %mul3A_398 = arith.muli %while3A_387, %mul3A_397 : i32
              %get3A_399 = arith.index_cast %mul3A_398 : i32 to index
              %get3A_400 = tpu.vector_load %arg32[%get3A_399] {strides = array<i32>} : memref<336xf32, #tpu.memory_space<vmem>>, vector<16xf32>,
              %mul3A_401 = arith.constant 16 : i32
              %mul3A_402 = arith.muli %while3A_387, %mul3A_401 : i32
              %get3A_403 = arith.index_cast %mul3A_402 : i32 to index
              %get3A_404 = tpu.vector_load %arg33[%get3A_403] {strides = array<i32>} : memref<336xf32, #tpu.memory_space<vmem>>, vector<16xf32>,
              %mul3A_405 = arith.constant 16 : i32
              %mul3A_406 = arith.muli %while3A_387, %mul3A_405 : i32
              %get3A_407 = arith.index_cast %mul3A_406 : i32 to index
              %get3A_408 = tpu.vector_load %arg34[%get3A_407] {strides = array<i32>} : memref<336xf32, #tpu.memory_space<vmem>>, vector<16xf32>,
              %mul3A_409 = arith.constant 16 : i32
              %mul3A_410 = arith.muli %while3A_387, %mul3A_409 : i32
              %get3A_411 = arith.index_cast %mul3A_410 : i32 to index
              %get3A_412 = tpu.vector_load %arg35[%get3A_411] {strides = array<i32>} : memref<336xf32, #tpu.memory_space<vmem>>, vector<16xf32>,
              %mul3A_413 = arith.constant 16 : i32
              %mul3A_414 = arith.muli %while3A_387, %mul3A_413 : i32
              %get3A_415 = arith.index_cast %mul3A_414 : i32 to index
              %get3A_416 = tpu.vector_load %arg36[%get3A_415] {strides = array<i32>} : memref<336xf32, #tpu.memory_space<vmem>>, vector<16xf32>,
              %max3A = arith.maximumf %broadcast_in_dim3A_349, %get3A_400 : vector<16xf32>
              %max3A_417 = arith.maximumf %broadcast_in_dim3A_354, %get3A_404 : vector<16xf32>
              %min3A = arith.minimumf %broadcast_in_dim3A_359, %get3A_408 : vector<16xf32>
              %min3A_418 = arith.minimumf %broadcast_in_dim3A_364, %get3A_412 : vector<16xf32>
              %sub3A_419 = arith.subf %min3A, %max3A : vector<16xf32>
              %add3A_420 = arith.constant 1.000000e+00 : f32
              %add3A_421 = vector.broadcast %add3A_420 : f32 to vector<16xf32>
              %add3A_422 = arith.addf %sub3A_419, %add3A_421 : vector<16xf32>
              %max3A_423 = arith.constant 0.000000e+00 : f32
              %max3A_424 = vector.broadcast %max3A_423 : f32 to vector<16xf32>
              %max3A_425 = arith.maximumf %max3A_424, %add3A_422 : vector<16xf32>
              %sub3A_426 = arith.subf %min3A_418, %max3A_417 : vector<16xf32>
              %add3A_427 = arith.constant 1.000000e+00 : f32
              %add3A_428 = vector.broadcast %add3A_427 : f32 to vector<16xf32>
              %add3A_429 = arith.addf %sub3A_426, %add3A_428 : vector<16xf32>
              %max3A_430 = arith.constant 0.000000e+00 : f32
              %max3A_431 = vector.broadcast %max3A_430 : f32 to vector<16xf32>
              %max3A_432 = arith.maximumf %max3A_431, %add3A_429 : vector<16xf32>
              %mul3A_433 = arith.mulf %max3A_425, %max3A_432 : vector<16xf32>
              %add3A_434 = arith.addf %broadcast_in_dim3A_369, %get3A_416 : vector<16xf32>
              %sub3A_435 = arith.subf %add3A_434, %mul3A_433 : vector<16xf32>
              %div3A = arith.divf %mul3A_433, %sub3A_435 : vector<16xf32>
              %gt3A_436 = arith.constant 4.000000e-01 : f32
              %gt3A_437 = vector.broadcast %gt3A_436 : f32 to vector<16xf32>
              %gt3A_438 = arith.cmpf ogt, %div3A, %gt3A_437 : vector<16xf32>
              %gt3A_439 = vector.broadcast %while3A_334 : i32 to vector<16xi32>
              %gt3A_440 = arith.cmpi sgt, %add3A_392, %gt3A_439 : vector<16xi32>
              %and3A_441 = arith.andi %gt3A_438, %gt3A_440 : vector<16xi1>
              %jit3A_442 = arith.constant 0 : i32
              %broadcast_in_dim3A_443 = vector.broadcast %jit3A_442 : i32 to vector<16xi32>
              %select_n3A_444 = arith.select %and3A_441, %broadcast_in_dim3A_443, %get3A_396 : vector<16xi1>, vector<16xi32>
              %mul3A_445 = arith.constant 16 : i32
              %mul3A_446 = arith.muli %while3A_387, %mul3A_445 : i32
              %swap3A_447 = arith.index_cast %mul3A_446 : i32 to index
              %swap3A_448 = tpu.vector_load %arg40[%swap3A_447] {strides = array<i32>} : memref<336xi32, #tpu.memory_space<vmem>>, vector<16xi32>,
              tpu.vector_store %arg40[%swap3A_447], %select_n3A_444 {strides = array<i32>} : memref<336xi32, #tpu.memory_space<vmem>>, vector<16xi32>,
              %while3A_449 = arith.constant 0 : i32
              scf.yield %while3A_449 : i32
            }
            %while3A_385 = arith.constant 1 : i32
            %while3A_386 = scf.for %while3A_387 = %while3A_382 to %while3A_378 step %while3A_385 iter_args(%while3A_388 = %while3A_384) -> (i32)  : i32 {
              %mul3A_389 = arith.constant 16 : i32
              %mul3A_390 = arith.muli %while3A_387, %mul3A_389 : i32
              %add3A_391 = vector.broadcast %mul3A_390 : i32 to vector<16xi32>
              %add3A_392 = arith.addi %add3A_391, %iota3A : vector<16xi32>
              %mul3A_393 = arith.constant 16 : i32
              %mul3A_394 = arith.muli %while3A_387, %mul3A_393 : i32
              %get3A_395 = arith.index_cast %mul3A_394 : i32 to index
              %get3A_396 = tpu.vector_load %arg40[%get3A_395] {strides = array<i32>} : memref<336xi32, #tpu.memory_space<vmem>>, vector<16xi32>,
              %mul3A_397 = arith.constant 16 : i32
              %mul3A_398 = arith.muli %while3A_387, %mul3A_397 : i32
              %get3A_399 = arith.index_cast %mul3A_398 : i32 to index
              %get3A_400 = tpu.vector_load %arg32[%get3A_399] {strides = array<i32>} : memref<336xf32, #tpu.memory_space<vmem>>, vector<16xf32>,
              %mul3A_401 = arith.constant 16 : i32
              %mul3A_402 = arith.muli %while3A_387, %mul3A_401 : i32
              %get3A_403 = arith.index_cast %mul3A_402 : i32 to index
              %get3A_404 = tpu.vector_load %arg33[%get3A_403] {strides = array<i32>} : memref<336xf32, #tpu.memory_space<vmem>>, vector<16xf32>,
              %mul3A_405 = arith.constant 16 : i32
              %mul3A_406 = arith.muli %while3A_387, %mul3A_405 : i32
              %get3A_407 = arith.index_cast %mul3A_406 : i32 to index
              %get3A_408 = tpu.vector_load %arg34[%get3A_407] {strides = array<i32>} : memref<336xf32, #tpu.memory_space<vmem>>, vector<16xf32>,
              %mul3A_409 = arith.constant 16 : i32
              %mul3A_410 = arith.muli %while3A_387, %mul3A_409 : i32
              %get3A_411 = arith.index_cast %mul3A_410 : i32 to index
              %get3A_412 = tpu.vector_load %arg35[%get3A_411] {strides = array<i32>} : memref<336xf32, #tpu.memory_space<vmem>>, vector<16xf32>,
              %mul3A_413 = arith.constant 16 : i32
              %mul3A_414 = arith.muli %while3A_387, %mul3A_413 : i32
              %get3A_415 = arith.index_cast %mul3A_414 : i32 to index
              %get3A_416 = tpu.vector_load %arg36[%get3A_415] {strides = array<i32>} : memref<336xf32, #tpu.memory_space<vmem>>, vector<16xf32>,
              %max3A = arith.maximumf %broadcast_in_dim3A_349, %get3A_400 : vector<16xf32>
              %max3A_417 = arith.maximumf %broadcast_in_dim3A_354, %get3A_404 : vector<16xf32>
              %min3A = arith.minimumf %broadcast_in_dim3A_359, %get3A_408 : vector<16xf32>
              %min3A_418 = arith.minimumf %broadcast_in_dim3A_364, %get3A_412 : vector<16xf32>
              %sub3A_419 = arith.subf %min3A, %max3A : vector<16xf32>
              %add3A_420 = arith.constant 1.000000e+00 : f32
              %add3A_421 = vector.broadcast %add3A_420 : f32 to vector<16xf32>
              %add3A_422 = arith.addf %sub3A_419, %add3A_421 : vector<16xf32>
              %max3A_423 = arith.constant 0.000000e+00 : f32
              %max3A_424 = vector.broadcast %max3A_423 : f32 to vector<16xf32>
              %max3A_425 = arith.maximumf %max3A_424, %add3A_422 : vector<16xf32>
              %sub3A_426 = arith.subf %min3A_418, %max3A_417 : vector<16xf32>
              %add3A_427 = arith.constant 1.000000e+00 : f32
              %add3A_428 = vector.broadcast %add3A_427 : f32 to vector<16xf32>
              %add3A_429 = arith.addf %sub3A_426, %add3A_428 : vector<16xf32>
              %max3A_430 = arith.constant 0.000000e+00 : f32
              %max3A_431 = vector.broadcast %max3A_430 : f32 to vector<16xf32>
              %max3A_432 = arith.maximumf %max3A_431, %add3A_429 : vector<16xf32>
              %mul3A_433 = arith.mulf %max3A_425, %max3A_432 : vector<16xf32>
              %add3A_434 = arith.addf %broadcast_in_dim3A_369, %get3A_416 : vector<16xf32>
              %sub3A_435 = arith.subf %add3A_434, %mul3A_433 : vector<16xf32>
              %div3A = arith.divf %mul3A_433, %sub3A_435 : vector<16xf32>
              %gt3A_436 = arith.constant 4.000000e-01 : f32
              %gt3A_437 = vector.broadcast %gt3A_436 : f32 to vector<16xf32>
              %gt3A_438 = arith.cmpf ogt, %div3A, %gt3A_437 : vector<16xf32>
              %gt3A_439 = vector.broadcast %while3A_334 : i32 to vector<16xi32>
              %gt3A_440 = arith.cmpi sgt, %add3A_392, %gt3A_439 : vector<16xi32>
              %and3A_441 = arith.andi %gt3A_438, %gt3A_440 : vector<16xi1>
              %jit3A_442 = arith.constant 0 : i32
              %broadcast_in_dim3A_443 = vector.broadcast %jit3A_442 : i32 to vector<16xi32>
              %select_n3A_444 = arith.select %and3A_441, %broadcast_in_dim3A_443, %get3A_396 : vector<16xi1>, vector<16xi32>
              %mul3A_445 = arith.constant 16 : i32
              %mul3A_446 = arith.muli %while3A_387, %mul3A_445 : i32
              %swap3A_447 = arith.index_cast %mul3A_446 : i32 to index
              %swap3A_448 = tpu.vector_load %arg40[%swap3A_447] {strides = array<i32>} : memref<336xi32, #tpu.memory_space<vmem>>, vector<16xi32>,
              tpu.vector_store %arg40[%swap3A_447], %select_n3A_444 {strides = array<i32>} : memref<336xi32, #tpu.memory_space<vmem>>, vector<16xi32>,
              %while3A_449 = arith.constant 0 : i32
              scf.yield %while3A_449 : i32
            }
          } else {
          }
          %while3A_344 = arith.constant 0 : i32
          scf.yield %while3A_344 : i32
        }
        %while3A_259 = arith.constant 1 : i32
        %while3A_260 = scf.for %while3A_334 = %while3A_256 to %while3A_252 step %while3A_259 iter_args(%while3A_335 = %while3A_258) -> (i32)  : i32 {
          %get3A_336 = arith.index_cast %while3A_334 : i32 to index
          %get3A_337 = tpu.vector_load %arg40[%get3A_336] {strides = array<i32>} : memref<336xi32, #tpu.memory_space<vmem>>, vector<16xi32>,
          %slice3A_338 = vector.extract_strided_slice %get3A_337 {offsets = [0], sizes = [1], strides = [1]} : vector<16xi32> to vector<1xi32>
          %squeeze3A_339 = vector.extract %slice3A_338[0] : i32 from vector<1xi32>
          %ne3A = arith.constant 0 : i32
          %ne3A_340 = arith.cmpi ne, %squeeze3A_339, %ne3A : i32
          %convert_element_type3A_341 = arith.extui %ne3A_340 : i1 to i32
          %cond3A_342 = arith.constant 0 : i32
          %cond3A_343 = arith.cmpi ne, %convert_element_type3A_341, %cond3A_342 : i32
          scf.if %cond3A_343 {
            %get3A_345 = arith.index_cast %while3A_334 : i32 to index
            %get3A_346 = tpu.vector_load %arg32[%get3A_345] {strides = array<i32>} : memref<336xf32, #tpu.memory_space<vmem>>, vector<16xf32>,
            %slice3A_347 = vector.extract_strided_slice %get3A_346 {offsets = [0], sizes = [1], strides = [1]} : vector<16xf32> to vector<1xf32>
            %squeeze3A_348 = vector.extract %slice3A_347[0] : f32 from vector<1xf32>
            %broadcast_in_dim3A_349 = vector.broadcast %squeeze3A_348 : f32 to vector<16xf32>
            %get3A_350 = arith.index_cast %while3A_334 : i32 to index
            %get3A_351 = tpu.vector_load %arg33[%get3A_350] {strides = array<i32>} : memref<336xf32, #tpu.memory_space<vmem>>, vector<16xf32>,
            %slice3A_352 = vector.extract_strided_slice %get3A_351 {offsets = [0], sizes = [1], strides = [1]} : vector<16xf32> to vector<1xf32>
            %squeeze3A_353 = vector.extract %slice3A_352[0] : f32 from vector<1xf32>
            %broadcast_in_dim3A_354 = vector.broadcast %squeeze3A_353 : f32 to vector<16xf32>
            %get3A_355 = arith.index_cast %while3A_334 : i32 to index
            %get3A_356 = tpu.vector_load %arg34[%get3A_355] {strides = array<i32>} : memref<336xf32, #tpu.memory_space<vmem>>, vector<16xf32>,
            %slice3A_357 = vector.extract_strided_slice %get3A_356 {offsets = [0], sizes = [1], strides = [1]} : vector<16xf32> to vector<1xf32>
            %squeeze3A_358 = vector.extract %slice3A_357[0] : f32 from vector<1xf32>
            %broadcast_in_dim3A_359 = vector.broadcast %squeeze3A_358 : f32 to vector<16xf32>
            %get3A_360 = arith.index_cast %while3A_334 : i32 to index
            %get3A_361 = tpu.vector_load %arg35[%get3A_360] {strides = array<i32>} : memref<336xf32, #tpu.memory_space<vmem>>, vector<16xf32>,
            %slice3A_362 = vector.extract_strided_slice %get3A_361 {offsets = [0], sizes = [1], strides = [1]} : vector<16xf32> to vector<1xf32>
            %squeeze3A_363 = vector.extract %slice3A_362[0] : f32 from vector<1xf32>
            %broadcast_in_dim3A_364 = vector.broadcast %squeeze3A_363 : f32 to vector<16xf32>
            %get3A_365 = arith.index_cast %while3A_334 : i32 to index
            %get3A_366 = tpu.vector_load %arg36[%get3A_365] {strides = array<i32>} : memref<336xf32, #tpu.memory_space<vmem>>, vector<16xf32>,
            %slice3A_367 = vector.extract_strided_slice %get3A_366 {offsets = [0], sizes = [1], strides = [1]} : vector<16xf32> to vector<1xf32>
            %squeeze3A_368 = vector.extract %slice3A_367[0] : f32 from vector<1xf32>
            %broadcast_in_dim3A_369 = vector.broadcast %squeeze3A_368 : f32 to vector<16xf32>
            %shift_right_arithmetic3A_370 = arith.constant 4 : i32
            %shift_right_arithmetic3A_371 = arith.shrsi %while3A_334, %shift_right_arithmetic3A_370 : i32
            %add3A_372 = arith.constant 15 : i32
            %add3A_373 = arith.addi %select_n3A, %add3A_372 : i32
            %shift_right_arithmetic3A_374 = arith.constant 4 : i32
            %shift_right_arithmetic3A_375 = arith.shrsi %add3A_373, %shift_right_arithmetic3A_374 : i32
            %while3A_376 = arith.constant 0 : i32
            %while3A_377 = arith.subi %shift_right_arithmetic3A_375, %shift_right_arithmetic3A_371 : i32
            %while3A_378 = arith.addi %shift_right_arithmetic3A_371, %while3A_377 : i32
            %while3A_379 = arith.constant 1 : i32
            %while3A_380 = arith.divsi %while3A_377, %while3A_379 : i32
            %while3A_381 = arith.muli %while3A_380, %while3A_379 : i32
            %while3A_382 = arith.addi %shift_right_arithmetic3A_371, %while3A_381 : i32
            %while3A_383 = arith.constant 1 : i32
            %while3A_384 = scf.for %while3A_387 = %shift_right_arithmetic3A_371 to %while3A_382 step %while3A_383 iter_args(%while3A_388 = %while3A_376) -> (i32)  : i32 {
              %mul3A_389 = arith.constant 16 : i32
              %mul3A_390 = arith.muli %while3A_387, %mul3A_389 : i32
              %add3A_391 = vector.broadcast %mul3A_390 : i32 to vector<16xi32>
              %add3A_392 = arith.addi %add3A_391, %iota3A : vector<16xi32>
              %mul3A_393 = arith.constant 16 : i32
              %mul3A_394 = arith.muli %while3A_387, %mul3A_393 : i32
              %get3A_395 = arith.index_cast %mul3A_394 : i32 to index
              %get3A_396 = tpu.vector_load %arg40[%get3A_395] {strides = array<i32>} : memref<336xi32, #tpu.memory_space<vmem>>, vector<16xi32>,
              %mul3A_397 = arith.constant 16 : i32
              %mul3A_398 = arith.muli %while3A_387, %mul3A_397 : i32
              %get3A_399 = arith.index_cast %mul3A_398 : i32 to index
              %get3A_400 = tpu.vector_load %arg32[%get3A_399] {strides = array<i32>} : memref<336xf32, #tpu.memory_space<vmem>>, vector<16xf32>,
              %mul3A_401 = arith.constant 16 : i32
              %mul3A_402 = arith.muli %while3A_387, %mul3A_401 : i32
              %get3A_403 = arith.index_cast %mul3A_402 : i32 to index
              %get3A_404 = tpu.vector_load %arg33[%get3A_403] {strides = array<i32>} : memref<336xf32, #tpu.memory_space<vmem>>, vector<16xf32>,
              %mul3A_405 = arith.constant 16 : i32
              %mul3A_406 = arith.muli %while3A_387, %mul3A_405 : i32
              %get3A_407 = arith.index_cast %mul3A_406 : i32 to index
              %get3A_408 = tpu.vector_load %arg34[%get3A_407] {strides = array<i32>} : memref<336xf32, #tpu.memory_space<vmem>>, vector<16xf32>,
              %mul3A_409 = arith.constant 16 : i32
              %mul3A_410 = arith.muli %while3A_387, %mul3A_409 : i32
              %get3A_411 = arith.index_cast %mul3A_410 : i32 to index
              %get3A_412 = tpu.vector_load %arg35[%get3A_411] {strides = array<i32>} : memref<336xf32, #tpu.memory_space<vmem>>, vector<16xf32>,
              %mul3A_413 = arith.constant 16 : i32
              %mul3A_414 = arith.muli %while3A_387, %mul3A_413 : i32
              %get3A_415 = arith.index_cast %mul3A_414 : i32 to index
              %get3A_416 = tpu.vector_load %arg36[%get3A_415] {strides = array<i32>} : memref<336xf32, #tpu.memory_space<vmem>>, vector<16xf32>,
              %max3A = arith.maximumf %broadcast_in_dim3A_349, %get3A_400 : vector<16xf32>
              %max3A_417 = arith.maximumf %broadcast_in_dim3A_354, %get3A_404 : vector<16xf32>
              %min3A = arith.minimumf %broadcast_in_dim3A_359, %get3A_408 : vector<16xf32>
              %min3A_418 = arith.minimumf %broadcast_in_dim3A_364, %get3A_412 : vector<16xf32>
              %sub3A_419 = arith.subf %min3A, %max3A : vector<16xf32>
              %add3A_420 = arith.constant 1.000000e+00 : f32
              %add3A_421 = vector.broadcast %add3A_420 : f32 to vector<16xf32>
              %add3A_422 = arith.addf %sub3A_419, %add3A_421 : vector<16xf32>
              %max3A_423 = arith.constant 0.000000e+00 : f32
              %max3A_424 = vector.broadcast %max3A_423 : f32 to vector<16xf32>
              %max3A_425 = arith.maximumf %max3A_424, %add3A_422 : vector<16xf32>
              %sub3A_426 = arith.subf %min3A_418, %max3A_417 : vector<16xf32>
              %add3A_427 = arith.constant 1.000000e+00 : f32
              %add3A_428 = vector.broadcast %add3A_427 : f32 to vector<16xf32>
              %add3A_429 = arith.addf %sub3A_426, %add3A_428 : vector<16xf32>
              %max3A_430 = arith.constant 0.000000e+00 : f32
              %max3A_431 = vector.broadcast %max3A_430 : f32 to vector<16xf32>
              %max3A_432 = arith.maximumf %max3A_431, %add3A_429 : vector<16xf32>
              %mul3A_433 = arith.mulf %max3A_425, %max3A_432 : vector<16xf32>
              %add3A_434 = arith.addf %broadcast_in_dim3A_369, %get3A_416 : vector<16xf32>
              %sub3A_435 = arith.subf %add3A_434, %mul3A_433 : vector<16xf32>
              %div3A = arith.divf %mul3A_433, %sub3A_435 : vector<16xf32>
              %gt3A_436 = arith.constant 4.000000e-01 : f32
              %gt3A_437 = vector.broadcast %gt3A_436 : f32 to vector<16xf32>
              %gt3A_438 = arith.cmpf ogt, %div3A, %gt3A_437 : vector<16xf32>
              %gt3A_439 = vector.broadcast %while3A_334 : i32 to vector<16xi32>
              %gt3A_440 = arith.cmpi sgt, %add3A_392, %gt3A_439 : vector<16xi32>
              %and3A_441 = arith.andi %gt3A_438, %gt3A_440 : vector<16xi1>
              %jit3A_442 = arith.constant 0 : i32
              %broadcast_in_dim3A_443 = vector.broadcast %jit3A_442 : i32 to vector<16xi32>
              %select_n3A_444 = arith.select %and3A_441, %broadcast_in_dim3A_443, %get3A_396 : vector<16xi1>, vector<16xi32>
              %mul3A_445 = arith.constant 16 : i32
              %mul3A_446 = arith.muli %while3A_387, %mul3A_445 : i32
              %swap3A_447 = arith.index_cast %mul3A_446 : i32 to index
              %swap3A_448 = tpu.vector_load %arg40[%swap3A_447] {strides = array<i32>} : memref<336xi32, #tpu.memory_space<vmem>>, vector<16xi32>,
              tpu.vector_store %arg40[%swap3A_447], %select_n3A_444 {strides = array<i32>} : memref<336xi32, #tpu.memory_space<vmem>>, vector<16xi32>,
              %while3A_449 = arith.constant 0 : i32
              scf.yield %while3A_449 : i32
            }
            %while3A_385 = arith.constant 1 : i32
            %while3A_386 = scf.for %while3A_387 = %while3A_382 to %while3A_378 step %while3A_385 iter_args(%while3A_388 = %while3A_384) -> (i32)  : i32 {
              %mul3A_389 = arith.constant 16 : i32
              %mul3A_390 = arith.muli %while3A_387, %mul3A_389 : i32
              %add3A_391 = vector.broadcast %mul3A_390 : i32 to vector<16xi32>
              %add3A_392 = arith.addi %add3A_391, %iota3A : vector<16xi32>
              %mul3A_393 = arith.constant 16 : i32
              %mul3A_394 = arith.muli %while3A_387, %mul3A_393 : i32
              %get3A_395 = arith.index_cast %mul3A_394 : i32 to index
              %get3A_396 = tpu.vector_load %arg40[%get3A_395] {strides = array<i32>} : memref<336xi32, #tpu.memory_space<vmem>>, vector<16xi32>,
              %mul3A_397 = arith.constant 16 : i32
              %mul3A_398 = arith.muli %while3A_387, %mul3A_397 : i32
              %get3A_399 = arith.index_cast %mul3A_398 : i32 to index
              %get3A_400 = tpu.vector_load %arg32[%get3A_399] {strides = array<i32>} : memref<336xf32, #tpu.memory_space<vmem>>, vector<16xf32>,
              %mul3A_401 = arith.constant 16 : i32
              %mul3A_402 = arith.muli %while3A_387, %mul3A_401 : i32
              %get3A_403 = arith.index_cast %mul3A_402 : i32 to index
              %get3A_404 = tpu.vector_load %arg33[%get3A_403] {strides = array<i32>} : memref<336xf32, #tpu.memory_space<vmem>>, vector<16xf32>,
              %mul3A_405 = arith.constant 16 : i32
              %mul3A_406 = arith.muli %while3A_387, %mul3A_405 : i32
              %get3A_407 = arith.index_cast %mul3A_406 : i32 to index
              %get3A_408 = tpu.vector_load %arg34[%get3A_407] {strides = array<i32>} : memref<336xf32, #tpu.memory_space<vmem>>, vector<16xf32>,
              %mul3A_409 = arith.constant 16 : i32
              %mul3A_410 = arith.muli %while3A_387, %mul3A_409 : i32
              %get3A_411 = arith.index_cast %mul3A_410 : i32 to index
              %get3A_412 = tpu.vector_load %arg35[%get3A_411] {strides = array<i32>} : memref<336xf32, #tpu.memory_space<vmem>>, vector<16xf32>,
              %mul3A_413 = arith.constant 16 : i32
              %mul3A_414 = arith.muli %while3A_387, %mul3A_413 : i32
              %get3A_415 = arith.index_cast %mul3A_414 : i32 to index
              %get3A_416 = tpu.vector_load %arg36[%get3A_415] {strides = array<i32>} : memref<336xf32, #tpu.memory_space<vmem>>, vector<16xf32>,
              %max3A = arith.maximumf %broadcast_in_dim3A_349, %get3A_400 : vector<16xf32>
              %max3A_417 = arith.maximumf %broadcast_in_dim3A_354, %get3A_404 : vector<16xf32>
              %min3A = arith.minimumf %broadcast_in_dim3A_359, %get3A_408 : vector<16xf32>
              %min3A_418 = arith.minimumf %broadcast_in_dim3A_364, %get3A_412 : vector<16xf32>
              %sub3A_419 = arith.subf %min3A, %max3A : vector<16xf32>
              %add3A_420 = arith.constant 1.000000e+00 : f32
              %add3A_421 = vector.broadcast %add3A_420 : f32 to vector<16xf32>
              %add3A_422 = arith.addf %sub3A_419, %add3A_421 : vector<16xf32>
              %max3A_423 = arith.constant 0.000000e+00 : f32
              %max3A_424 = vector.broadcast %max3A_423 : f32 to vector<16xf32>
              %max3A_425 = arith.maximumf %max3A_424, %add3A_422 : vector<16xf32>
              %sub3A_426 = arith.subf %min3A_418, %max3A_417 : vector<16xf32>
              %add3A_427 = arith.constant 1.000000e+00 : f32
              %add3A_428 = vector.broadcast %add3A_427 : f32 to vector<16xf32>
              %add3A_429 = arith.addf %sub3A_426, %add3A_428 : vector<16xf32>
              %max3A_430 = arith.constant 0.000000e+00 : f32
              %max3A_431 = vector.broadcast %max3A_430 : f32 to vector<16xf32>
              %max3A_432 = arith.maximumf %max3A_431, %add3A_429 : vector<16xf32>
              %mul3A_433 = arith.mulf %max3A_425, %max3A_432 : vector<16xf32>
              %add3A_434 = arith.addf %broadcast_in_dim3A_369, %get3A_416 : vector<16xf32>
              %sub3A_435 = arith.subf %add3A_434, %mul3A_433 : vector<16xf32>
              %div3A = arith.divf %mul3A_433, %sub3A_435 : vector<16xf32>
              %gt3A_436 = arith.constant 4.000000e-01 : f32
              %gt3A_437 = vector.broadcast %gt3A_436 : f32 to vector<16xf32>
              %gt3A_438 = arith.cmpf ogt, %div3A, %gt3A_437 : vector<16xf32>
              %gt3A_439 = vector.broadcast %while3A_334 : i32 to vector<16xi32>
              %gt3A_440 = arith.cmpi sgt, %add3A_392, %gt3A_439 : vector<16xi32>
              %and3A_441 = arith.andi %gt3A_438, %gt3A_440 : vector<16xi1>
              %jit3A_442 = arith.constant 0 : i32
              %broadcast_in_dim3A_443 = vector.broadcast %jit3A_442 : i32 to vector<16xi32>
              %select_n3A_444 = arith.select %and3A_441, %broadcast_in_dim3A_443, %get3A_396 : vector<16xi1>, vector<16xi32>
              %mul3A_445 = arith.constant 16 : i32
              %mul3A_446 = arith.muli %while3A_387, %mul3A_445 : i32
              %swap3A_447 = arith.index_cast %mul3A_446 : i32 to index
              %swap3A_448 = tpu.vector_load %arg40[%swap3A_447] {strides = array<i32>} : memref<336xi32, #tpu.memory_space<vmem>>, vector<16xi32>,
              tpu.vector_store %arg40[%swap3A_447], %select_n3A_444 {strides = array<i32>} : memref<336xi32, #tpu.memory_space<vmem>>, vector<16xi32>,
              %while3A_449 = arith.constant 0 : i32
              scf.yield %while3A_449 : i32
            }
          } else {
          }
          %while3A_344 = arith.constant 0 : i32
          scf.yield %while3A_344 : i32
        }
        %broadcast_in_dim3A_261 = arith.constant 0 : i32
        %broadcast_in_dim3A_262 = vector.broadcast %broadcast_in_dim3A_261 : i32 to vector<16xi32>
        %add3A_263 = arith.constant 1 : i32
        %add3A_264 = vector.broadcast %add3A_263 : i32 to vector<16xi32>
        %add3A_265 = arith.addi %broadcast_in_dim3A_262, %add3A_264 : vector<16xi32>
        %add3A_266 = arith.constant 2 : i32
        %add3A_267 = vector.broadcast %add3A_266 : i32 to vector<16xi32>
        %add3A_268 = arith.addi %broadcast_in_dim3A_262, %add3A_267 : vector<16xi32>
        %add3A_269 = arith.constant 3 : i32
        %add3A_270 = vector.broadcast %add3A_269 : i32 to vector<16xi32>
        %add3A_271 = arith.addi %broadcast_in_dim3A_262, %add3A_270 : vector<16xi32>
        %add3A_272 = arith.constant 4 : i32
        %add3A_273 = vector.broadcast %add3A_272 : i32 to vector<16xi32>
        %add3A_274 = arith.addi %broadcast_in_dim3A_262, %add3A_273 : vector<16xi32>
        %add3A_275 = arith.constant 5 : i32
        %add3A_276 = vector.broadcast %add3A_275 : i32 to vector<16xi32>
        %add3A_277 = arith.addi %broadcast_in_dim3A_262, %add3A_276 : vector<16xi32>
        %scan3A_278 = arith.constant 0 : i32
        %scan3A_279 = arith.constant 0 : i32
        %scan3A_280 = arith.constant 10 : i32
        %scan3A_281 = arith.addi %scan3A_279, %scan3A_280 : i32
        %scan3A_282 = arith.constant 1 : i32
        %scan3A_283 = scf.for %scan3A_334 = %scan3A_279 to %scan3A_281 step %scan3A_282 iter_args(%scan3A_335 = %scan3A_278) -> (i32)  : i32 {
          %mul3A_336 = arith.constant 16 : i32
          %mul3A_337 = arith.muli %scan3A_334, %mul3A_336 : i32
          %get3A_338 = arith.index_cast %mul3A_337 : i32 to index
          %get3A_339 = tpu.vector_load %arg40[%get3A_338] {strides = array<i32>} : memref<336xi32, #tpu.memory_space<vmem>>, vector<16xi32>,
          %ne3A = arith.constant 0 : i32
          %ne3A_340 = vector.broadcast %ne3A : i32 to vector<16xi32>
          %ne3A_341 = arith.cmpi ne, %get3A_339, %ne3A_340 : vector<16xi32>
          %convert_element_type3A_342 = arith.extui %ne3A_341 : vector<16xi1> to vector<16xi32>
          %broadcast_in_dim3A_343 = arith.constant true
          %broadcast_in_dim3A_344 = vector.broadcast %broadcast_in_dim3A_343 : i1 to vector<16xi1>
          %masked_cumsum3A = tpu.scan <sum>, %convert_element_type3A_342 masked %broadcast_in_dim3A_344 : vector<16xi32>, vector<16xi1> -> vector<16xi32>
          %add3A_345 = vector.broadcast %scan3A_335 : i32 to vector<16xi32>
          %add3A_346 = arith.addi %add3A_345, %masked_cumsum3A : vector<16xi32>
          %sub3A_347 = arith.subi %add3A_346, %convert_element_type3A_342 : vector<16xi32>
          %mul3A_348 = arith.constant 16 : i32
          %mul3A_349 = arith.muli %scan3A_334, %mul3A_348 : i32
          %get3A_350 = arith.index_cast %mul3A_349 : i32 to index
          %get3A_351 = tpu.vector_load %arg32[%get3A_350] {strides = array<i32>} : memref<336xf32, #tpu.memory_space<vmem>>, vector<16xf32>,
          tpu.vector_store_idx %arg41[%add3A_265, %sub3A_347], %get3A_351 masked %ne3A_341 : memref<6x256xf32, #tpu.memory_space<vmem>>[vector<16xi32>, vector<16xi32>], vector<16xf32>, vector<16xi1>
          %mul3A_352 = arith.constant 16 : i32
          %mul3A_353 = arith.muli %scan3A_334, %mul3A_352 : i32
          %get3A_354 = arith.index_cast %mul3A_353 : i32 to index
          %get3A_355 = tpu.vector_load %arg33[%get3A_354] {strides = array<i32>} : memref<336xf32, #tpu.memory_space<vmem>>, vector<16xf32>,
          tpu.vector_store_idx %arg41[%add3A_268, %sub3A_347], %get3A_355 masked %ne3A_341 : memref<6x256xf32, #tpu.memory_space<vmem>>[vector<16xi32>, vector<16xi32>], vector<16xf32>, vector<16xi1>
          %mul3A_356 = arith.constant 16 : i32
          %mul3A_357 = arith.muli %scan3A_334, %mul3A_356 : i32
          %get3A_358 = arith.index_cast %mul3A_357 : i32 to index
          %get3A_359 = tpu.vector_load %arg34[%get3A_358] {strides = array<i32>} : memref<336xf32, #tpu.memory_space<vmem>>, vector<16xf32>,
          tpu.vector_store_idx %arg41[%add3A_271, %sub3A_347], %get3A_359 masked %ne3A_341 : memref<6x256xf32, #tpu.memory_space<vmem>>[vector<16xi32>, vector<16xi32>], vector<16xf32>, vector<16xi1>
          %mul3A_360 = arith.constant 16 : i32
          %mul3A_361 = arith.muli %scan3A_334, %mul3A_360 : i32
          %get3A_362 = arith.index_cast %mul3A_361 : i32 to index
          %get3A_363 = tpu.vector_load %arg35[%get3A_362] {strides = array<i32>} : memref<336xf32, #tpu.memory_space<vmem>>, vector<16xf32>,
          tpu.vector_store_idx %arg41[%add3A_274, %sub3A_347], %get3A_363 masked %ne3A_341 : memref<6x256xf32, #tpu.memory_space<vmem>>[vector<16xi32>, vector<16xi32>], vector<16xf32>, vector<16xi1>
          %mul3A_364 = arith.constant 16 : i32
          %mul3A_365 = arith.muli %scan3A_334, %mul3A_364 : i32
          %get3A_366 = arith.index_cast %mul3A_365 : i32 to index
          %get3A_367 = tpu.vector_load %arg36[%get3A_366] {strides = array<i32>} : memref<336xf32, #tpu.memory_space<vmem>>, vector<16xf32>,
          tpu.vector_store_idx %arg41[%add3A_277, %sub3A_347], %get3A_367 masked %ne3A_341 : memref<6x256xf32, #tpu.memory_space<vmem>>[vector<16xi32>, vector<16xi32>], vector<16xf32>, vector<16xi1>
          %mul3A_368 = arith.constant 16 : i32
          %mul3A_369 = arith.muli %scan3A_334, %mul3A_368 : i32
          %get3A_370 = arith.index_cast %mul3A_369 : i32 to index
          %get3A_371 = tpu.vector_load %arg37[%get3A_370] {strides = array<i32>} : memref<336xf32, #tpu.memory_space<vmem>>, vector<16xf32>,
          tpu.vector_store_idx %arg43[%sub3A_347], %get3A_371 masked %ne3A_341 : memref<256xf32, #tpu.memory_space<vmem>>[vector<16xi32>], vector<16xf32>, vector<16xi1>
          %reduce_sum3A = arith.constant true
          %reduce_sum3A_372 = vector.broadcast %reduce_sum3A : i1 to vector<16xi1>
          %reduce_sum3A_373 = tpu.scan <sum>, %convert_element_type3A_342 masked %reduce_sum3A_372 : vector<16xi32>, vector<16xi1> -> vector<16xi32>
          %reduce_sum3A_374 = vector.extract %reduce_sum3A_373[15] : i32 from vector<16xi32>
          %add3A_375 = arith.addi %scan3A_335, %reduce_sum3A_374 : i32
          scf.yield %add3A_375 : i32
        }
        %scan3A_284 = arith.constant 10 : i32
        %add3A_285 = vector.broadcast %scan3A_283 : i32 to vector<16xi32>
        %add3A_286 = arith.addi %add3A_285, %iota3A : vector<16xi32>
        %neg3A = arith.constant 0 : i32
        %neg3A_287 = arith.subi %neg3A, %scan3A_283 : i32
        %and3A_288 = arith.constant 3 : i32
        %and3A_289 = arith.andi %neg3A_287, %and3A_288 : i32
        %lt3A_290 = vector.broadcast %and3A_289 : i32 to vector<16xi32>
        %lt3A_291 = arith.cmpi slt, %iota3A, %lt3A_290 : vector<16xi32>
        %broadcast_in_dim3A_292 = arith.constant -4.000000e+06 : f32
        %broadcast_in_dim3A_293 = vector.broadcast %broadcast_in_dim3A_292 : f32 to vector<16xf32>
        tpu.vector_store_idx %arg41[%add3A_265, %add3A_286], %broadcast_in_dim3A_293 masked %lt3A_291 : memref<6x256xf32, #tpu.memory_space<vmem>>[vector<16xi32>, vector<16xi32>], vector<16xf32>, vector<16xi1>
        tpu.vector_store_idx %arg41[%add3A_268, %add3A_286], %broadcast_in_dim3A_293 masked %lt3A_291 : memref<6x256xf32, #tpu.memory_space<vmem>>[vector<16xi32>, vector<16xi32>], vector<16xf32>, vector<16xi1>
        tpu.vector_store_idx %arg41[%add3A_271, %add3A_286], %broadcast_in_dim3A_293 masked %lt3A_291 : memref<6x256xf32, #tpu.memory_space<vmem>>[vector<16xi32>, vector<16xi32>], vector<16xf32>, vector<16xi1>
        tpu.vector_store_idx %arg41[%add3A_274, %add3A_286], %broadcast_in_dim3A_293 masked %lt3A_291 : memref<6x256xf32, #tpu.memory_space<vmem>>[vector<16xi32>, vector<16xi32>], vector<16xf32>, vector<16xi1>
        %broadcast_in_dim3A_294 = arith.constant 1.000000e+00 : f32
        %broadcast_in_dim3A_295 = vector.broadcast %broadcast_in_dim3A_294 : f32 to vector<16xf32>
        tpu.vector_store_idx %arg41[%add3A_277, %add3A_286], %broadcast_in_dim3A_295 masked %lt3A_291 : memref<6x256xf32, #tpu.memory_space<vmem>>[vector<16xi32>, vector<16xi32>], vector<16xf32>, vector<16xi1>
        %run_scoped3A = arith.constant 1 : i32
        "tpu.region"() ({
          %run_scoped3A_334 = tpu.sem_alloc : memref<!tpu.dma_semaphore, #tpu.memory_space<semaphore_mem>>
          %dma_start3A = arith.constant 0 : i32
          %dma_start3A_335 = tpu.memref_slice %arg41[%run_scoped3A, %dma_start3A] : memref<6x256xf32, #tpu.memory_space<vmem>> -> memref<1x256xf32, #tpu.memory_space<vmem>>
          %dma_start3A_336 = tpu.memref_squeeze %dma_start3A_335 : memref<1x256xf32, #tpu.memory_space<vmem>> -> memref<256xf32, #tpu.memory_space<vmem>>
          %dma_start3A_337 = arith.constant 256 : i32
          %dma_start3A_338 = tpu.memref_slice %arg13[%dma_start3A_337] : memref<1536xf32, #tpu.memory_space<vmem_shared>> -> memref<256xf32, #tpu.memory_space<vmem_shared>>
          %dma_start3A_339 = arith.constant 256 : i32
          %dma_start3A_340 = tpu.memref_slice %arg13[%dma_start3A_339] : memref<1536xf32, #tpu.memory_space<vmem_shared>> -> memref<256xf32, #tpu.memory_space<vmem_shared>>
          %dma_start3A_341 = arith.constant 0 : i32
          %dma_start3A_342 = tpu.memref_slice %arg41[%run_scoped3A, %dma_start3A_341] : memref<6x256xf32, #tpu.memory_space<vmem>> -> memref<1x256xf32, #tpu.memory_space<vmem>>
          %dma_start3A_343 = tpu.memref_squeeze %dma_start3A_342 : memref<1x256xf32, #tpu.memory_space<vmem>> -> memref<256xf32, #tpu.memory_space<vmem>>
          tpu.enqueue_dma source(%dma_start3A_343 : memref<256xf32, #tpu.memory_space<vmem>>) target(%dma_start3A_340 : memref<256xf32, #tpu.memory_space<vmem_shared>>) target_semaphore(%run_scoped3A_334 : memref<!tpu.dma_semaphore, #tpu.memory_space<semaphore_mem>>)
          %dma_wait3A = arith.constant 0 : i32
          %dma_wait3A_344 = tpu.memref_slice %arg41[%run_scoped3A, %dma_wait3A] : memref<6x256xf32, #tpu.memory_space<vmem>> -> memref<1x256xf32, #tpu.memory_space<vmem>>
          %dma_wait3A_345 = tpu.memref_squeeze %dma_wait3A_344 : memref<1x256xf32, #tpu.memory_space<vmem>> -> memref<256xf32, #tpu.memory_space<vmem>>
          %dma_wait3A_346 = arith.constant 256 : i32
          %dma_wait3A_347 = tpu.memref_slice %arg13[%dma_wait3A_346] : memref<1536xf32, #tpu.memory_space<vmem_shared>> -> memref<256xf32, #tpu.memory_space<vmem_shared>>
          %dma_wait3A_348 = arith.constant 256 : i32
          %dma_wait3A_349 = tpu.memref_slice %arg13[%dma_wait3A_348] : memref<1536xf32, #tpu.memory_space<vmem_shared>> -> memref<256xf32, #tpu.memory_space<vmem_shared>>
          %dma_wait3A_350 = arith.constant 0 : i32
          %dma_wait3A_351 = tpu.memref_slice %arg41[%run_scoped3A, %dma_wait3A_350] : memref<6x256xf32, #tpu.memory_space<vmem>> -> memref<1x256xf32, #tpu.memory_space<vmem>>
          %dma_wait3A_352 = tpu.memref_squeeze %dma_wait3A_351 : memref<1x256xf32, #tpu.memory_space<vmem>> -> memref<256xf32, #tpu.memory_space<vmem>>
          tpu.wait_dma2 semaphore(%run_scoped3A_334 : memref<!tpu.dma_semaphore, #tpu.memory_space<semaphore_mem>>) src(%dma_wait3A_352 : memref<256xf32, #tpu.memory_space<vmem>>) dst(%dma_wait3A_349 : memref<256xf32, #tpu.memory_space<vmem_shared>>)
          tpu.yield
        }) : () -> ()
        %run_scoped3A_296 = arith.constant 2 : i32
        "tpu.region"() ({
          %run_scoped3A_334 = tpu.sem_alloc : memref<!tpu.dma_semaphore, #tpu.memory_space<semaphore_mem>>
          %dma_start3A = arith.constant 0 : i32
          %dma_start3A_335 = tpu.memref_slice %arg41[%run_scoped3A_296, %dma_start3A] : memref<6x256xf32, #tpu.memory_space<vmem>> -> memref<1x256xf32, #tpu.memory_space<vmem>>
          %dma_start3A_336 = tpu.memref_squeeze %dma_start3A_335 : memref<1x256xf32, #tpu.memory_space<vmem>> -> memref<256xf32, #tpu.memory_space<vmem>>
          %dma_start3A_337 = arith.constant 512 : i32
          %dma_start3A_338 = tpu.memref_slice %arg13[%dma_start3A_337] : memref<1536xf32, #tpu.memory_space<vmem_shared>> -> memref<256xf32, #tpu.memory_space<vmem_shared>>
          %dma_start3A_339 = arith.constant 512 : i32
          %dma_start3A_340 = tpu.memref_slice %arg13[%dma_start3A_339] : memref<1536xf32, #tpu.memory_space<vmem_shared>> -> memref<256xf32, #tpu.memory_space<vmem_shared>>
          %dma_start3A_341 = arith.constant 0 : i32
          %dma_start3A_342 = tpu.memref_slice %arg41[%run_scoped3A_296, %dma_start3A_341] : memref<6x256xf32, #tpu.memory_space<vmem>> -> memref<1x256xf32, #tpu.memory_space<vmem>>
          %dma_start3A_343 = tpu.memref_squeeze %dma_start3A_342 : memref<1x256xf32, #tpu.memory_space<vmem>> -> memref<256xf32, #tpu.memory_space<vmem>>
          tpu.enqueue_dma source(%dma_start3A_343 : memref<256xf32, #tpu.memory_space<vmem>>) target(%dma_start3A_340 : memref<256xf32, #tpu.memory_space<vmem_shared>>) target_semaphore(%run_scoped3A_334 : memref<!tpu.dma_semaphore, #tpu.memory_space<semaphore_mem>>)
          %dma_wait3A = arith.constant 0 : i32
          %dma_wait3A_344 = tpu.memref_slice %arg41[%run_scoped3A_296, %dma_wait3A] : memref<6x256xf32, #tpu.memory_space<vmem>> -> memref<1x256xf32, #tpu.memory_space<vmem>>
          %dma_wait3A_345 = tpu.memref_squeeze %dma_wait3A_344 : memref<1x256xf32, #tpu.memory_space<vmem>> -> memref<256xf32, #tpu.memory_space<vmem>>
          %dma_wait3A_346 = arith.constant 512 : i32
          %dma_wait3A_347 = tpu.memref_slice %arg13[%dma_wait3A_346] : memref<1536xf32, #tpu.memory_space<vmem_shared>> -> memref<256xf32, #tpu.memory_space<vmem_shared>>
          %dma_wait3A_348 = arith.constant 512 : i32
          %dma_wait3A_349 = tpu.memref_slice %arg13[%dma_wait3A_348] : memref<1536xf32, #tpu.memory_space<vmem_shared>> -> memref<256xf32, #tpu.memory_space<vmem_shared>>
          %dma_wait3A_350 = arith.constant 0 : i32
          %dma_wait3A_351 = tpu.memref_slice %arg41[%run_scoped3A_296, %dma_wait3A_350] : memref<6x256xf32, #tpu.memory_space<vmem>> -> memref<1x256xf32, #tpu.memory_space<vmem>>
          %dma_wait3A_352 = tpu.memref_squeeze %dma_wait3A_351 : memref<1x256xf32, #tpu.memory_space<vmem>> -> memref<256xf32, #tpu.memory_space<vmem>>
          tpu.wait_dma2 semaphore(%run_scoped3A_334 : memref<!tpu.dma_semaphore, #tpu.memory_space<semaphore_mem>>) src(%dma_wait3A_352 : memref<256xf32, #tpu.memory_space<vmem>>) dst(%dma_wait3A_349 : memref<256xf32, #tpu.memory_space<vmem_shared>>)
          tpu.yield
        }) : () -> ()
        %run_scoped3A_297 = arith.constant 3 : i32
        "tpu.region"() ({
          %run_scoped3A_334 = tpu.sem_alloc : memref<!tpu.dma_semaphore, #tpu.memory_space<semaphore_mem>>
          %dma_start3A = arith.constant 0 : i32
          %dma_start3A_335 = tpu.memref_slice %arg41[%run_scoped3A_297, %dma_start3A] : memref<6x256xf32, #tpu.memory_space<vmem>> -> memref<1x256xf32, #tpu.memory_space<vmem>>
          %dma_start3A_336 = tpu.memref_squeeze %dma_start3A_335 : memref<1x256xf32, #tpu.memory_space<vmem>> -> memref<256xf32, #tpu.memory_space<vmem>>
          %dma_start3A_337 = arith.constant 768 : i32
          %dma_start3A_338 = tpu.memref_slice %arg13[%dma_start3A_337] : memref<1536xf32, #tpu.memory_space<vmem_shared>> -> memref<256xf32, #tpu.memory_space<vmem_shared>>
          %dma_start3A_339 = arith.constant 768 : i32
          %dma_start3A_340 = tpu.memref_slice %arg13[%dma_start3A_339] : memref<1536xf32, #tpu.memory_space<vmem_shared>> -> memref<256xf32, #tpu.memory_space<vmem_shared>>
          %dma_start3A_341 = arith.constant 0 : i32
          %dma_start3A_342 = tpu.memref_slice %arg41[%run_scoped3A_297, %dma_start3A_341] : memref<6x256xf32, #tpu.memory_space<vmem>> -> memref<1x256xf32, #tpu.memory_space<vmem>>
          %dma_start3A_343 = tpu.memref_squeeze %dma_start3A_342 : memref<1x256xf32, #tpu.memory_space<vmem>> -> memref<256xf32, #tpu.memory_space<vmem>>
          tpu.enqueue_dma source(%dma_start3A_343 : memref<256xf32, #tpu.memory_space<vmem>>) target(%dma_start3A_340 : memref<256xf32, #tpu.memory_space<vmem_shared>>) target_semaphore(%run_scoped3A_334 : memref<!tpu.dma_semaphore, #tpu.memory_space<semaphore_mem>>)
          %dma_wait3A = arith.constant 0 : i32
          %dma_wait3A_344 = tpu.memref_slice %arg41[%run_scoped3A_297, %dma_wait3A] : memref<6x256xf32, #tpu.memory_space<vmem>> -> memref<1x256xf32, #tpu.memory_space<vmem>>
          %dma_wait3A_345 = tpu.memref_squeeze %dma_wait3A_344 : memref<1x256xf32, #tpu.memory_space<vmem>> -> memref<256xf32, #tpu.memory_space<vmem>>
          %dma_wait3A_346 = arith.constant 768 : i32
          %dma_wait3A_347 = tpu.memref_slice %arg13[%dma_wait3A_346] : memref<1536xf32, #tpu.memory_space<vmem_shared>> -> memref<256xf32, #tpu.memory_space<vmem_shared>>
          %dma_wait3A_348 = arith.constant 768 : i32
          %dma_wait3A_349 = tpu.memref_slice %arg13[%dma_wait3A_348] : memref<1536xf32, #tpu.memory_space<vmem_shared>> -> memref<256xf32, #tpu.memory_space<vmem_shared>>
          %dma_wait3A_350 = arith.constant 0 : i32
          %dma_wait3A_351 = tpu.memref_slice %arg41[%run_scoped3A_297, %dma_wait3A_350] : memref<6x256xf32, #tpu.memory_space<vmem>> -> memref<1x256xf32, #tpu.memory_space<vmem>>
          %dma_wait3A_352 = tpu.memref_squeeze %dma_wait3A_351 : memref<1x256xf32, #tpu.memory_space<vmem>> -> memref<256xf32, #tpu.memory_space<vmem>>
          tpu.wait_dma2 semaphore(%run_scoped3A_334 : memref<!tpu.dma_semaphore, #tpu.memory_space<semaphore_mem>>) src(%dma_wait3A_352 : memref<256xf32, #tpu.memory_space<vmem>>) dst(%dma_wait3A_349 : memref<256xf32, #tpu.memory_space<vmem_shared>>)
          tpu.yield
        }) : () -> ()
        %run_scoped3A_298 = arith.constant 4 : i32
        "tpu.region"() ({
          %run_scoped3A_334 = tpu.sem_alloc : memref<!tpu.dma_semaphore, #tpu.memory_space<semaphore_mem>>
          %dma_start3A = arith.constant 0 : i32
          %dma_start3A_335 = tpu.memref_slice %arg41[%run_scoped3A_298, %dma_start3A] : memref<6x256xf32, #tpu.memory_space<vmem>> -> memref<1x256xf32, #tpu.memory_space<vmem>>
          %dma_start3A_336 = tpu.memref_squeeze %dma_start3A_335 : memref<1x256xf32, #tpu.memory_space<vmem>> -> memref<256xf32, #tpu.memory_space<vmem>>
          %dma_start3A_337 = arith.constant 1024 : i32
          %dma_start3A_338 = tpu.memref_slice %arg13[%dma_start3A_337] : memref<1536xf32, #tpu.memory_space<vmem_shared>> -> memref<256xf32, #tpu.memory_space<vmem_shared>>
          %dma_start3A_339 = arith.constant 1024 : i32
          %dma_start3A_340 = tpu.memref_slice %arg13[%dma_start3A_339] : memref<1536xf32, #tpu.memory_space<vmem_shared>> -> memref<256xf32, #tpu.memory_space<vmem_shared>>
          %dma_start3A_341 = arith.constant 0 : i32
          %dma_start3A_342 = tpu.memref_slice %arg41[%run_scoped3A_298, %dma_start3A_341] : memref<6x256xf32, #tpu.memory_space<vmem>> -> memref<1x256xf32, #tpu.memory_space<vmem>>
          %dma_start3A_343 = tpu.memref_squeeze %dma_start3A_342 : memref<1x256xf32, #tpu.memory_space<vmem>> -> memref<256xf32, #tpu.memory_space<vmem>>
          tpu.enqueue_dma source(%dma_start3A_343 : memref<256xf32, #tpu.memory_space<vmem>>) target(%dma_start3A_340 : memref<256xf32, #tpu.memory_space<vmem_shared>>) target_semaphore(%run_scoped3A_334 : memref<!tpu.dma_semaphore, #tpu.memory_space<semaphore_mem>>)
          %dma_wait3A = arith.constant 0 : i32
          %dma_wait3A_344 = tpu.memref_slice %arg41[%run_scoped3A_298, %dma_wait3A] : memref<6x256xf32, #tpu.memory_space<vmem>> -> memref<1x256xf32, #tpu.memory_space<vmem>>
          %dma_wait3A_345 = tpu.memref_squeeze %dma_wait3A_344 : memref<1x256xf32, #tpu.memory_space<vmem>> -> memref<256xf32, #tpu.memory_space<vmem>>
          %dma_wait3A_346 = arith.constant 1024 : i32
          %dma_wait3A_347 = tpu.memref_slice %arg13[%dma_wait3A_346] : memref<1536xf32, #tpu.memory_space<vmem_shared>> -> memref<256xf32, #tpu.memory_space<vmem_shared>>
          %dma_wait3A_348 = arith.constant 1024 : i32
          %dma_wait3A_349 = tpu.memref_slice %arg13[%dma_wait3A_348] : memref<1536xf32, #tpu.memory_space<vmem_shared>> -> memref<256xf32, #tpu.memory_space<vmem_shared>>
          %dma_wait3A_350 = arith.constant 0 : i32
          %dma_wait3A_351 = tpu.memref_slice %arg41[%run_scoped3A_298, %dma_wait3A_350] : memref<6x256xf32, #tpu.memory_space<vmem>> -> memref<1x256xf32, #tpu.memory_space<vmem>>
          %dma_wait3A_352 = tpu.memref_squeeze %dma_wait3A_351 : memref<1x256xf32, #tpu.memory_space<vmem>> -> memref<256xf32, #tpu.memory_space<vmem>>
          tpu.wait_dma2 semaphore(%run_scoped3A_334 : memref<!tpu.dma_semaphore, #tpu.memory_space<semaphore_mem>>) src(%dma_wait3A_352 : memref<256xf32, #tpu.memory_space<vmem>>) dst(%dma_wait3A_349 : memref<256xf32, #tpu.memory_space<vmem_shared>>)
          tpu.yield
        }) : () -> ()
        %run_scoped3A_299 = arith.constant 5 : i32
        "tpu.region"() ({
          %run_scoped3A_334 = tpu.sem_alloc : memref<!tpu.dma_semaphore, #tpu.memory_space<semaphore_mem>>
          %dma_start3A = arith.constant 0 : i32
          %dma_start3A_335 = tpu.memref_slice %arg41[%run_scoped3A_299, %dma_start3A] : memref<6x256xf32, #tpu.memory_space<vmem>> -> memref<1x256xf32, #tpu.memory_space<vmem>>
          %dma_start3A_336 = tpu.memref_squeeze %dma_start3A_335 : memref<1x256xf32, #tpu.memory_space<vmem>> -> memref<256xf32, #tpu.memory_space<vmem>>
          %dma_start3A_337 = arith.constant 1280 : i32
          %dma_start3A_338 = tpu.memref_slice %arg13[%dma_start3A_337] : memref<1536xf32, #tpu.memory_space<vmem_shared>> -> memref<256xf32, #tpu.memory_space<vmem_shared>>
          %dma_start3A_339 = arith.constant 1280 : i32
          %dma_start3A_340 = tpu.memref_slice %arg13[%dma_start3A_339] : memref<1536xf32, #tpu.memory_space<vmem_shared>> -> memref<256xf32, #tpu.memory_space<vmem_shared>>
          %dma_start3A_341 = arith.constant 0 : i32
          %dma_start3A_342 = tpu.memref_slice %arg41[%run_scoped3A_299, %dma_start3A_341] : memref<6x256xf32, #tpu.memory_space<vmem>> -> memref<1x256xf32, #tpu.memory_space<vmem>>
          %dma_start3A_343 = tpu.memref_squeeze %dma_start3A_342 : memref<1x256xf32, #tpu.memory_space<vmem>> -> memref<256xf32, #tpu.memory_space<vmem>>
          tpu.enqueue_dma source(%dma_start3A_343 : memref<256xf32, #tpu.memory_space<vmem>>) target(%dma_start3A_340 : memref<256xf32, #tpu.memory_space<vmem_shared>>) target_semaphore(%run_scoped3A_334 : memref<!tpu.dma_semaphore, #tpu.memory_space<semaphore_mem>>)
          %dma_wait3A = arith.constant 0 : i32
          %dma_wait3A_344 = tpu.memref_slice %arg41[%run_scoped3A_299, %dma_wait3A] : memref<6x256xf32, #tpu.memory_space<vmem>> -> memref<1x256xf32, #tpu.memory_space<vmem>>
          %dma_wait3A_345 = tpu.memref_squeeze %dma_wait3A_344 : memref<1x256xf32, #tpu.memory_space<vmem>> -> memref<256xf32, #tpu.memory_space<vmem>>
          %dma_wait3A_346 = arith.constant 1280 : i32
          %dma_wait3A_347 = tpu.memref_slice %arg13[%dma_wait3A_346] : memref<1536xf32, #tpu.memory_space<vmem_shared>> -> memref<256xf32, #tpu.memory_space<vmem_shared>>
          %dma_wait3A_348 = arith.constant 1280 : i32
          %dma_wait3A_349 = tpu.memref_slice %arg13[%dma_wait3A_348] : memref<1536xf32, #tpu.memory_space<vmem_shared>> -> memref<256xf32, #tpu.memory_space<vmem_shared>>
          %dma_wait3A_350 = arith.constant 0 : i32
          %dma_wait3A_351 = tpu.memref_slice %arg41[%run_scoped3A_299, %dma_wait3A_350] : memref<6x256xf32, #tpu.memory_space<vmem>> -> memref<1x256xf32, #tpu.memory_space<vmem>>
          %dma_wait3A_352 = tpu.memref_squeeze %dma_wait3A_351 : memref<1x256xf32, #tpu.memory_space<vmem>> -> memref<256xf32, #tpu.memory_space<vmem>>
          tpu.wait_dma2 semaphore(%run_scoped3A_334 : memref<!tpu.dma_semaphore, #tpu.memory_space<semaphore_mem>>) src(%dma_wait3A_352 : memref<256xf32, #tpu.memory_space<vmem>>) dst(%dma_wait3A_349 : memref<256xf32, #tpu.memory_space<vmem_shared>>)
          tpu.yield
        }) : () -> ()
        %mul3A_300 = arith.constant 256 : i32
        %mul3A_301 = arith.muli %scan3A_192, %mul3A_300 : i32
        %run_scoped3A_302 = arith.constant 1 : i32
        "tpu.region"() ({
          %run_scoped3A_334 = tpu.sem_alloc : memref<!tpu.dma_semaphore, #tpu.memory_space<semaphore_mem>>
          %dma_start3A = arith.constant 0 : i32
          %dma_start3A_335 = tpu.memref_slice %arg41[%run_scoped3A_302, %dma_start3A] : memref<6x256xf32, #tpu.memory_space<vmem>> -> memref<1x256xf32, #tpu.memory_space<vmem>>
          %dma_start3A_336 = tpu.memref_squeeze %dma_start3A_335 : memref<1x256xf32, #tpu.memory_space<vmem>> -> memref<256xf32, #tpu.memory_space<vmem>>
          %dma_start3A_337 = tpu.memref_slice %arg14[%mul3A_301] : memref<8192xf32, #tpu.memory_space<vmem_shared>> -> memref<256xf32, #tpu.memory_space<vmem_shared>>
          %dma_start3A_338 = tpu.memref_slice %arg14[%mul3A_301] : memref<8192xf32, #tpu.memory_space<vmem_shared>> -> memref<256xf32, #tpu.memory_space<vmem_shared>>
          %dma_start3A_339 = arith.constant 0 : i32
          %dma_start3A_340 = tpu.memref_slice %arg41[%run_scoped3A_302, %dma_start3A_339] : memref<6x256xf32, #tpu.memory_space<vmem>> -> memref<1x256xf32, #tpu.memory_space<vmem>>
          %dma_start3A_341 = tpu.memref_squeeze %dma_start3A_340 : memref<1x256xf32, #tpu.memory_space<vmem>> -> memref<256xf32, #tpu.memory_space<vmem>>
          tpu.enqueue_dma source(%dma_start3A_341 : memref<256xf32, #tpu.memory_space<vmem>>) target(%dma_start3A_338 : memref<256xf32, #tpu.memory_space<vmem_shared>>) target_semaphore(%run_scoped3A_334 : memref<!tpu.dma_semaphore, #tpu.memory_space<semaphore_mem>>)
          %dma_wait3A = arith.constant 0 : i32
          %dma_wait3A_342 = tpu.memref_slice %arg41[%run_scoped3A_302, %dma_wait3A] : memref<6x256xf32, #tpu.memory_space<vmem>> -> memref<1x256xf32, #tpu.memory_space<vmem>>
          %dma_wait3A_343 = tpu.memref_squeeze %dma_wait3A_342 : memref<1x256xf32, #tpu.memory_space<vmem>> -> memref<256xf32, #tpu.memory_space<vmem>>
          %dma_wait3A_344 = tpu.memref_slice %arg14[%mul3A_301] : memref<8192xf32, #tpu.memory_space<vmem_shared>> -> memref<256xf32, #tpu.memory_space<vmem_shared>>
          %dma_wait3A_345 = tpu.memref_slice %arg14[%mul3A_301] : memref<8192xf32, #tpu.memory_space<vmem_shared>> -> memref<256xf32, #tpu.memory_space<vmem_shared>>
          %dma_wait3A_346 = arith.constant 0 : i32
          %dma_wait3A_347 = tpu.memref_slice %arg41[%run_scoped3A_302, %dma_wait3A_346] : memref<6x256xf32, #tpu.memory_space<vmem>> -> memref<1x256xf32, #tpu.memory_space<vmem>>
          %dma_wait3A_348 = tpu.memref_squeeze %dma_wait3A_347 : memref<1x256xf32, #tpu.memory_space<vmem>> -> memref<256xf32, #tpu.memory_space<vmem>>
          tpu.wait_dma2 semaphore(%run_scoped3A_334 : memref<!tpu.dma_semaphore, #tpu.memory_space<semaphore_mem>>) src(%dma_wait3A_348 : memref<256xf32, #tpu.memory_space<vmem>>) dst(%dma_wait3A_345 : memref<256xf32, #tpu.memory_space<vmem_shared>>)
          tpu.yield
        }) : () -> ()
        %mul3A_303 = arith.constant 256 : i32
        %mul3A_304 = arith.muli %scan3A_192, %mul3A_303 : i32
        %run_scoped3A_305 = arith.constant 2 : i32
        "tpu.region"() ({
          %run_scoped3A_334 = tpu.sem_alloc : memref<!tpu.dma_semaphore, #tpu.memory_space<semaphore_mem>>
          %dma_start3A = arith.constant 0 : i32
          %dma_start3A_335 = tpu.memref_slice %arg41[%run_scoped3A_305, %dma_start3A] : memref<6x256xf32, #tpu.memory_space<vmem>> -> memref<1x256xf32, #tpu.memory_space<vmem>>
          %dma_start3A_336 = tpu.memref_squeeze %dma_start3A_335 : memref<1x256xf32, #tpu.memory_space<vmem>> -> memref<256xf32, #tpu.memory_space<vmem>>
          %dma_start3A_337 = tpu.memref_slice %arg15[%mul3A_304] : memref<8192xf32, #tpu.memory_space<vmem_shared>> -> memref<256xf32, #tpu.memory_space<vmem_shared>>
          %dma_start3A_338 = tpu.memref_slice %arg15[%mul3A_304] : memref<8192xf32, #tpu.memory_space<vmem_shared>> -> memref<256xf32, #tpu.memory_space<vmem_shared>>
          %dma_start3A_339 = arith.constant 0 : i32
          %dma_start3A_340 = tpu.memref_slice %arg41[%run_scoped3A_305, %dma_start3A_339] : memref<6x256xf32, #tpu.memory_space<vmem>> -> memref<1x256xf32, #tpu.memory_space<vmem>>
          %dma_start3A_341 = tpu.memref_squeeze %dma_start3A_340 : memref<1x256xf32, #tpu.memory_space<vmem>> -> memref<256xf32, #tpu.memory_space<vmem>>
          tpu.enqueue_dma source(%dma_start3A_341 : memref<256xf32, #tpu.memory_space<vmem>>) target(%dma_start3A_338 : memref<256xf32, #tpu.memory_space<vmem_shared>>) target_semaphore(%run_scoped3A_334 : memref<!tpu.dma_semaphore, #tpu.memory_space<semaphore_mem>>)
          %dma_wait3A = arith.constant 0 : i32
          %dma_wait3A_342 = tpu.memref_slice %arg41[%run_scoped3A_305, %dma_wait3A] : memref<6x256xf32, #tpu.memory_space<vmem>> -> memref<1x256xf32, #tpu.memory_space<vmem>>
          %dma_wait3A_343 = tpu.memref_squeeze %dma_wait3A_342 : memref<1x256xf32, #tpu.memory_space<vmem>> -> memref<256xf32, #tpu.memory_space<vmem>>
          %dma_wait3A_344 = tpu.memref_slice %arg15[%mul3A_304] : memref<8192xf32, #tpu.memory_space<vmem_shared>> -> memref<256xf32, #tpu.memory_space<vmem_shared>>
          %dma_wait3A_345 = tpu.memref_slice %arg15[%mul3A_304] : memref<8192xf32, #tpu.memory_space<vmem_shared>> -> memref<256xf32, #tpu.memory_space<vmem_shared>>
          %dma_wait3A_346 = arith.constant 0 : i32
          %dma_wait3A_347 = tpu.memref_slice %arg41[%run_scoped3A_305, %dma_wait3A_346] : memref<6x256xf32, #tpu.memory_space<vmem>> -> memref<1x256xf32, #tpu.memory_space<vmem>>
          %dma_wait3A_348 = tpu.memref_squeeze %dma_wait3A_347 : memref<1x256xf32, #tpu.memory_space<vmem>> -> memref<256xf32, #tpu.memory_space<vmem>>
          tpu.wait_dma2 semaphore(%run_scoped3A_334 : memref<!tpu.dma_semaphore, #tpu.memory_space<semaphore_mem>>) src(%dma_wait3A_348 : memref<256xf32, #tpu.memory_space<vmem>>) dst(%dma_wait3A_345 : memref<256xf32, #tpu.memory_space<vmem_shared>>)
          tpu.yield
        }) : () -> ()
        %mul3A_306 = arith.constant 256 : i32
        %mul3A_307 = arith.muli %scan3A_192, %mul3A_306 : i32
        %run_scoped3A_308 = arith.constant 3 : i32
        "tpu.region"() ({
          %run_scoped3A_334 = tpu.sem_alloc : memref<!tpu.dma_semaphore, #tpu.memory_space<semaphore_mem>>
          %dma_start3A = arith.constant 0 : i32
          %dma_start3A_335 = tpu.memref_slice %arg41[%run_scoped3A_308, %dma_start3A] : memref<6x256xf32, #tpu.memory_space<vmem>> -> memref<1x256xf32, #tpu.memory_space<vmem>>
          %dma_start3A_336 = tpu.memref_squeeze %dma_start3A_335 : memref<1x256xf32, #tpu.memory_space<vmem>> -> memref<256xf32, #tpu.memory_space<vmem>>
          %dma_start3A_337 = tpu.memref_slice %arg16[%mul3A_307] : memref<8192xf32, #tpu.memory_space<vmem_shared>> -> memref<256xf32, #tpu.memory_space<vmem_shared>>
          %dma_start3A_338 = tpu.memref_slice %arg16[%mul3A_307] : memref<8192xf32, #tpu.memory_space<vmem_shared>> -> memref<256xf32, #tpu.memory_space<vmem_shared>>
          %dma_start3A_339 = arith.constant 0 : i32
          %dma_start3A_340 = tpu.memref_slice %arg41[%run_scoped3A_308, %dma_start3A_339] : memref<6x256xf32, #tpu.memory_space<vmem>> -> memref<1x256xf32, #tpu.memory_space<vmem>>
          %dma_start3A_341 = tpu.memref_squeeze %dma_start3A_340 : memref<1x256xf32, #tpu.memory_space<vmem>> -> memref<256xf32, #tpu.memory_space<vmem>>
          tpu.enqueue_dma source(%dma_start3A_341 : memref<256xf32, #tpu.memory_space<vmem>>) target(%dma_start3A_338 : memref<256xf32, #tpu.memory_space<vmem_shared>>) target_semaphore(%run_scoped3A_334 : memref<!tpu.dma_semaphore, #tpu.memory_space<semaphore_mem>>)
          %dma_wait3A = arith.constant 0 : i32
          %dma_wait3A_342 = tpu.memref_slice %arg41[%run_scoped3A_308, %dma_wait3A] : memref<6x256xf32, #tpu.memory_space<vmem>> -> memref<1x256xf32, #tpu.memory_space<vmem>>
          %dma_wait3A_343 = tpu.memref_squeeze %dma_wait3A_342 : memref<1x256xf32, #tpu.memory_space<vmem>> -> memref<256xf32, #tpu.memory_space<vmem>>
          %dma_wait3A_344 = tpu.memref_slice %arg16[%mul3A_307] : memref<8192xf32, #tpu.memory_space<vmem_shared>> -> memref<256xf32, #tpu.memory_space<vmem_shared>>
          %dma_wait3A_345 = tpu.memref_slice %arg16[%mul3A_307] : memref<8192xf32, #tpu.memory_space<vmem_shared>> -> memref<256xf32, #tpu.memory_space<vmem_shared>>
          %dma_wait3A_346 = arith.constant 0 : i32
          %dma_wait3A_347 = tpu.memref_slice %arg41[%run_scoped3A_308, %dma_wait3A_346] : memref<6x256xf32, #tpu.memory_space<vmem>> -> memref<1x256xf32, #tpu.memory_space<vmem>>
          %dma_wait3A_348 = tpu.memref_squeeze %dma_wait3A_347 : memref<1x256xf32, #tpu.memory_space<vmem>> -> memref<256xf32, #tpu.memory_space<vmem>>
          tpu.wait_dma2 semaphore(%run_scoped3A_334 : memref<!tpu.dma_semaphore, #tpu.memory_space<semaphore_mem>>) src(%dma_wait3A_348 : memref<256xf32, #tpu.memory_space<vmem>>) dst(%dma_wait3A_345 : memref<256xf32, #tpu.memory_space<vmem_shared>>)
          tpu.yield
        }) : () -> ()
        %mul3A_309 = arith.constant 256 : i32
        %mul3A_310 = arith.muli %scan3A_192, %mul3A_309 : i32
        %run_scoped3A_311 = arith.constant 4 : i32
        "tpu.region"() ({
          %run_scoped3A_334 = tpu.sem_alloc : memref<!tpu.dma_semaphore, #tpu.memory_space<semaphore_mem>>
          %dma_start3A = arith.constant 0 : i32
          %dma_start3A_335 = tpu.memref_slice %arg41[%run_scoped3A_311, %dma_start3A] : memref<6x256xf32, #tpu.memory_space<vmem>> -> memref<1x256xf32, #tpu.memory_space<vmem>>
          %dma_start3A_336 = tpu.memref_squeeze %dma_start3A_335 : memref<1x256xf32, #tpu.memory_space<vmem>> -> memref<256xf32, #tpu.memory_space<vmem>>
          %dma_start3A_337 = tpu.memref_slice %arg17[%mul3A_310] : memref<8192xf32, #tpu.memory_space<vmem_shared>> -> memref<256xf32, #tpu.memory_space<vmem_shared>>
          %dma_start3A_338 = tpu.memref_slice %arg17[%mul3A_310] : memref<8192xf32, #tpu.memory_space<vmem_shared>> -> memref<256xf32, #tpu.memory_space<vmem_shared>>
          %dma_start3A_339 = arith.constant 0 : i32
          %dma_start3A_340 = tpu.memref_slice %arg41[%run_scoped3A_311, %dma_start3A_339] : memref<6x256xf32, #tpu.memory_space<vmem>> -> memref<1x256xf32, #tpu.memory_space<vmem>>
          %dma_start3A_341 = tpu.memref_squeeze %dma_start3A_340 : memref<1x256xf32, #tpu.memory_space<vmem>> -> memref<256xf32, #tpu.memory_space<vmem>>
          tpu.enqueue_dma source(%dma_start3A_341 : memref<256xf32, #tpu.memory_space<vmem>>) target(%dma_start3A_338 : memref<256xf32, #tpu.memory_space<vmem_shared>>) target_semaphore(%run_scoped3A_334 : memref<!tpu.dma_semaphore, #tpu.memory_space<semaphore_mem>>)
          %dma_wait3A = arith.constant 0 : i32
          %dma_wait3A_342 = tpu.memref_slice %arg41[%run_scoped3A_311, %dma_wait3A] : memref<6x256xf32, #tpu.memory_space<vmem>> -> memref<1x256xf32, #tpu.memory_space<vmem>>
          %dma_wait3A_343 = tpu.memref_squeeze %dma_wait3A_342 : memref<1x256xf32, #tpu.memory_space<vmem>> -> memref<256xf32, #tpu.memory_space<vmem>>
          %dma_wait3A_344 = tpu.memref_slice %arg17[%mul3A_310] : memref<8192xf32, #tpu.memory_space<vmem_shared>> -> memref<256xf32, #tpu.memory_space<vmem_shared>>
          %dma_wait3A_345 = tpu.memref_slice %arg17[%mul3A_310] : memref<8192xf32, #tpu.memory_space<vmem_shared>> -> memref<256xf32, #tpu.memory_space<vmem_shared>>
          %dma_wait3A_346 = arith.constant 0 : i32
          %dma_wait3A_347 = tpu.memref_slice %arg41[%run_scoped3A_311, %dma_wait3A_346] : memref<6x256xf32, #tpu.memory_space<vmem>> -> memref<1x256xf32, #tpu.memory_space<vmem>>
          %dma_wait3A_348 = tpu.memref_squeeze %dma_wait3A_347 : memref<1x256xf32, #tpu.memory_space<vmem>> -> memref<256xf32, #tpu.memory_space<vmem>>
          tpu.wait_dma2 semaphore(%run_scoped3A_334 : memref<!tpu.dma_semaphore, #tpu.memory_space<semaphore_mem>>) src(%dma_wait3A_348 : memref<256xf32, #tpu.memory_space<vmem>>) dst(%dma_wait3A_345 : memref<256xf32, #tpu.memory_space<vmem_shared>>)
          tpu.yield
        }) : () -> ()
        %mul3A_312 = arith.constant 256 : i32
        %mul3A_313 = arith.muli %scan3A_192, %mul3A_312 : i32
        "tpu.region"() ({
          %run_scoped3A_334 = tpu.sem_alloc : memref<!tpu.dma_semaphore, #tpu.memory_space<semaphore_mem>>
          %dma_start3A = tpu.memref_slice %arg18[%mul3A_313] : memref<8192xf32, #tpu.memory_space<vmem_shared>> -> memref<256xf32, #tpu.memory_space<vmem_shared>>
          %dma_start3A_335 = tpu.memref_slice %arg18[%mul3A_313] : memref<8192xf32, #tpu.memory_space<vmem_shared>> -> memref<256xf32, #tpu.memory_space<vmem_shared>>
          tpu.enqueue_dma source(%arg43 : memref<256xf32, #tpu.memory_space<vmem>>) target(%dma_start3A_335 : memref<256xf32, #tpu.memory_space<vmem_shared>>) target_semaphore(%run_scoped3A_334 : memref<!tpu.dma_semaphore, #tpu.memory_space<semaphore_mem>>)
          %dma_wait3A = tpu.memref_slice %arg18[%mul3A_313] : memref<8192xf32, #tpu.memory_space<vmem_shared>> -> memref<256xf32, #tpu.memory_space<vmem_shared>>
          %dma_wait3A_336 = tpu.memref_slice %arg18[%mul3A_313] : memref<8192xf32, #tpu.memory_space<vmem_shared>> -> memref<256xf32, #tpu.memory_space<vmem_shared>>
          tpu.wait_dma2 semaphore(%run_scoped3A_334 : memref<!tpu.dma_semaphore, #tpu.memory_space<semaphore_mem>>) src(%arg43 : memref<256xf32, #tpu.memory_space<vmem>>) dst(%dma_wait3A_336 : memref<256xf32, #tpu.memory_space<vmem_shared>>)
          tpu.yield
        }) : () -> ()
        %shift_right_arithmetic3A_314 = arith.constant 4 : i32
        %shift_right_arithmetic3A_315 = arith.shrsi %scan3A_192, %shift_right_arithmetic3A_314 : i32
        %mul3A_316 = arith.constant 16 : i32
        %mul3A_317 = arith.muli %shift_right_arithmetic3A_315, %mul3A_316 : i32
        "tpu.region"() ({
          %run_scoped3A_334 = tpu.sem_alloc : memref<!tpu.dma_semaphore, #tpu.memory_space<semaphore_mem>>
          %dma_start3A = arith.constant 0 : i32
          %dma_start3A_335 = tpu.memref_slice %arg44[%dma_start3A] : memref<64xi32, #tpu.memory_space<vmem>> -> memref<16xi32, #tpu.memory_space<vmem>>
          %dma_start3A_336 = tpu.memref_slice %arg19[%mul3A_317] : memref<32xi32, #tpu.memory_space<vmem_shared>> -> memref<16xi32, #tpu.memory_space<vmem_shared>>
          %dma_start3A_337 = arith.constant 0 : i32
          %dma_start3A_338 = tpu.memref_slice %arg44[%dma_start3A_337] : memref<64xi32, #tpu.memory_space<vmem>> -> memref<16xi32, #tpu.memory_space<vmem>>
          %dma_start3A_339 = tpu.memref_slice %arg19[%mul3A_317] : memref<32xi32, #tpu.memory_space<vmem_shared>> -> memref<16xi32, #tpu.memory_space<vmem_shared>>
          tpu.enqueue_dma source(%dma_start3A_339 : memref<16xi32, #tpu.memory_space<vmem_shared>>) target(%dma_start3A_338 : memref<16xi32, #tpu.memory_space<vmem>>) target_semaphore(%run_scoped3A_334 : memref<!tpu.dma_semaphore, #tpu.memory_space<semaphore_mem>>)
          %dma_wait3A = arith.constant 0 : i32
          %dma_wait3A_340 = tpu.memref_slice %arg44[%dma_wait3A] : memref<64xi32, #tpu.memory_space<vmem>> -> memref<16xi32, #tpu.memory_space<vmem>>
          %dma_wait3A_341 = tpu.memref_slice %arg19[%mul3A_317] : memref<32xi32, #tpu.memory_space<vmem_shared>> -> memref<16xi32, #tpu.memory_space<vmem_shared>>
          %dma_wait3A_342 = arith.constant 0 : i32
          %dma_wait3A_343 = tpu.memref_slice %arg44[%dma_wait3A_342] : memref<64xi32, #tpu.memory_space<vmem>> -> memref<16xi32, #tpu.memory_space<vmem>>
          %dma_wait3A_344 = tpu.memref_slice %arg19[%mul3A_317] : memref<32xi32, #tpu.memory_space<vmem_shared>> -> memref<16xi32, #tpu.memory_space<vmem_shared>>
          tpu.wait_dma2 semaphore(%run_scoped3A_334 : memref<!tpu.dma_semaphore, #tpu.memory_space<semaphore_mem>>) src(%dma_wait3A_344 : memref<16xi32, #tpu.memory_space<vmem_shared>>) dst(%dma_wait3A_343 : memref<16xi32, #tpu.memory_space<vmem>>)
          tpu.yield
        }) : () -> ()
        %get3A_318 = arith.constant 0 : index
        %get3A_319 = tpu.vector_load %arg44[%get3A_318] {strides = array<i32>} : memref<64xi32, #tpu.memory_space<vmem>>, vector<16xi32>,
        %sub3A_320 = arith.subi %scan3A_192, %mul3A_317 : i32
        %eq3A_321 = vector.broadcast %sub3A_320 : i32 to vector<16xi32>
        %eq3A_322 = arith.cmpi eq, %iota3A, %eq3A_321 : vector<16xi32>
        %broadcast_in_dim3A_323 = vector.broadcast %scan3A_283 : i32 to vector<16xi32>
        %select_n3A_324 = arith.select %eq3A_322, %broadcast_in_dim3A_323, %get3A_319 : vector<16xi1>, vector<16xi32>
        %swap3A_325 = arith.constant 0 : index
        %swap3A_326 = tpu.vector_load %arg44[%swap3A_325] {strides = array<i32>} : memref<64xi32, #tpu.memory_space<vmem>>, vector<16xi32>,
        tpu.vector_store %arg44[%swap3A_325], %select_n3A_324 {strides = array<i32>} : memref<64xi32, #tpu.memory_space<vmem>>, vector<16xi32>,
        "tpu.region"() ({
          %run_scoped3A_334 = tpu.sem_alloc : memref<!tpu.dma_semaphore, #tpu.memory_space<semaphore_mem>>
          %dma_start3A = arith.constant 0 : i32
          %dma_start3A_335 = tpu.memref_slice %arg44[%dma_start3A] : memref<64xi32, #tpu.memory_space<vmem>> -> memref<16xi32, #tpu.memory_space<vmem>>
          %dma_start3A_336 = tpu.memref_slice %arg19[%mul3A_317] : memref<32xi32, #tpu.memory_space<vmem_shared>> -> memref<16xi32, #tpu.memory_space<vmem_shared>>
          %dma_start3A_337 = tpu.memref_slice %arg19[%mul3A_317] : memref<32xi32, #tpu.memory_space<vmem_shared>> -> memref<16xi32, #tpu.memory_space<vmem_shared>>
          %dma_start3A_338 = arith.constant 0 : i32
          %dma_start3A_339 = tpu.memref_slice %arg44[%dma_start3A_338] : memref<64xi32, #tpu.memory_space<vmem>> -> memref<16xi32, #tpu.memory_space<vmem>>
          tpu.enqueue_dma source(%dma_start3A_339 : memref<16xi32, #tpu.memory_space<vmem>>) target(%dma_start3A_337 : memref<16xi32, #tpu.memory_space<vmem_shared>>) target_semaphore(%run_scoped3A_334 : memref<!tpu.dma_semaphore, #tpu.memory_space<semaphore_mem>>)
          %dma_wait3A = arith.constant 0 : i32
          %dma_wait3A_340 = tpu.memref_slice %arg44[%dma_wait3A] : memref<64xi32, #tpu.memory_space<vmem>> -> memref<16xi32, #tpu.memory_space<vmem>>
          %dma_wait3A_341 = tpu.memref_slice %arg19[%mul3A_317] : memref<32xi32, #tpu.memory_space<vmem_shared>> -> memref<16xi32, #tpu.memory_space<vmem_shared>>
          %dma_wait3A_342 = tpu.memref_slice %arg19[%mul3A_317] : memref<32xi32, #tpu.memory_space<vmem_shared>> -> memref<16xi32, #tpu.memory_space<vmem_shared>>
          %dma_wait3A_343 = arith.constant 0 : i32
          %dma_wait3A_344 = tpu.memref_slice %arg44[%dma_wait3A_343] : memref<64xi32, #tpu.memory_space<vmem>> -> memref<16xi32, #tpu.memory_space<vmem>>
          tpu.wait_dma2 semaphore(%run_scoped3A_334 : memref<!tpu.dma_semaphore, #tpu.memory_space<semaphore_mem>>) src(%dma_wait3A_344 : memref<16xi32, #tpu.memory_space<vmem>>) dst(%dma_wait3A_342 : memref<16xi32, #tpu.memory_space<vmem_shared>>)
          tpu.yield
        }) : () -> ()
        %scan3A_327 = arith.constant 0 : i32
        %scan3A_328 = arith.constant 0 : i32
        %scan3A_329 = arith.constant 20 : i32
        %scan3A_330 = arith.addi %scan3A_328, %scan3A_329 : i32
        %scan3A_331 = arith.constant 1 : i32
        %scan3A_332 = scf.for %scan3A_334 = %scan3A_328 to %scan3A_330 step %scan3A_331 iter_args(%scan3A_335 = %scan3A_327) -> (i32)  : i32 {
          %mul3A_336 = arith.constant 16 : i32
          %mul3A_337 = arith.muli %scan3A_334, %mul3A_336 : i32
          %add3A_338 = arith.addi %select_n3A, %mul3A_337 : i32
          %add3A_339 = vector.broadcast %add3A_338 : i32 to vector<16xi32>
          %add3A_340 = arith.addi %add3A_339, %iota3A : vector<16xi32>
          %lt3A_341 = vector.broadcast %scan3A_193 : i32 to vector<16xi32>
          %lt3A_342 = arith.cmpi slt, %add3A_340, %lt3A_341 : vector<16xi32>
          %gather3A_343 = tpu.vector_load_idx %arg32[%add3A_340] masked %lt3A_342 : memref<336xf32, #tpu.memory_space<vmem>>[vector<16xi32>], vector<16xf32>, vector<16xi1>
          %mul3A_344 = arith.constant 16 : i32
          %mul3A_345 = arith.muli %scan3A_334, %mul3A_344 : i32
          %swap3A_346 = arith.index_cast %mul3A_345 : i32 to index
          %swap3A_347 = tpu.vector_load %arg32[%swap3A_346] {strides = array<i32>} : memref<336xf32, #tpu.memory_space<vmem>>, vector<16xf32>,
          tpu.vector_store %arg32[%swap3A_346], %gather3A_343 {strides = array<i32>} : memref<336xf32, #tpu.memory_space<vmem>>, vector<16xf32>,
          %gather3A_348 = tpu.vector_load_idx %arg33[%add3A_340] masked %lt3A_342 : memref<336xf32, #tpu.memory_space<vmem>>[vector<16xi32>], vector<16xf32>, vector<16xi1>
          %mul3A_349 = arith.constant 16 : i32
          %mul3A_350 = arith.muli %scan3A_334, %mul3A_349 : i32
          %swap3A_351 = arith.index_cast %mul3A_350 : i32 to index
          %swap3A_352 = tpu.vector_load %arg33[%swap3A_351] {strides = array<i32>} : memref<336xf32, #tpu.memory_space<vmem>>, vector<16xf32>,
          tpu.vector_store %arg33[%swap3A_351], %gather3A_348 {strides = array<i32>} : memref<336xf32, #tpu.memory_space<vmem>>, vector<16xf32>,
          %gather3A_353 = tpu.vector_load_idx %arg34[%add3A_340] masked %lt3A_342 : memref<336xf32, #tpu.memory_space<vmem>>[vector<16xi32>], vector<16xf32>, vector<16xi1>
          %mul3A_354 = arith.constant 16 : i32
          %mul3A_355 = arith.muli %scan3A_334, %mul3A_354 : i32
          %swap3A_356 = arith.index_cast %mul3A_355 : i32 to index
          %swap3A_357 = tpu.vector_load %arg34[%swap3A_356] {strides = array<i32>} : memref<336xf32, #tpu.memory_space<vmem>>, vector<16xf32>,
          tpu.vector_store %arg34[%swap3A_356], %gather3A_353 {strides = array<i32>} : memref<336xf32, #tpu.memory_space<vmem>>, vector<16xf32>,
          %gather3A_358 = tpu.vector_load_idx %arg35[%add3A_340] masked %lt3A_342 : memref<336xf32, #tpu.memory_space<vmem>>[vector<16xi32>], vector<16xf32>, vector<16xi1>
          %mul3A_359 = arith.constant 16 : i32
          %mul3A_360 = arith.muli %scan3A_334, %mul3A_359 : i32
          %swap3A_361 = arith.index_cast %mul3A_360 : i32 to index
          %swap3A_362 = tpu.vector_load %arg35[%swap3A_361] {strides = array<i32>} : memref<336xf32, #tpu.memory_space<vmem>>, vector<16xf32>,
          tpu.vector_store %arg35[%swap3A_361], %gather3A_358 {strides = array<i32>} : memref<336xf32, #tpu.memory_space<vmem>>, vector<16xf32>,
          %gather3A_363 = tpu.vector_load_idx %arg36[%add3A_340] masked %lt3A_342 : memref<336xf32, #tpu.memory_space<vmem>>[vector<16xi32>], vector<16xf32>, vector<16xi1>
          %mul3A_364 = arith.constant 16 : i32
          %mul3A_365 = arith.muli %scan3A_334, %mul3A_364 : i32
          %swap3A_366 = arith.index_cast %mul3A_365 : i32 to index
          %swap3A_367 = tpu.vector_load %arg36[%swap3A_366] {strides = array<i32>} : memref<336xf32, #tpu.memory_space<vmem>>, vector<16xf32>,
          tpu.vector_store %arg36[%swap3A_366], %gather3A_363 {strides = array<i32>} : memref<336xf32, #tpu.memory_space<vmem>>, vector<16xf32>,
          %gather3A_368 = tpu.vector_load_idx %arg37[%add3A_340] masked %lt3A_342 : memref<336xf32, #tpu.memory_space<vmem>>[vector<16xi32>], vector<16xf32>, vector<16xi1>
          %mul3A_369 = arith.constant 16 : i32
          %mul3A_370 = arith.muli %scan3A_334, %mul3A_369 : i32
          %swap3A_371 = arith.index_cast %mul3A_370 : i32 to index
          %swap3A_372 = tpu.vector_load %arg37[%swap3A_371] {strides = array<i32>} : memref<336xf32, #tpu.memory_space<vmem>>, vector<16xf32>,
          tpu.vector_store %arg37[%swap3A_371], %gather3A_368 {strides = array<i32>} : memref<336xf32, #tpu.memory_space<vmem>>, vector<16xf32>,
          %gather3A_373 = tpu.vector_load_idx %arg39[%add3A_340] masked %lt3A_342 : memref<336xi32, #tpu.memory_space<vmem>>[vector<16xi32>], vector<16xi32>, vector<16xi1>
          %jit3A_374 = arith.constant 0 : i32
          %broadcast_in_dim3A_375 = vector.broadcast %jit3A_374 : i32 to vector<16xi32>
          %select_n3A_376 = arith.select %lt3A_342, %gather3A_373, %broadcast_in_dim3A_375 : vector<16xi1>, vector<16xi32>
          %mul3A_377 = arith.constant 16 : i32
          %mul3A_378 = arith.muli %scan3A_334, %mul3A_377 : i32
          %swap3A_379 = arith.index_cast %mul3A_378 : i32 to index
          %swap3A_380 = tpu.vector_load %arg39[%swap3A_379] {strides = array<i32>} : memref<336xi32, #tpu.memory_space<vmem>>, vector<16xi32>,
          tpu.vector_store %arg39[%swap3A_379], %select_n3A_376 {strides = array<i32>} : memref<336xi32, #tpu.memory_space<vmem>>, vector<16xi32>,
          %gather3A_381 = tpu.vector_load_idx %arg38[%add3A_340] masked %lt3A_342 : memref<336xi32, #tpu.memory_space<vmem>>[vector<16xi32>], vector<16xi32>, vector<16xi1>
          %jit3A_382 = arith.constant 1073741824 : i32
          %broadcast_in_dim3A_383 = vector.broadcast %jit3A_382 : i32 to vector<16xi32>
          %select_n3A_384 = arith.select %lt3A_342, %gather3A_381, %broadcast_in_dim3A_383 : vector<16xi1>, vector<16xi32>
          %mul3A_385 = arith.constant 16 : i32
          %mul3A_386 = arith.muli %scan3A_334, %mul3A_385 : i32
          %swap3A_387 = arith.index_cast %mul3A_386 : i32 to index
          %swap3A_388 = tpu.vector_load %arg38[%swap3A_387] {strides = array<i32>} : memref<336xi32, #tpu.memory_space<vmem>>, vector<16xi32>,
          tpu.vector_store %arg38[%swap3A_387], %select_n3A_384 {strides = array<i32>} : memref<336xi32, #tpu.memory_space<vmem>>, vector<16xi32>,
          %scan3A_389 = arith.constant 0 : i32
          scf.yield %scan3A_389 : i32
        }
        %scan3A_333 = arith.constant 20 : i32
      } else {
      }
      %gt3A_210 = arith.constant 0 : i32
      %gt3A_211 = arith.cmpi sgt, %select_n3A, %gt3A_210 : i32
      %sub3A = arith.subi %scan3A_193, %select_n3A : i32
      %select_n3A_212 = arith.select %gt3A_211, %sub3A, %scan3A_193 : i32
      %broadcast_in_dim3A_213 = vector.broadcast %select_n3A_212 : i32 to vector<16xi32>
      %swap3A_214 = arith.constant 32 : index
      %swap3A_215 = tpu.vector_load %arg44[%swap3A_214] {strides = array<i32>} : memref<64xi32, #tpu.memory_space<vmem>>, vector<16xi32>,
      tpu.vector_store %arg44[%swap3A_214], %broadcast_in_dim3A_213 {strides = array<i32>} : memref<64xi32, #tpu.memory_space<vmem>>, vector<16xi32>,
      %barrier3A_216 = arith.constant 0 : index
      tpu.barrier barrier_id(%barrier3A_216)
      %shift_right_arithmetic3A_217 = arith.constant 4 : i32
      %shift_right_arithmetic3A_218 = arith.shrsi %scan3A_192, %shift_right_arithmetic3A_217 : i32
      %mul3A_219 = arith.constant 16 : i32
      %mul3A_220 = arith.muli %shift_right_arithmetic3A_218, %mul3A_219 : i32
      "tpu.region"() ({
        %run_scoped3A = tpu.sem_alloc : memref<!tpu.dma_semaphore, #tpu.memory_space<semaphore_mem>>
        %dma_start3A = arith.constant 0 : i32
        %dma_start3A_243 = tpu.memref_slice %arg44[%dma_start3A] : memref<64xi32, #tpu.memory_space<vmem>> -> memref<16xi32, #tpu.memory_space<vmem>>
        %dma_start3A_244 = tpu.memref_slice %arg19[%mul3A_220] : memref<32xi32, #tpu.memory_space<vmem_shared>> -> memref<16xi32, #tpu.memory_space<vmem_shared>>
        %dma_start3A_245 = arith.constant 0 : i32
        %dma_start3A_246 = tpu.memref_slice %arg44[%dma_start3A_245] : memref<64xi32, #tpu.memory_space<vmem>> -> memref<16xi32, #tpu.memory_space<vmem>>
        %dma_start3A_247 = tpu.memref_slice %arg19[%mul3A_220] : memref<32xi32, #tpu.memory_space<vmem_shared>> -> memref<16xi32, #tpu.memory_space<vmem_shared>>
        tpu.enqueue_dma source(%dma_start3A_247 : memref<16xi32, #tpu.memory_space<vmem_shared>>) target(%dma_start3A_246 : memref<16xi32, #tpu.memory_space<vmem>>) target_semaphore(%run_scoped3A : memref<!tpu.dma_semaphore, #tpu.memory_space<semaphore_mem>>)
        %dma_wait3A = arith.constant 0 : i32
        %dma_wait3A_248 = tpu.memref_slice %arg44[%dma_wait3A] : memref<64xi32, #tpu.memory_space<vmem>> -> memref<16xi32, #tpu.memory_space<vmem>>
        %dma_wait3A_249 = tpu.memref_slice %arg19[%mul3A_220] : memref<32xi32, #tpu.memory_space<vmem_shared>> -> memref<16xi32, #tpu.memory_space<vmem_shared>>
        %dma_wait3A_250 = arith.constant 0 : i32
        %dma_wait3A_251 = tpu.memref_slice %arg44[%dma_wait3A_250] : memref<64xi32, #tpu.memory_space<vmem>> -> memref<16xi32, #tpu.memory_space<vmem>>
        %dma_wait3A_252 = tpu.memref_slice %arg19[%mul3A_220] : memref<32xi32, #tpu.memory_space<vmem_shared>> -> memref<16xi32, #tpu.memory_space<vmem_shared>>
        tpu.wait_dma2 semaphore(%run_scoped3A : memref<!tpu.dma_semaphore, #tpu.memory_space<semaphore_mem>>) src(%dma_wait3A_252 : memref<16xi32, #tpu.memory_space<vmem_shared>>) dst(%dma_wait3A_251 : memref<16xi32, #tpu.memory_space<vmem>>)
        tpu.yield
      }) : () -> ()
      %get3A = arith.constant 0 : index
      %get3A_221 = tpu.vector_load %arg44[%get3A] {strides = array<i32>} : memref<64xi32, #tpu.memory_space<vmem>>, vector<16xi32>,
      %sub3A_222 = arith.subi %scan3A_192, %mul3A_220 : i32
      %broadcast_in_dim3A_223 = vector.broadcast %sub3A_222 : i32 to vector<16xi32>
      %lt3A = arith.constant 0 : i32
      %lt3A_224 = vector.broadcast %lt3A : i32 to vector<16xi32>
      %lt3A_225 = arith.cmpi slt, %broadcast_in_dim3A_223, %lt3A_224 : vector<16xi32>
      %add3A_226 = arith.constant 16 : i32
      %add3A_227 = vector.broadcast %add3A_226 : i32 to vector<16xi32>
      %add3A_228 = arith.addi %broadcast_in_dim3A_223, %add3A_227 : vector<16xi32>
      %select_n3A_229 = arith.select %lt3A_225, %add3A_228, %broadcast_in_dim3A_223 : vector<16xi1>, vector<16xi32>
      %broadcast_in_dim3A_230 = vector.shape_cast %select_n3A_229 : vector<16xi32> to vector<16x1xi32>
      %gather3A = vector.shape_cast %broadcast_in_dim3A_230 : vector<16x1xi32> to vector<16xi32>
      %gather3A_231 = tpu.dynamic_gather %get3A_221[%gather3A] in [0] : vector<16xi32>, vector<16xi32> -> vector<16xi32>
      %slice3A = vector.extract_strided_slice %gather3A_231 {offsets = [0], sizes = [1], strides = [1]} : vector<16xi32> to vector<1xi32>
      %squeeze3A = vector.extract %slice3A[0] : i32 from vector<1xi32>
      %gt3A_232 = arith.constant 0 : i32
      %gt3A_233 = arith.cmpi sgt, %squeeze3A, %gt3A_232 : i32
      %gt3A_234 = arith.constant 0 : i32
      %gt3A_235 = arith.cmpi sgt, %select_n3A_212, %gt3A_234 : i32
      %and3A = arith.andi %gt3A_233, %gt3A_235 : i1
      %convert_element_type3A_236 = arith.extui %and3A : i1 to i32
      %cond3A_237 = arith.constant 0 : i32
      %cond3A_238 = arith.cmpi ne, %convert_element_type3A_236, %cond3A_237 : i32
      scf.if %cond3A_238 {
        %run_scoped3A = arith.constant 1 : i32
        "tpu.region"() ({
          %run_scoped3A_288 = tpu.sem_alloc : memref<!tpu.dma_semaphore, #tpu.memory_space<semaphore_mem>>
          %dma_start3A = arith.constant 0 : i32
          %dma_start3A_289 = tpu.memref_slice %arg42[%run_scoped3A, %dma_start3A] : memref<6x256xf32, #tpu.memory_space<vmem>> -> memref<1x256xf32, #tpu.memory_space<vmem>>
          %dma_start3A_290 = tpu.memref_squeeze %dma_start3A_289 : memref<1x256xf32, #tpu.memory_space<vmem>> -> memref<256xf32, #tpu.memory_space<vmem>>
          %dma_start3A_291 = arith.constant 256 : i32
          %dma_start3A_292 = tpu.memref_slice %arg13[%dma_start3A_291] : memref<1536xf32, #tpu.memory_space<vmem_shared>> -> memref<256xf32, #tpu.memory_space<vmem_shared>>
          %dma_start3A_293 = arith.constant 0 : i32
          %dma_start3A_294 = tpu.memref_slice %arg42[%run_scoped3A, %dma_start3A_293] : memref<6x256xf32, #tpu.memory_space<vmem>> -> memref<1x256xf32, #tpu.memory_space<vmem>>
          %dma_start3A_295 = tpu.memref_squeeze %dma_start3A_294 : memref<1x256xf32, #tpu.memory_space<vmem>> -> memref<256xf32, #tpu.memory_space<vmem>>
          %dma_start3A_296 = arith.constant 256 : i32
          %dma_start3A_297 = tpu.memref_slice %arg13[%dma_start3A_296] : memref<1536xf32, #tpu.memory_space<vmem_shared>> -> memref<256xf32, #tpu.memory_space<vmem_shared>>
          tpu.enqueue_dma source(%dma_start3A_297 : memref<256xf32, #tpu.memory_space<vmem_shared>>) target(%dma_start3A_295 : memref<256xf32, #tpu.memory_space<vmem>>) target_semaphore(%run_scoped3A_288 : memref<!tpu.dma_semaphore, #tpu.memory_space<semaphore_mem>>)
          %dma_wait3A = arith.constant 0 : i32
          %dma_wait3A_298 = tpu.memref_slice %arg42[%run_scoped3A, %dma_wait3A] : memref<6x256xf32, #tpu.memory_space<vmem>> -> memref<1x256xf32, #tpu.memory_space<vmem>>
          %dma_wait3A_299 = tpu.memref_squeeze %dma_wait3A_298 : memref<1x256xf32, #tpu.memory_space<vmem>> -> memref<256xf32, #tpu.memory_space<vmem>>
          %dma_wait3A_300 = arith.constant 256 : i32
          %dma_wait3A_301 = tpu.memref_slice %arg13[%dma_wait3A_300] : memref<1536xf32, #tpu.memory_space<vmem_shared>> -> memref<256xf32, #tpu.memory_space<vmem_shared>>
          %dma_wait3A_302 = arith.constant 0 : i32
          %dma_wait3A_303 = tpu.memref_slice %arg42[%run_scoped3A, %dma_wait3A_302] : memref<6x256xf32, #tpu.memory_space<vmem>> -> memref<1x256xf32, #tpu.memory_space<vmem>>
          %dma_wait3A_304 = tpu.memref_squeeze %dma_wait3A_303 : memref<1x256xf32, #tpu.memory_space<vmem>> -> memref<256xf32, #tpu.memory_space<vmem>>
          %dma_wait3A_305 = arith.constant 256 : i32
          %dma_wait3A_306 = tpu.memref_slice %arg13[%dma_wait3A_305] : memref<1536xf32, #tpu.memory_space<vmem_shared>> -> memref<256xf32, #tpu.memory_space<vmem_shared>>
          tpu.wait_dma2 semaphore(%run_scoped3A_288 : memref<!tpu.dma_semaphore, #tpu.memory_space<semaphore_mem>>) src(%dma_wait3A_306 : memref<256xf32, #tpu.memory_space<vmem_shared>>) dst(%dma_wait3A_304 : memref<256xf32, #tpu.memory_space<vmem>>)
          tpu.yield
        }) : () -> ()
        %run_scoped3A_243 = arith.constant 2 : i32
        "tpu.region"() ({
          %run_scoped3A_288 = tpu.sem_alloc : memref<!tpu.dma_semaphore, #tpu.memory_space<semaphore_mem>>
          %dma_start3A = arith.constant 0 : i32
          %dma_start3A_289 = tpu.memref_slice %arg42[%run_scoped3A_243, %dma_start3A] : memref<6x256xf32, #tpu.memory_space<vmem>> -> memref<1x256xf32, #tpu.memory_space<vmem>>
          %dma_start3A_290 = tpu.memref_squeeze %dma_start3A_289 : memref<1x256xf32, #tpu.memory_space<vmem>> -> memref<256xf32, #tpu.memory_space<vmem>>
          %dma_start3A_291 = arith.constant 512 : i32
          %dma_start3A_292 = tpu.memref_slice %arg13[%dma_start3A_291] : memref<1536xf32, #tpu.memory_space<vmem_shared>> -> memref<256xf32, #tpu.memory_space<vmem_shared>>
          %dma_start3A_293 = arith.constant 0 : i32
          %dma_start3A_294 = tpu.memref_slice %arg42[%run_scoped3A_243, %dma_start3A_293] : memref<6x256xf32, #tpu.memory_space<vmem>> -> memref<1x256xf32, #tpu.memory_space<vmem>>
          %dma_start3A_295 = tpu.memref_squeeze %dma_start3A_294 : memref<1x256xf32, #tpu.memory_space<vmem>> -> memref<256xf32, #tpu.memory_space<vmem>>
          %dma_start3A_296 = arith.constant 512 : i32
          %dma_start3A_297 = tpu.memref_slice %arg13[%dma_start3A_296] : memref<1536xf32, #tpu.memory_space<vmem_shared>> -> memref<256xf32, #tpu.memory_space<vmem_shared>>
          tpu.enqueue_dma source(%dma_start3A_297 : memref<256xf32, #tpu.memory_space<vmem_shared>>) target(%dma_start3A_295 : memref<256xf32, #tpu.memory_space<vmem>>) target_semaphore(%run_scoped3A_288 : memref<!tpu.dma_semaphore, #tpu.memory_space<semaphore_mem>>)
          %dma_wait3A = arith.constant 0 : i32
          %dma_wait3A_298 = tpu.memref_slice %arg42[%run_scoped3A_243, %dma_wait3A] : memref<6x256xf32, #tpu.memory_space<vmem>> -> memref<1x256xf32, #tpu.memory_space<vmem>>
          %dma_wait3A_299 = tpu.memref_squeeze %dma_wait3A_298 : memref<1x256xf32, #tpu.memory_space<vmem>> -> memref<256xf32, #tpu.memory_space<vmem>>
          %dma_wait3A_300 = arith.constant 512 : i32
          %dma_wait3A_301 = tpu.memref_slice %arg13[%dma_wait3A_300] : memref<1536xf32, #tpu.memory_space<vmem_shared>> -> memref<256xf32, #tpu.memory_space<vmem_shared>>
          %dma_wait3A_302 = arith.constant 0 : i32
          %dma_wait3A_303 = tpu.memref_slice %arg42[%run_scoped3A_243, %dma_wait3A_302] : memref<6x256xf32, #tpu.memory_space<vmem>> -> memref<1x256xf32, #tpu.memory_space<vmem>>
          %dma_wait3A_304 = tpu.memref_squeeze %dma_wait3A_303 : memref<1x256xf32, #tpu.memory_space<vmem>> -> memref<256xf32, #tpu.memory_space<vmem>>
          %dma_wait3A_305 = arith.constant 512 : i32
          %dma_wait3A_306 = tpu.memref_slice %arg13[%dma_wait3A_305] : memref<1536xf32, #tpu.memory_space<vmem_shared>> -> memref<256xf32, #tpu.memory_space<vmem_shared>>
          tpu.wait_dma2 semaphore(%run_scoped3A_288 : memref<!tpu.dma_semaphore, #tpu.memory_space<semaphore_mem>>) src(%dma_wait3A_306 : memref<256xf32, #tpu.memory_space<vmem_shared>>) dst(%dma_wait3A_304 : memref<256xf32, #tpu.memory_space<vmem>>)
          tpu.yield
        }) : () -> ()
        %run_scoped3A_244 = arith.constant 3 : i32
        "tpu.region"() ({
          %run_scoped3A_288 = tpu.sem_alloc : memref<!tpu.dma_semaphore, #tpu.memory_space<semaphore_mem>>
          %dma_start3A = arith.constant 0 : i32
          %dma_start3A_289 = tpu.memref_slice %arg42[%run_scoped3A_244, %dma_start3A] : memref<6x256xf32, #tpu.memory_space<vmem>> -> memref<1x256xf32, #tpu.memory_space<vmem>>
          %dma_start3A_290 = tpu.memref_squeeze %dma_start3A_289 : memref<1x256xf32, #tpu.memory_space<vmem>> -> memref<256xf32, #tpu.memory_space<vmem>>
          %dma_start3A_291 = arith.constant 768 : i32
          %dma_start3A_292 = tpu.memref_slice %arg13[%dma_start3A_291] : memref<1536xf32, #tpu.memory_space<vmem_shared>> -> memref<256xf32, #tpu.memory_space<vmem_shared>>
          %dma_start3A_293 = arith.constant 0 : i32
          %dma_start3A_294 = tpu.memref_slice %arg42[%run_scoped3A_244, %dma_start3A_293] : memref<6x256xf32, #tpu.memory_space<vmem>> -> memref<1x256xf32, #tpu.memory_space<vmem>>
          %dma_start3A_295 = tpu.memref_squeeze %dma_start3A_294 : memref<1x256xf32, #tpu.memory_space<vmem>> -> memref<256xf32, #tpu.memory_space<vmem>>
          %dma_start3A_296 = arith.constant 768 : i32
          %dma_start3A_297 = tpu.memref_slice %arg13[%dma_start3A_296] : memref<1536xf32, #tpu.memory_space<vmem_shared>> -> memref<256xf32, #tpu.memory_space<vmem_shared>>
          tpu.enqueue_dma source(%dma_start3A_297 : memref<256xf32, #tpu.memory_space<vmem_shared>>) target(%dma_start3A_295 : memref<256xf32, #tpu.memory_space<vmem>>) target_semaphore(%run_scoped3A_288 : memref<!tpu.dma_semaphore, #tpu.memory_space<semaphore_mem>>)
          %dma_wait3A = arith.constant 0 : i32
          %dma_wait3A_298 = tpu.memref_slice %arg42[%run_scoped3A_244, %dma_wait3A] : memref<6x256xf32, #tpu.memory_space<vmem>> -> memref<1x256xf32, #tpu.memory_space<vmem>>
          %dma_wait3A_299 = tpu.memref_squeeze %dma_wait3A_298 : memref<1x256xf32, #tpu.memory_space<vmem>> -> memref<256xf32, #tpu.memory_space<vmem>>
          %dma_wait3A_300 = arith.constant 768 : i32
          %dma_wait3A_301 = tpu.memref_slice %arg13[%dma_wait3A_300] : memref<1536xf32, #tpu.memory_space<vmem_shared>> -> memref<256xf32, #tpu.memory_space<vmem_shared>>
          %dma_wait3A_302 = arith.constant 0 : i32
          %dma_wait3A_303 = tpu.memref_slice %arg42[%run_scoped3A_244, %dma_wait3A_302] : memref<6x256xf32, #tpu.memory_space<vmem>> -> memref<1x256xf32, #tpu.memory_space<vmem>>
          %dma_wait3A_304 = tpu.memref_squeeze %dma_wait3A_303 : memref<1x256xf32, #tpu.memory_space<vmem>> -> memref<256xf32, #tpu.memory_space<vmem>>
          %dma_wait3A_305 = arith.constant 768 : i32
          %dma_wait3A_306 = tpu.memref_slice %arg13[%dma_wait3A_305] : memref<1536xf32, #tpu.memory_space<vmem_shared>> -> memref<256xf32, #tpu.memory_space<vmem_shared>>
          tpu.wait_dma2 semaphore(%run_scoped3A_288 : memref<!tpu.dma_semaphore, #tpu.memory_space<semaphore_mem>>) src(%dma_wait3A_306 : memref<256xf32, #tpu.memory_space<vmem_shared>>) dst(%dma_wait3A_304 : memref<256xf32, #tpu.memory_space<vmem>>)
          tpu.yield
        }) : () -> ()
        %run_scoped3A_245 = arith.constant 4 : i32
        "tpu.region"() ({
          %run_scoped3A_288 = tpu.sem_alloc : memref<!tpu.dma_semaphore, #tpu.memory_space<semaphore_mem>>
          %dma_start3A = arith.constant 0 : i32
          %dma_start3A_289 = tpu.memref_slice %arg42[%run_scoped3A_245, %dma_start3A] : memref<6x256xf32, #tpu.memory_space<vmem>> -> memref<1x256xf32, #tpu.memory_space<vmem>>
          %dma_start3A_290 = tpu.memref_squeeze %dma_start3A_289 : memref<1x256xf32, #tpu.memory_space<vmem>> -> memref<256xf32, #tpu.memory_space<vmem>>
          %dma_start3A_291 = arith.constant 1024 : i32
          %dma_start3A_292 = tpu.memref_slice %arg13[%dma_start3A_291] : memref<1536xf32, #tpu.memory_space<vmem_shared>> -> memref<256xf32, #tpu.memory_space<vmem_shared>>
          %dma_start3A_293 = arith.constant 0 : i32
          %dma_start3A_294 = tpu.memref_slice %arg42[%run_scoped3A_245, %dma_start3A_293] : memref<6x256xf32, #tpu.memory_space<vmem>> -> memref<1x256xf32, #tpu.memory_space<vmem>>
          %dma_start3A_295 = tpu.memref_squeeze %dma_start3A_294 : memref<1x256xf32, #tpu.memory_space<vmem>> -> memref<256xf32, #tpu.memory_space<vmem>>
          %dma_start3A_296 = arith.constant 1024 : i32
          %dma_start3A_297 = tpu.memref_slice %arg13[%dma_start3A_296] : memref<1536xf32, #tpu.memory_space<vmem_shared>> -> memref<256xf32, #tpu.memory_space<vmem_shared>>
          tpu.enqueue_dma source(%dma_start3A_297 : memref<256xf32, #tpu.memory_space<vmem_shared>>) target(%dma_start3A_295 : memref<256xf32, #tpu.memory_space<vmem>>) target_semaphore(%run_scoped3A_288 : memref<!tpu.dma_semaphore, #tpu.memory_space<semaphore_mem>>)
          %dma_wait3A = arith.constant 0 : i32
          %dma_wait3A_298 = tpu.memref_slice %arg42[%run_scoped3A_245, %dma_wait3A] : memref<6x256xf32, #tpu.memory_space<vmem>> -> memref<1x256xf32, #tpu.memory_space<vmem>>
          %dma_wait3A_299 = tpu.memref_squeeze %dma_wait3A_298 : memref<1x256xf32, #tpu.memory_space<vmem>> -> memref<256xf32, #tpu.memory_space<vmem>>
          %dma_wait3A_300 = arith.constant 1024 : i32
          %dma_wait3A_301 = tpu.memref_slice %arg13[%dma_wait3A_300] : memref<1536xf32, #tpu.memory_space<vmem_shared>> -> memref<256xf32, #tpu.memory_space<vmem_shared>>
          %dma_wait3A_302 = arith.constant 0 : i32
          %dma_wait3A_303 = tpu.memref_slice %arg42[%run_scoped3A_245, %dma_wait3A_302] : memref<6x256xf32, #tpu.memory_space<vmem>> -> memref<1x256xf32, #tpu.memory_space<vmem>>
          %dma_wait3A_304 = tpu.memref_squeeze %dma_wait3A_303 : memref<1x256xf32, #tpu.memory_space<vmem>> -> memref<256xf32, #tpu.memory_space<vmem>>
          %dma_wait3A_305 = arith.constant 1024 : i32
          %dma_wait3A_306 = tpu.memref_slice %arg13[%dma_wait3A_305] : memref<1536xf32, #tpu.memory_space<vmem_shared>> -> memref<256xf32, #tpu.memory_space<vmem_shared>>
          tpu.wait_dma2 semaphore(%run_scoped3A_288 : memref<!tpu.dma_semaphore, #tpu.memory_space<semaphore_mem>>) src(%dma_wait3A_306 : memref<256xf32, #tpu.memory_space<vmem_shared>>) dst(%dma_wait3A_304 : memref<256xf32, #tpu.memory_space<vmem>>)
          tpu.yield
        }) : () -> ()
        %run_scoped3A_246 = arith.constant 5 : i32
        "tpu.region"() ({
          %run_scoped3A_288 = tpu.sem_alloc : memref<!tpu.dma_semaphore, #tpu.memory_space<semaphore_mem>>
          %dma_start3A = arith.constant 0 : i32
          %dma_start3A_289 = tpu.memref_slice %arg42[%run_scoped3A_246, %dma_start3A] : memref<6x256xf32, #tpu.memory_space<vmem>> -> memref<1x256xf32, #tpu.memory_space<vmem>>
          %dma_start3A_290 = tpu.memref_squeeze %dma_start3A_289 : memref<1x256xf32, #tpu.memory_space<vmem>> -> memref<256xf32, #tpu.memory_space<vmem>>
          %dma_start3A_291 = arith.constant 1280 : i32
          %dma_start3A_292 = tpu.memref_slice %arg13[%dma_start3A_291] : memref<1536xf32, #tpu.memory_space<vmem_shared>> -> memref<256xf32, #tpu.memory_space<vmem_shared>>
          %dma_start3A_293 = arith.constant 0 : i32
          %dma_start3A_294 = tpu.memref_slice %arg42[%run_scoped3A_246, %dma_start3A_293] : memref<6x256xf32, #tpu.memory_space<vmem>> -> memref<1x256xf32, #tpu.memory_space<vmem>>
          %dma_start3A_295 = tpu.memref_squeeze %dma_start3A_294 : memref<1x256xf32, #tpu.memory_space<vmem>> -> memref<256xf32, #tpu.memory_space<vmem>>
          %dma_start3A_296 = arith.constant 1280 : i32
          %dma_start3A_297 = tpu.memref_slice %arg13[%dma_start3A_296] : memref<1536xf32, #tpu.memory_space<vmem_shared>> -> memref<256xf32, #tpu.memory_space<vmem_shared>>
          tpu.enqueue_dma source(%dma_start3A_297 : memref<256xf32, #tpu.memory_space<vmem_shared>>) target(%dma_start3A_295 : memref<256xf32, #tpu.memory_space<vmem>>) target_semaphore(%run_scoped3A_288 : memref<!tpu.dma_semaphore, #tpu.memory_space<semaphore_mem>>)
          %dma_wait3A = arith.constant 0 : i32
          %dma_wait3A_298 = tpu.memref_slice %arg42[%run_scoped3A_246, %dma_wait3A] : memref<6x256xf32, #tpu.memory_space<vmem>> -> memref<1x256xf32, #tpu.memory_space<vmem>>
          %dma_wait3A_299 = tpu.memref_squeeze %dma_wait3A_298 : memref<1x256xf32, #tpu.memory_space<vmem>> -> memref<256xf32, #tpu.memory_space<vmem>>
          %dma_wait3A_300 = arith.constant 1280 : i32
          %dma_wait3A_301 = tpu.memref_slice %arg13[%dma_wait3A_300] : memref<1536xf32, #tpu.memory_space<vmem_shared>> -> memref<256xf32, #tpu.memory_space<vmem_shared>>
          %dma_wait3A_302 = arith.constant 0 : i32
          %dma_wait3A_303 = tpu.memref_slice %arg42[%run_scoped3A_246, %dma_wait3A_302] : memref<6x256xf32, #tpu.memory_space<vmem>> -> memref<1x256xf32, #tpu.memory_space<vmem>>
          %dma_wait3A_304 = tpu.memref_squeeze %dma_wait3A_303 : memref<1x256xf32, #tpu.memory_space<vmem>> -> memref<256xf32, #tpu.memory_space<vmem>>
          %dma_wait3A_305 = arith.constant 1280 : i32
          %dma_wait3A_306 = tpu.memref_slice %arg13[%dma_wait3A_305] : memref<1536xf32, #tpu.memory_space<vmem_shared>> -> memref<256xf32, #tpu.memory_space<vmem_shared>>
          tpu.wait_dma2 semaphore(%run_scoped3A_288 : memref<!tpu.dma_semaphore, #tpu.memory_space<semaphore_mem>>) src(%dma_wait3A_306 : memref<256xf32, #tpu.memory_space<vmem_shared>>) dst(%dma_wait3A_304 : memref<256xf32, #tpu.memory_space<vmem>>)
          tpu.yield
        }) : () -> ()
        %add3A_247 = arith.constant 15 : i32
        %add3A_248 = arith.addi %select_n3A_212, %add3A_247 : i32
        %shift_right_arithmetic3A_249 = arith.constant 4 : i32
        %shift_right_arithmetic3A_250 = arith.shrsi %add3A_248, %shift_right_arithmetic3A_249 : i32
        %add3A_251 = arith.constant 3 : i32
        %add3A_252 = arith.addi %squeeze3A, %add3A_251 : i32
        %shift_right_arithmetic3A_253 = arith.constant 2 : i32
        %shift_right_arithmetic3A_254 = arith.shrsi %add3A_252, %shift_right_arithmetic3A_253 : i32
        %while3A = arith.constant 0 : i32
        %while3A_255 = arith.constant 0 : i32
        %while3A_256 = arith.subi %shift_right_arithmetic3A_254, %while3A : i32
        %while3A_257 = arith.addi %while3A, %while3A_256 : i32
        %while3A_258 = arith.constant 1 : i32
        %while3A_259 = arith.divsi %while3A_256, %while3A_258 : i32
        %while3A_260 = arith.muli %while3A_259, %while3A_258 : i32
        %while3A_261 = arith.addi %while3A, %while3A_260 : i32
        %while3A_262 = arith.constant 1 : i32
        %while3A_263 = scf.for %while3A_288 = %while3A to %while3A_261 step %while3A_262 iter_args(%while3A_289 = %while3A_255) -> (i32)  : i32 {
          %mul3A_290 = arith.constant 4 : i32
          %mul3A_291 = arith.muli %while3A_288, %mul3A_290 : i32
          %add3A_292 = arith.constant 0 : i32
          %add3A_293 = arith.addi %mul3A_291, %add3A_292 : i32
          %get3A_294 = arith.constant 1 : i32
          %get3A_295 = arith.index_cast %get3A_294 : i32 to index
          %get3A_296 = arith.index_cast %add3A_293 : i32 to index
          %get3A_297 = tpu.vector_load %arg42[%get3A_295, %get3A_296] {strides = array<i32>} : memref<6x256xf32, #tpu.memory_space<vmem>>, vector<16xf32>,
          %slice3A_298 = vector.extract_strided_slice %get3A_297 {offsets = [0], sizes = [1], strides = [1]} : vector<16xf32> to vector<1xf32>
          %squeeze3A_299 = vector.extract %slice3A_298[0] : f32 from vector<1xf32>
          %broadcast_in_dim3A_300 = vector.broadcast %squeeze3A_299 : f32 to vector<16xf32>
          %add3A_301 = arith.constant 0 : i32
          %add3A_302 = arith.addi %mul3A_291, %add3A_301 : i32
          %get3A_303 = arith.constant 2 : i32
          %get3A_304 = arith.index_cast %get3A_303 : i32 to index
          %get3A_305 = arith.index_cast %add3A_302 : i32 to index
          %get3A_306 = tpu.vector_load %arg42[%get3A_304, %get3A_305] {strides = array<i32>} : memref<6x256xf32, #tpu.memory_space<vmem>>, vector<16xf32>,
          %slice3A_307 = vector.extract_strided_slice %get3A_306 {offsets = [0], sizes = [1], strides = [1]} : vector<16xf32> to vector<1xf32>
          %squeeze3A_308 = vector.extract %slice3A_307[0] : f32 from vector<1xf32>
          %broadcast_in_dim3A_309 = vector.broadcast %squeeze3A_308 : f32 to vector<16xf32>
          %add3A_310 = arith.constant 0 : i32
          %add3A_311 = arith.addi %mul3A_291, %add3A_310 : i32
          %get3A_312 = arith.constant 3 : i32
          %get3A_313 = arith.index_cast %get3A_312 : i32 to index
          %get3A_314 = arith.index_cast %add3A_311 : i32 to index
          %get3A_315 = tpu.vector_load %arg42[%get3A_313, %get3A_314] {strides = array<i32>} : memref<6x256xf32, #tpu.memory_space<vmem>>, vector<16xf32>,
          %slice3A_316 = vector.extract_strided_slice %get3A_315 {offsets = [0], sizes = [1], strides = [1]} : vector<16xf32> to vector<1xf32>
          %squeeze3A_317 = vector.extract %slice3A_316[0] : f32 from vector<1xf32>
          %broadcast_in_dim3A_318 = vector.broadcast %squeeze3A_317 : f32 to vector<16xf32>
          %add3A_319 = arith.constant 0 : i32
          %add3A_320 = arith.addi %mul3A_291, %add3A_319 : i32
          %get3A_321 = arith.constant 4 : i32
          %get3A_322 = arith.index_cast %get3A_321 : i32 to index
          %get3A_323 = arith.index_cast %add3A_320 : i32 to index
          %get3A_324 = tpu.vector_load %arg42[%get3A_322, %get3A_323] {strides = array<i32>} : memref<6x256xf32, #tpu.memory_space<vmem>>, vector<16xf32>,
          %slice3A_325 = vector.extract_strided_slice %get3A_324 {offsets = [0], sizes = [1], strides = [1]} : vector<16xf32> to vector<1xf32>
          %squeeze3A_326 = vector.extract %slice3A_325[0] : f32 from vector<1xf32>
          %broadcast_in_dim3A_327 = vector.broadcast %squeeze3A_326 : f32 to vector<16xf32>
          %add3A_328 = arith.constant 0 : i32
          %add3A_329 = arith.addi %mul3A_291, %add3A_328 : i32
          %get3A_330 = arith.constant 5 : i32
          %get3A_331 = arith.index_cast %get3A_330 : i32 to index
          %get3A_332 = arith.index_cast %add3A_329 : i32 to index
          %get3A_333 = tpu.vector_load %arg42[%get3A_331, %get3A_332] {strides = array<i32>} : memref<6x256xf32, #tpu.memory_space<vmem>>, vector<16xf32>,
          %slice3A_334 = vector.extract_strided_slice %get3A_333 {offsets = [0], sizes = [1], strides = [1]} : vector<16xf32> to vector<1xf32>
          %squeeze3A_335 = vector.extract %slice3A_334[0] : f32 from vector<1xf32>
          %broadcast_in_dim3A_336 = vector.broadcast %squeeze3A_335 : f32 to vector<16xf32>
          %add3A_337 = arith.constant 1 : i32
          %add3A_338 = arith.addi %mul3A_291, %add3A_337 : i32
          %get3A_339 = arith.constant 1 : i32
          %get3A_340 = arith.index_cast %get3A_339 : i32 to index
          %get3A_341 = arith.index_cast %add3A_338 : i32 to index
          %get3A_342 = tpu.vector_load %arg42[%get3A_340, %get3A_341] {strides = array<i32>} : memref<6x256xf32, #tpu.memory_space<vmem>>, vector<16xf32>,
          %slice3A_343 = vector.extract_strided_slice %get3A_342 {offsets = [0], sizes = [1], strides = [1]} : vector<16xf32> to vector<1xf32>
          %squeeze3A_344 = vector.extract %slice3A_343[0] : f32 from vector<1xf32>
          %broadcast_in_dim3A_345 = vector.broadcast %squeeze3A_344 : f32 to vector<16xf32>
          %add3A_346 = arith.constant 1 : i32
          %add3A_347 = arith.addi %mul3A_291, %add3A_346 : i32
          %get3A_348 = arith.constant 2 : i32
          %get3A_349 = arith.index_cast %get3A_348 : i32 to index
          %get3A_350 = arith.index_cast %add3A_347 : i32 to index
          %get3A_351 = tpu.vector_load %arg42[%get3A_349, %get3A_350] {strides = array<i32>} : memref<6x256xf32, #tpu.memory_space<vmem>>, vector<16xf32>,
          %slice3A_352 = vector.extract_strided_slice %get3A_351 {offsets = [0], sizes = [1], strides = [1]} : vector<16xf32> to vector<1xf32>
          %squeeze3A_353 = vector.extract %slice3A_352[0] : f32 from vector<1xf32>
          %broadcast_in_dim3A_354 = vector.broadcast %squeeze3A_353 : f32 to vector<16xf32>
          %add3A_355 = arith.constant 1 : i32
          %add3A_356 = arith.addi %mul3A_291, %add3A_355 : i32
          %get3A_357 = arith.constant 3 : i32
          %get3A_358 = arith.index_cast %get3A_357 : i32 to index
          %get3A_359 = arith.index_cast %add3A_356 : i32 to index
          %get3A_360 = tpu.vector_load %arg42[%get3A_358, %get3A_359] {strides = array<i32>} : memref<6x256xf32, #tpu.memory_space<vmem>>, vector<16xf32>,
          %slice3A_361 = vector.extract_strided_slice %get3A_360 {offsets = [0], sizes = [1], strides = [1]} : vector<16xf32> to vector<1xf32>
          %squeeze3A_362 = vector.extract %slice3A_361[0] : f32 from vector<1xf32>
          %broadcast_in_dim3A_363 = vector.broadcast %squeeze3A_362 : f32 to vector<16xf32>
          %add3A_364 = arith.constant 1 : i32
          %add3A_365 = arith.addi %mul3A_291, %add3A_364 : i32
          %get3A_366 = arith.constant 4 : i32
          %get3A_367 = arith.index_cast %get3A_366 : i32 to index
          %get3A_368 = arith.index_cast %add3A_365 : i32 to index
          %get3A_369 = tpu.vector_load %arg42[%get3A_367, %get3A_368] {strides = array<i32>} : memref<6x256xf32, #tpu.memory_space<vmem>>, vector<16xf32>,
          %slice3A_370 = vector.extract_strided_slice %get3A_369 {offsets = [0], sizes = [1], strides = [1]} : vector<16xf32> to vector<1xf32>
          %squeeze3A_371 = vector.extract %slice3A_370[0] : f32 from vector<1xf32>
          %broadcast_in_dim3A_372 = vector.broadcast %squeeze3A_371 : f32 to vector<16xf32>
          %add3A_373 = arith.constant 1 : i32
          %add3A_374 = arith.addi %mul3A_291, %add3A_373 : i32
          %get3A_375 = arith.constant 5 : i32
          %get3A_376 = arith.index_cast %get3A_375 : i32 to index
          %get3A_377 = arith.index_cast %add3A_374 : i32 to index
          %get3A_378 = tpu.vector_load %arg42[%get3A_376, %get3A_377] {strides = array<i32>} : memref<6x256xf32, #tpu.memory_space<vmem>>, vector<16xf32>,
          %slice3A_379 = vector.extract_strided_slice %get3A_378 {offsets = [0], sizes = [1], strides = [1]} : vector<16xf32> to vector<1xf32>
          %squeeze3A_380 = vector.extract %slice3A_379[0] : f32 from vector<1xf32>
          %broadcast_in_dim3A_381 = vector.broadcast %squeeze3A_380 : f32 to vector<16xf32>
          %add3A_382 = arith.constant 2 : i32
          %add3A_383 = arith.addi %mul3A_291, %add3A_382 : i32
          %get3A_384 = arith.constant 1 : i32
          %get3A_385 = arith.index_cast %get3A_384 : i32 to index
          %get3A_386 = arith.index_cast %add3A_383 : i32 to index
          %get3A_387 = tpu.vector_load %arg42[%get3A_385, %get3A_386] {strides = array<i32>} : memref<6x256xf32, #tpu.memory_space<vmem>>, vector<16xf32>,
          %slice3A_388 = vector.extract_strided_slice %get3A_387 {offsets = [0], sizes = [1], strides = [1]} : vector<16xf32> to vector<1xf32>
          %squeeze3A_389 = vector.extract %slice3A_388[0] : f32 from vector<1xf32>
          %broadcast_in_dim3A_390 = vector.broadcast %squeeze3A_389 : f32 to vector<16xf32>
          %add3A_391 = arith.constant 2 : i32
          %add3A_392 = arith.addi %mul3A_291, %add3A_391 : i32
          %get3A_393 = arith.constant 2 : i32
          %get3A_394 = arith.index_cast %get3A_393 : i32 to index
          %get3A_395 = arith.index_cast %add3A_392 : i32 to index
          %get3A_396 = tpu.vector_load %arg42[%get3A_394, %get3A_395] {strides = array<i32>} : memref<6x256xf32, #tpu.memory_space<vmem>>, vector<16xf32>,
          %slice3A_397 = vector.extract_strided_slice %get3A_396 {offsets = [0], sizes = [1], strides = [1]} : vector<16xf32> to vector<1xf32>
          %squeeze3A_398 = vector.extract %slice3A_397[0] : f32 from vector<1xf32>
          %broadcast_in_dim3A_399 = vector.broadcast %squeeze3A_398 : f32 to vector<16xf32>
          %add3A_400 = arith.constant 2 : i32
          %add3A_401 = arith.addi %mul3A_291, %add3A_400 : i32
          %get3A_402 = arith.constant 3 : i32
          %get3A_403 = arith.index_cast %get3A_402 : i32 to index
          %get3A_404 = arith.index_cast %add3A_401 : i32 to index
          %get3A_405 = tpu.vector_load %arg42[%get3A_403, %get3A_404] {strides = array<i32>} : memref<6x256xf32, #tpu.memory_space<vmem>>, vector<16xf32>,
          %slice3A_406 = vector.extract_strided_slice %get3A_405 {offsets = [0], sizes = [1], strides = [1]} : vector<16xf32> to vector<1xf32>
          %squeeze3A_407 = vector.extract %slice3A_406[0] : f32 from vector<1xf32>
          %broadcast_in_dim3A_408 = vector.broadcast %squeeze3A_407 : f32 to vector<16xf32>
          %add3A_409 = arith.constant 2 : i32
          %add3A_410 = arith.addi %mul3A_291, %add3A_409 : i32
          %get3A_411 = arith.constant 4 : i32
          %get3A_412 = arith.index_cast %get3A_411 : i32 to index
          %get3A_413 = arith.index_cast %add3A_410 : i32 to index
          %get3A_414 = tpu.vector_load %arg42[%get3A_412, %get3A_413] {strides = array<i32>} : memref<6x256xf32, #tpu.memory_space<vmem>>, vector<16xf32>,
          %slice3A_415 = vector.extract_strided_slice %get3A_414 {offsets = [0], sizes = [1], strides = [1]} : vector<16xf32> to vector<1xf32>
          %squeeze3A_416 = vector.extract %slice3A_415[0] : f32 from vector<1xf32>
          %broadcast_in_dim3A_417 = vector.broadcast %squeeze3A_416 : f32 to vector<16xf32>
          %add3A_418 = arith.constant 2 : i32
          %add3A_419 = arith.addi %mul3A_291, %add3A_418 : i32
          %get3A_420 = arith.constant 5 : i32
          %get3A_421 = arith.index_cast %get3A_420 : i32 to index
          %get3A_422 = arith.index_cast %add3A_419 : i32 to index
          %get3A_423 = tpu.vector_load %arg42[%get3A_421, %get3A_422] {strides = array<i32>} : memref<6x256xf32, #tpu.memory_space<vmem>>, vector<16xf32>,
          %slice3A_424 = vector.extract_strided_slice %get3A_423 {offsets = [0], sizes = [1], strides = [1]} : vector<16xf32> to vector<1xf32>
          %squeeze3A_425 = vector.extract %slice3A_424[0] : f32 from vector<1xf32>
          %broadcast_in_dim3A_426 = vector.broadcast %squeeze3A_425 : f32 to vector<16xf32>
          %add3A_427 = arith.constant 3 : i32
          %add3A_428 = arith.addi %mul3A_291, %add3A_427 : i32
          %get3A_429 = arith.constant 1 : i32
          %get3A_430 = arith.index_cast %get3A_429 : i32 to index
          %get3A_431 = arith.index_cast %add3A_428 : i32 to index
          %get3A_432 = tpu.vector_load %arg42[%get3A_430, %get3A_431] {strides = array<i32>} : memref<6x256xf32, #tpu.memory_space<vmem>>, vector<16xf32>,
          %slice3A_433 = vector.extract_strided_slice %get3A_432 {offsets = [0], sizes = [1], strides = [1]} : vector<16xf32> to vector<1xf32>
          %squeeze3A_434 = vector.extract %slice3A_433[0] : f32 from vector<1xf32>
          %broadcast_in_dim3A_435 = vector.broadcast %squeeze3A_434 : f32 to vector<16xf32>
          %add3A_436 = arith.constant 3 : i32
          %add3A_437 = arith.addi %mul3A_291, %add3A_436 : i32
          %get3A_438 = arith.constant 2 : i32
          %get3A_439 = arith.index_cast %get3A_438 : i32 to index
          %get3A_440 = arith.index_cast %add3A_437 : i32 to index
          %get3A_441 = tpu.vector_load %arg42[%get3A_439, %get3A_440] {strides = array<i32>} : memref<6x256xf32, #tpu.memory_space<vmem>>, vector<16xf32>,
          %slice3A_442 = vector.extract_strided_slice %get3A_441 {offsets = [0], sizes = [1], strides = [1]} : vector<16xf32> to vector<1xf32>
          %squeeze3A_443 = vector.extract %slice3A_442[0] : f32 from vector<1xf32>
          %broadcast_in_dim3A_444 = vector.broadcast %squeeze3A_443 : f32 to vector<16xf32>
          %add3A_445 = arith.constant 3 : i32
          %add3A_446 = arith.addi %mul3A_291, %add3A_445 : i32
          %get3A_447 = arith.constant 3 : i32
          %get3A_448 = arith.index_cast %get3A_447 : i32 to index
          %get3A_449 = arith.index_cast %add3A_446 : i32 to index
          %get3A_450 = tpu.vector_load %arg42[%get3A_448, %get3A_449] {strides = array<i32>} : memref<6x256xf32, #tpu.memory_space<vmem>>, vector<16xf32>,
          %slice3A_451 = vector.extract_strided_slice %get3A_450 {offsets = [0], sizes = [1], strides = [1]} : vector<16xf32> to vector<1xf32>
          %squeeze3A_452 = vector.extract %slice3A_451[0] : f32 from vector<1xf32>
          %broadcast_in_dim3A_453 = vector.broadcast %squeeze3A_452 : f32 to vector<16xf32>
          %add3A_454 = arith.constant 3 : i32
          %add3A_455 = arith.addi %mul3A_291, %add3A_454 : i32
          %get3A_456 = arith.constant 4 : i32
          %get3A_457 = arith.index_cast %get3A_456 : i32 to index
          %get3A_458 = arith.index_cast %add3A_455 : i32 to index
          %get3A_459 = tpu.vector_load %arg42[%get3A_457, %get3A_458] {strides = array<i32>} : memref<6x256xf32, #tpu.memory_space<vmem>>, vector<16xf32>,
          %slice3A_460 = vector.extract_strided_slice %get3A_459 {offsets = [0], sizes = [1], strides = [1]} : vector<16xf32> to vector<1xf32>
          %squeeze3A_461 = vector.extract %slice3A_460[0] : f32 from vector<1xf32>
          %broadcast_in_dim3A_462 = vector.broadcast %squeeze3A_461 : f32 to vector<16xf32>
          %add3A_463 = arith.constant 3 : i32
          %add3A_464 = arith.addi %mul3A_291, %add3A_463 : i32
          %get3A_465 = arith.constant 5 : i32
          %get3A_466 = arith.index_cast %get3A_465 : i32 to index
          %get3A_467 = arith.index_cast %add3A_464 : i32 to index
          %get3A_468 = tpu.vector_load %arg42[%get3A_466, %get3A_467] {strides = array<i32>} : memref<6x256xf32, #tpu.memory_space<vmem>>, vector<16xf32>,
          %slice3A_469 = vector.extract_strided_slice %get3A_468 {offsets = [0], sizes = [1], strides = [1]} : vector<16xf32> to vector<1xf32>
          %squeeze3A_470 = vector.extract %slice3A_469[0] : f32 from vector<1xf32>
          %broadcast_in_dim3A_471 = vector.broadcast %squeeze3A_470 : f32 to vector<16xf32>
          %while3A_472 = arith.constant 0 : i32
          %while3A_473 = arith.constant 0 : i32
          %while3A_474 = arith.subi %shift_right_arithmetic3A_250, %while3A_472 : i32
          %while3A_475 = arith.addi %while3A_472, %while3A_474 : i32
          %while3A_476 = arith.constant 1 : i32
          %while3A_477 = arith.divsi %while3A_474, %while3A_476 : i32
          %while3A_478 = arith.muli %while3A_477, %while3A_476 : i32
          %while3A_479 = arith.addi %while3A_472, %while3A_478 : i32
          %while3A_480 = arith.constant 1 : i32
          %while3A_481 = scf.for %while3A_485 = %while3A_472 to %while3A_479 step %while3A_480 iter_args(%while3A_486 = %while3A_473) -> (i32)  : i32 {
            %mul3A_487 = arith.constant 16 : i32
            %mul3A_488 = arith.muli %while3A_485, %mul3A_487 : i32
            %get3A_489 = arith.index_cast %mul3A_488 : i32 to index
            %get3A_490 = tpu.vector_load %arg39[%get3A_489] {strides = array<i32>} : memref<336xi32, #tpu.memory_space<vmem>>, vector<16xi32>,
            %mul3A_491 = arith.constant 16 : i32
            %mul3A_492 = arith.muli %while3A_485, %mul3A_491 : i32
            %get3A_493 = arith.index_cast %mul3A_492 : i32 to index
            %get3A_494 = tpu.vector_load %arg32[%get3A_493] {strides = array<i32>} : memref<336xf32, #tpu.memory_space<vmem>>, vector<16xf32>,
            %mul3A_495 = arith.constant 16 : i32
            %mul3A_496 = arith.muli %while3A_485, %mul3A_495 : i32
            %get3A_497 = arith.index_cast %mul3A_496 : i32 to index
            %get3A_498 = tpu.vector_load %arg33[%get3A_497] {strides = array<i32>} : memref<336xf32, #tpu.memory_space<vmem>>, vector<16xf32>,
            %mul3A_499 = arith.constant 16 : i32
            %mul3A_500 = arith.muli %while3A_485, %mul3A_499 : i32
            %get3A_501 = arith.index_cast %mul3A_500 : i32 to index
            %get3A_502 = tpu.vector_load %arg34[%get3A_501] {strides = array<i32>} : memref<336xf32, #tpu.memory_space<vmem>>, vector<16xf32>,
            %mul3A_503 = arith.constant 16 : i32
            %mul3A_504 = arith.muli %while3A_485, %mul3A_503 : i32
            %get3A_505 = arith.index_cast %mul3A_504 : i32 to index
            %get3A_506 = tpu.vector_load %arg35[%get3A_505] {strides = array<i32>} : memref<336xf32, #tpu.memory_space<vmem>>, vector<16xf32>,
            %mul3A_507 = arith.constant 16 : i32
            %mul3A_508 = arith.muli %while3A_485, %mul3A_507 : i32
            %get3A_509 = arith.index_cast %mul3A_508 : i32 to index
            %get3A_510 = tpu.vector_load %arg36[%get3A_509] {strides = array<i32>} : memref<336xf32, #tpu.memory_space<vmem>>, vector<16xf32>,
            %max3A = arith.maximumf %broadcast_in_dim3A_300, %get3A_494 : vector<16xf32>
            %max3A_511 = arith.maximumf %broadcast_in_dim3A_309, %get3A_498 : vector<16xf32>
            %min3A = arith.minimumf %broadcast_in_dim3A_318, %get3A_502 : vector<16xf32>
            %min3A_512 = arith.minimumf %broadcast_in_dim3A_327, %get3A_506 : vector<16xf32>
            %sub3A_513 = arith.subf %min3A, %max3A : vector<16xf32>
            %add3A_514 = arith.constant 1.000000e+00 : f32
            %add3A_515 = vector.broadcast %add3A_514 : f32 to vector<16xf32>
            %add3A_516 = arith.addf %sub3A_513, %add3A_515 : vector<16xf32>
            %max3A_517 = arith.constant 0.000000e+00 : f32
            %max3A_518 = vector.broadcast %max3A_517 : f32 to vector<16xf32>
            %max3A_519 = arith.maximumf %max3A_518, %add3A_516 : vector<16xf32>
            %sub3A_520 = arith.subf %min3A_512, %max3A_511 : vector<16xf32>
            %add3A_521 = arith.constant 1.000000e+00 : f32
            %add3A_522 = vector.broadcast %add3A_521 : f32 to vector<16xf32>
            %add3A_523 = arith.addf %sub3A_520, %add3A_522 : vector<16xf32>
            %max3A_524 = arith.constant 0.000000e+00 : f32
            %max3A_525 = vector.broadcast %max3A_524 : f32 to vector<16xf32>
            %max3A_526 = arith.maximumf %max3A_525, %add3A_523 : vector<16xf32>
            %mul3A_527 = arith.mulf %max3A_519, %max3A_526 : vector<16xf32>
            %add3A_528 = arith.addf %broadcast_in_dim3A_336, %get3A_510 : vector<16xf32>
            %sub3A_529 = arith.subf %add3A_528, %mul3A_527 : vector<16xf32>
            %div3A = arith.divf %mul3A_527, %sub3A_529 : vector<16xf32>
            %gt3A_530 = arith.constant 4.000000e-01 : f32
            %gt3A_531 = vector.broadcast %gt3A_530 : f32 to vector<16xf32>
            %gt3A_532 = arith.cmpf ogt, %div3A, %gt3A_531 : vector<16xf32>
            %max3A_533 = arith.maximumf %broadcast_in_dim3A_345, %get3A_494 : vector<16xf32>
            %max3A_534 = arith.maximumf %broadcast_in_dim3A_354, %get3A_498 : vector<16xf32>
            %min3A_535 = arith.minimumf %broadcast_in_dim3A_363, %get3A_502 : vector<16xf32>
            %min3A_536 = arith.minimumf %broadcast_in_dim3A_372, %get3A_506 : vector<16xf32>
            %sub3A_537 = arith.subf %min3A_535, %max3A_533 : vector<16xf32>
            %add3A_538 = arith.constant 1.000000e+00 : f32
            %add3A_539 = vector.broadcast %add3A_538 : f32 to vector<16xf32>
            %add3A_540 = arith.addf %sub3A_537, %add3A_539 : vector<16xf32>
            %max3A_541 = arith.constant 0.000000e+00 : f32
            %max3A_542 = vector.broadcast %max3A_541 : f32 to vector<16xf32>
            %max3A_543 = arith.maximumf %max3A_542, %add3A_540 : vector<16xf32>
            %sub3A_544 = arith.subf %min3A_536, %max3A_534 : vector<16xf32>
            %add3A_545 = arith.constant 1.000000e+00 : f32
            %add3A_546 = vector.broadcast %add3A_545 : f32 to vector<16xf32>
            %add3A_547 = arith.addf %sub3A_544, %add3A_546 : vector<16xf32>
            %max3A_548 = arith.constant 0.000000e+00 : f32
            %max3A_549 = vector.broadcast %max3A_548 : f32 to vector<16xf32>
            %max3A_550 = arith.maximumf %max3A_549, %add3A_547 : vector<16xf32>
            %mul3A_551 = arith.mulf %max3A_543, %max3A_550 : vector<16xf32>
            %add3A_552 = arith.addf %broadcast_in_dim3A_381, %get3A_510 : vector<16xf32>
            %sub3A_553 = arith.subf %add3A_552, %mul3A_551 : vector<16xf32>
            %div3A_554 = arith.divf %mul3A_551, %sub3A_553 : vector<16xf32>
            %gt3A_555 = arith.constant 4.000000e-01 : f32
            %gt3A_556 = vector.broadcast %gt3A_555 : f32 to vector<16xf32>
            %gt3A_557 = arith.cmpf ogt, %div3A_554, %gt3A_556 : vector<16xf32>
            %max3A_558 = arith.maximumf %broadcast_in_dim3A_390, %get3A_494 : vector<16xf32>
            %max3A_559 = arith.maximumf %broadcast_in_dim3A_399, %get3A_498 : vector<16xf32>
            %min3A_560 = arith.minimumf %broadcast_in_dim3A_408, %get3A_502 : vector<16xf32>
            %min3A_561 = arith.minimumf %broadcast_in_dim3A_417, %get3A_506 : vector<16xf32>
            %sub3A_562 = arith.subf %min3A_560, %max3A_558 : vector<16xf32>
            %add3A_563 = arith.constant 1.000000e+00 : f32
            %add3A_564 = vector.broadcast %add3A_563 : f32 to vector<16xf32>
            %add3A_565 = arith.addf %sub3A_562, %add3A_564 : vector<16xf32>
            %max3A_566 = arith.constant 0.000000e+00 : f32
            %max3A_567 = vector.broadcast %max3A_566 : f32 to vector<16xf32>
            %max3A_568 = arith.maximumf %max3A_567, %add3A_565 : vector<16xf32>
            %sub3A_569 = arith.subf %min3A_561, %max3A_559 : vector<16xf32>
            %add3A_570 = arith.constant 1.000000e+00 : f32
            %add3A_571 = vector.broadcast %add3A_570 : f32 to vector<16xf32>
            %add3A_572 = arith.addf %sub3A_569, %add3A_571 : vector<16xf32>
            %max3A_573 = arith.constant 0.000000e+00 : f32
            %max3A_574 = vector.broadcast %max3A_573 : f32 to vector<16xf32>
            %max3A_575 = arith.maximumf %max3A_574, %add3A_572 : vector<16xf32>
            %mul3A_576 = arith.mulf %max3A_568, %max3A_575 : vector<16xf32>
            %add3A_577 = arith.addf %broadcast_in_dim3A_426, %get3A_510 : vector<16xf32>
            %sub3A_578 = arith.subf %add3A_577, %mul3A_576 : vector<16xf32>
            %div3A_579 = arith.divf %mul3A_576, %sub3A_578 : vector<16xf32>
            %gt3A_580 = arith.constant 4.000000e-01 : f32
            %gt3A_581 = vector.broadcast %gt3A_580 : f32 to vector<16xf32>
            %gt3A_582 = arith.cmpf ogt, %div3A_579, %gt3A_581 : vector<16xf32>
            %max3A_583 = arith.maximumf %broadcast_in_dim3A_435, %get3A_494 : vector<16xf32>
            %max3A_584 = arith.maximumf %broadcast_in_dim3A_444, %get3A_498 : vector<16xf32>
            %min3A_585 = arith.minimumf %broadcast_in_dim3A_453, %get3A_502 : vector<16xf32>
            %min3A_586 = arith.minimumf %broadcast_in_dim3A_462, %get3A_506 : vector<16xf32>
            %sub3A_587 = arith.subf %min3A_585, %max3A_583 : vector<16xf32>
            %add3A_588 = arith.constant 1.000000e+00 : f32
            %add3A_589 = vector.broadcast %add3A_588 : f32 to vector<16xf32>
            %add3A_590 = arith.addf %sub3A_587, %add3A_589 : vector<16xf32>
            %max3A_591 = arith.constant 0.000000e+00 : f32
            %max3A_592 = vector.broadcast %max3A_591 : f32 to vector<16xf32>
            %max3A_593 = arith.maximumf %max3A_592, %add3A_590 : vector<16xf32>
            %sub3A_594 = arith.subf %min3A_586, %max3A_584 : vector<16xf32>
            %add3A_595 = arith.constant 1.000000e+00 : f32
            %add3A_596 = vector.broadcast %add3A_595 : f32 to vector<16xf32>
            %add3A_597 = arith.addf %sub3A_594, %add3A_596 : vector<16xf32>
            %max3A_598 = arith.constant 0.000000e+00 : f32
            %max3A_599 = vector.broadcast %max3A_598 : f32 to vector<16xf32>
            %max3A_600 = arith.maximumf %max3A_599, %add3A_597 : vector<16xf32>
            %mul3A_601 = arith.mulf %max3A_593, %max3A_600 : vector<16xf32>
            %add3A_602 = arith.addf %broadcast_in_dim3A_471, %get3A_510 : vector<16xf32>
            %sub3A_603 = arith.subf %add3A_602, %mul3A_601 : vector<16xf32>
            %div3A_604 = arith.divf %mul3A_601, %sub3A_603 : vector<16xf32>
            %gt3A_605 = arith.constant 4.000000e-01 : f32
            %gt3A_606 = vector.broadcast %gt3A_605 : f32 to vector<16xf32>
            %gt3A_607 = arith.cmpf ogt, %div3A_604, %gt3A_606 : vector<16xf32>
            %or3A = arith.ori %gt3A_532, %gt3A_557 : vector<16xi1>
            %or3A_608 = arith.ori %gt3A_582, %gt3A_607 : vector<16xi1>
            %or3A_609 = arith.ori %or3A, %or3A_608 : vector<16xi1>
            %jit3A_610 = arith.constant 0 : i32
            %broadcast_in_dim3A_611 = vector.broadcast %jit3A_610 : i32 to vector<16xi32>
            %select_n3A_612 = arith.select %or3A_609, %broadcast_in_dim3A_611, %get3A_490 : vector<16xi1>, vector<16xi32>
            %mul3A_613 = arith.constant 16 : i32
            %mul3A_614 = arith.muli %while3A_485, %mul3A_613 : i32
            %swap3A_615 = arith.index_cast %mul3A_614 : i32 to index
            %swap3A_616 = tpu.vector_load %arg39[%swap3A_615] {strides = array<i32>} : memref<336xi32, #tpu.memory_space<vmem>>, vector<16xi32>,
            tpu.vector_store %arg39[%swap3A_615], %select_n3A_612 {strides = array<i32>} : memref<336xi32, #tpu.memory_space<vmem>>, vector<16xi32>,
            %while3A_617 = arith.constant 0 : i32
            scf.yield %while3A_617 : i32
          }
          %while3A_482 = arith.constant 1 : i32
          %while3A_483 = scf.for %while3A_485 = %while3A_479 to %while3A_475 step %while3A_482 iter_args(%while3A_486 = %while3A_481) -> (i32)  : i32 {
            %mul3A_487 = arith.constant 16 : i32
            %mul3A_488 = arith.muli %while3A_485, %mul3A_487 : i32
            %get3A_489 = arith.index_cast %mul3A_488 : i32 to index
            %get3A_490 = tpu.vector_load %arg39[%get3A_489] {strides = array<i32>} : memref<336xi32, #tpu.memory_space<vmem>>, vector<16xi32>,
            %mul3A_491 = arith.constant 16 : i32
            %mul3A_492 = arith.muli %while3A_485, %mul3A_491 : i32
            %get3A_493 = arith.index_cast %mul3A_492 : i32 to index
            %get3A_494 = tpu.vector_load %arg32[%get3A_493] {strides = array<i32>} : memref<336xf32, #tpu.memory_space<vmem>>, vector<16xf32>,
            %mul3A_495 = arith.constant 16 : i32
            %mul3A_496 = arith.muli %while3A_485, %mul3A_495 : i32
            %get3A_497 = arith.index_cast %mul3A_496 : i32 to index
            %get3A_498 = tpu.vector_load %arg33[%get3A_497] {strides = array<i32>} : memref<336xf32, #tpu.memory_space<vmem>>, vector<16xf32>,
            %mul3A_499 = arith.constant 16 : i32
            %mul3A_500 = arith.muli %while3A_485, %mul3A_499 : i32
            %get3A_501 = arith.index_cast %mul3A_500 : i32 to index
            %get3A_502 = tpu.vector_load %arg34[%get3A_501] {strides = array<i32>} : memref<336xf32, #tpu.memory_space<vmem>>, vector<16xf32>,
            %mul3A_503 = arith.constant 16 : i32
            %mul3A_504 = arith.muli %while3A_485, %mul3A_503 : i32
            %get3A_505 = arith.index_cast %mul3A_504 : i32 to index
            %get3A_506 = tpu.vector_load %arg35[%get3A_505] {strides = array<i32>} : memref<336xf32, #tpu.memory_space<vmem>>, vector<16xf32>,
            %mul3A_507 = arith.constant 16 : i32
            %mul3A_508 = arith.muli %while3A_485, %mul3A_507 : i32
            %get3A_509 = arith.index_cast %mul3A_508 : i32 to index
            %get3A_510 = tpu.vector_load %arg36[%get3A_509] {strides = array<i32>} : memref<336xf32, #tpu.memory_space<vmem>>, vector<16xf32>,
            %max3A = arith.maximumf %broadcast_in_dim3A_300, %get3A_494 : vector<16xf32>
            %max3A_511 = arith.maximumf %broadcast_in_dim3A_309, %get3A_498 : vector<16xf32>
            %min3A = arith.minimumf %broadcast_in_dim3A_318, %get3A_502 : vector<16xf32>
            %min3A_512 = arith.minimumf %broadcast_in_dim3A_327, %get3A_506 : vector<16xf32>
            %sub3A_513 = arith.subf %min3A, %max3A : vector<16xf32>
            %add3A_514 = arith.constant 1.000000e+00 : f32
            %add3A_515 = vector.broadcast %add3A_514 : f32 to vector<16xf32>
            %add3A_516 = arith.addf %sub3A_513, %add3A_515 : vector<16xf32>
            %max3A_517 = arith.constant 0.000000e+00 : f32
            %max3A_518 = vector.broadcast %max3A_517 : f32 to vector<16xf32>
            %max3A_519 = arith.maximumf %max3A_518, %add3A_516 : vector<16xf32>
            %sub3A_520 = arith.subf %min3A_512, %max3A_511 : vector<16xf32>
            %add3A_521 = arith.constant 1.000000e+00 : f32
            %add3A_522 = vector.broadcast %add3A_521 : f32 to vector<16xf32>
            %add3A_523 = arith.addf %sub3A_520, %add3A_522 : vector<16xf32>
            %max3A_524 = arith.constant 0.000000e+00 : f32
            %max3A_525 = vector.broadcast %max3A_524 : f32 to vector<16xf32>
            %max3A_526 = arith.maximumf %max3A_525, %add3A_523 : vector<16xf32>
            %mul3A_527 = arith.mulf %max3A_519, %max3A_526 : vector<16xf32>
            %add3A_528 = arith.addf %broadcast_in_dim3A_336, %get3A_510 : vector<16xf32>
            %sub3A_529 = arith.subf %add3A_528, %mul3A_527 : vector<16xf32>
            %div3A = arith.divf %mul3A_527, %sub3A_529 : vector<16xf32>
            %gt3A_530 = arith.constant 4.000000e-01 : f32
            %gt3A_531 = vector.broadcast %gt3A_530 : f32 to vector<16xf32>
            %gt3A_532 = arith.cmpf ogt, %div3A, %gt3A_531 : vector<16xf32>
            %max3A_533 = arith.maximumf %broadcast_in_dim3A_345, %get3A_494 : vector<16xf32>
            %max3A_534 = arith.maximumf %broadcast_in_dim3A_354, %get3A_498 : vector<16xf32>
            %min3A_535 = arith.minimumf %broadcast_in_dim3A_363, %get3A_502 : vector<16xf32>
            %min3A_536 = arith.minimumf %broadcast_in_dim3A_372, %get3A_506 : vector<16xf32>
            %sub3A_537 = arith.subf %min3A_535, %max3A_533 : vector<16xf32>
            %add3A_538 = arith.constant 1.000000e+00 : f32
            %add3A_539 = vector.broadcast %add3A_538 : f32 to vector<16xf32>
            %add3A_540 = arith.addf %sub3A_537, %add3A_539 : vector<16xf32>
            %max3A_541 = arith.constant 0.000000e+00 : f32
            %max3A_542 = vector.broadcast %max3A_541 : f32 to vector<16xf32>
            %max3A_543 = arith.maximumf %max3A_542, %add3A_540 : vector<16xf32>
            %sub3A_544 = arith.subf %min3A_536, %max3A_534 : vector<16xf32>
            %add3A_545 = arith.constant 1.000000e+00 : f32
            %add3A_546 = vector.broadcast %add3A_545 : f32 to vector<16xf32>
            %add3A_547 = arith.addf %sub3A_544, %add3A_546 : vector<16xf32>
            %max3A_548 = arith.constant 0.000000e+00 : f32
            %max3A_549 = vector.broadcast %max3A_548 : f32 to vector<16xf32>
            %max3A_550 = arith.maximumf %max3A_549, %add3A_547 : vector<16xf32>
            %mul3A_551 = arith.mulf %max3A_543, %max3A_550 : vector<16xf32>
            %add3A_552 = arith.addf %broadcast_in_dim3A_381, %get3A_510 : vector<16xf32>
            %sub3A_553 = arith.subf %add3A_552, %mul3A_551 : vector<16xf32>
            %div3A_554 = arith.divf %mul3A_551, %sub3A_553 : vector<16xf32>
            %gt3A_555 = arith.constant 4.000000e-01 : f32
            %gt3A_556 = vector.broadcast %gt3A_555 : f32 to vector<16xf32>
            %gt3A_557 = arith.cmpf ogt, %div3A_554, %gt3A_556 : vector<16xf32>
            %max3A_558 = arith.maximumf %broadcast_in_dim3A_390, %get3A_494 : vector<16xf32>
            %max3A_559 = arith.maximumf %broadcast_in_dim3A_399, %get3A_498 : vector<16xf32>
            %min3A_560 = arith.minimumf %broadcast_in_dim3A_408, %get3A_502 : vector<16xf32>
            %min3A_561 = arith.minimumf %broadcast_in_dim3A_417, %get3A_506 : vector<16xf32>
            %sub3A_562 = arith.subf %min3A_560, %max3A_558 : vector<16xf32>
            %add3A_563 = arith.constant 1.000000e+00 : f32
            %add3A_564 = vector.broadcast %add3A_563 : f32 to vector<16xf32>
            %add3A_565 = arith.addf %sub3A_562, %add3A_564 : vector<16xf32>
            %max3A_566 = arith.constant 0.000000e+00 : f32
            %max3A_567 = vector.broadcast %max3A_566 : f32 to vector<16xf32>
            %max3A_568 = arith.maximumf %max3A_567, %add3A_565 : vector<16xf32>
            %sub3A_569 = arith.subf %min3A_561, %max3A_559 : vector<16xf32>
            %add3A_570 = arith.constant 1.000000e+00 : f32
            %add3A_571 = vector.broadcast %add3A_570 : f32 to vector<16xf32>
            %add3A_572 = arith.addf %sub3A_569, %add3A_571 : vector<16xf32>
            %max3A_573 = arith.constant 0.000000e+00 : f32
            %max3A_574 = vector.broadcast %max3A_573 : f32 to vector<16xf32>
            %max3A_575 = arith.maximumf %max3A_574, %add3A_572 : vector<16xf32>
            %mul3A_576 = arith.mulf %max3A_568, %max3A_575 : vector<16xf32>
            %add3A_577 = arith.addf %broadcast_in_dim3A_426, %get3A_510 : vector<16xf32>
            %sub3A_578 = arith.subf %add3A_577, %mul3A_576 : vector<16xf32>
            %div3A_579 = arith.divf %mul3A_576, %sub3A_578 : vector<16xf32>
            %gt3A_580 = arith.constant 4.000000e-01 : f32
            %gt3A_581 = vector.broadcast %gt3A_580 : f32 to vector<16xf32>
            %gt3A_582 = arith.cmpf ogt, %div3A_579, %gt3A_581 : vector<16xf32>
            %max3A_583 = arith.maximumf %broadcast_in_dim3A_435, %get3A_494 : vector<16xf32>
            %max3A_584 = arith.maximumf %broadcast_in_dim3A_444, %get3A_498 : vector<16xf32>
            %min3A_585 = arith.minimumf %broadcast_in_dim3A_453, %get3A_502 : vector<16xf32>
            %min3A_586 = arith.minimumf %broadcast_in_dim3A_462, %get3A_506 : vector<16xf32>
            %sub3A_587 = arith.subf %min3A_585, %max3A_583 : vector<16xf32>
            %add3A_588 = arith.constant 1.000000e+00 : f32
            %add3A_589 = vector.broadcast %add3A_588 : f32 to vector<16xf32>
            %add3A_590 = arith.addf %sub3A_587, %add3A_589 : vector<16xf32>
            %max3A_591 = arith.constant 0.000000e+00 : f32
            %max3A_592 = vector.broadcast %max3A_591 : f32 to vector<16xf32>
            %max3A_593 = arith.maximumf %max3A_592, %add3A_590 : vector<16xf32>
            %sub3A_594 = arith.subf %min3A_586, %max3A_584 : vector<16xf32>
            %add3A_595 = arith.constant 1.000000e+00 : f32
            %add3A_596 = vector.broadcast %add3A_595 : f32 to vector<16xf32>
            %add3A_597 = arith.addf %sub3A_594, %add3A_596 : vector<16xf32>
            %max3A_598 = arith.constant 0.000000e+00 : f32
            %max3A_599 = vector.broadcast %max3A_598 : f32 to vector<16xf32>
            %max3A_600 = arith.maximumf %max3A_599, %add3A_597 : vector<16xf32>
            %mul3A_601 = arith.mulf %max3A_593, %max3A_600 : vector<16xf32>
            %add3A_602 = arith.addf %broadcast_in_dim3A_471, %get3A_510 : vector<16xf32>
            %sub3A_603 = arith.subf %add3A_602, %mul3A_601 : vector<16xf32>
            %div3A_604 = arith.divf %mul3A_601, %sub3A_603 : vector<16xf32>
            %gt3A_605 = arith.constant 4.000000e-01 : f32
            %gt3A_606 = vector.broadcast %gt3A_605 : f32 to vector<16xf32>
            %gt3A_607 = arith.cmpf ogt, %div3A_604, %gt3A_606 : vector<16xf32>
            %or3A = arith.ori %gt3A_532, %gt3A_557 : vector<16xi1>
            %or3A_608 = arith.ori %gt3A_582, %gt3A_607 : vector<16xi1>
            %or3A_609 = arith.ori %or3A, %or3A_608 : vector<16xi1>
            %jit3A_610 = arith.constant 0 : i32
            %broadcast_in_dim3A_611 = vector.broadcast %jit3A_610 : i32 to vector<16xi32>
            %select_n3A_612 = arith.select %or3A_609, %broadcast_in_dim3A_611, %get3A_490 : vector<16xi1>, vector<16xi32>
            %mul3A_613 = arith.constant 16 : i32
            %mul3A_614 = arith.muli %while3A_485, %mul3A_613 : i32
            %swap3A_615 = arith.index_cast %mul3A_614 : i32 to index
            %swap3A_616 = tpu.vector_load %arg39[%swap3A_615] {strides = array<i32>} : memref<336xi32, #tpu.memory_space<vmem>>, vector<16xi32>,
            tpu.vector_store %arg39[%swap3A_615], %select_n3A_612 {strides = array<i32>} : memref<336xi32, #tpu.memory_space<vmem>>, vector<16xi32>,
            %while3A_617 = arith.constant 0 : i32
            scf.yield %while3A_617 : i32
          }
          %while3A_484 = arith.constant 0 : i32
          scf.yield %while3A_484 : i32
        }
        %while3A_264 = arith.constant 1 : i32
        %while3A_265 = scf.for %while3A_288 = %while3A_261 to %while3A_257 step %while3A_264 iter_args(%while3A_289 = %while3A_263) -> (i32)  : i32 {
          %mul3A_290 = arith.constant 4 : i32
          %mul3A_291 = arith.muli %while3A_288, %mul3A_290 : i32
          %add3A_292 = arith.constant 0 : i32
          %add3A_293 = arith.addi %mul3A_291, %add3A_292 : i32
          %get3A_294 = arith.constant 1 : i32
          %get3A_295 = arith.index_cast %get3A_294 : i32 to index
          %get3A_296 = arith.index_cast %add3A_293 : i32 to index
          %get3A_297 = tpu.vector_load %arg42[%get3A_295, %get3A_296] {strides = array<i32>} : memref<6x256xf32, #tpu.memory_space<vmem>>, vector<16xf32>,
          %slice3A_298 = vector.extract_strided_slice %get3A_297 {offsets = [0], sizes = [1], strides = [1]} : vector<16xf32> to vector<1xf32>
          %squeeze3A_299 = vector.extract %slice3A_298[0] : f32 from vector<1xf32>
          %broadcast_in_dim3A_300 = vector.broadcast %squeeze3A_299 : f32 to vector<16xf32>
          %add3A_301 = arith.constant 0 : i32
          %add3A_302 = arith.addi %mul3A_291, %add3A_301 : i32
          %get3A_303 = arith.constant 2 : i32
          %get3A_304 = arith.index_cast %get3A_303 : i32 to index
          %get3A_305 = arith.index_cast %add3A_302 : i32 to index
          %get3A_306 = tpu.vector_load %arg42[%get3A_304, %get3A_305] {strides = array<i32>} : memref<6x256xf32, #tpu.memory_space<vmem>>, vector<16xf32>,
          %slice3A_307 = vector.extract_strided_slice %get3A_306 {offsets = [0], sizes = [1], strides = [1]} : vector<16xf32> to vector<1xf32>
          %squeeze3A_308 = vector.extract %slice3A_307[0] : f32 from vector<1xf32>
          %broadcast_in_dim3A_309 = vector.broadcast %squeeze3A_308 : f32 to vector<16xf32>
          %add3A_310 = arith.constant 0 : i32
          %add3A_311 = arith.addi %mul3A_291, %add3A_310 : i32
          %get3A_312 = arith.constant 3 : i32
          %get3A_313 = arith.index_cast %get3A_312 : i32 to index
          %get3A_314 = arith.index_cast %add3A_311 : i32 to index
          %get3A_315 = tpu.vector_load %arg42[%get3A_313, %get3A_314] {strides = array<i32>} : memref<6x256xf32, #tpu.memory_space<vmem>>, vector<16xf32>,
          %slice3A_316 = vector.extract_strided_slice %get3A_315 {offsets = [0], sizes = [1], strides = [1]} : vector<16xf32> to vector<1xf32>
          %squeeze3A_317 = vector.extract %slice3A_316[0] : f32 from vector<1xf32>
          %broadcast_in_dim3A_318 = vector.broadcast %squeeze3A_317 : f32 to vector<16xf32>
          %add3A_319 = arith.constant 0 : i32
          %add3A_320 = arith.addi %mul3A_291, %add3A_319 : i32
          %get3A_321 = arith.constant 4 : i32
          %get3A_322 = arith.index_cast %get3A_321 : i32 to index
          %get3A_323 = arith.index_cast %add3A_320 : i32 to index
          %get3A_324 = tpu.vector_load %arg42[%get3A_322, %get3A_323] {strides = array<i32>} : memref<6x256xf32, #tpu.memory_space<vmem>>, vector<16xf32>,
          %slice3A_325 = vector.extract_strided_slice %get3A_324 {offsets = [0], sizes = [1], strides = [1]} : vector<16xf32> to vector<1xf32>
          %squeeze3A_326 = vector.extract %slice3A_325[0] : f32 from vector<1xf32>
          %broadcast_in_dim3A_327 = vector.broadcast %squeeze3A_326 : f32 to vector<16xf32>
          %add3A_328 = arith.constant 0 : i32
          %add3A_329 = arith.addi %mul3A_291, %add3A_328 : i32
          %get3A_330 = arith.constant 5 : i32
          %get3A_331 = arith.index_cast %get3A_330 : i32 to index
          %get3A_332 = arith.index_cast %add3A_329 : i32 to index
          %get3A_333 = tpu.vector_load %arg42[%get3A_331, %get3A_332] {strides = array<i32>} : memref<6x256xf32, #tpu.memory_space<vmem>>, vector<16xf32>,
          %slice3A_334 = vector.extract_strided_slice %get3A_333 {offsets = [0], sizes = [1], strides = [1]} : vector<16xf32> to vector<1xf32>
          %squeeze3A_335 = vector.extract %slice3A_334[0] : f32 from vector<1xf32>
          %broadcast_in_dim3A_336 = vector.broadcast %squeeze3A_335 : f32 to vector<16xf32>
          %add3A_337 = arith.constant 1 : i32
          %add3A_338 = arith.addi %mul3A_291, %add3A_337 : i32
          %get3A_339 = arith.constant 1 : i32
          %get3A_340 = arith.index_cast %get3A_339 : i32 to index
          %get3A_341 = arith.index_cast %add3A_338 : i32 to index
          %get3A_342 = tpu.vector_load %arg42[%get3A_340, %get3A_341] {strides = array<i32>} : memref<6x256xf32, #tpu.memory_space<vmem>>, vector<16xf32>,
          %slice3A_343 = vector.extract_strided_slice %get3A_342 {offsets = [0], sizes = [1], strides = [1]} : vector<16xf32> to vector<1xf32>
          %squeeze3A_344 = vector.extract %slice3A_343[0] : f32 from vector<1xf32>
          %broadcast_in_dim3A_345 = vector.broadcast %squeeze3A_344 : f32 to vector<16xf32>
          %add3A_346 = arith.constant 1 : i32
          %add3A_347 = arith.addi %mul3A_291, %add3A_346 : i32
          %get3A_348 = arith.constant 2 : i32
          %get3A_349 = arith.index_cast %get3A_348 : i32 to index
          %get3A_350 = arith.index_cast %add3A_347 : i32 to index
          %get3A_351 = tpu.vector_load %arg42[%get3A_349, %get3A_350] {strides = array<i32>} : memref<6x256xf32, #tpu.memory_space<vmem>>, vector<16xf32>,
          %slice3A_352 = vector.extract_strided_slice %get3A_351 {offsets = [0], sizes = [1], strides = [1]} : vector<16xf32> to vector<1xf32>
          %squeeze3A_353 = vector.extract %slice3A_352[0] : f32 from vector<1xf32>
          %broadcast_in_dim3A_354 = vector.broadcast %squeeze3A_353 : f32 to vector<16xf32>
          %add3A_355 = arith.constant 1 : i32
          %add3A_356 = arith.addi %mul3A_291, %add3A_355 : i32
          %get3A_357 = arith.constant 3 : i32
          %get3A_358 = arith.index_cast %get3A_357 : i32 to index
          %get3A_359 = arith.index_cast %add3A_356 : i32 to index
          %get3A_360 = tpu.vector_load %arg42[%get3A_358, %get3A_359] {strides = array<i32>} : memref<6x256xf32, #tpu.memory_space<vmem>>, vector<16xf32>,
          %slice3A_361 = vector.extract_strided_slice %get3A_360 {offsets = [0], sizes = [1], strides = [1]} : vector<16xf32> to vector<1xf32>
          %squeeze3A_362 = vector.extract %slice3A_361[0] : f32 from vector<1xf32>
          %broadcast_in_dim3A_363 = vector.broadcast %squeeze3A_362 : f32 to vector<16xf32>
          %add3A_364 = arith.constant 1 : i32
          %add3A_365 = arith.addi %mul3A_291, %add3A_364 : i32
          %get3A_366 = arith.constant 4 : i32
          %get3A_367 = arith.index_cast %get3A_366 : i32 to index
          %get3A_368 = arith.index_cast %add3A_365 : i32 to index
          %get3A_369 = tpu.vector_load %arg42[%get3A_367, %get3A_368] {strides = array<i32>} : memref<6x256xf32, #tpu.memory_space<vmem>>, vector<16xf32>,
          %slice3A_370 = vector.extract_strided_slice %get3A_369 {offsets = [0], sizes = [1], strides = [1]} : vector<16xf32> to vector<1xf32>
          %squeeze3A_371 = vector.extract %slice3A_370[0] : f32 from vector<1xf32>
          %broadcast_in_dim3A_372 = vector.broadcast %squeeze3A_371 : f32 to vector<16xf32>
          %add3A_373 = arith.constant 1 : i32
          %add3A_374 = arith.addi %mul3A_291, %add3A_373 : i32
          %get3A_375 = arith.constant 5 : i32
          %get3A_376 = arith.index_cast %get3A_375 : i32 to index
          %get3A_377 = arith.index_cast %add3A_374 : i32 to index
          %get3A_378 = tpu.vector_load %arg42[%get3A_376, %get3A_377] {strides = array<i32>} : memref<6x256xf32, #tpu.memory_space<vmem>>, vector<16xf32>,
          %slice3A_379 = vector.extract_strided_slice %get3A_378 {offsets = [0], sizes = [1], strides = [1]} : vector<16xf32> to vector<1xf32>
          %squeeze3A_380 = vector.extract %slice3A_379[0] : f32 from vector<1xf32>
          %broadcast_in_dim3A_381 = vector.broadcast %squeeze3A_380 : f32 to vector<16xf32>
          %add3A_382 = arith.constant 2 : i32
          %add3A_383 = arith.addi %mul3A_291, %add3A_382 : i32
          %get3A_384 = arith.constant 1 : i32
          %get3A_385 = arith.index_cast %get3A_384 : i32 to index
          %get3A_386 = arith.index_cast %add3A_383 : i32 to index
          %get3A_387 = tpu.vector_load %arg42[%get3A_385, %get3A_386] {strides = array<i32>} : memref<6x256xf32, #tpu.memory_space<vmem>>, vector<16xf32>,
          %slice3A_388 = vector.extract_strided_slice %get3A_387 {offsets = [0], sizes = [1], strides = [1]} : vector<16xf32> to vector<1xf32>
          %squeeze3A_389 = vector.extract %slice3A_388[0] : f32 from vector<1xf32>
          %broadcast_in_dim3A_390 = vector.broadcast %squeeze3A_389 : f32 to vector<16xf32>
          %add3A_391 = arith.constant 2 : i32
          %add3A_392 = arith.addi %mul3A_291, %add3A_391 : i32
          %get3A_393 = arith.constant 2 : i32
          %get3A_394 = arith.index_cast %get3A_393 : i32 to index
          %get3A_395 = arith.index_cast %add3A_392 : i32 to index
          %get3A_396 = tpu.vector_load %arg42[%get3A_394, %get3A_395] {strides = array<i32>} : memref<6x256xf32, #tpu.memory_space<vmem>>, vector<16xf32>,
          %slice3A_397 = vector.extract_strided_slice %get3A_396 {offsets = [0], sizes = [1], strides = [1]} : vector<16xf32> to vector<1xf32>
          %squeeze3A_398 = vector.extract %slice3A_397[0] : f32 from vector<1xf32>
          %broadcast_in_dim3A_399 = vector.broadcast %squeeze3A_398 : f32 to vector<16xf32>
          %add3A_400 = arith.constant 2 : i32
          %add3A_401 = arith.addi %mul3A_291, %add3A_400 : i32
          %get3A_402 = arith.constant 3 : i32
          %get3A_403 = arith.index_cast %get3A_402 : i32 to index
          %get3A_404 = arith.index_cast %add3A_401 : i32 to index
          %get3A_405 = tpu.vector_load %arg42[%get3A_403, %get3A_404] {strides = array<i32>} : memref<6x256xf32, #tpu.memory_space<vmem>>, vector<16xf32>,
          %slice3A_406 = vector.extract_strided_slice %get3A_405 {offsets = [0], sizes = [1], strides = [1]} : vector<16xf32> to vector<1xf32>
          %squeeze3A_407 = vector.extract %slice3A_406[0] : f32 from vector<1xf32>
          %broadcast_in_dim3A_408 = vector.broadcast %squeeze3A_407 : f32 to vector<16xf32>
          %add3A_409 = arith.constant 2 : i32
          %add3A_410 = arith.addi %mul3A_291, %add3A_409 : i32
          %get3A_411 = arith.constant 4 : i32
          %get3A_412 = arith.index_cast %get3A_411 : i32 to index
          %get3A_413 = arith.index_cast %add3A_410 : i32 to index
          %get3A_414 = tpu.vector_load %arg42[%get3A_412, %get3A_413] {strides = array<i32>} : memref<6x256xf32, #tpu.memory_space<vmem>>, vector<16xf32>,
          %slice3A_415 = vector.extract_strided_slice %get3A_414 {offsets = [0], sizes = [1], strides = [1]} : vector<16xf32> to vector<1xf32>
          %squeeze3A_416 = vector.extract %slice3A_415[0] : f32 from vector<1xf32>
          %broadcast_in_dim3A_417 = vector.broadcast %squeeze3A_416 : f32 to vector<16xf32>
          %add3A_418 = arith.constant 2 : i32
          %add3A_419 = arith.addi %mul3A_291, %add3A_418 : i32
          %get3A_420 = arith.constant 5 : i32
          %get3A_421 = arith.index_cast %get3A_420 : i32 to index
          %get3A_422 = arith.index_cast %add3A_419 : i32 to index
          %get3A_423 = tpu.vector_load %arg42[%get3A_421, %get3A_422] {strides = array<i32>} : memref<6x256xf32, #tpu.memory_space<vmem>>, vector<16xf32>,
          %slice3A_424 = vector.extract_strided_slice %get3A_423 {offsets = [0], sizes = [1], strides = [1]} : vector<16xf32> to vector<1xf32>
          %squeeze3A_425 = vector.extract %slice3A_424[0] : f32 from vector<1xf32>
          %broadcast_in_dim3A_426 = vector.broadcast %squeeze3A_425 : f32 to vector<16xf32>
          %add3A_427 = arith.constant 3 : i32
          %add3A_428 = arith.addi %mul3A_291, %add3A_427 : i32
          %get3A_429 = arith.constant 1 : i32
          %get3A_430 = arith.index_cast %get3A_429 : i32 to index
          %get3A_431 = arith.index_cast %add3A_428 : i32 to index
          %get3A_432 = tpu.vector_load %arg42[%get3A_430, %get3A_431] {strides = array<i32>} : memref<6x256xf32, #tpu.memory_space<vmem>>, vector<16xf32>,
          %slice3A_433 = vector.extract_strided_slice %get3A_432 {offsets = [0], sizes = [1], strides = [1]} : vector<16xf32> to vector<1xf32>
          %squeeze3A_434 = vector.extract %slice3A_433[0] : f32 from vector<1xf32>
          %broadcast_in_dim3A_435 = vector.broadcast %squeeze3A_434 : f32 to vector<16xf32>
          %add3A_436 = arith.constant 3 : i32
          %add3A_437 = arith.addi %mul3A_291, %add3A_436 : i32
          %get3A_438 = arith.constant 2 : i32
          %get3A_439 = arith.index_cast %get3A_438 : i32 to index
          %get3A_440 = arith.index_cast %add3A_437 : i32 to index
          %get3A_441 = tpu.vector_load %arg42[%get3A_439, %get3A_440] {strides = array<i32>} : memref<6x256xf32, #tpu.memory_space<vmem>>, vector<16xf32>,
          %slice3A_442 = vector.extract_strided_slice %get3A_441 {offsets = [0], sizes = [1], strides = [1]} : vector<16xf32> to vector<1xf32>
          %squeeze3A_443 = vector.extract %slice3A_442[0] : f32 from vector<1xf32>
          %broadcast_in_dim3A_444 = vector.broadcast %squeeze3A_443 : f32 to vector<16xf32>
          %add3A_445 = arith.constant 3 : i32
          %add3A_446 = arith.addi %mul3A_291, %add3A_445 : i32
          %get3A_447 = arith.constant 3 : i32
          %get3A_448 = arith.index_cast %get3A_447 : i32 to index
          %get3A_449 = arith.index_cast %add3A_446 : i32 to index
          %get3A_450 = tpu.vector_load %arg42[%get3A_448, %get3A_449] {strides = array<i32>} : memref<6x256xf32, #tpu.memory_space<vmem>>, vector<16xf32>,
          %slice3A_451 = vector.extract_strided_slice %get3A_450 {offsets = [0], sizes = [1], strides = [1]} : vector<16xf32> to vector<1xf32>
          %squeeze3A_452 = vector.extract %slice3A_451[0] : f32 from vector<1xf32>
          %broadcast_in_dim3A_453 = vector.broadcast %squeeze3A_452 : f32 to vector<16xf32>
          %add3A_454 = arith.constant 3 : i32
          %add3A_455 = arith.addi %mul3A_291, %add3A_454 : i32
          %get3A_456 = arith.constant 4 : i32
          %get3A_457 = arith.index_cast %get3A_456 : i32 to index
          %get3A_458 = arith.index_cast %add3A_455 : i32 to index
          %get3A_459 = tpu.vector_load %arg42[%get3A_457, %get3A_458] {strides = array<i32>} : memref<6x256xf32, #tpu.memory_space<vmem>>, vector<16xf32>,
          %slice3A_460 = vector.extract_strided_slice %get3A_459 {offsets = [0], sizes = [1], strides = [1]} : vector<16xf32> to vector<1xf32>
          %squeeze3A_461 = vector.extract %slice3A_460[0] : f32 from vector<1xf32>
          %broadcast_in_dim3A_462 = vector.broadcast %squeeze3A_461 : f32 to vector<16xf32>
          %add3A_463 = arith.constant 3 : i32
          %add3A_464 = arith.addi %mul3A_291, %add3A_463 : i32
          %get3A_465 = arith.constant 5 : i32
          %get3A_466 = arith.index_cast %get3A_465 : i32 to index
          %get3A_467 = arith.index_cast %add3A_464 : i32 to index
          %get3A_468 = tpu.vector_load %arg42[%get3A_466, %get3A_467] {strides = array<i32>} : memref<6x256xf32, #tpu.memory_space<vmem>>, vector<16xf32>,
          %slice3A_469 = vector.extract_strided_slice %get3A_468 {offsets = [0], sizes = [1], strides = [1]} : vector<16xf32> to vector<1xf32>
          %squeeze3A_470 = vector.extract %slice3A_469[0] : f32 from vector<1xf32>
          %broadcast_in_dim3A_471 = vector.broadcast %squeeze3A_470 : f32 to vector<16xf32>
          %while3A_472 = arith.constant 0 : i32
          %while3A_473 = arith.constant 0 : i32
          %while3A_474 = arith.subi %shift_right_arithmetic3A_250, %while3A_472 : i32
          %while3A_475 = arith.addi %while3A_472, %while3A_474 : i32
          %while3A_476 = arith.constant 1 : i32
          %while3A_477 = arith.divsi %while3A_474, %while3A_476 : i32
          %while3A_478 = arith.muli %while3A_477, %while3A_476 : i32
          %while3A_479 = arith.addi %while3A_472, %while3A_478 : i32
          %while3A_480 = arith.constant 1 : i32
          %while3A_481 = scf.for %while3A_485 = %while3A_472 to %while3A_479 step %while3A_480 iter_args(%while3A_486 = %while3A_473) -> (i32)  : i32 {
            %mul3A_487 = arith.constant 16 : i32
            %mul3A_488 = arith.muli %while3A_485, %mul3A_487 : i32
            %get3A_489 = arith.index_cast %mul3A_488 : i32 to index
            %get3A_490 = tpu.vector_load %arg39[%get3A_489] {strides = array<i32>} : memref<336xi32, #tpu.memory_space<vmem>>, vector<16xi32>,
            %mul3A_491 = arith.constant 16 : i32
            %mul3A_492 = arith.muli %while3A_485, %mul3A_491 : i32
            %get3A_493 = arith.index_cast %mul3A_492 : i32 to index
            %get3A_494 = tpu.vector_load %arg32[%get3A_493] {strides = array<i32>} : memref<336xf32, #tpu.memory_space<vmem>>, vector<16xf32>,
            %mul3A_495 = arith.constant 16 : i32
            %mul3A_496 = arith.muli %while3A_485, %mul3A_495 : i32
            %get3A_497 = arith.index_cast %mul3A_496 : i32 to index
            %get3A_498 = tpu.vector_load %arg33[%get3A_497] {strides = array<i32>} : memref<336xf32, #tpu.memory_space<vmem>>, vector<16xf32>,
            %mul3A_499 = arith.constant 16 : i32
            %mul3A_500 = arith.muli %while3A_485, %mul3A_499 : i32
            %get3A_501 = arith.index_cast %mul3A_500 : i32 to index
            %get3A_502 = tpu.vector_load %arg34[%get3A_501] {strides = array<i32>} : memref<336xf32, #tpu.memory_space<vmem>>, vector<16xf32>,
            %mul3A_503 = arith.constant 16 : i32
            %mul3A_504 = arith.muli %while3A_485, %mul3A_503 : i32
            %get3A_505 = arith.index_cast %mul3A_504 : i32 to index
            %get3A_506 = tpu.vector_load %arg35[%get3A_505] {strides = array<i32>} : memref<336xf32, #tpu.memory_space<vmem>>, vector<16xf32>,
            %mul3A_507 = arith.constant 16 : i32
            %mul3A_508 = arith.muli %while3A_485, %mul3A_507 : i32
            %get3A_509 = arith.index_cast %mul3A_508 : i32 to index
            %get3A_510 = tpu.vector_load %arg36[%get3A_509] {strides = array<i32>} : memref<336xf32, #tpu.memory_space<vmem>>, vector<16xf32>,
            %max3A = arith.maximumf %broadcast_in_dim3A_300, %get3A_494 : vector<16xf32>
            %max3A_511 = arith.maximumf %broadcast_in_dim3A_309, %get3A_498 : vector<16xf32>
            %min3A = arith.minimumf %broadcast_in_dim3A_318, %get3A_502 : vector<16xf32>
            %min3A_512 = arith.minimumf %broadcast_in_dim3A_327, %get3A_506 : vector<16xf32>
            %sub3A_513 = arith.subf %min3A, %max3A : vector<16xf32>
            %add3A_514 = arith.constant 1.000000e+00 : f32
            %add3A_515 = vector.broadcast %add3A_514 : f32 to vector<16xf32>
            %add3A_516 = arith.addf %sub3A_513, %add3A_515 : vector<16xf32>
            %max3A_517 = arith.constant 0.000000e+00 : f32
            %max3A_518 = vector.broadcast %max3A_517 : f32 to vector<16xf32>
            %max3A_519 = arith.maximumf %max3A_518, %add3A_516 : vector<16xf32>
            %sub3A_520 = arith.subf %min3A_512, %max3A_511 : vector<16xf32>
            %add3A_521 = arith.constant 1.000000e+00 : f32
            %add3A_522 = vector.broadcast %add3A_521 : f32 to vector<16xf32>
            %add3A_523 = arith.addf %sub3A_520, %add3A_522 : vector<16xf32>
            %max3A_524 = arith.constant 0.000000e+00 : f32
            %max3A_525 = vector.broadcast %max3A_524 : f32 to vector<16xf32>
            %max3A_526 = arith.maximumf %max3A_525, %add3A_523 : vector<16xf32>
            %mul3A_527 = arith.mulf %max3A_519, %max3A_526 : vector<16xf32>
            %add3A_528 = arith.addf %broadcast_in_dim3A_336, %get3A_510 : vector<16xf32>
            %sub3A_529 = arith.subf %add3A_528, %mul3A_527 : vector<16xf32>
            %div3A = arith.divf %mul3A_527, %sub3A_529 : vector<16xf32>
            %gt3A_530 = arith.constant 4.000000e-01 : f32
            %gt3A_531 = vector.broadcast %gt3A_530 : f32 to vector<16xf32>
            %gt3A_532 = arith.cmpf ogt, %div3A, %gt3A_531 : vector<16xf32>
            %max3A_533 = arith.maximumf %broadcast_in_dim3A_345, %get3A_494 : vector<16xf32>
            %max3A_534 = arith.maximumf %broadcast_in_dim3A_354, %get3A_498 : vector<16xf32>
            %min3A_535 = arith.minimumf %broadcast_in_dim3A_363, %get3A_502 : vector<16xf32>
            %min3A_536 = arith.minimumf %broadcast_in_dim3A_372, %get3A_506 : vector<16xf32>
            %sub3A_537 = arith.subf %min3A_535, %max3A_533 : vector<16xf32>
            %add3A_538 = arith.constant 1.000000e+00 : f32
            %add3A_539 = vector.broadcast %add3A_538 : f32 to vector<16xf32>
            %add3A_540 = arith.addf %sub3A_537, %add3A_539 : vector<16xf32>
            %max3A_541 = arith.constant 0.000000e+00 : f32
            %max3A_542 = vector.broadcast %max3A_541 : f32 to vector<16xf32>
            %max3A_543 = arith.maximumf %max3A_542, %add3A_540 : vector<16xf32>
            %sub3A_544 = arith.subf %min3A_536, %max3A_534 : vector<16xf32>
            %add3A_545 = arith.constant 1.000000e+00 : f32
            %add3A_546 = vector.broadcast %add3A_545 : f32 to vector<16xf32>
            %add3A_547 = arith.addf %sub3A_544, %add3A_546 : vector<16xf32>
            %max3A_548 = arith.constant 0.000000e+00 : f32
            %max3A_549 = vector.broadcast %max3A_548 : f32 to vector<16xf32>
            %max3A_550 = arith.maximumf %max3A_549, %add3A_547 : vector<16xf32>
            %mul3A_551 = arith.mulf %max3A_543, %max3A_550 : vector<16xf32>
            %add3A_552 = arith.addf %broadcast_in_dim3A_381, %get3A_510 : vector<16xf32>
            %sub3A_553 = arith.subf %add3A_552, %mul3A_551 : vector<16xf32>
            %div3A_554 = arith.divf %mul3A_551, %sub3A_553 : vector<16xf32>
            %gt3A_555 = arith.constant 4.000000e-01 : f32
            %gt3A_556 = vector.broadcast %gt3A_555 : f32 to vector<16xf32>
            %gt3A_557 = arith.cmpf ogt, %div3A_554, %gt3A_556 : vector<16xf32>
            %max3A_558 = arith.maximumf %broadcast_in_dim3A_390, %get3A_494 : vector<16xf32>
            %max3A_559 = arith.maximumf %broadcast_in_dim3A_399, %get3A_498 : vector<16xf32>
            %min3A_560 = arith.minimumf %broadcast_in_dim3A_408, %get3A_502 : vector<16xf32>
            %min3A_561 = arith.minimumf %broadcast_in_dim3A_417, %get3A_506 : vector<16xf32>
            %sub3A_562 = arith.subf %min3A_560, %max3A_558 : vector<16xf32>
            %add3A_563 = arith.constant 1.000000e+00 : f32
            %add3A_564 = vector.broadcast %add3A_563 : f32 to vector<16xf32>
            %add3A_565 = arith.addf %sub3A_562, %add3A_564 : vector<16xf32>
            %max3A_566 = arith.constant 0.000000e+00 : f32
            %max3A_567 = vector.broadcast %max3A_566 : f32 to vector<16xf32>
            %max3A_568 = arith.maximumf %max3A_567, %add3A_565 : vector<16xf32>
            %sub3A_569 = arith.subf %min3A_561, %max3A_559 : vector<16xf32>
            %add3A_570 = arith.constant 1.000000e+00 : f32
            %add3A_571 = vector.broadcast %add3A_570 : f32 to vector<16xf32>
            %add3A_572 = arith.addf %sub3A_569, %add3A_571 : vector<16xf32>
            %max3A_573 = arith.constant 0.000000e+00 : f32
            %max3A_574 = vector.broadcast %max3A_573 : f32 to vector<16xf32>
            %max3A_575 = arith.maximumf %max3A_574, %add3A_572 : vector<16xf32>
            %mul3A_576 = arith.mulf %max3A_568, %max3A_575 : vector<16xf32>
            %add3A_577 = arith.addf %broadcast_in_dim3A_426, %get3A_510 : vector<16xf32>
            %sub3A_578 = arith.subf %add3A_577, %mul3A_576 : vector<16xf32>
            %div3A_579 = arith.divf %mul3A_576, %sub3A_578 : vector<16xf32>
            %gt3A_580 = arith.constant 4.000000e-01 : f32
            %gt3A_581 = vector.broadcast %gt3A_580 : f32 to vector<16xf32>
            %gt3A_582 = arith.cmpf ogt, %div3A_579, %gt3A_581 : vector<16xf32>
            %max3A_583 = arith.maximumf %broadcast_in_dim3A_435, %get3A_494 : vector<16xf32>
            %max3A_584 = arith.maximumf %broadcast_in_dim3A_444, %get3A_498 : vector<16xf32>
            %min3A_585 = arith.minimumf %broadcast_in_dim3A_453, %get3A_502 : vector<16xf32>
            %min3A_586 = arith.minimumf %broadcast_in_dim3A_462, %get3A_506 : vector<16xf32>
            %sub3A_587 = arith.subf %min3A_585, %max3A_583 : vector<16xf32>
            %add3A_588 = arith.constant 1.000000e+00 : f32
            %add3A_589 = vector.broadcast %add3A_588 : f32 to vector<16xf32>
            %add3A_590 = arith.addf %sub3A_587, %add3A_589 : vector<16xf32>
            %max3A_591 = arith.constant 0.000000e+00 : f32
            %max3A_592 = vector.broadcast %max3A_591 : f32 to vector<16xf32>
            %max3A_593 = arith.maximumf %max3A_592, %add3A_590 : vector<16xf32>
            %sub3A_594 = arith.subf %min3A_586, %max3A_584 : vector<16xf32>
            %add3A_595 = arith.constant 1.000000e+00 : f32
            %add3A_596 = vector.broadcast %add3A_595 : f32 to vector<16xf32>
            %add3A_597 = arith.addf %sub3A_594, %add3A_596 : vector<16xf32>
            %max3A_598 = arith.constant 0.000000e+00 : f32
            %max3A_599 = vector.broadcast %max3A_598 : f32 to vector<16xf32>
            %max3A_600 = arith.maximumf %max3A_599, %add3A_597 : vector<16xf32>
            %mul3A_601 = arith.mulf %max3A_593, %max3A_600 : vector<16xf32>
            %add3A_602 = arith.addf %broadcast_in_dim3A_471, %get3A_510 : vector<16xf32>
            %sub3A_603 = arith.subf %add3A_602, %mul3A_601 : vector<16xf32>
            %div3A_604 = arith.divf %mul3A_601, %sub3A_603 : vector<16xf32>
            %gt3A_605 = arith.constant 4.000000e-01 : f32
            %gt3A_606 = vector.broadcast %gt3A_605 : f32 to vector<16xf32>
            %gt3A_607 = arith.cmpf ogt, %div3A_604, %gt3A_606 : vector<16xf32>
            %or3A = arith.ori %gt3A_532, %gt3A_557 : vector<16xi1>
            %or3A_608 = arith.ori %gt3A_582, %gt3A_607 : vector<16xi1>
            %or3A_609 = arith.ori %or3A, %or3A_608 : vector<16xi1>
            %jit3A_610 = arith.constant 0 : i32
            %broadcast_in_dim3A_611 = vector.broadcast %jit3A_610 : i32 to vector<16xi32>
            %select_n3A_612 = arith.select %or3A_609, %broadcast_in_dim3A_611, %get3A_490 : vector<16xi1>, vector<16xi32>
            %mul3A_613 = arith.constant 16 : i32
            %mul3A_614 = arith.muli %while3A_485, %mul3A_613 : i32
            %swap3A_615 = arith.index_cast %mul3A_614 : i32 to index
            %swap3A_616 = tpu.vector_load %arg39[%swap3A_615] {strides = array<i32>} : memref<336xi32, #tpu.memory_space<vmem>>, vector<16xi32>,
            tpu.vector_store %arg39[%swap3A_615], %select_n3A_612 {strides = array<i32>} : memref<336xi32, #tpu.memory_space<vmem>>, vector<16xi32>,
            %while3A_617 = arith.constant 0 : i32
            scf.yield %while3A_617 : i32
          }
          %while3A_482 = arith.constant 1 : i32
          %while3A_483 = scf.for %while3A_485 = %while3A_479 to %while3A_475 step %while3A_482 iter_args(%while3A_486 = %while3A_481) -> (i32)  : i32 {
            %mul3A_487 = arith.constant 16 : i32
            %mul3A_488 = arith.muli %while3A_485, %mul3A_487 : i32
            %get3A_489 = arith.index_cast %mul3A_488 : i32 to index
            %get3A_490 = tpu.vector_load %arg39[%get3A_489] {strides = array<i32>} : memref<336xi32, #tpu.memory_space<vmem>>, vector<16xi32>,
            %mul3A_491 = arith.constant 16 : i32
            %mul3A_492 = arith.muli %while3A_485, %mul3A_491 : i32
            %get3A_493 = arith.index_cast %mul3A_492 : i32 to index
            %get3A_494 = tpu.vector_load %arg32[%get3A_493] {strides = array<i32>} : memref<336xf32, #tpu.memory_space<vmem>>, vector<16xf32>,
            %mul3A_495 = arith.constant 16 : i32
            %mul3A_496 = arith.muli %while3A_485, %mul3A_495 : i32
            %get3A_497 = arith.index_cast %mul3A_496 : i32 to index
            %get3A_498 = tpu.vector_load %arg33[%get3A_497] {strides = array<i32>} : memref<336xf32, #tpu.memory_space<vmem>>, vector<16xf32>,
            %mul3A_499 = arith.constant 16 : i32
            %mul3A_500 = arith.muli %while3A_485, %mul3A_499 : i32
            %get3A_501 = arith.index_cast %mul3A_500 : i32 to index
            %get3A_502 = tpu.vector_load %arg34[%get3A_501] {strides = array<i32>} : memref<336xf32, #tpu.memory_space<vmem>>, vector<16xf32>,
            %mul3A_503 = arith.constant 16 : i32
            %mul3A_504 = arith.muli %while3A_485, %mul3A_503 : i32
            %get3A_505 = arith.index_cast %mul3A_504 : i32 to index
            %get3A_506 = tpu.vector_load %arg35[%get3A_505] {strides = array<i32>} : memref<336xf32, #tpu.memory_space<vmem>>, vector<16xf32>,
            %mul3A_507 = arith.constant 16 : i32
            %mul3A_508 = arith.muli %while3A_485, %mul3A_507 : i32
            %get3A_509 = arith.index_cast %mul3A_508 : i32 to index
            %get3A_510 = tpu.vector_load %arg36[%get3A_509] {strides = array<i32>} : memref<336xf32, #tpu.memory_space<vmem>>, vector<16xf32>,
            %max3A = arith.maximumf %broadcast_in_dim3A_300, %get3A_494 : vector<16xf32>
            %max3A_511 = arith.maximumf %broadcast_in_dim3A_309, %get3A_498 : vector<16xf32>
            %min3A = arith.minimumf %broadcast_in_dim3A_318, %get3A_502 : vector<16xf32>
            %min3A_512 = arith.minimumf %broadcast_in_dim3A_327, %get3A_506 : vector<16xf32>
            %sub3A_513 = arith.subf %min3A, %max3A : vector<16xf32>
            %add3A_514 = arith.constant 1.000000e+00 : f32
            %add3A_515 = vector.broadcast %add3A_514 : f32 to vector<16xf32>
            %add3A_516 = arith.addf %sub3A_513, %add3A_515 : vector<16xf32>
            %max3A_517 = arith.constant 0.000000e+00 : f32
            %max3A_518 = vector.broadcast %max3A_517 : f32 to vector<16xf32>
            %max3A_519 = arith.maximumf %max3A_518, %add3A_516 : vector<16xf32>
            %sub3A_520 = arith.subf %min3A_512, %max3A_511 : vector<16xf32>
            %add3A_521 = arith.constant 1.000000e+00 : f32
            %add3A_522 = vector.broadcast %add3A_521 : f32 to vector<16xf32>
            %add3A_523 = arith.addf %sub3A_520, %add3A_522 : vector<16xf32>
            %max3A_524 = arith.constant 0.000000e+00 : f32
            %max3A_525 = vector.broadcast %max3A_524 : f32 to vector<16xf32>
            %max3A_526 = arith.maximumf %max3A_525, %add3A_523 : vector<16xf32>
            %mul3A_527 = arith.mulf %max3A_519, %max3A_526 : vector<16xf32>
            %add3A_528 = arith.addf %broadcast_in_dim3A_336, %get3A_510 : vector<16xf32>
            %sub3A_529 = arith.subf %add3A_528, %mul3A_527 : vector<16xf32>
            %div3A = arith.divf %mul3A_527, %sub3A_529 : vector<16xf32>
            %gt3A_530 = arith.constant 4.000000e-01 : f32
            %gt3A_531 = vector.broadcast %gt3A_530 : f32 to vector<16xf32>
            %gt3A_532 = arith.cmpf ogt, %div3A, %gt3A_531 : vector<16xf32>
            %max3A_533 = arith.maximumf %broadcast_in_dim3A_345, %get3A_494 : vector<16xf32>
            %max3A_534 = arith.maximumf %broadcast_in_dim3A_354, %get3A_498 : vector<16xf32>
            %min3A_535 = arith.minimumf %broadcast_in_dim3A_363, %get3A_502 : vector<16xf32>
            %min3A_536 = arith.minimumf %broadcast_in_dim3A_372, %get3A_506 : vector<16xf32>
            %sub3A_537 = arith.subf %min3A_535, %max3A_533 : vector<16xf32>
            %add3A_538 = arith.constant 1.000000e+00 : f32
            %add3A_539 = vector.broadcast %add3A_538 : f32 to vector<16xf32>
            %add3A_540 = arith.addf %sub3A_537, %add3A_539 : vector<16xf32>
            %max3A_541 = arith.constant 0.000000e+00 : f32
            %max3A_542 = vector.broadcast %max3A_541 : f32 to vector<16xf32>
            %max3A_543 = arith.maximumf %max3A_542, %add3A_540 : vector<16xf32>
            %sub3A_544 = arith.subf %min3A_536, %max3A_534 : vector<16xf32>
            %add3A_545 = arith.constant 1.000000e+00 : f32
            %add3A_546 = vector.broadcast %add3A_545 : f32 to vector<16xf32>
            %add3A_547 = arith.addf %sub3A_544, %add3A_546 : vector<16xf32>
            %max3A_548 = arith.constant 0.000000e+00 : f32
            %max3A_549 = vector.broadcast %max3A_548 : f32 to vector<16xf32>
            %max3A_550 = arith.maximumf %max3A_549, %add3A_547 : vector<16xf32>
            %mul3A_551 = arith.mulf %max3A_543, %max3A_550 : vector<16xf32>
            %add3A_552 = arith.addf %broadcast_in_dim3A_381, %get3A_510 : vector<16xf32>
            %sub3A_553 = arith.subf %add3A_552, %mul3A_551 : vector<16xf32>
            %div3A_554 = arith.divf %mul3A_551, %sub3A_553 : vector<16xf32>
            %gt3A_555 = arith.constant 4.000000e-01 : f32
            %gt3A_556 = vector.broadcast %gt3A_555 : f32 to vector<16xf32>
            %gt3A_557 = arith.cmpf ogt, %div3A_554, %gt3A_556 : vector<16xf32>
            %max3A_558 = arith.maximumf %broadcast_in_dim3A_390, %get3A_494 : vector<16xf32>
            %max3A_559 = arith.maximumf %broadcast_in_dim3A_399, %get3A_498 : vector<16xf32>
            %min3A_560 = arith.minimumf %broadcast_in_dim3A_408, %get3A_502 : vector<16xf32>
            %min3A_561 = arith.minimumf %broadcast_in_dim3A_417, %get3A_506 : vector<16xf32>
            %sub3A_562 = arith.subf %min3A_560, %max3A_558 : vector<16xf32>
            %add3A_563 = arith.constant 1.000000e+00 : f32
            %add3A_564 = vector.broadcast %add3A_563 : f32 to vector<16xf32>
            %add3A_565 = arith.addf %sub3A_562, %add3A_564 : vector<16xf32>
            %max3A_566 = arith.constant 0.000000e+00 : f32
            %max3A_567 = vector.broadcast %max3A_566 : f32 to vector<16xf32>
            %max3A_568 = arith.maximumf %max3A_567, %add3A_565 : vector<16xf32>
            %sub3A_569 = arith.subf %min3A_561, %max3A_559 : vector<16xf32>
            %add3A_570 = arith.constant 1.000000e+00 : f32
            %add3A_571 = vector.broadcast %add3A_570 : f32 to vector<16xf32>
            %add3A_572 = arith.addf %sub3A_569, %add3A_571 : vector<16xf32>
            %max3A_573 = arith.constant 0.000000e+00 : f32
            %max3A_574 = vector.broadcast %max3A_573 : f32 to vector<16xf32>
            %max3A_575 = arith.maximumf %max3A_574, %add3A_572 : vector<16xf32>
            %mul3A_576 = arith.mulf %max3A_568, %max3A_575 : vector<16xf32>
            %add3A_577 = arith.addf %broadcast_in_dim3A_426, %get3A_510 : vector<16xf32>
            %sub3A_578 = arith.subf %add3A_577, %mul3A_576 : vector<16xf32>
            %div3A_579 = arith.divf %mul3A_576, %sub3A_578 : vector<16xf32>
            %gt3A_580 = arith.constant 4.000000e-01 : f32
            %gt3A_581 = vector.broadcast %gt3A_580 : f32 to vector<16xf32>
            %gt3A_582 = arith.cmpf ogt, %div3A_579, %gt3A_581 : vector<16xf32>
            %max3A_583 = arith.maximumf %broadcast_in_dim3A_435, %get3A_494 : vector<16xf32>
            %max3A_584 = arith.maximumf %broadcast_in_dim3A_444, %get3A_498 : vector<16xf32>
            %min3A_585 = arith.minimumf %broadcast_in_dim3A_453, %get3A_502 : vector<16xf32>
            %min3A_586 = arith.minimumf %broadcast_in_dim3A_462, %get3A_506 : vector<16xf32>
            %sub3A_587 = arith.subf %min3A_585, %max3A_583 : vector<16xf32>
            %add3A_588 = arith.constant 1.000000e+00 : f32
            %add3A_589 = vector.broadcast %add3A_588 : f32 to vector<16xf32>
            %add3A_590 = arith.addf %sub3A_587, %add3A_589 : vector<16xf32>
            %max3A_591 = arith.constant 0.000000e+00 : f32
            %max3A_592 = vector.broadcast %max3A_591 : f32 to vector<16xf32>
            %max3A_593 = arith.maximumf %max3A_592, %add3A_590 : vector<16xf32>
            %sub3A_594 = arith.subf %min3A_586, %max3A_584 : vector<16xf32>
            %add3A_595 = arith.constant 1.000000e+00 : f32
            %add3A_596 = vector.broadcast %add3A_595 : f32 to vector<16xf32>
            %add3A_597 = arith.addf %sub3A_594, %add3A_596 : vector<16xf32>
            %max3A_598 = arith.constant 0.000000e+00 : f32
            %max3A_599 = vector.broadcast %max3A_598 : f32 to vector<16xf32>
            %max3A_600 = arith.maximumf %max3A_599, %add3A_597 : vector<16xf32>
            %mul3A_601 = arith.mulf %max3A_593, %max3A_600 : vector<16xf32>
            %add3A_602 = arith.addf %broadcast_in_dim3A_471, %get3A_510 : vector<16xf32>
            %sub3A_603 = arith.subf %add3A_602, %mul3A_601 : vector<16xf32>
            %div3A_604 = arith.divf %mul3A_601, %sub3A_603 : vector<16xf32>
            %gt3A_605 = arith.constant 4.000000e-01 : f32
            %gt3A_606 = vector.broadcast %gt3A_605 : f32 to vector<16xf32>
            %gt3A_607 = arith.cmpf ogt, %div3A_604, %gt3A_606 : vector<16xf32>
            %or3A = arith.ori %gt3A_532, %gt3A_557 : vector<16xi1>
            %or3A_608 = arith.ori %gt3A_582, %gt3A_607 : vector<16xi1>
            %or3A_609 = arith.ori %or3A, %or3A_608 : vector<16xi1>
            %jit3A_610 = arith.constant 0 : i32
            %broadcast_in_dim3A_611 = vector.broadcast %jit3A_610 : i32 to vector<16xi32>
            %select_n3A_612 = arith.select %or3A_609, %broadcast_in_dim3A_611, %get3A_490 : vector<16xi1>, vector<16xi32>
            %mul3A_613 = arith.constant 16 : i32
            %mul3A_614 = arith.muli %while3A_485, %mul3A_613 : i32
            %swap3A_615 = arith.index_cast %mul3A_614 : i32 to index
            %swap3A_616 = tpu.vector_load %arg39[%swap3A_615] {strides = array<i32>} : memref<336xi32, #tpu.memory_space<vmem>>, vector<16xi32>,
            tpu.vector_store %arg39[%swap3A_615], %select_n3A_612 {strides = array<i32>} : memref<336xi32, #tpu.memory_space<vmem>>, vector<16xi32>,
            %while3A_617 = arith.constant 0 : i32
            scf.yield %while3A_617 : i32
          }
          %while3A_484 = arith.constant 0 : i32
          scf.yield %while3A_484 : i32
        }
        %while3A_266 = arith.constant 0 : i32
        %while3A_267 = arith.constant 0 : i32
        %while3A_268 = arith.subi %shift_right_arithmetic3A_250, %while3A_266 : i32
        %while3A_269 = arith.addi %while3A_266, %while3A_268 : i32
        %while3A_270 = arith.constant 1 : i32
        %while3A_271 = arith.divsi %while3A_268, %while3A_270 : i32
        %while3A_272 = arith.muli %while3A_271, %while3A_270 : i32
        %while3A_273 = arith.addi %while3A_266, %while3A_272 : i32
        %while3A_274 = arith.constant 1 : i32
        %while3A_275 = scf.for %while3A_288 = %while3A_266 to %while3A_273 step %while3A_274 iter_args(%while3A_289 = %while3A_267) -> (i32)  : i32 {
          %mul3A_290 = arith.constant 16 : i32
          %mul3A_291 = arith.muli %while3A_288, %mul3A_290 : i32
          %get3A_292 = arith.index_cast %mul3A_291 : i32 to index
          %get3A_293 = tpu.vector_load %arg39[%get3A_292] {strides = array<i32>} : memref<336xi32, #tpu.memory_space<vmem>>, vector<16xi32>,
          %ne3A = arith.constant 0 : i32
          %ne3A_294 = vector.broadcast %ne3A : i32 to vector<16xi32>
          %ne3A_295 = arith.cmpi ne, %get3A_293, %ne3A_294 : vector<16xi32>
          %convert_element_type3A_296 = arith.extui %ne3A_295 : vector<16xi1> to vector<16xi32>
          %broadcast_in_dim3A_297 = arith.constant true
          %broadcast_in_dim3A_298 = vector.broadcast %broadcast_in_dim3A_297 : i1 to vector<16xi1>
          %masked_cumsum3A = tpu.scan <sum>, %convert_element_type3A_296 masked %broadcast_in_dim3A_298 : vector<16xi32>, vector<16xi1> -> vector<16xi32>
          %add3A_299 = vector.broadcast %while3A_289 : i32 to vector<16xi32>
          %add3A_300 = arith.addi %add3A_299, %masked_cumsum3A : vector<16xi32>
          %sub3A_301 = arith.subi %add3A_300, %convert_element_type3A_296 : vector<16xi32>
          %mul3A_302 = arith.constant 16 : i32
          %mul3A_303 = arith.muli %while3A_288, %mul3A_302 : i32
          %get3A_304 = arith.index_cast %mul3A_303 : i32 to index
          %get3A_305 = tpu.vector_load %arg32[%get3A_304] {strides = array<i32>} : memref<336xf32, #tpu.memory_space<vmem>>, vector<16xf32>,
          tpu.vector_store_idx %arg32[%sub3A_301], %get3A_305 masked %ne3A_295 : memref<336xf32, #tpu.memory_space<vmem>>[vector<16xi32>], vector<16xf32>, vector<16xi1>
          %mul3A_306 = arith.constant 16 : i32
          %mul3A_307 = arith.muli %while3A_288, %mul3A_306 : i32
          %get3A_308 = arith.index_cast %mul3A_307 : i32 to index
          %get3A_309 = tpu.vector_load %arg33[%get3A_308] {strides = array<i32>} : memref<336xf32, #tpu.memory_space<vmem>>, vector<16xf32>,
          tpu.vector_store_idx %arg33[%sub3A_301], %get3A_309 masked %ne3A_295 : memref<336xf32, #tpu.memory_space<vmem>>[vector<16xi32>], vector<16xf32>, vector<16xi1>
          %mul3A_310 = arith.constant 16 : i32
          %mul3A_311 = arith.muli %while3A_288, %mul3A_310 : i32
          %get3A_312 = arith.index_cast %mul3A_311 : i32 to index
          %get3A_313 = tpu.vector_load %arg34[%get3A_312] {strides = array<i32>} : memref<336xf32, #tpu.memory_space<vmem>>, vector<16xf32>,
          tpu.vector_store_idx %arg34[%sub3A_301], %get3A_313 masked %ne3A_295 : memref<336xf32, #tpu.memory_space<vmem>>[vector<16xi32>], vector<16xf32>, vector<16xi1>
          %mul3A_314 = arith.constant 16 : i32
          %mul3A_315 = arith.muli %while3A_288, %mul3A_314 : i32
          %get3A_316 = arith.index_cast %mul3A_315 : i32 to index
          %get3A_317 = tpu.vector_load %arg35[%get3A_316] {strides = array<i32>} : memref<336xf32, #tpu.memory_space<vmem>>, vector<16xf32>,
          tpu.vector_store_idx %arg35[%sub3A_301], %get3A_317 masked %ne3A_295 : memref<336xf32, #tpu.memory_space<vmem>>[vector<16xi32>], vector<16xf32>, vector<16xi1>
          %mul3A_318 = arith.constant 16 : i32
          %mul3A_319 = arith.muli %while3A_288, %mul3A_318 : i32
          %get3A_320 = arith.index_cast %mul3A_319 : i32 to index
          %get3A_321 = tpu.vector_load %arg36[%get3A_320] {strides = array<i32>} : memref<336xf32, #tpu.memory_space<vmem>>, vector<16xf32>,
          tpu.vector_store_idx %arg36[%sub3A_301], %get3A_321 masked %ne3A_295 : memref<336xf32, #tpu.memory_space<vmem>>[vector<16xi32>], vector<16xf32>, vector<16xi1>
          %mul3A_322 = arith.constant 16 : i32
          %mul3A_323 = arith.muli %while3A_288, %mul3A_322 : i32
          %get3A_324 = arith.index_cast %mul3A_323 : i32 to index
          %get3A_325 = tpu.vector_load %arg37[%get3A_324] {strides = array<i32>} : memref<336xf32, #tpu.memory_space<vmem>>, vector<16xf32>,
          tpu.vector_store_idx %arg37[%sub3A_301], %get3A_325 masked %ne3A_295 : memref<336xf32, #tpu.memory_space<vmem>>[vector<16xi32>], vector<16xf32>, vector<16xi1>
          %mul3A_326 = arith.constant 16 : i32
          %mul3A_327 = arith.muli %while3A_288, %mul3A_326 : i32
          %get3A_328 = arith.index_cast %mul3A_327 : i32 to index
          %get3A_329 = tpu.vector_load %arg38[%get3A_328] {strides = array<i32>} : memref<336xi32, #tpu.memory_space<vmem>>, vector<16xi32>,
          tpu.vector_store_idx %arg38[%sub3A_301], %get3A_329 masked %ne3A_295 : memref<336xi32, #tpu.memory_space<vmem>>[vector<16xi32>], vector<16xi32>, vector<16xi1>
          %reduce_sum3A = arith.constant true
          %reduce_sum3A_330 = vector.broadcast %reduce_sum3A : i1 to vector<16xi1>
          %reduce_sum3A_331 = tpu.scan <sum>, %convert_element_type3A_296 masked %reduce_sum3A_330 : vector<16xi32>, vector<16xi1> -> vector<16xi32>
          %reduce_sum3A_332 = vector.extract %reduce_sum3A_331[15] : i32 from vector<16xi32>
          %add3A_333 = arith.addi %while3A_289, %reduce_sum3A_332 : i32
          scf.yield %add3A_333 : i32
        }
        %while3A_276 = arith.constant 1 : i32
        %while3A_277 = scf.for %while3A_288 = %while3A_273 to %while3A_269 step %while3A_276 iter_args(%while3A_289 = %while3A_275) -> (i32)  : i32 {
          %mul3A_290 = arith.constant 16 : i32
          %mul3A_291 = arith.muli %while3A_288, %mul3A_290 : i32
          %get3A_292 = arith.index_cast %mul3A_291 : i32 to index
          %get3A_293 = tpu.vector_load %arg39[%get3A_292] {strides = array<i32>} : memref<336xi32, #tpu.memory_space<vmem>>, vector<16xi32>,
          %ne3A = arith.constant 0 : i32
          %ne3A_294 = vector.broadcast %ne3A : i32 to vector<16xi32>
          %ne3A_295 = arith.cmpi ne, %get3A_293, %ne3A_294 : vector<16xi32>
          %convert_element_type3A_296 = arith.extui %ne3A_295 : vector<16xi1> to vector<16xi32>
          %broadcast_in_dim3A_297 = arith.constant true
          %broadcast_in_dim3A_298 = vector.broadcast %broadcast_in_dim3A_297 : i1 to vector<16xi1>
          %masked_cumsum3A = tpu.scan <sum>, %convert_element_type3A_296 masked %broadcast_in_dim3A_298 : vector<16xi32>, vector<16xi1> -> vector<16xi32>
          %add3A_299 = vector.broadcast %while3A_289 : i32 to vector<16xi32>
          %add3A_300 = arith.addi %add3A_299, %masked_cumsum3A : vector<16xi32>
          %sub3A_301 = arith.subi %add3A_300, %convert_element_type3A_296 : vector<16xi32>
          %mul3A_302 = arith.constant 16 : i32
          %mul3A_303 = arith.muli %while3A_288, %mul3A_302 : i32
          %get3A_304 = arith.index_cast %mul3A_303 : i32 to index
          %get3A_305 = tpu.vector_load %arg32[%get3A_304] {strides = array<i32>} : memref<336xf32, #tpu.memory_space<vmem>>, vector<16xf32>,
          tpu.vector_store_idx %arg32[%sub3A_301], %get3A_305 masked %ne3A_295 : memref<336xf32, #tpu.memory_space<vmem>>[vector<16xi32>], vector<16xf32>, vector<16xi1>
          %mul3A_306 = arith.constant 16 : i32
          %mul3A_307 = arith.muli %while3A_288, %mul3A_306 : i32
          %get3A_308 = arith.index_cast %mul3A_307 : i32 to index
          %get3A_309 = tpu.vector_load %arg33[%get3A_308] {strides = array<i32>} : memref<336xf32, #tpu.memory_space<vmem>>, vector<16xf32>,
          tpu.vector_store_idx %arg33[%sub3A_301], %get3A_309 masked %ne3A_295 : memref<336xf32, #tpu.memory_space<vmem>>[vector<16xi32>], vector<16xf32>, vector<16xi1>
          %mul3A_310 = arith.constant 16 : i32
          %mul3A_311 = arith.muli %while3A_288, %mul3A_310 : i32
          %get3A_312 = arith.index_cast %mul3A_311 : i32 to index
          %get3A_313 = tpu.vector_load %arg34[%get3A_312] {strides = array<i32>} : memref<336xf32, #tpu.memory_space<vmem>>, vector<16xf32>,
          tpu.vector_store_idx %arg34[%sub3A_301], %get3A_313 masked %ne3A_295 : memref<336xf32, #tpu.memory_space<vmem>>[vector<16xi32>], vector<16xf32>, vector<16xi1>
          %mul3A_314 = arith.constant 16 : i32
          %mul3A_315 = arith.muli %while3A_288, %mul3A_314 : i32
          %get3A_316 = arith.index_cast %mul3A_315 : i32 to index
          %get3A_317 = tpu.vector_load %arg35[%get3A_316] {strides = array<i32>} : memref<336xf32, #tpu.memory_space<vmem>>, vector<16xf32>,
          tpu.vector_store_idx %arg35[%sub3A_301], %get3A_317 masked %ne3A_295 : memref<336xf32, #tpu.memory_space<vmem>>[vector<16xi32>], vector<16xf32>, vector<16xi1>
          %mul3A_318 = arith.constant 16 : i32
          %mul3A_319 = arith.muli %while3A_288, %mul3A_318 : i32
          %get3A_320 = arith.index_cast %mul3A_319 : i32 to index
          %get3A_321 = tpu.vector_load %arg36[%get3A_320] {strides = array<i32>} : memref<336xf32, #tpu.memory_space<vmem>>, vector<16xf32>,
          tpu.vector_store_idx %arg36[%sub3A_301], %get3A_321 masked %ne3A_295 : memref<336xf32, #tpu.memory_space<vmem>>[vector<16xi32>], vector<16xf32>, vector<16xi1>
          %mul3A_322 = arith.constant 16 : i32
          %mul3A_323 = arith.muli %while3A_288, %mul3A_322 : i32
          %get3A_324 = arith.index_cast %mul3A_323 : i32 to index
          %get3A_325 = tpu.vector_load %arg37[%get3A_324] {strides = array<i32>} : memref<336xf32, #tpu.memory_space<vmem>>, vector<16xf32>,
          tpu.vector_store_idx %arg37[%sub3A_301], %get3A_325 masked %ne3A_295 : memref<336xf32, #tpu.memory_space<vmem>>[vector<16xi32>], vector<16xf32>, vector<16xi1>
          %mul3A_326 = arith.constant 16 : i32
          %mul3A_327 = arith.muli %while3A_288, %mul3A_326 : i32
          %get3A_328 = arith.index_cast %mul3A_327 : i32 to index
          %get3A_329 = tpu.vector_load %arg38[%get3A_328] {strides = array<i32>} : memref<336xi32, #tpu.memory_space<vmem>>, vector<16xi32>,
          tpu.vector_store_idx %arg38[%sub3A_301], %get3A_329 masked %ne3A_295 : memref<336xi32, #tpu.memory_space<vmem>>[vector<16xi32>], vector<16xi32>, vector<16xi1>
          %reduce_sum3A = arith.constant true
          %reduce_sum3A_330 = vector.broadcast %reduce_sum3A : i1 to vector<16xi1>
          %reduce_sum3A_331 = tpu.scan <sum>, %convert_element_type3A_296 masked %reduce_sum3A_330 : vector<16xi32>, vector<16xi1> -> vector<16xi32>
          %reduce_sum3A_332 = vector.extract %reduce_sum3A_331[15] : i32 from vector<16xi32>
          %add3A_333 = arith.addi %while3A_289, %reduce_sum3A_332 : i32
          scf.yield %add3A_333 : i32
        }
        %scan3A_278 = arith.constant 0 : i32
        %scan3A_279 = arith.constant 0 : i32
        %scan3A_280 = arith.constant 20 : i32
        %scan3A_281 = arith.addi %scan3A_279, %scan3A_280 : i32
        %scan3A_282 = arith.constant 1 : i32
        %scan3A_283 = scf.for %scan3A_288 = %scan3A_279 to %scan3A_281 step %scan3A_282 iter_args(%scan3A_289 = %scan3A_278) -> (i32)  : i32 {
          %mul3A_290 = arith.constant 16 : i32
          %mul3A_291 = arith.muli %scan3A_288, %mul3A_290 : i32
          %add3A_292 = vector.broadcast %mul3A_291 : i32 to vector<16xi32>
          %add3A_293 = arith.addi %add3A_292, %iota3A : vector<16xi32>
          %lt3A_294 = vector.broadcast %while3A_277 : i32 to vector<16xi32>
          %lt3A_295 = arith.cmpi slt, %add3A_293, %lt3A_294 : vector<16xi32>
          %convert_element_type3A_296 = arith.extui %lt3A_295 : vector<16xi1> to vector<16xi32>
          %mul3A_297 = arith.constant 16 : i32
          %mul3A_298 = arith.muli %scan3A_288, %mul3A_297 : i32
          %swap3A_299 = arith.index_cast %mul3A_298 : i32 to index
          %swap3A_300 = tpu.vector_load %arg39[%swap3A_299] {strides = array<i32>} : memref<336xi32, #tpu.memory_space<vmem>>, vector<16xi32>,
          tpu.vector_store %arg39[%swap3A_299], %convert_element_type3A_296 {strides = array<i32>} : memref<336xi32, #tpu.memory_space<vmem>>, vector<16xi32>,
          %mul3A_301 = arith.constant 16 : i32
          %mul3A_302 = arith.muli %scan3A_288, %mul3A_301 : i32
          %get3A_303 = arith.index_cast %mul3A_302 : i32 to index
          %get3A_304 = tpu.vector_load %arg38[%get3A_303] {strides = array<i32>} : memref<336xi32, #tpu.memory_space<vmem>>, vector<16xi32>,
          %jit3A_305 = arith.constant 1073741824 : i32
          %broadcast_in_dim3A_306 = vector.broadcast %jit3A_305 : i32 to vector<16xi32>
          %select_n3A_307 = arith.select %lt3A_295, %get3A_304, %broadcast_in_dim3A_306 : vector<16xi1>, vector<16xi32>
          %mul3A_308 = arith.constant 16 : i32
          %mul3A_309 = arith.muli %scan3A_288, %mul3A_308 : i32
          %swap3A_310 = arith.index_cast %mul3A_309 : i32 to index
          %swap3A_311 = tpu.vector_load %arg38[%swap3A_310] {strides = array<i32>} : memref<336xi32, #tpu.memory_space<vmem>>, vector<16xi32>,
          tpu.vector_store %arg38[%swap3A_310], %select_n3A_307 {strides = array<i32>} : memref<336xi32, #tpu.memory_space<vmem>>, vector<16xi32>,
          %scan3A_312 = arith.constant 0 : i32
          scf.yield %scan3A_312 : i32
        }
        %scan3A_284 = arith.constant 20 : i32
        %broadcast_in_dim3A_285 = vector.broadcast %while3A_277 : i32 to vector<16xi32>
        %swap3A_286 = arith.constant 32 : index
        %swap3A_287 = tpu.vector_load %arg44[%swap3A_286] {strides = array<i32>} : memref<64xi32, #tpu.memory_space<vmem>>, vector<16xi32>,
        tpu.vector_store %arg44[%swap3A_286], %broadcast_in_dim3A_285 {strides = array<i32>} : memref<64xi32, #tpu.memory_space<vmem>>, vector<16xi32>,
      } else {
      }
      %get3A_239 = arith.constant 32 : index
      %get3A_240 = tpu.vector_load %arg44[%get3A_239] {strides = array<i32>} : memref<64xi32, #tpu.memory_space<vmem>>, vector<16xi32>,
      %slice3A_241 = vector.extract_strided_slice %get3A_240 {offsets = [0], sizes = [1], strides = [1]} : vector<16xi32> to vector<1xi32>
      %squeeze3A_242 = vector.extract %slice3A_241[0] : i32 from vector<1xi32>
      scf.yield %squeeze3A_242 : i32
    }
    %scan3A_185 = arith.constant 32 : i32
    %barrier3A_186 = arith.constant 0 : index
    tpu.barrier barrier_id(%barrier3A_186)
    %eq3A_187 = arith.constant 0 : i32
    %eq3A_188 = arith.cmpi eq, %arg1, %eq3A_187 : i32
    %convert_element_type3A_189 = arith.extui %eq3A_188 : i1 to i32
    %cond3A_190 = arith.constant 0 : i32
    %cond3A_191 = arith.cmpi ne, %convert_element_type3A_189, %cond3A_190 : i32
    scf.if %cond3A_191 {
      "tpu.region"() ({
        %run_scoped3A = tpu.sem_alloc : memref<!tpu.dma_semaphore, #tpu.memory_space<semaphore_mem>>
        %dma_start3A = arith.constant 0 : i32
        %dma_start3A_206 = tpu.memref_slice %arg44[%dma_start3A] : memref<64xi32, #tpu.memory_space<vmem>> -> memref<32xi32, #tpu.memory_space<vmem>>
        %dma_start3A_207 = arith.constant 0 : i32
        %dma_start3A_208 = tpu.memref_slice %arg44[%dma_start3A_207] : memref<64xi32, #tpu.memory_space<vmem>> -> memref<32xi32, #tpu.memory_space<vmem>>
        tpu.enqueue_dma source(%arg19 : memref<32xi32, #tpu.memory_space<vmem_shared>>) target(%dma_start3A_208 : memref<32xi32, #tpu.memory_space<vmem>>) target_semaphore(%run_scoped3A : memref<!tpu.dma_semaphore, #tpu.memory_space<semaphore_mem>>)
        %dma_wait3A = arith.constant 0 : i32
        %dma_wait3A_209 = tpu.memref_slice %arg44[%dma_wait3A] : memref<64xi32, #tpu.memory_space<vmem>> -> memref<32xi32, #tpu.memory_space<vmem>>
        %dma_wait3A_210 = arith.constant 0 : i32
        %dma_wait3A_211 = tpu.memref_slice %arg44[%dma_wait3A_210] : memref<64xi32, #tpu.memory_space<vmem>> -> memref<32xi32, #tpu.memory_space<vmem>>
        tpu.wait_dma2 semaphore(%run_scoped3A : memref<!tpu.dma_semaphore, #tpu.memory_space<semaphore_mem>>) src(%arg19 : memref<32xi32, #tpu.memory_space<vmem_shared>>) dst(%dma_wait3A_211 : memref<32xi32, #tpu.memory_space<vmem>>)
        tpu.yield
      }) : () -> ()
      %scan3A_192 = arith.constant 0 : i32
      %scan3A_193 = arith.constant 0 : i32
      %scan3A_194 = arith.constant 235 : i32
      %scan3A_195 = arith.addi %scan3A_193, %scan3A_194 : i32
      %scan3A_196 = arith.constant 1 : i32
      %scan3A_197 = scf.for %scan3A_206 = %scan3A_193 to %scan3A_195 step %scan3A_196 iter_args(%scan3A_207 = %scan3A_192) -> (i32)  : i32 {
        %broadcast_in_dim3A_208 = arith.constant 0.000000e+00 : f32
        %broadcast_in_dim3A_209 = vector.broadcast %broadcast_in_dim3A_208 : f32 to vector<16xf32>
        %mul3A_210 = arith.constant 16 : i32
        %mul3A_211 = arith.muli %scan3A_206, %mul3A_210 : i32
        %swap3A_212 = arith.index_cast %mul3A_211 : i32 to index
        %swap3A_213 = tpu.vector_load %arg45[%swap3A_212] {strides = array<i32>} : memref<3760xf32, #tpu.memory_space<vmem>>, vector<16xf32>,
        tpu.vector_store %arg45[%swap3A_212], %broadcast_in_dim3A_209 {strides = array<i32>} : memref<3760xf32, #tpu.memory_space<vmem>>, vector<16xf32>,
        %scan3A_214 = arith.constant 0 : i32
        scf.yield %scan3A_214 : i32
      }
      %scan3A_198 = arith.constant 235 : i32
      %scan3A_199 = arith.constant 0 : i32
      %scan3A_200 = arith.constant 0 : i32
      %scan3A_201 = arith.constant 32 : i32
      %scan3A_202 = arith.addi %scan3A_200, %scan3A_201 : i32
      %scan3A_203 = arith.constant 1 : i32
      %scan3A_204 = scf.for %scan3A_206 = %scan3A_200 to %scan3A_202 step %scan3A_203 iter_args(%scan3A_207 = %scan3A_199) -> (i32)  : i32 {
        %shift_right_arithmetic3A = arith.constant 4 : i32
        %shift_right_arithmetic3A_208 = arith.shrsi %scan3A_206, %shift_right_arithmetic3A : i32
        %mul3A_209 = arith.constant 16 : i32
        %mul3A_210 = arith.muli %shift_right_arithmetic3A_208, %mul3A_209 : i32
        %get3A = arith.index_cast %mul3A_210 : i32 to index
        %get3A_211 = tpu.vector_load %arg44[%get3A] {strides = array<i32>} : memref<64xi32, #tpu.memory_space<vmem>>, vector<16xi32>,
        %sub3A = arith.subi %scan3A_206, %mul3A_210 : i32
        %broadcast_in_dim3A_212 = vector.broadcast %sub3A : i32 to vector<16xi32>
        %lt3A = arith.constant 0 : i32
        %lt3A_213 = vector.broadcast %lt3A : i32 to vector<16xi32>
        %lt3A_214 = arith.cmpi slt, %broadcast_in_dim3A_212, %lt3A_213 : vector<16xi32>
        %add3A = arith.constant 16 : i32
        %add3A_215 = vector.broadcast %add3A : i32 to vector<16xi32>
        %add3A_216 = arith.addi %broadcast_in_dim3A_212, %add3A_215 : vector<16xi32>
        %select_n3A = arith.select %lt3A_214, %add3A_216, %broadcast_in_dim3A_212 : vector<16xi1>, vector<16xi32>
        %broadcast_in_dim3A_217 = vector.shape_cast %select_n3A : vector<16xi32> to vector<16x1xi32>
        %gather3A = vector.shape_cast %broadcast_in_dim3A_217 : vector<16x1xi32> to vector<16xi32>
        %gather3A_218 = tpu.dynamic_gather %get3A_211[%gather3A] in [0] : vector<16xi32>, vector<16xi32> -> vector<16xi32>
        %slice3A = vector.extract_strided_slice %gather3A_218 {offsets = [0], sizes = [1], strides = [1]} : vector<16xi32> to vector<1xi32>
        %squeeze3A = vector.extract %slice3A[0] : i32 from vector<1xi32>
        %gt3A = arith.constant 0 : i32
        %gt3A_219 = arith.cmpi sgt, %squeeze3A, %gt3A : i32
        %convert_element_type3A_220 = arith.extui %gt3A_219 : i1 to i32
        %cond3A_221 = arith.constant 0 : i32
        %cond3A_222 = arith.cmpi ne, %convert_element_type3A_220, %cond3A_221 : i32
        scf.if %cond3A_222 {
          %mul3A_224 = arith.constant 256 : i32
          %mul3A_225 = arith.muli %scan3A_206, %mul3A_224 : i32
          %run_scoped3A = arith.constant 1 : i32
          "tpu.region"() ({
            %run_scoped3A_244 = tpu.sem_alloc : memref<!tpu.dma_semaphore, #tpu.memory_space<semaphore_mem>>
            %dma_start3A = arith.constant 0 : i32
            %dma_start3A_245 = tpu.memref_slice %arg42[%run_scoped3A, %dma_start3A] : memref<6x256xf32, #tpu.memory_space<vmem>> -> memref<1x256xf32, #tpu.memory_space<vmem>>
            %dma_start3A_246 = tpu.memref_squeeze %dma_start3A_245 : memref<1x256xf32, #tpu.memory_space<vmem>> -> memref<256xf32, #tpu.memory_space<vmem>>
            %dma_start3A_247 = tpu.memref_slice %arg14[%mul3A_225] : memref<8192xf32, #tpu.memory_space<vmem_shared>> -> memref<256xf32, #tpu.memory_space<vmem_shared>>
            %dma_start3A_248 = arith.constant 0 : i32
            %dma_start3A_249 = tpu.memref_slice %arg42[%run_scoped3A, %dma_start3A_248] : memref<6x256xf32, #tpu.memory_space<vmem>> -> memref<1x256xf32, #tpu.memory_space<vmem>>
            %dma_start3A_250 = tpu.memref_squeeze %dma_start3A_249 : memref<1x256xf32, #tpu.memory_space<vmem>> -> memref<256xf32, #tpu.memory_space<vmem>>
            %dma_start3A_251 = tpu.memref_slice %arg14[%mul3A_225] : memref<8192xf32, #tpu.memory_space<vmem_shared>> -> memref<256xf32, #tpu.memory_space<vmem_shared>>
            tpu.enqueue_dma source(%dma_start3A_251 : memref<256xf32, #tpu.memory_space<vmem_shared>>) target(%dma_start3A_250 : memref<256xf32, #tpu.memory_space<vmem>>) target_semaphore(%run_scoped3A_244 : memref<!tpu.dma_semaphore, #tpu.memory_space<semaphore_mem>>)
            %dma_wait3A = arith.constant 0 : i32
            %dma_wait3A_252 = tpu.memref_slice %arg42[%run_scoped3A, %dma_wait3A] : memref<6x256xf32, #tpu.memory_space<vmem>> -> memref<1x256xf32, #tpu.memory_space<vmem>>
            %dma_wait3A_253 = tpu.memref_squeeze %dma_wait3A_252 : memref<1x256xf32, #tpu.memory_space<vmem>> -> memref<256xf32, #tpu.memory_space<vmem>>
            %dma_wait3A_254 = tpu.memref_slice %arg14[%mul3A_225] : memref<8192xf32, #tpu.memory_space<vmem_shared>> -> memref<256xf32, #tpu.memory_space<vmem_shared>>
            %dma_wait3A_255 = arith.constant 0 : i32
            %dma_wait3A_256 = tpu.memref_slice %arg42[%run_scoped3A, %dma_wait3A_255] : memref<6x256xf32, #tpu.memory_space<vmem>> -> memref<1x256xf32, #tpu.memory_space<vmem>>
            %dma_wait3A_257 = tpu.memref_squeeze %dma_wait3A_256 : memref<1x256xf32, #tpu.memory_space<vmem>> -> memref<256xf32, #tpu.memory_space<vmem>>
            %dma_wait3A_258 = tpu.memref_slice %arg14[%mul3A_225] : memref<8192xf32, #tpu.memory_space<vmem_shared>> -> memref<256xf32, #tpu.memory_space<vmem_shared>>
            tpu.wait_dma2 semaphore(%run_scoped3A_244 : memref<!tpu.dma_semaphore, #tpu.memory_space<semaphore_mem>>) src(%dma_wait3A_258 : memref<256xf32, #tpu.memory_space<vmem_shared>>) dst(%dma_wait3A_257 : memref<256xf32, #tpu.memory_space<vmem>>)
            tpu.yield
          }) : () -> ()
          %mul3A_226 = arith.constant 256 : i32
          %mul3A_227 = arith.muli %scan3A_206, %mul3A_226 : i32
          %run_scoped3A_228 = arith.constant 2 : i32
          "tpu.region"() ({
            %run_scoped3A_244 = tpu.sem_alloc : memref<!tpu.dma_semaphore, #tpu.memory_space<semaphore_mem>>
            %dma_start3A = arith.constant 0 : i32
            %dma_start3A_245 = tpu.memref_slice %arg42[%run_scoped3A_228, %dma_start3A] : memref<6x256xf32, #tpu.memory_space<vmem>> -> memref<1x256xf32, #tpu.memory_space<vmem>>
            %dma_start3A_246 = tpu.memref_squeeze %dma_start3A_245 : memref<1x256xf32, #tpu.memory_space<vmem>> -> memref<256xf32, #tpu.memory_space<vmem>>
            %dma_start3A_247 = tpu.memref_slice %arg15[%mul3A_227] : memref<8192xf32, #tpu.memory_space<vmem_shared>> -> memref<256xf32, #tpu.memory_space<vmem_shared>>
            %dma_start3A_248 = arith.constant 0 : i32
            %dma_start3A_249 = tpu.memref_slice %arg42[%run_scoped3A_228, %dma_start3A_248] : memref<6x256xf32, #tpu.memory_space<vmem>> -> memref<1x256xf32, #tpu.memory_space<vmem>>
            %dma_start3A_250 = tpu.memref_squeeze %dma_start3A_249 : memref<1x256xf32, #tpu.memory_space<vmem>> -> memref<256xf32, #tpu.memory_space<vmem>>
            %dma_start3A_251 = tpu.memref_slice %arg15[%mul3A_227] : memref<8192xf32, #tpu.memory_space<vmem_shared>> -> memref<256xf32, #tpu.memory_space<vmem_shared>>
            tpu.enqueue_dma source(%dma_start3A_251 : memref<256xf32, #tpu.memory_space<vmem_shared>>) target(%dma_start3A_250 : memref<256xf32, #tpu.memory_space<vmem>>) target_semaphore(%run_scoped3A_244 : memref<!tpu.dma_semaphore, #tpu.memory_space<semaphore_mem>>)
            %dma_wait3A = arith.constant 0 : i32
            %dma_wait3A_252 = tpu.memref_slice %arg42[%run_scoped3A_228, %dma_wait3A] : memref<6x256xf32, #tpu.memory_space<vmem>> -> memref<1x256xf32, #tpu.memory_space<vmem>>
            %dma_wait3A_253 = tpu.memref_squeeze %dma_wait3A_252 : memref<1x256xf32, #tpu.memory_space<vmem>> -> memref<256xf32, #tpu.memory_space<vmem>>
            %dma_wait3A_254 = tpu.memref_slice %arg15[%mul3A_227] : memref<8192xf32, #tpu.memory_space<vmem_shared>> -> memref<256xf32, #tpu.memory_space<vmem_shared>>
            %dma_wait3A_255 = arith.constant 0 : i32
            %dma_wait3A_256 = tpu.memref_slice %arg42[%run_scoped3A_228, %dma_wait3A_255] : memref<6x256xf32, #tpu.memory_space<vmem>> -> memref<1x256xf32, #tpu.memory_space<vmem>>
            %dma_wait3A_257 = tpu.memref_squeeze %dma_wait3A_256 : memref<1x256xf32, #tpu.memory_space<vmem>> -> memref<256xf32, #tpu.memory_space<vmem>>
            %dma_wait3A_258 = tpu.memref_slice %arg15[%mul3A_227] : memref<8192xf32, #tpu.memory_space<vmem_shared>> -> memref<256xf32, #tpu.memory_space<vmem_shared>>
            tpu.wait_dma2 semaphore(%run_scoped3A_244 : memref<!tpu.dma_semaphore, #tpu.memory_space<semaphore_mem>>) src(%dma_wait3A_258 : memref<256xf32, #tpu.memory_space<vmem_shared>>) dst(%dma_wait3A_257 : memref<256xf32, #tpu.memory_space<vmem>>)
            tpu.yield
          }) : () -> ()
          %mul3A_229 = arith.constant 256 : i32
          %mul3A_230 = arith.muli %scan3A_206, %mul3A_229 : i32
          %run_scoped3A_231 = arith.constant 3 : i32
          "tpu.region"() ({
            %run_scoped3A_244 = tpu.sem_alloc : memref<!tpu.dma_semaphore, #tpu.memory_space<semaphore_mem>>
            %dma_start3A = arith.constant 0 : i32
            %dma_start3A_245 = tpu.memref_slice %arg42[%run_scoped3A_231, %dma_start3A] : memref<6x256xf32, #tpu.memory_space<vmem>> -> memref<1x256xf32, #tpu.memory_space<vmem>>
            %dma_start3A_246 = tpu.memref_squeeze %dma_start3A_245 : memref<1x256xf32, #tpu.memory_space<vmem>> -> memref<256xf32, #tpu.memory_space<vmem>>
            %dma_start3A_247 = tpu.memref_slice %arg16[%mul3A_230] : memref<8192xf32, #tpu.memory_space<vmem_shared>> -> memref<256xf32, #tpu.memory_space<vmem_shared>>
            %dma_start3A_248 = arith.constant 0 : i32
            %dma_start3A_249 = tpu.memref_slice %arg42[%run_scoped3A_231, %dma_start3A_248] : memref<6x256xf32, #tpu.memory_space<vmem>> -> memref<1x256xf32, #tpu.memory_space<vmem>>
            %dma_start3A_250 = tpu.memref_squeeze %dma_start3A_249 : memref<1x256xf32, #tpu.memory_space<vmem>> -> memref<256xf32, #tpu.memory_space<vmem>>
            %dma_start3A_251 = tpu.memref_slice %arg16[%mul3A_230] : memref<8192xf32, #tpu.memory_space<vmem_shared>> -> memref<256xf32, #tpu.memory_space<vmem_shared>>
            tpu.enqueue_dma source(%dma_start3A_251 : memref<256xf32, #tpu.memory_space<vmem_shared>>) target(%dma_start3A_250 : memref<256xf32, #tpu.memory_space<vmem>>) target_semaphore(%run_scoped3A_244 : memref<!tpu.dma_semaphore, #tpu.memory_space<semaphore_mem>>)
            %dma_wait3A = arith.constant 0 : i32
            %dma_wait3A_252 = tpu.memref_slice %arg42[%run_scoped3A_231, %dma_wait3A] : memref<6x256xf32, #tpu.memory_space<vmem>> -> memref<1x256xf32, #tpu.memory_space<vmem>>
            %dma_wait3A_253 = tpu.memref_squeeze %dma_wait3A_252 : memref<1x256xf32, #tpu.memory_space<vmem>> -> memref<256xf32, #tpu.memory_space<vmem>>
            %dma_wait3A_254 = tpu.memref_slice %arg16[%mul3A_230] : memref<8192xf32, #tpu.memory_space<vmem_shared>> -> memref<256xf32, #tpu.memory_space<vmem_shared>>
            %dma_wait3A_255 = arith.constant 0 : i32
            %dma_wait3A_256 = tpu.memref_slice %arg42[%run_scoped3A_231, %dma_wait3A_255] : memref<6x256xf32, #tpu.memory_space<vmem>> -> memref<1x256xf32, #tpu.memory_space<vmem>>
            %dma_wait3A_257 = tpu.memref_squeeze %dma_wait3A_256 : memref<1x256xf32, #tpu.memory_space<vmem>> -> memref<256xf32, #tpu.memory_space<vmem>>
            %dma_wait3A_258 = tpu.memref_slice %arg16[%mul3A_230] : memref<8192xf32, #tpu.memory_space<vmem_shared>> -> memref<256xf32, #tpu.memory_space<vmem_shared>>
            tpu.wait_dma2 semaphore(%run_scoped3A_244 : memref<!tpu.dma_semaphore, #tpu.memory_space<semaphore_mem>>) src(%dma_wait3A_258 : memref<256xf32, #tpu.memory_space<vmem_shared>>) dst(%dma_wait3A_257 : memref<256xf32, #tpu.memory_space<vmem>>)
            tpu.yield
          }) : () -> ()
          %mul3A_232 = arith.constant 256 : i32
          %mul3A_233 = arith.muli %scan3A_206, %mul3A_232 : i32
          %run_scoped3A_234 = arith.constant 4 : i32
          "tpu.region"() ({
            %run_scoped3A_244 = tpu.sem_alloc : memref<!tpu.dma_semaphore, #tpu.memory_space<semaphore_mem>>
            %dma_start3A = arith.constant 0 : i32
            %dma_start3A_245 = tpu.memref_slice %arg42[%run_scoped3A_234, %dma_start3A] : memref<6x256xf32, #tpu.memory_space<vmem>> -> memref<1x256xf32, #tpu.memory_space<vmem>>
            %dma_start3A_246 = tpu.memref_squeeze %dma_start3A_245 : memref<1x256xf32, #tpu.memory_space<vmem>> -> memref<256xf32, #tpu.memory_space<vmem>>
            %dma_start3A_247 = tpu.memref_slice %arg17[%mul3A_233] : memref<8192xf32, #tpu.memory_space<vmem_shared>> -> memref<256xf32, #tpu.memory_space<vmem_shared>>
            %dma_start3A_248 = arith.constant 0 : i32
            %dma_start3A_249 = tpu.memref_slice %arg42[%run_scoped3A_234, %dma_start3A_248] : memref<6x256xf32, #tpu.memory_space<vmem>> -> memref<1x256xf32, #tpu.memory_space<vmem>>
            %dma_start3A_250 = tpu.memref_squeeze %dma_start3A_249 : memref<1x256xf32, #tpu.memory_space<vmem>> -> memref<256xf32, #tpu.memory_space<vmem>>
            %dma_start3A_251 = tpu.memref_slice %arg17[%mul3A_233] : memref<8192xf32, #tpu.memory_space<vmem_shared>> -> memref<256xf32, #tpu.memory_space<vmem_shared>>
            tpu.enqueue_dma source(%dma_start3A_251 : memref<256xf32, #tpu.memory_space<vmem_shared>>) target(%dma_start3A_250 : memref<256xf32, #tpu.memory_space<vmem>>) target_semaphore(%run_scoped3A_244 : memref<!tpu.dma_semaphore, #tpu.memory_space<semaphore_mem>>)
            %dma_wait3A = arith.constant 0 : i32
            %dma_wait3A_252 = tpu.memref_slice %arg42[%run_scoped3A_234, %dma_wait3A] : memref<6x256xf32, #tpu.memory_space<vmem>> -> memref<1x256xf32, #tpu.memory_space<vmem>>
            %dma_wait3A_253 = tpu.memref_squeeze %dma_wait3A_252 : memref<1x256xf32, #tpu.memory_space<vmem>> -> memref<256xf32, #tpu.memory_space<vmem>>
            %dma_wait3A_254 = tpu.memref_slice %arg17[%mul3A_233] : memref<8192xf32, #tpu.memory_space<vmem_shared>> -> memref<256xf32, #tpu.memory_space<vmem_shared>>
            %dma_wait3A_255 = arith.constant 0 : i32
            %dma_wait3A_256 = tpu.memref_slice %arg42[%run_scoped3A_234, %dma_wait3A_255] : memref<6x256xf32, #tpu.memory_space<vmem>> -> memref<1x256xf32, #tpu.memory_space<vmem>>
            %dma_wait3A_257 = tpu.memref_squeeze %dma_wait3A_256 : memref<1x256xf32, #tpu.memory_space<vmem>> -> memref<256xf32, #tpu.memory_space<vmem>>
            %dma_wait3A_258 = tpu.memref_slice %arg17[%mul3A_233] : memref<8192xf32, #tpu.memory_space<vmem_shared>> -> memref<256xf32, #tpu.memory_space<vmem_shared>>
            tpu.wait_dma2 semaphore(%run_scoped3A_244 : memref<!tpu.dma_semaphore, #tpu.memory_space<semaphore_mem>>) src(%dma_wait3A_258 : memref<256xf32, #tpu.memory_space<vmem_shared>>) dst(%dma_wait3A_257 : memref<256xf32, #tpu.memory_space<vmem>>)
            tpu.yield
          }) : () -> ()
          %mul3A_235 = arith.constant 256 : i32
          %mul3A_236 = arith.muli %scan3A_206, %mul3A_235 : i32
          "tpu.region"() ({
            %run_scoped3A_244 = tpu.sem_alloc : memref<!tpu.dma_semaphore, #tpu.memory_space<semaphore_mem>>
            %dma_start3A = tpu.memref_slice %arg18[%mul3A_236] : memref<8192xf32, #tpu.memory_space<vmem_shared>> -> memref<256xf32, #tpu.memory_space<vmem_shared>>
            %dma_start3A_245 = tpu.memref_slice %arg18[%mul3A_236] : memref<8192xf32, #tpu.memory_space<vmem_shared>> -> memref<256xf32, #tpu.memory_space<vmem_shared>>
            tpu.enqueue_dma source(%dma_start3A_245 : memref<256xf32, #tpu.memory_space<vmem_shared>>) target(%arg43 : memref<256xf32, #tpu.memory_space<vmem>>) target_semaphore(%run_scoped3A_244 : memref<!tpu.dma_semaphore, #tpu.memory_space<semaphore_mem>>)
            %dma_wait3A = tpu.memref_slice %arg18[%mul3A_236] : memref<8192xf32, #tpu.memory_space<vmem_shared>> -> memref<256xf32, #tpu.memory_space<vmem_shared>>
            %dma_wait3A_246 = tpu.memref_slice %arg18[%mul3A_236] : memref<8192xf32, #tpu.memory_space<vmem_shared>> -> memref<256xf32, #tpu.memory_space<vmem_shared>>
            tpu.wait_dma2 semaphore(%run_scoped3A_244 : memref<!tpu.dma_semaphore, #tpu.memory_space<semaphore_mem>>) src(%dma_wait3A_246 : memref<256xf32, #tpu.memory_space<vmem_shared>>) dst(%arg43 : memref<256xf32, #tpu.memory_space<vmem>>)
            tpu.yield
          }) : () -> ()
          %scan3A_237 = arith.constant 0 : i32
          %scan3A_238 = arith.constant 0 : i32
          %scan3A_239 = arith.constant 10 : i32
          %scan3A_240 = arith.addi %scan3A_238, %scan3A_239 : i32
          %scan3A_241 = arith.constant 1 : i32
          %scan3A_242 = scf.for %scan3A_244 = %scan3A_238 to %scan3A_240 step %scan3A_241 iter_args(%scan3A_245 = %scan3A_237) -> (i32)  : i32 {
            %mul3A_246 = arith.constant 16 : i32
            %mul3A_247 = arith.muli %scan3A_244, %mul3A_246 : i32
            %add3A_248 = vector.broadcast %mul3A_247 : i32 to vector<16xi32>
            %add3A_249 = arith.addi %add3A_248, %iota3A : vector<16xi32>
            %add3A_250 = vector.broadcast %scan3A_207 : i32 to vector<16xi32>
            %add3A_251 = arith.addi %add3A_250, %add3A_249 : vector<16xi32>
            %lt3A_252 = vector.broadcast %squeeze3A : i32 to vector<16xi32>
            %lt3A_253 = arith.cmpi slt, %add3A_249, %lt3A_252 : vector<16xi32>
            %lt3A_254 = arith.constant 750 : i32
            %lt3A_255 = vector.broadcast %lt3A_254 : i32 to vector<16xi32>
            %lt3A_256 = arith.cmpi slt, %add3A_251, %lt3A_255 : vector<16xi32>
            %and3A = arith.andi %lt3A_253, %lt3A_256 : vector<16xi1>
            %mul3A_257 = arith.constant 5 : i32
            %mul3A_258 = vector.broadcast %mul3A_257 : i32 to vector<16xi32>
            %mul3A_259 = arith.muli %add3A_251, %mul3A_258 : vector<16xi32>
            %mul3A_260 = arith.constant 16 : i32
            %mul3A_261 = arith.muli %scan3A_244, %mul3A_260 : i32
            %get3A_262 = arith.constant 1 : i32
            %get3A_263 = arith.index_cast %get3A_262 : i32 to index
            %get3A_264 = arith.index_cast %mul3A_261 : i32 to index
            %get3A_265 = tpu.vector_load %arg42[%get3A_263, %get3A_264] {strides = array<i32>} : memref<6x256xf32, #tpu.memory_space<vmem>>, vector<16xf32>,
            tpu.vector_store_idx %arg45[%mul3A_259], %get3A_265 masked %and3A : memref<3760xf32, #tpu.memory_space<vmem>>[vector<16xi32>], vector<16xf32>, vector<16xi1>
            %add3A_266 = arith.constant 1 : i32
            %add3A_267 = vector.broadcast %add3A_266 : i32 to vector<16xi32>
            %add3A_268 = arith.addi %mul3A_259, %add3A_267 : vector<16xi32>
            %mul3A_269 = arith.constant 16 : i32
            %mul3A_270 = arith.muli %scan3A_244, %mul3A_269 : i32
            %get3A_271 = arith.constant 2 : i32
            %get3A_272 = arith.index_cast %get3A_271 : i32 to index
            %get3A_273 = arith.index_cast %mul3A_270 : i32 to index
            %get3A_274 = tpu.vector_load %arg42[%get3A_272, %get3A_273] {strides = array<i32>} : memref<6x256xf32, #tpu.memory_space<vmem>>, vector<16xf32>,
            tpu.vector_store_idx %arg45[%add3A_268], %get3A_274 masked %and3A : memref<3760xf32, #tpu.memory_space<vmem>>[vector<16xi32>], vector<16xf32>, vector<16xi1>
            %add3A_275 = arith.constant 2 : i32
            %add3A_276 = vector.broadcast %add3A_275 : i32 to vector<16xi32>
            %add3A_277 = arith.addi %mul3A_259, %add3A_276 : vector<16xi32>
            %mul3A_278 = arith.constant 16 : i32
            %mul3A_279 = arith.muli %scan3A_244, %mul3A_278 : i32
            %get3A_280 = arith.constant 3 : i32
            %get3A_281 = arith.index_cast %get3A_280 : i32 to index
            %get3A_282 = arith.index_cast %mul3A_279 : i32 to index
            %get3A_283 = tpu.vector_load %arg42[%get3A_281, %get3A_282] {strides = array<i32>} : memref<6x256xf32, #tpu.memory_space<vmem>>, vector<16xf32>,
            tpu.vector_store_idx %arg45[%add3A_277], %get3A_283 masked %and3A : memref<3760xf32, #tpu.memory_space<vmem>>[vector<16xi32>], vector<16xf32>, vector<16xi1>
            %add3A_284 = arith.constant 3 : i32
            %add3A_285 = vector.broadcast %add3A_284 : i32 to vector<16xi32>
            %add3A_286 = arith.addi %mul3A_259, %add3A_285 : vector<16xi32>
            %mul3A_287 = arith.constant 16 : i32
            %mul3A_288 = arith.muli %scan3A_244, %mul3A_287 : i32
            %get3A_289 = arith.constant 4 : i32
            %get3A_290 = arith.index_cast %get3A_289 : i32 to index
            %get3A_291 = arith.index_cast %mul3A_288 : i32 to index
            %get3A_292 = tpu.vector_load %arg42[%get3A_290, %get3A_291] {strides = array<i32>} : memref<6x256xf32, #tpu.memory_space<vmem>>, vector<16xf32>,
            tpu.vector_store_idx %arg45[%add3A_286], %get3A_292 masked %and3A : memref<3760xf32, #tpu.memory_space<vmem>>[vector<16xi32>], vector<16xf32>, vector<16xi1>
            %add3A_293 = arith.constant 4 : i32
            %add3A_294 = vector.broadcast %add3A_293 : i32 to vector<16xi32>
            %add3A_295 = arith.addi %mul3A_259, %add3A_294 : vector<16xi32>
            %mul3A_296 = arith.constant 16 : i32
            %mul3A_297 = arith.muli %scan3A_244, %mul3A_296 : i32
            %get3A_298 = arith.index_cast %mul3A_297 : i32 to index
            %get3A_299 = tpu.vector_load %arg43[%get3A_298] {strides = array<i32>} : memref<256xf32, #tpu.memory_space<vmem>>, vector<16xf32>,
            tpu.vector_store_idx %arg45[%add3A_295], %get3A_299 masked %and3A : memref<3760xf32, #tpu.memory_space<vmem>>[vector<16xi32>], vector<16xf32>, vector<16xi1>
            %scan3A_300 = arith.constant 0 : i32
            scf.yield %scan3A_300 : i32
          }
          %scan3A_243 = arith.constant 10 : i32
        } else {
        }
        %add3A_223 = arith.addi %scan3A_207, %squeeze3A : i32
        scf.yield %add3A_223 : i32
      }
      %scan3A_205 = arith.constant 32 : i32
      "tpu.region"() ({
        %run_scoped3A = tpu.sem_alloc : memref<!tpu.dma_semaphore, #tpu.memory_space<semaphore_mem>>
        %dma_start3A = arith.constant 0 : i32
        %dma_start3A_206 = tpu.memref_slice %arg45[%dma_start3A] : memref<3760xf32, #tpu.memory_space<vmem>> -> memref<3760xf32, #tpu.memory_space<vmem>>
        %dma_start3A_207 = arith.constant 0 : i32
        %dma_start3A_208 = tpu.memref_slice %arg45[%dma_start3A_207] : memref<3760xf32, #tpu.memory_space<vmem>> -> memref<3760xf32, #tpu.memory_space<vmem>>
        tpu.enqueue_dma source(%dma_start3A_208 : memref<3760xf32, #tpu.memory_space<vmem>>) target(%arg7 : memref<3760xf32, #tpu.memory_space<hbm>>) target_semaphore(%run_scoped3A : memref<!tpu.dma_semaphore, #tpu.memory_space<semaphore_mem>>)
        %dma_wait3A = arith.constant 0 : i32
        %dma_wait3A_209 = tpu.memref_slice %arg45[%dma_wait3A] : memref<3760xf32, #tpu.memory_space<vmem>> -> memref<3760xf32, #tpu.memory_space<vmem>>
        %dma_wait3A_210 = arith.constant 0 : i32
        %dma_wait3A_211 = tpu.memref_slice %arg45[%dma_wait3A_210] : memref<3760xf32, #tpu.memory_space<vmem>> -> memref<3760xf32, #tpu.memory_space<vmem>>
        tpu.wait_dma2 semaphore(%run_scoped3A : memref<!tpu.dma_semaphore, #tpu.memory_space<semaphore_mem>>) src(%dma_wait3A_211 : memref<3760xf32, #tpu.memory_space<vmem>>) dst(%arg7 : memref<3760xf32, #tpu.memory_space<hbm>>)
        tpu.yield
      }) : () -> ()
    } else {
    }
    return
  }
}

</mosaic_0001>

<sc_bundles>
// kernel: kernel.3.cloned.1.call-start
scs
__scs_entry_jumppad:
0x0: {  	(pc) =	sbr.rel $0x88, $3  }
0x1: {  	(tag) =	ssettag $0x0;
	lr =	simm.s32 $0x1  }
0x2: {  	[smem:$0x3F9F] =	sst lr;
	_ =	strace $0xD0000000  }
0x3: {  	_ = 	snop  }
0x4: {  	_ = 	snop  }
0x5: {  	_ = 	snop  }
0x6: {  	_ = 	snop  }
0x7: {  	_ = 	snop  }
__scs_overlays_trampoline_lowered:
0x8: {  	[smem:$0x3FAE] =	sst s0  }
0x9: {  	[smem:$0x3FAF] =	sst s1  }
0xa: {  	[smem:$0x3FB0] =	sst s2  }
0xb: {  	[smem:$0x3FB1] =	sst s3  }
0xc: {  	[smem:$0x3FB2] =	sst s4  }
0xd: {  	[smem:$0x3FB3] =	sst s5  }
0xe: {  	[smem:$0x3FB4] =	sst s6  }
0xf: {  	[smem:$0x3FB5] =	sst s7  }
0x10: {  	[smem:$0x3FB6] =	sst s8  }
0x11: {  	[smem:$0x3FB7] =	sst s9;
	s0 =	simm.s32 @!p0 $0x0  }
0x12: {  	s1 =	sld [smem:$0x3F9D];
	s0 =	simm.s32 @p0 $0x1  }
0x13: {  	[smem:$0x3FB8] =	sst s0;
	s0 =	simm.s32 @!p1 $0x0  }
0x14: {  	s2 =	sld [smem:$0x3F9C];
	s0 =	simm.s32 @p1 $0x1  }
0x15: {  	[smem:$0x3FB9] =	sst s0;
	s0 =	simm.s32 @!p2 $0x0  }
0x16: {  	s3 =	sld [smem:$0x3FDB];
	s0 =	simm.s32 @p2 $0x1  }
0x17: {  	s4 =	simm.s32 $0x1BF5;
	[smem:$0x3FBB] =	sst s0  }
0x18: {  	s0 =	sld [smem:$0x3F9E];
	_ =	swait.ge [sflag:s4], $0x0  }
0x19: {  	s7 =	sld [smem:$0x3F9F]  }
0x1a: {  	s8 =	sadd.s32 $0xFFFFE003, lr  }
0x1b: {  	s9 =	sadd.s32 $0xFFFFFEF7, lr;
	s5 =	simm.s32 $0xFFFFFFFF;
	p2 =	slt.u32 s8, $0xFFFFF086  }
0x1c: {  	p1 =	slt.u32 s9, $0xF7A;
	s5 =	simm.s32 @!p2 $0x0  }
0x1d: {  	s5 =	simm.s32 @p1 $0x1;
	p0 =	seq.s32 s7, s2  }
0x1e: {  	s7 =	smul.u32 @!p0 $0xF7A, s2;
	p2 =	seq.s32 @!p0 s5, $0x0  }
0x1f: {  	s9 =	smul.u32 $0xF7A, s1;
	s8 =	simm.s32 @!p0 $0x1BF5;
	p2 =	por !p2, p0  }
0x20: {  	[sflag:s8] =	ssyncset.s32 @!p0 $0xFFFFF086;
	s6 =	sadd.s32 @!p0 s3, s7;
	s7 =	simm.s32 @!p0 $0x108  }
0x21: {  	s3 =	sadd.s32 s3, s9;
	s6 =	sadd.s32 @!p0 $0x88, s6;
	s7 =	simm.s32 @p2 $0x1082  }
0x22: {  	[simem:s7], [sflag:s8] =	dma.local @!p0 [hbm:s6], $0xF7A  }
0x23: {  	s9 =	sor.u32 $0xD0000000, s2;
	s6 =	simm.s32 $0x108;
	_ =	swait.ge @!p0 [sflag:s8], $0x0  }
0x24: {  	s3 =	sadd.s32 $0x88, s3;
	s6 =	simm.s32 @!p1 $0x1082;
	[sflag:s4] =	ssyncset.s32 $0xFFFFF086  }
0x25: {  	[simem:s6], [sflag:s4] =	dma.local [hbm:s3], $0xF7A  }
0x26: {  	[smem:$0x3F9F] =	sst s1;
	(tag) =	ssettag s2;
	_ =	strace s9  }
0x27: {  	s1 =	sld [smem:$0x3FAF]  }
0x28: {  	s2 =	sld [smem:$0x3FB0]  }
0x29: {  	s4 =	sld [smem:$0x3FB2]  }
0x2a: {  	p0 =	seq.s32 s5, $0x0;
	s5 =	sld [smem:$0x3FB3]  }
0x2b: {  	s6 =	sld [smem:$0x3FB4]  }
0x2c: {  	s7 =	sld [smem:$0x3FB5]  }
0x2d: {  	s3 =	simm.s32 $0x108;
	s8 =	sld [smem:$0x3FB6]  }
0x2e: {  	s3 =	simm.s32 @!p0 $0x1082;
	s9 =	sld [smem:$0x3FB7]  }
0x2f: {  	lr =	sadd.s32 s0, s3;
	s0 =	sld [smem:$0x3FAE]  }
0x30: {  	s3 =	sld [smem:$0x3FB1]  }
0x31: {  	[smem:$0x3FBA] =	sst s10  }
0x32: {  	s10 =	sld [smem:$0x3FB8];
	_ =	sdelay $0x3  }
0x33: {  	p0 =	seq.s32 s10, $0x1;
	s10 =	sld [smem:$0x3FBA];
	_ =	sdelay $0x3  }
0x34: {  	[smem:$0x3FBA] =	sst s10  }
0x35: {  	s10 =	sld [smem:$0x3FB9];
	_ =	sdelay $0x3  }
0x36: {  	p1 =	seq.s32 s10, $0x1;
	s10 =	sld [smem:$0x3FBA];
	_ =	sdelay $0x3  }
0x37: {  	[smem:$0x3FBA] =	sst s10  }
0x38: {  	s10 =	sld [smem:$0x3FBB]  }
0x39: {  	_ = 	snop;
	(pc) =	sbr.ind lr, $3  }
0x3a: {  	_ = 	snop  }
0x3b: {  	_ = 	snop  }
0x3c: {  	p2 =	seq.s32 s10, $0x1;
	s10 =	sld [smem:$0x3FBA]  }
0x3d: {  	_ =	shalt  }
0x3e: {  	_ =	shalt  }
0x3f: {  	_ =	shalt  }
0x40: {  	_ =	shalt  }
0x41: {  	_ =	shalt  }
0x42: {  	_ =	shalt  }
0x43: {  	_ =	shalt  }
0x44: {  	_ =	shalt  }
0x45: {  	_ =	shalt  }
0x46: {  	_ =	shalt  }
0x47: {  	_ =	shalt  }
0x48: {  	_ =	shalt  }
0x49: {  	_ =	shalt  }
0x4a: {  	_ =	shalt  }
0x4b: {  	_ =	shalt  }
0x4c: {  	_ =	shalt  }
0x4d: {  	_ =	shalt  }
0x4e: {  	_ =	shalt  }
0x4f: {  	_ =	shalt  }
0x50: {  	_ =	shalt  }
0x51: {  	_ =	shalt  }
0x52: {  	_ =	shalt  }
0x53: {  	_ =	shalt  }
0x54: {  	_ =	shalt  }
0x55: {  	_ =	shalt  }
0x56: {  	_ =	shalt  }
0x57: {  	_ =	shalt  }
0x58: {  	_ =	shalt  }
0x59: {  	_ =	shalt  }
0x5a: {  	_ =	shalt  }
0x5b: {  	_ =	shalt  }
0x5c: {  	_ =	shalt  }
0x5d: {  	_ =	shalt  }
0x5e: {  	_ =	shalt  }
0x5f: {  	_ =	shalt  }
0x60: {  	_ =	shalt  }
0x61: {  	_ =	shalt  }
0x62: {  	_ =	shalt  }
0x63: {  	_ =	shalt  }
0x64: {  	_ =	shalt  }
0x65: {  	_ =	shalt  }
0x66: {  	_ =	shalt  }
0x67: {  	_ =	shalt  }
0x68: {  	_ =	shalt  }
0x69: {  	_ =	shalt  }
0x6a: {  	_ =	shalt  }
0x6b: {  	_ =	shalt  }
0x6c: {  	_ =	shalt  }
0x6d: {  	_ =	shalt  }
0x6e: {  	_ =	shalt  }
0x6f: {  	_ =	shalt  }
0x70: {  	_ =	shalt  }
0x71: {  	_ =	shalt  }
0x72: {  	_ =	shalt  }
0x73: {  	_ =	shalt  }
0x74: {  	_ =	shalt  }
0x75: {  	_ =	shalt  }
0x76: {  	_ =	shalt  }
0x77: {  	_ =	shalt  }
0x78: {  	_ =	shalt  }
0x79: {  	_ =	shalt  }
0x7a: {  	_ =	shalt  }
0x7b: {  	_ =	shalt  }
0x7c: {  	_ =	shalt  }
0x7d: {  	_ =	shalt  }
0x7e: {  	_ =	shalt  }
0x7f: {  	_ =	shalt  }
0x80: {  	_ =	shalt  }
0x81: {  	_ =	shalt  }
0x82: {  	_ =	shalt  }
0x83: {  	_ =	shalt  }
0x84: {  	_ =	shalt  }
0x85: {  	_ =	shalt  }
0x86: {  	_ =	shalt  }
0x87: {  	_ =	shalt  }
.Lfunc_end0:
.L_simem_size_0:
called_computation_lowered:
.L_overlay_start_0:
0x88: {  	s0 =	sld [smem:$0x3FD9]  }
0x89: {  	s1 =	sld [smem:$0x3FFE];
	_ =	sdelay $0x3  }
0x8a: {  	s0 =	sadd.s32 s1, s0  }
0x8b: {  	[smem:$0x3FC6] =	sst s0  }
0x8c: {  	_ = 	snop  }
0x8d: {  	s10 =	sld [smem:$0x3FD0];
	(tm) =	ssettm $0x1  }
0x8e: {  	s11 =	sld [smem:$0x3FFB];
	_ =	sdelay $0x3  }
0x8f: {  	_ =	strace s11  }
0x90: {  	s0 =	sld [smem:$0x3FFC];
	_ =	sdelay $0x3  }
0x91: {  	_ =	strace s0  }
0x92: {  	s0 =	sld [smem:$0x3FFD];
	_ =	sdelay $0x3  }
0x93: {  	_ =	strace s0  }
0x94: {  	_ =	strace $0x8FFFFFFF  }
0x95: {  	s12 =	sld [smem:$0x3FDB];
	_ =	sdelay $0x1  }
0x96: {  	s2 =	simm.s32 $_scs_section_size  }
0x97: {  	s3 =	simm.s32 $_size__tile_task_arg_handler_lowered;
	s4 =	simm.s32 $_tile_task_arg_handler_lowered  }
0x98: {  	s15 =	simm.s32 $0x1BFF;
	s14 =	sshll.u32 s4, $0x1;
	s2 =	sadd.s32 s2, s12  }
0x99: {  	s5 =	simm.s32 $0x60;
	s13 =	sshll.u32 s3, $0x1;
	s3 =	sadd.s32 s14, s2  }
0x9a: {  	[timem:s5], [sflag:s15] =	dma.local [hbm:s3], s13  }
0x9b: {  	_ =	swait.ge [sflag:s15], s13  }
0x9c: {  	s16 =	simm.s32 $_tile_overlayer_lowered;
	s0 =	ssub.s32 $0x0, s13;
	[sflag:s15] =	ssyncset.done $0x0  }
0x9d: {  	s17 =	simm.s32 $_size__tile_overlayer_lowered;
	s3 =	sshll.u32 s16, $0x1;
	[sflag:s15] =	ssyncadd.s32 s0  }
0x9e: {  	s19 =	simm.s32 $0x0;
	s18 =	sshll.u32 s17, $0x1;
	s3 =	sadd.s32 s3, s2  }
0x9f: {  	[timem:s19], [sflag:s15] =	dma.local [hbm:s3], s18  }
0xa0: {  	_ =	swait.ge [sflag:s15], s18  }
0xa1: {  	s20 =	ssub.s32 $0x0, s18;
	[sflag:s15] =	ssyncset.done $0x0  }
0xa2: {  	[sflag:s15] =	ssyncadd.s32 s20;
	_ =	sdelay $0x1  }
0xa3: {  	s21 =	simm.s32 $0x1B8B  }
0xa4: {  	_ =	swait.ge [sflag:s21], $0x1  }
0xa5: {  	[sflag:s21] =	ssyncset.done $0x0  }
0xa6: {  	s23 =	simm.s32 $0x1B8E;
	s22 =	sld [smem:$0x3FFE];
	[sflag:s21] =	ssyncadd.s32 $0xFFFFFFFF  }
0xa7: {  	s24 =	simm.s32 $execute0_lowered;
	[smem:$0x3FD2] =	sst s23  }
0xa8: {  	s4 =	sshll.u32 s24, $0x1;
	_ =	strace $0x80000046;
	[dreg:$0x1] =	wrdreg $0xFFFFFFFF  }
0xa9: {  	s25 =	simm.s32 $_size_execute0_lowered;
	s2 =	sadd.s32 s2, s4;
	[dreg:$0x0] =	wrdreg $0x0  }
0xaa: {  	s4 =	sshll.u32 s25, $0x1;
	[dreg:$0x2] =	wrdreg s2  }
0xab: {  	[dreg:$0x3] =	wrdreg s4  }
0xac: {  	[dreg:$0x4] =	wrdreg $0xC0  }
0xad: {  	_ =	task [dreg:s19], $0x5FFFF  }
0xae: {  	[dreg:$0x1] =	wrdreg $0xFFFFFFFF  }
0xaf: {  	[dreg:$0x0] =	wrdreg $0x30  }
0xb0: {  	[dreg:$0x2] =	wrdreg $0x0  }
0xb1: {  	[dreg:$0x3] =	wrdreg $0x9  }
0xb2: {  	_ =	task [dreg:s19], $0x4FFFF  }
0xb3: {  	[dreg:$0x1] =	wrdreg $0xFFFFFFFF  }
0xb4: {  	[dreg:$0x0] =	wrdreg $0x60  }
0xb5: {  	[dreg:$0x2] =	wrdreg s22  }
0xb6: {  	[dreg:$0x3] =	wrdreg s10  }
0xb7: {  	[dreg:$0x4] =	wrdreg $0x14000  }
0xb8: {  	[dreg:$0x5] =	wrdreg $0x0  }
0xb9: {  	[dreg:$0x6] =	wrdreg $0x5000  }
0xba: {  	[dreg:$0x7] =	wrdreg $0xA000  }
0xbb: {  	[dreg:$0x8] =	wrdreg $0xF000  }
0xbc: {  	[dreg:$0x9] =	wrdreg $0x1F600  }
0xbd: {  	[dreg:$0xa] =	wrdreg $0x15000  }
0xbe: {  	[dreg:$0xb] =	wrdreg $0x15600  }
0xbf: {  	[dreg:$0xc] =	wrdreg $0x17600  }
0xc0: {  	[dreg:$0xd] =	wrdreg $0x19600  }
0xc1: {  	[dreg:$0xe] =	wrdreg $0x1B600  }
0xc2: {  	[dreg:$0xf] =	wrdreg $0x1D600  }
0xc3: {  	_ =	task.clear_ibuf [dreg:s19], $0x10FFFF;
	_ =	strace $0x90000046  }
0xc4: {  	s26 =	simm.s32 $0x9;
	_ =	strace $0x80000048  }
0xc5: {  	_ =	swait.ge [sflag:s26], $0x1  }
0xc6: {  	[sflag:s26] =	ssyncadd.s32 $0xFFFFFFFF  }
0xc7: {  	_ =	strace $0x90000048  }
0xc8: {  	_ =	sfence  }
0xc9: {  	s28 =	sld [smem:$0x0];
	_ =	sdelay $0x1  }
0xca: {  	s29 =	srdreg.scid  }
0xcb: {  	s30 =	sshll.u32 s29, $0xD;
	s31 =	sshrl.u32 s29, $0x2  }
0xcc: {  	s3 =	sand.u32 $0x4000, s30;
	s2 =	sand.u32 $0x1, s29;
	s1 =	sadd.s32 s31, s28  }
0xcd: {  	s2 =	sor.u32 s3, s2;
	s1 =	sshll.u32 s1, $0x11  }
0xce: {  	s1 =	sor.u32 s1, s2  }
0xcf: {  	s1 =	sadd.s32 $0x8F2B, s1  }
0xd0: {  	[sflag:s1] =	ssyncadd.remote.s32 $0x1  }
0xd1: {  	_ =	sfence.sel $0xFFFF  }
0xd2: {  	[dreg:$0x0] =	wrdreg $0xFFFFFFFF;
	(pc) =	sbr.abs _section_cstart, $3  }
0xd3: {  	[dreg:$0x1] =	wrdreg $0xFFFFFFFF  }
0xd4: {  	_ =	task.clear_ibuf [dreg:s19], $0x2FFFF;
	_ =	strace $0x9FFFFFFF  }
0xd5: {  	(tm) =	ssettm $0x7FFFFFFF  }
tec
_tile_task_arg_handler_lowered:
.L_overlay_start_1:
0x0: {  	(tag) =	ssettag $0x1  }
0x1: {  	s0 =	rddreg [dreg:$0x0]  }
0x2: {  	s1 =	rddreg [dreg:$0x1]  }
0x3: {  	s2 =	rddreg [dreg:$0x2]  }
0x4: {  	s3 =	rddreg [dreg:$0x3]  }
0x5: {  	s4 =	rddreg [dreg:$0x4]  }
0x6: {  	s5 =	rddreg [dreg:$0x5]  }
0x7: {  	s6 =	rddreg [dreg:$0x6]  }
0x8: {  	s7 =	rddreg [dreg:$0x7]  }
0x9: {  	s8 =	rddreg [dreg:$0x8]  }
0xa: {  	s9 =	rddreg [dreg:$0x9]  }
0xb: {  	s10 =	rddreg [dreg:$0xa]  }
0xc: {  	s11 =	rddreg [dreg:$0xb]  }
0xd: {  	s12 =	rddreg [dreg:$0xc]  }
0xe: {  	s13 =	rddreg [dreg:$0xd]  }
0xf: {  	[smem:s0] =	sst s1  }
0x10: {  	[smem:s0+$0x1] =	sst s2  }
0x11: {  	[smem:s0+$0x2] =	sst s3  }
0x12: {  	[smem:s0+$0x3] =	sst s4  }
0x13: {  	[smem:s0+$0x4] =	sst s5  }
0x14: {  	[smem:s0+$0x5] =	sst s6  }
0x15: {  	[smem:s0+$0x6] =	sst s7  }
0x16: {  	[smem:s0+$0x7] =	sst s8  }
0x17: {  	[smem:s0+$0x8] =	sst s9  }
0x18: {  	[smem:s0+$0x9] =	sst s10  }
0x19: {  	[smem:s0+$0xA] =	sst s11  }
0x1a: {  	[smem:s0+$0xB] =	sst s12  }
0x1b: {  	[smem:s0+$0xC] =	sst s13;
	_ =	shalt  }
.Lfunc_end2:
execute0_lowered:
.L_overlay_start_2:
0x1c: {  	(tag) =	ssettag $0x2  }
0x1d: {  	s2 =	rddreg [dreg:$0x0]  }
0x1e: {  	s6 =	rddreg [dreg:$0x2]  }
0x1f: {  	s1 =	rddreg [dreg:$0x3]  }
0x20: {  	s0 =	rddreg [dreg:$0x4]  }
0x21: {  	s10 =	rddreg [dreg:$0x5]  }
0x22: {  	s7 =	rddreg [dreg:$0x6];
	s3 =	simm.s32 $0x0  }
0x23: {  	s8 =	stileid.u32;
	[smem:$0x7FF] =	sst s3  }
0x24: {  	s11 =	smul.u32 $0x500, s8;
	s5 =	sld [smem:$0x0]  }
0x25: {  	s28 =	rddreg [dreg:$0x7]  }
0x26: {  	s9 =	rddreg [dreg:$0x8];
	s4 =	sshrl.u32 s11, $0x3  }
0x27: {  	s30 =	simm.s32 $0x1F68;
	s4 =	sadd.s32 s4, s2;
	[dreg:$0xe] =	wrdreg s5  }
0x28: {  	s31 =	simm.s32 $0x1;
	s4 =	sadd.s32 $0x2C00, s4;
	_ =	strace $0x80000047  }
0x29: {  	[tilespmem:s30], [sflag:$0x1] =	stream.linear.gather [hbm4b:s4+s3], $0x500, $0x38;
	[tilespmem:$0x1B768] =	vst v63  }
0x2a: {  	_ =	swait.ge [sflag:s31], $0x500  }
0x2b: {  	[sflag:s31] =	ssyncset.done $0x0  }
0x2c: {  	s12 =	simm.s32 $0x0;
	[sflag:s31] =	ssyncadd.s32 $0xFFFFFB00  }
0x2d: {  	v1 =	vld [tilespmem:s12+$0x1F68];
	_ =	sdelay $0x1  }
0x2e: {  	v0 =	vlaneseq.u32  }
0x2f: {  	s13 =	simm.s32 $0x40;
	v2 =	vor.u32 s11, v0;
	s14 =	sadd.s32 $0x10, s11;
	s5 =	sadd.s32 $0xE00, s2  }
0x30: {  	s4 =	sadd.s32 $0x1800, s2;
	s3 =	sadd.s32 $0x2200, s2;
	s2 =	sadd.s32 $0x400, s2;
	[tilespmem:s12+$0x2968] =	vst v2  }
.LBB3_1:
0x31: {  	s15 =	sshra.s32 s13, $0x2;
	v2 =	vor.u32 s14, v0;
	p0 =	sne.s32 s13, $0x13C0;
	s13 =	sadd.s32 $0x40, s13;
	vm0 =	vgt.f32 v1, $5.000000000e-01;
	v3 =	vand.u32 $0x7FFFFF, v1  }
.Ltmp0:
0x32: {  	v1 =	vld [tilespmem:s15+$0x1F68];
	[tilespmem:s15+$0x2968] =	vst v2;
	v2 =	vnsel vm0, $0x0, v3;
	(pc) =	sbr.rel @p0 .LBB3_1-.Ltmp0, $2  }
0x33: {  	[tilespmem:s12+$0x2468] =	vst v2;
	s12 =	smov.u32 s15;
	_ =	sdelay $0x2  }
0x34: {  	s14 =	sadd.s32 $0x10, s14  }
0x35: {  	vm0 =	vgt.f32 v1, $5.000000000e-01;
	v0 =	vand.u32 $0x7FFFFF, v1  }
0x36: {  	v0 =	vnsel vm0, $0x0, v0  }
0x37: {  	v63 =	vimm.s32 $0x0;
	[tilespmem:s12+$0x2468] =	vst v0  }
0x38: {  	[tilespmem:$0x4668] =	vst v63  }
0x39: {  	[tilespmem:$0x4678] =	vst v63  }
0x3a: {  	[tilespmem:$0x4688] =	vst v63  }
0x3b: {  	[tilespmem:$0x4698] =	vst v63  }
0x3c: {  	[tilespmem:$0x46A8] =	vst v63  }
0x3d: {  	[tilespmem:$0x46B8] =	vst v63  }
0x3e: {  	[tilespmem:$0x46C8] =	vst v63  }
0x3f: {  	[tilespmem:$0x46D8] =	vst v63  }
0x40: {  	[tilespmem:$0x46E8] =	vst v63  }
0x41: {  	[tilespmem:$0x46F8] =	vst v63  }
0x42: {  	[tilespmem:$0x4708] =	vst v63  }
0x43: {  	[tilespmem:$0x4718] =	vst v63  }
0x44: {  	[tilespmem:$0x4728] =	vst v63  }
0x45: {  	[tilespmem:$0x4738] =	vst v63  }
0x46: {  	[tilespmem:$0x4748] =	vst v63  }
0x47: {  	s13 =	simm.s32 $0x4668;
	s14 =	simm.s32 $0x0;
	s12 =	simm.s32 $0x40;
	[tilespmem:$0x4758] =	vst v63  }
.LBB3_3:
0x48: {  	p0 =	sne.s32 s12, $0x13C0;
	v0 =	vld [tilespmem:s14+$0x2468];
	_ =	sdelay $0x4  }
0x49: {  	v0 =	vandn.u32 $0xFF, v0  }
0x4a: {  	(xrf1) =	vunique.msk.u32 $0xffff, v0;
	_ =	sdelay $0xd  }
0x4b: {  	_, v1, vm0 =	vpop (xrf1);
	_ =	sdelay $0x1  }
.Ltmp1:
0x4c: {  	(pc) =	sbr.rel @p0 .LBB3_3-.Ltmp1, $2  }
0x4d: {  	_ =	sdelay $0x2  }
0x4e: {  	s14 =	sshra.s32 s12, $0x2;
	s12 =	sadd.s32 $0x40, s12;
	[tilespmem:v0+s13+$0x0] =	vst.idx.add.s32.msk vm0, v1  }
0x4f: {  	v0 =	vld [tilespmem:s14+$0x2468];
	_ =	sdelay $0x4  }
0x50: {  	v0 =	vandn.u32 $0xFF, v0  }
0x51: {  	(xrf1) =	vunique.msk.u32 $0xffff, v0;
	_ =	sdelay $0xd  }
0x52: {  	_, v1, vm0 =	vpop (xrf1);
	_ =	sdelay $0x2  }
0x53: {  	s12 =	sshll.u32 s8, $0x8  }
0x54: {  	s25 =	sshll.u32 s8, $0x7;
	s26 =	simm.s32 $0x80;
	s12 =	sand.u32 $0x800, s12  }
0x55: {  	s29 =	simm.s32 $0x400;
	s14 =	sand.u32 $0x380, s25;
	s12 =	sadd.s32 s12, s6  }
0x56: {  	s15 =	simm.s32 $0x4668;
	s30 =	simm.s32 $0x1;
	s12 =	sadd.s32 s14, s12;
	[tilespmem:v0+s13+$0x0] =	vst.idx.add.s32.msk vm0, v1  }
0x57: {  	[spmem:s12] =	stream.strided.scatter [tilespmem:s15], [sflag:$0x1], $0x100, s29, s26, $0x38;
	[tilespmem:$0x1B768] =	vst v63  }
0x58: {  	_ =	swait.ge [sflag:s30], $0x100  }
0x59: {  	[sflag:s30] =	ssyncset.done $0x0  }
0x5a: {  	[sflag:s30] =	ssyncadd.s32 $0xFFFFFF00  }
0x5b: {  	s31 =	simm.s32 $0x3668;
	[bflag:$0x0] =	sbarrier.arrive $0xFFFF  }
0x5c: {  	[tilespmem:s31], [sflag:$0x1] =	stream.linear.gather [spmem:s6], $0x1000, $0x38;
	[tilespmem:$0x1B768] =	vst v63  }
0x5d: {  	_ =	swait.ge [sflag:s30], $0x1000  }
0x5e: {  	[sflag:s30] =	ssyncset.done $0x0  }
0x5f: {  	s14 =	simm.s32 $0x0;
	s13 =	simm.s32 $0x0;
	[sflag:s30] =	ssyncadd.s32 $0xFFFFF000  }
.LBB3_5:
0x60: {  	s15 =	sshll.u32 s14, $0x4  }
0x61: {  	s16 =	sand.u32 $0x70, s15  }
0x62: {  	s17 =	sshll.u32 s14, $0x7;
	v0 =	vmov s16  }
0x63: {  	s30 =	sand.u32 $0x400, s17  }
0x64: {  	s31 =	sand.u32 $0x800, s13;
	s16 =	sadd.s32 $0x3668, s30  }
0x65: {  	s18 =	sand.u32 $0x380, s13;
	s19 =	sadd.s32 s31, s16  }
0x66: {  	s20 =	simm.s32 $0x0;
	s18 =	sadd.s32 s18, s19  }
0x67: {  	v1 =	vimm.s32 $0x0;
	v3 =	vimm.s32 $0x0;
	s17 =	simm.s32 $0x1;
	s19 =	simm.s32 $0x100;
	v2 =	vld.idx.msk [tilespmem:v0+s18+$0x0 ss:$0x1], $0xffff;
	s18 =	simm.s32 $0x80  }
.LBB3_6:
0x68: {  	s21 =	sand.u32 $0x800, s19  }
0x69: {  	p0 =	sne.s32 s17, $0xF;
	s22 =	smov.u32 s17;
	s17 =	sadd.s32 $0x1, s17  }
.Ltmp2:
0x6a: {  	s23 =	sand.u32 $0x380, s18;
	s21 =	sadd.s32 s21, s16;
	(pc) =	sbr.rel @p0 .LBB3_6-.Ltmp2, $4  }
0x6b: {  	p1 =	slt.u32 s20, s8;
	s20 =	smov.u32 s22;
	s21 =	sadd.s32 s23, s21  }
0x6c: {  	v1 =	vadd.s32 v1, v2;
	v4 =	vpsel !p1, $0x0, v2;
	v2 =	vld.idx.msk [tilespmem:v0+s21+$0x0 ss:$0x1], $0xffff  }
0x6d: {  	v3 =	vadd.s32 v3, v4  }
0x6e: {  	s18 =	sadd.s32 $0x80, s18;
	s19 =	sadd.s32 $0x100, s19  }
0x6f: {  	_ = 	snop  }
0x70: {  	p0 =	slt.u32 s20, s8;
	s14 =	sadd.s32 $0x1, s14  }
0x71: {  	v63 =	vpsel !p0, $0x0, v2;
	p0 =	sne.s32 s14, $0x10  }
.Ltmp3:
0x72: {  	_ = 	snop;
	(pc) =	sbr.rel @p0 .LBB3_5-.Ltmp3, $4  }
0x73: {  	_ = 	snop  }
0x74: {  	v0 =	vadd.s32 v1, v2  }
0x75: {  	v1 =	vadd.s32 v3, v63;
	[tilespmem:s15+$0x4868] =	vst v0  }
0x76: {  	[tilespmem:s15+$0x4768] =	vst v1  }
0x77: {  	s17 =	simm.s32 $0x0  }
0x78: {  	v1 =	vld [tilespmem:s17+$0x4868];
	_ =	sdelay $0x4  }
0x79: {  	(xrf0) =	vadd.scan.msk.s32 $0xffff, v1;
	_ =	sdelay $0x1  }
0x7a: {  	s15 =	simm.s32 $0x10  }
0x7b: {  	v2 =	vld [tilespmem:s15+$0x4868];
	_ =	sdelay $0x2  }
0x7c: {  	v3, _, _ =	vpop (xrf0)  }
0x7d: {  	(v2sf) =	vpush v3, $0xF  }
0x7e: {  	v4 =	vld [tilespmem:s17+$0x4768];
	(xrf0) =	vadd.scan.msk.s32 $0xffff, v2;
	_ =	sdelay $0x1  }
0x7f: {  	s14 =	simm.s32 $0x20  }
0x80: {  	s16 =	simm.s32 $0x0;
	v0 =	vld [tilespmem:s14+$0x4868]  }
0x81: {  	v1 =	vsub.s32 s16, v1  }
0x82: {  	v1 =	vadd.s32 v4, v1  }
0x83: {  	v4 =	vadd.s32 v3, v1;
	v3, _, _ =	vpop (xrf0)  }
0x84: {  	(v2sf) =	vpush v3, $0xF  }
0x85: {  	(xrf0) =	vadd.scan.msk.s32 $0xffff, v0;
	_ =	sdelay $0x1  }
0x86: {  	s13 =	simm.s32 $0x30  }
0x87: {  	v1 =	vld [tilespmem:s13+$0x4868];
	[tilespmem:s17+$0x4768] =	vst v4  }
0x88: {  	v5 =	vld [tilespmem:s15+$0x4768];
	_ =	sdelay $0x1  }
0x89: {  	s18 =	simm.s32 $0x140;
	s17 =	simm.s32 $0x100;
	v4, _, _ =	vpop (xrf0);
	s19 =	spop (v2sf)  }
.LBB3_9:
0x8a: {  	p0 =	sne.s32 s18, $0x3C0;
	(v2sf) =	vpush v4, $0xF;
	s16 =	sadd.s32 s16, s19  }
0x8b: {  	(xrf0) =	vadd.scan.msk.s32 $0xffff, v1;
	v6 =	vsub.s32 s16, v2;
	v2 =	vmov v0;
	v0 =	vmov v1  }
0x8c: {  	v1 =	vadd.s32 v5, v6  }
.Ltmp4:
0x8d: {  	s19 =	sshra.s32 s17, $0x2;
	s17 =	smov.u32 s18;
	v5 =	vadd.s32 v3, v1;
	v3 =	vmov v4;
	(pc) =	sbr.rel @p0 .LBB3_9-.Ltmp4, $3  }
0x8e: {  	v1 =	vld [tilespmem:s19+$0x4868];
	[tilespmem:s15+$0x4768] =	vst v5;
	s15 =	smov.u32 s14;
	s14 =	smov.u32 s13;
	s13 =	smov.u32 s19  }
0x8f: {  	v5 =	vld [tilespmem:s15+$0x4768];
	_ =	sdelay $0x1  }
0x90: {  	s18 =	sadd.s32 $0x40, s18;
	v4, _, _ =	vpop (xrf0);
	s19 =	spop (v2sf)  }
0x91: {  	(v2sf) =	vpush v4, $0xF;
	s16 =	sadd.s32 s16, s19  }
0x92: {  	(xrf0) =	vadd.scan.msk.s32 $0xffff, v1;
	v2 =	vsub.s32 s16, v2  }
0x93: {  	s17 =	sshra.s32 s17, $0x2;
	v2 =	vadd.s32 v5, v2  }
0x94: {  	v6 =	vld [tilespmem:s17+$0x4868];
	v2 =	vadd.s32 v3, v2  }
0x95: {  	[tilespmem:s15+$0x4768] =	vst v2  }
0x96: {  	v2 =	vld [tilespmem:s14+$0x4768];
	_ =	sdelay $0x1  }
0x97: {  	v3, _, _ =	vpop (xrf0);
	s26 =	spop (v2sf)  }
0x98: {  	(xrf0) =	vadd.scan.msk.s32 $0xffff, v6;
	(v2sf) =	vpush v3, $0xF;
	s15 =	sadd.s32 s16, s26  }
0x99: {  	v0 =	vsub.s32 s15, v0  }
0x9a: {  	v0 =	vadd.s32 v2, v0  }
0x9b: {  	v0 =	vadd.s32 v4, v0  }
0x9c: {  	[tilespmem:s14+$0x4768] =	vst v0  }
0x9d: {  	v2 =	vld [tilespmem:s13+$0x4768]  }
0x9e: {  	v0, _, _ =	vpop (xrf0)  }
0x9f: {  	(v2sf) =	vpush v0, $0xF;
	s29 =	spop (v2sf)  }
0xa0: {  	s14 =	sadd.s32 s15, s29  }
0xa1: {  	v1 =	vsub.s32 s14, v1  }
0xa2: {  	v1 =	vadd.s32 v2, v1  }
0xa3: {  	v1 =	vadd.s32 v3, v1  }
0xa4: {  	[tilespmem:s13+$0x4768] =	vst v1  }
0xa5: {  	v1 =	vld [tilespmem:s17+$0x4768];
	_ =	sdelay $0x1  }
0xa6: {  	s30 =	spop (v2sf)  }
0xa7: {  	s13 =	sadd.s32 s14, s30  }
0xa8: {  	v2 =	vsub.s32 s13, v6  }
0xa9: {  	v1 =	vadd.s32 v1, v2  }
0xaa: {  	v0 =	vadd.s32 v0, v1  }
0xab: {  	s15 =	simm.s32 $0x2468;
	[tilespmem:s17+$0x4768] =	vst v0  }
0xac: {  	s16 =	simm.s32 $0x10;
	v0 =	vld [tilespmem:s15+$0x0]  }
0xad: {  	s14 =	simm.s32 $0x4768;
	s13 =	simm.s32 $0x0;
	s31 =	spop (v2sf)  }
.LBB3_11:
0xae: {  	p0 =	sne.s32 s16, $0x4F0;
	_ =	sdelay $0x2  }
0xaf: {  	v0 =	vandn.u32 $0xFF, v0  }
0xb0: {  	(xrf1) =	vunique.msk.u32 $0xffff, v0;
	_ =	sdelay $0xc  }
0xb1: {  	v1 =	vld.idx.msk [tilespmem:v0+s14+$0x0], $0xffff  }
0xb2: {  	_, v2, vm0 =	vpop (xrf1);
	_ =	sdelay $0x4  }
.Ltmp5:
0xb3: {  	v1 =	vadd.s32 v2, v1;
	(pc) =	sbr.rel @p0 .LBB3_11-.Ltmp5, $4  }
0xb4: {  	s17 =	sand.u32 $0x7F0, s13;
	s13 =	smov.u32 s16;
	[tilespmem:v0+s14+$0x0] =	vst.idx.add.s32.msk vm0, v2;
	v0 =	vadd.s32 $0xFFFFFFFF, v1  }
0xb5: {  	s15 =	sadd.s32 $0x10, s15;
	[tilespmem:s17+$0x2E68] =	vst v0  }
0xb6: {  	v0 =	vld [tilespmem:s15+$0x0]  }
0xb7: {  	s16 =	sadd.s32 $0x10, s16  }
0xb8: {  	_ =	sdelay $0x2  }
0xb9: {  	v0 =	vandn.u32 $0xFF, v0  }
0xba: {  	(xrf1) =	vunique.msk.u32 $0xffff, v0;
	_ =	sdelay $0xd  }
0xbb: {  	v1 =	vld.idx.msk [tilespmem:v0+s14+$0x0], $0xffff;
	_, v2, vm0 =	vpop (xrf1);
	_ =	sdelay $0x4  }
0xbc: {  	v1 =	vadd.s32 v2, v1  }
0xbd: {  	s13 =	sand.u32 $0x7F0, s13;
	s16 =	simm.s32 $0x80;
	v62 =	vadd.s32 $0xFFFFFFFF, v1;
	[tilespmem:v0+s14+$0x0] =	vst.idx.add.s32.msk vm0, v2  }
0xbe: {  	s17 =	simm.s32 $0x2E68;
	s14 =	simm.s32 $0x2468;
	[tilespmem:s13+$0x2E68] =	vst v62;
	s13 =	simm.s32 $0x1  }
0xbf: {  	[spmem:s1] =	stream.indirect.scatter [tilespmem:s14], [sflag:$0x1], $0x1, s17, s16, $0xb8;
	[tilespmem:$0x1B768] =	vst v63  }
0xc0: {  	_ =	swait.ge [sflag:s13], $0x80  }
0xc1: {  	[sflag:s13] =	ssyncset.done $0x0  }
0xc2: {  	s15 =	simm.s32 $0x2968;
	[sflag:s13] =	ssyncadd.s32 $0xFFFFFF80  }
0xc3: {  	[spmem:s0] =	stream.indirect.scatter [tilespmem:s15], [sflag:$0x1], $0x1, s17, s16, $0xb8;
	[tilespmem:$0x1B768] =	vst v63  }
0xc4: {  	_ =	swait.ge [sflag:s13], $0x80  }
0xc5: {  	[sflag:s13] =	ssyncset.done $0x0  }
0xc6: {  	s24 =	simm.s32 $0x2EE8;
	s18 =	simm.s32 $0x24E8;
	[sflag:s13] =	ssyncadd.s32 $0xFFFFFF80  }
0xc7: {  	[spmem:s1] =	stream.indirect.scatter [tilespmem:s18], [sflag:$0x1], $0x1, s24, s16, $0xb8;
	[tilespmem:$0x1B768] =	vst v63  }
0xc8: {  	_ =	swait.ge [sflag:s13], $0x80  }
0xc9: {  	[sflag:s13] =	ssyncset.done $0x0  }
0xca: {  	s25 =	simm.s32 $0x29E8;
	[sflag:s13] =	ssyncadd.s32 $0xFFFFFF80  }
0xcb: {  	[spmem:s0] =	stream.indirect.scatter [tilespmem:s25], [sflag:$0x1], $0x1, s24, s16, $0xb8;
	[tilespmem:$0x1B768] =	vst v63  }
0xcc: {  	_ =	swait.ge [sflag:s13], $0x80  }
0xcd: {  	[sflag:s13] =	ssyncset.done $0x0  }
0xce: {  	s26 =	simm.s32 $0x2F68;
	s29 =	simm.s32 $0x2568;
	[sflag:s13] =	ssyncadd.s32 $0xFFFFFF80  }
0xcf: {  	[spmem:s1] =	stream.indirect.scatter [tilespmem:s29], [sflag:$0x1], $0x1, s26, s16, $0xb8;
	[tilespmem:$0x1B768] =	vst v63  }
0xd0: {  	_ =	swait.ge [sflag:s13], $0x80  }
0xd1: {  	[sflag:s13] =	ssyncset.done $0x0  }
0xd2: {  	s30 =	simm.s32 $0x2A68;
	[sflag:s13] =	ssyncadd.s32 $0xFFFFFF80  }
0xd3: {  	[spmem:s0] =	stream.indirect.scatter [tilespmem:s30], [sflag:$0x1], $0x1, s26, s16, $0xb8;
	[tilespmem:$0x1B768] =	vst v63  }
0xd4: {  	_ =	swait.ge [sflag:s13], $0x80  }
0xd5: {  	[sflag:s13] =	ssyncset.done $0x0  }
0xd6: {  	s31 =	simm.s32 $0x2FE8;
	s19 =	simm.s32 $0x25E8;
	[sflag:s13] =	ssyncadd.s32 $0xFFFFFF80  }
0xd7: {  	[spmem:s1] =	stream.indirect.scatter [tilespmem:s19], [sflag:$0x1], $0x1, s31, s16, $0xb8;
	[tilespmem:$0x1B768] =	vst v63  }
0xd8: {  	_ =	swait.ge [sflag:s13], $0x80  }
0xd9: {  	[sflag:s13] =	ssyncset.done $0x0  }
0xda: {  	s20 =	simm.s32 $0x2AE8;
	[sflag:s13] =	ssyncadd.s32 $0xFFFFFF80  }
0xdb: {  	[spmem:s0] =	stream.indirect.scatter [tilespmem:s20], [sflag:$0x1], $0x1, s31, s16, $0xb8;
	[tilespmem:$0x1B768] =	vst v63  }
0xdc: {  	_ =	swait.ge [sflag:s13], $0x80  }
0xdd: {  	[sflag:s13] =	ssyncset.done $0x0  }
0xde: {  	s21 =	simm.s32 $0x3068;
	s22 =	simm.s32 $0x2668;
	[sflag:s13] =	ssyncadd.s32 $0xFFFFFF80  }
0xdf: {  	[spmem:s1] =	stream.indirect.scatter [tilespmem:s22], [sflag:$0x1], $0x1, s21, s16, $0xb8;
	[tilespmem:$0x1B768] =	vst v63  }
0xe0: {  	_ =	swait.ge [sflag:s13], $0x80  }
0xe1: {  	[sflag:s13] =	ssyncset.done $0x0  }
0xe2: {  	s23 =	simm.s32 $0x2B68;
	[sflag:s13] =	ssyncadd.s32 $0xFFFFFF80  }
0xe3: {  	[spmem:s0] =	stream.indirect.scatter [tilespmem:s23], [sflag:$0x1], $0x1, s21, s16, $0xb8;
	[tilespmem:$0x1B768] =	vst v63  }
0xe4: {  	_ =	swait.ge [sflag:s13], $0x80  }
0xe5: {  	[sflag:s13] =	ssyncset.done $0x0  }
0xe6: {  	s24 =	simm.s32 $0x30E8;
	s25 =	simm.s32 $0x26E8;
	[sflag:s13] =	ssyncadd.s32 $0xFFFFFF80  }
0xe7: {  	[spmem:s1] =	stream.indirect.scatter [tilespmem:s25], [sflag:$0x1], $0x1, s24, s16, $0xb8;
	[tilespmem:$0x1B768] =	vst v63  }
0xe8: {  	_ =	swait.ge [sflag:s13], $0x80  }
0xe9: {  	[sflag:s13] =	ssyncset.done $0x0  }
0xea: {  	s26 =	simm.s32 $0x2BE8;
	[sflag:s13] =	ssyncadd.s32 $0xFFFFFF80  }
0xeb: {  	[spmem:s0] =	stream.indirect.scatter [tilespmem:s26], [sflag:$0x1], $0x1, s24, s16, $0xb8;
	[tilespmem:$0x1B768] =	vst v63  }
0xec: {  	_ =	swait.ge [sflag:s13], $0x80  }
0xed: {  	[sflag:s13] =	ssyncset.done $0x0  }
0xee: {  	s29 =	simm.s32 $0x3168;
	s30 =	simm.s32 $0x2768;
	[sflag:s13] =	ssyncadd.s32 $0xFFFFFF80  }
0xef: {  	[spmem:s1] =	stream.indirect.scatter [tilespmem:s30], [sflag:$0x1], $0x1, s29, s16, $0xb8;
	[tilespmem:$0x1B768] =	vst v63  }
0xf0: {  	_ =	swait.ge [sflag:s13], $0x80  }
0xf1: {  	[sflag:s13] =	ssyncset.done $0x0  }
0xf2: {  	s31 =	simm.s32 $0x2C68;
	[sflag:s13] =	ssyncadd.s32 $0xFFFFFF80  }
0xf3: {  	[spmem:s0] =	stream.indirect.scatter [tilespmem:s31], [sflag:$0x1], $0x1, s29, s16, $0xb8;
	[tilespmem:$0x1B768] =	vst v63  }
0xf4: {  	_ =	swait.ge [sflag:s13], $0x80  }
0xf5: {  	[sflag:s13] =	ssyncset.done $0x0  }
0xf6: {  	s19 =	simm.s32 $0x31E8;
	s20 =	simm.s32 $0x27E8;
	[sflag:s13] =	ssyncadd.s32 $0xFFFFFF80  }
0xf7: {  	[spmem:s1] =	stream.indirect.scatter [tilespmem:s20], [sflag:$0x1], $0x1, s19, s16, $0xb8;
	[tilespmem:$0x1B768] =	vst v63  }
0xf8: {  	_ =	swait.ge [sflag:s13], $0x80  }
0xf9: {  	[sflag:s13] =	ssyncset.done $0x0  }
0xfa: {  	s21 =	simm.s32 $0x2CE8;
	[sflag:s13] =	ssyncadd.s32 $0xFFFFFF80  }
0xfb: {  	[spmem:s0] =	stream.indirect.scatter [tilespmem:s21], [sflag:$0x1], $0x1, s19, s16, $0xb8;
	[tilespmem:$0x1B768] =	vst v63  }
0xfc: {  	_ =	swait.ge [sflag:s13], $0x80  }
0xfd: {  	[sflag:s13] =	ssyncset.done $0x0  }
0xfe: {  	s22 =	simm.s32 $0x3268;
	s23 =	simm.s32 $0x2868;
	[sflag:s13] =	ssyncadd.s32 $0xFFFFFF80  }
0xff: {  	[spmem:s1] =	stream.indirect.scatter [tilespmem:s23], [sflag:$0x1], $0x1, s22, s16, $0xb8;
	[tilespmem:$0x1B768] =	vst v63  }
0x100: {  	_ =	swait.ge [sflag:s13], $0x80  }
0x101: {  	[sflag:s13] =	ssyncset.done $0x0  }
0x102: {  	s24 =	simm.s32 $0x2D68;
	[sflag:s13] =	ssyncadd.s32 $0xFFFFFF80  }
0x103: {  	[spmem:s0] =	stream.indirect.scatter [tilespmem:s24], [sflag:$0x1], $0x1, s22, s16, $0xb8;
	[tilespmem:$0x1B768] =	vst v63  }
0x104: {  	_ =	swait.ge [sflag:s13], $0x80  }
0x105: {  	[sflag:s13] =	ssyncset.done $0x0  }
0x106: {  	s25 =	simm.s32 $0x32E8;
	s26 =	simm.s32 $0x28E8;
	[sflag:s13] =	ssyncadd.s32 $0xFFFFFF80  }
0x107: {  	[spmem:s1] =	stream.indirect.scatter [tilespmem:s26], [sflag:$0x1], $0x1, s25, s16, $0xb8;
	[tilespmem:$0x1B768] =	vst v63  }
0x108: {  	_ =	swait.ge [sflag:s13], $0x80  }
0x109: {  	[sflag:s13] =	ssyncset.done $0x0  }
0x10a: {  	s29 =	simm.s32 $0x2DE8;
	[sflag:s13] =	ssyncadd.s32 $0xFFFFFF80  }
0x10b: {  	[spmem:s0] =	stream.indirect.scatter [tilespmem:s29], [sflag:$0x1], $0x1, s25, s16, $0xb8;
	[tilespmem:$0x1B768] =	vst v63  }
0x10c: {  	_ =	swait.ge [sflag:s13], $0x80  }
0x10d: {  	[sflag:s13] =	ssyncset.done $0x0  }
0x10e: {  	[sflag:s13] =	ssyncadd.s32 $0xFFFFFF80  }
0x10f: {  	s30 =	sadd.s32 s11, s1;
	[bflag:$0x0] =	sbarrier.arrive $0xFFFF  }
0x110: {  	[tilespmem:s14], [sflag:$0x1] =	stream.linear.gather [spmem:s30], $0x500, $0x38;
	[tilespmem:$0x1B768] =	vst v63  }
0x111: {  	_ =	swait.ge [sflag:s13], $0x500  }
0x112: {  	[sflag:s13] =	ssyncset.done $0x0  }
0x113: {  	s31 =	sadd.s32 s11, s0;
	[sflag:s13] =	ssyncadd.s32 $0xFFFFFB00  }
0x114: {  	[tilespmem:s15], [sflag:$0x1] =	stream.linear.gather [spmem:s31], $0x500, $0x38;
	[tilespmem:$0x1B768] =	vst v63  }
0x115: {  	_ =	swait.ge [sflag:s13], $0x500  }
0x116: {  	[sflag:s13] =	ssyncset.done $0x0  }
0x117: {  	v63 =	vimm.s32 $0x0;
	[sflag:s13] =	ssyncadd.s32 $0xFFFFFB00  }
0x118: {  	[tilespmem:$0x4668] =	vst v63  }
0x119: {  	[tilespmem:$0x4678] =	vst v63  }
0x11a: {  	[tilespmem:$0x4688] =	vst v63  }
0x11b: {  	[tilespmem:$0x4698] =	vst v63  }
0x11c: {  	[tilespmem:$0x46A8] =	vst v63  }
0x11d: {  	[tilespmem:$0x46B8] =	vst v63  }
0x11e: {  	[tilespmem:$0x46C8] =	vst v63  }
0x11f: {  	[tilespmem:$0x46D8] =	vst v63  }
0x120: {  	[tilespmem:$0x46E8] =	vst v63  }
0x121: {  	[tilespmem:$0x46F8] =	vst v63  }
0x122: {  	[tilespmem:$0x4708] =	vst v63  }
0x123: {  	[tilespmem:$0x4718] =	vst v63  }
0x124: {  	[tilespmem:$0x4728] =	vst v63  }
0x125: {  	[tilespmem:$0x4738] =	vst v63  }
0x126: {  	[tilespmem:$0x4748] =	vst v63  }
0x127: {  	s14 =	simm.s32 $0x40;
	s15 =	simm.s32 $0x0;
	s13 =	simm.s32 $0x4668;
	[tilespmem:$0x4758] =	vst v63  }
.LBB3_13:
0x128: {  	p0 =	sne.s32 s14, $0x13C0;
	v0 =	vld [tilespmem:s15+$0x2468];
	_ =	sdelay $0x4  }
0x129: {  	v0 =	vxor.u32 $0xFFFFFFFF, v0  }
0x12a: {  	v0 =	vshrl.u32 v0, $0x8  }
0x12b: {  	v0 =	vand.u32 $0xFF, v0  }
0x12c: {  	(xrf1) =	vunique.msk.u32 $0xffff, v0;
	_ =	sdelay $0xd  }
0x12d: {  	_, v1, vm0 =	vpop (xrf1);
	_ =	sdelay $0x1  }
.Ltmp6:
0x12e: {  	(pc) =	sbr.rel @p0 .LBB3_13-.Ltmp6, $2  }
0x12f: {  	_ =	sdelay $0x2  }
0x130: {  	s15 =	sshra.s32 s14, $0x2;
	s14 =	sadd.s32 $0x40, s14;
	[tilespmem:v0+s13+$0x0] =	vst.idx.add.s32.msk vm0, v1  }
0x131: {  	v0 =	vld [tilespmem:s15+$0x2468];
	_ =	sdelay $0x4  }
0x132: {  	v0 =	vxor.u32 $0xFFFFFFFF, v0  }
0x133: {  	v0 =	vshrl.u32 v0, $0x8  }
0x134: {  	v0 =	vand.u32 $0xFF, v0  }
0x135: {  	(xrf1) =	vunique.msk.u32 $0xffff, v0;
	_ =	sdelay $0xd  }
0x136: {  	_, v1, vm0 =	vpop (xrf1);
	_ =	sdelay $0x4  }
0x137: {  	s26 =	simm.s32 $0x80  }
0x138: {  	s14 =	simm.s32 $0x400;
	s29 =	simm.s32 $0x4668;
	s30 =	simm.s32 $0x1;
	[tilespmem:v0+s13+$0x0] =	vst.idx.add.s32.msk vm0, v1  }
0x139: {  	[spmem:s12] =	stream.strided.scatter [tilespmem:s29], [sflag:$0x1], $0x100, s14, s26, $0x38;
	[tilespmem:$0x1B768] =	vst v63  }
0x13a: {  	_ =	swait.ge [sflag:s30], $0x100  }
0x13b: {  	[sflag:s30] =	ssyncset.done $0x0  }
0x13c: {  	[sflag:s30] =	ssyncadd.s32 $0xFFFFFF00  }
0x13d: {  	s31 =	simm.s32 $0x3668;
	[bflag:$0x0] =	sbarrier.arrive $0xFFFF  }
0x13e: {  	[tilespmem:s31], [sflag:$0x1] =	stream.linear.gather [spmem:s6], $0x1000, $0x38;
	[tilespmem:$0x1B768] =	vst v63  }
0x13f: {  	_ =	swait.ge [sflag:s30], $0x1000  }
0x140: {  	[sflag:s30] =	ssyncset.done $0x0  }
0x141: {  	s13 =	simm.s32 $0x0;
	s14 =	simm.s32 $0x0;
	[sflag:s30] =	ssyncadd.s32 $0xFFFFF000  }
.LBB3_15:
0x142: {  	s15 =	sshll.u32 s14, $0x4  }
0x143: {  	s16 =	sand.u32 $0x70, s15  }
0x144: {  	s17 =	sshll.u32 s14, $0x7;
	v0 =	vmov s16  }
0x145: {  	s30 =	sand.u32 $0x400, s17  }
0x146: {  	s31 =	sand.u32 $0x800, s13;
	s16 =	sadd.s32 $0x3668, s30  }
0x147: {  	s18 =	sand.u32 $0x380, s13;
	s19 =	sadd.s32 s31, s16  }
0x148: {  	s20 =	simm.s32 $0x0;
	s18 =	sadd.s32 s18, s19  }
0x149: {  	v1 =	vimm.s32 $0x0;
	v3 =	vimm.s32 $0x0;
	s17 =	simm.s32 $0x1;
	s19 =	simm.s32 $0x100;
	v2 =	vld.idx.msk [tilespmem:v0+s18+$0x0 ss:$0x1], $0xffff;
	s18 =	simm.s32 $0x80  }
.LBB3_16:
0x14a: {  	s21 =	sand.u32 $0x800, s19  }
0x14b: {  	p0 =	sne.s32 s17, $0xF;
	s22 =	smov.u32 s17;
	s17 =	sadd.s32 $0x1, s17  }
.Ltmp7:
0x14c: {  	s23 =	sand.u32 $0x380, s18;
	s21 =	sadd.s32 s21, s16;
	(pc) =	sbr.rel @p0 .LBB3_16-.Ltmp7, $4  }
0x14d: {  	p1 =	slt.u32 s20, s8;
	s20 =	smov.u32 s22;
	s21 =	sadd.s32 s23, s21  }
0x14e: {  	v1 =	vadd.s32 v1, v2;
	v4 =	vpsel !p1, $0x0, v2;
	v2 =	vld.idx.msk [tilespmem:v0+s21+$0x0 ss:$0x1], $0xffff  }
0x14f: {  	v3 =	vadd.s32 v3, v4  }
0x150: {  	s18 =	sadd.s32 $0x80, s18;
	s19 =	sadd.s32 $0x100, s19  }
0x151: {  	_ = 	snop  }
0x152: {  	p0 =	slt.u32 s20, s8;
	s14 =	sadd.s32 $0x1, s14  }
0x153: {  	v63 =	vpsel !p0, $0x0, v2;
	p0 =	sne.s32 s14, $0x10  }
.Ltmp8:
0x154: {  	_ = 	snop;
	(pc) =	sbr.rel @p0 .LBB3_15-.Ltmp8, $4  }
0x155: {  	_ = 	snop  }
0x156: {  	v0 =	vadd.s32 v1, v2  }
0x157: {  	v1 =	vadd.s32 v3, v63;
	[tilespmem:s15+$0x4868] =	vst v0  }
0x158: {  	[tilespmem:s15+$0x4768] =	vst v1  }
0x159: {  	s17 =	simm.s32 $0x0  }
0x15a: {  	v1 =	vld [tilespmem:s17+$0x4868];
	_ =	sdelay $0x4  }
0x15b: {  	(xrf0) =	vadd.scan.msk.s32 $0xffff, v1;
	_ =	sdelay $0x1  }
0x15c: {  	s15 =	simm.s32 $0x10  }
0x15d: {  	v2 =	vld [tilespmem:s15+$0x4868];
	_ =	sdelay $0x2  }
0x15e: {  	v3, _, _ =	vpop (xrf0)  }
0x15f: {  	(v2sf) =	vpush v3, $0xF  }
0x160: {  	v4 =	vld [tilespmem:s17+$0x4768];
	(xrf0) =	vadd.scan.msk.s32 $0xffff, v2;
	_ =	sdelay $0x1  }
0x161: {  	s14 =	simm.s32 $0x20  }
0x162: {  	s16 =	simm.s32 $0x0;
	v0 =	vld [tilespmem:s14+$0x4868]  }
0x163: {  	v1 =	vsub.s32 s16, v1  }
0x164: {  	v1 =	vadd.s32 v4, v1  }
0x165: {  	v4 =	vadd.s32 v3, v1;
	v3, _, _ =	vpop (xrf0)  }
0x166: {  	(v2sf) =	vpush v3, $0xF  }
0x167: {  	(xrf0) =	vadd.scan.msk.s32 $0xffff, v0;
	_ =	sdelay $0x1  }
0x168: {  	s13 =	simm.s32 $0x30  }
0x169: {  	v1 =	vld [tilespmem:s13+$0x4868];
	[tilespmem:s17+$0x4768] =	vst v4  }
0x16a: {  	v5 =	vld [tilespmem:s15+$0x4768];
	_ =	sdelay $0x1  }
0x16b: {  	s18 =	simm.s32 $0x140;
	s17 =	simm.s32 $0x100;
	v4, _, _ =	vpop (xrf0);
	s19 =	spop (v2sf)  }
.LBB3_19:
0x16c: {  	p0 =	sne.s32 s18, $0x3C0;
	(v2sf) =	vpush v4, $0xF;
	s16 =	sadd.s32 s16, s19  }
0x16d: {  	(xrf0) =	vadd.scan.msk.s32 $0xffff, v1;
	v6 =	vsub.s32 s16, v2;
	v2 =	vmov v0;
	v0 =	vmov v1  }
0x16e: {  	v1 =	vadd.s32 v5, v6  }
.Ltmp9:
0x16f: {  	s19 =	sshra.s32 s17, $0x2;
	s17 =	smov.u32 s18;
	v5 =	vadd.s32 v3, v1;
	v3 =	vmov v4;
	(pc) =	sbr.rel @p0 .LBB3_19-.Ltmp9, $3  }
0x170: {  	v1 =	vld [tilespmem:s19+$0x4868];
	[tilespmem:s15+$0x4768] =	vst v5;
	s15 =	smov.u32 s14;
	s14 =	smov.u32 s13;
	s13 =	smov.u32 s19  }
0x171: {  	v5 =	vld [tilespmem:s15+$0x4768];
	_ =	sdelay $0x1  }
0x172: {  	s18 =	sadd.s32 $0x40, s18;
	v4, _, _ =	vpop (xrf0);
	s19 =	spop (v2sf)  }
0x173: {  	(v2sf) =	vpush v4, $0xF;
	s16 =	sadd.s32 s16, s19  }
0x174: {  	(xrf0) =	vadd.scan.msk.s32 $0xffff, v1;
	v2 =	vsub.s32 s16, v2  }
0x175: {  	s17 =	sshra.s32 s17, $0x2;
	v2 =	vadd.s32 v5, v2  }
0x176: {  	v6 =	vld [tilespmem:s17+$0x4868];
	v2 =	vadd.s32 v3, v2  }
0x177: {  	[tilespmem:s15+$0x4768] =	vst v2  }
0x178: {  	v2 =	vld [tilespmem:s14+$0x4768];
	_ =	sdelay $0x1  }
0x179: {  	v3, _, _ =	vpop (xrf0);
	s26 =	spop (v2sf)  }
0x17a: {  	(xrf0) =	vadd.scan.msk.s32 $0xffff, v6;
	(v2sf) =	vpush v3, $0xF;
	s15 =	sadd.s32 s16, s26  }
0x17b: {  	v0 =	vsub.s32 s15, v0  }
0x17c: {  	v0 =	vadd.s32 v2, v0  }
0x17d: {  	v0 =	vadd.s32 v4, v0  }
0x17e: {  	[tilespmem:s14+$0x4768] =	vst v0  }
0x17f: {  	v2 =	vld [tilespmem:s13+$0x4768]  }
0x180: {  	v0, _, _ =	vpop (xrf0)  }
0x181: {  	(v2sf) =	vpush v0, $0xF;
	s29 =	spop (v2sf)  }
0x182: {  	s14 =	sadd.s32 s15, s29  }
0x183: {  	v1 =	vsub.s32 s14, v1  }
0x184: {  	v1 =	vadd.s32 v2, v1  }
0x185: {  	v1 =	vadd.s32 v3, v1  }
0x186: {  	[tilespmem:s13+$0x4768] =	vst v1  }
0x187: {  	v1 =	vld [tilespmem:s17+$0x4768];
	_ =	sdelay $0x1  }
0x188: {  	s30 =	spop (v2sf)  }
0x189: {  	s13 =	sadd.s32 s14, s30  }
0x18a: {  	v2 =	vsub.s32 s13, v6  }
0x18b: {  	v1 =	vadd.s32 v1, v2  }
0x18c: {  	v0 =	vadd.s32 v0, v1  }
0x18d: {  	s15 =	simm.s32 $0x2468;
	[tilespmem:s17+$0x4768] =	vst v0  }
0x18e: {  	s16 =	simm.s32 $0x10;
	v0 =	vld [tilespmem:s15+$0x0]  }
0x18f: {  	s14 =	simm.s32 $0x4768;
	s13 =	simm.s32 $0x0;
	s31 =	spop (v2sf)  }
.LBB3_21:
0x190: {  	p0 =	sne.s32 s16, $0x4F0;
	_ =	sdelay $0x2  }
0x191: {  	v0 =	vxor.u32 $0xFFFFFFFF, v0  }
0x192: {  	v0 =	vshrl.u32 v0, $0x8  }
0x193: {  	v0 =	vand.u32 $0xFF, v0  }
0x194: {  	(xrf1) =	vunique.msk.u32 $0xffff, v0;
	_ =	sdelay $0xc  }
0x195: {  	v1 =	vld.idx.msk [tilespmem:v0+s14+$0x0], $0xffff  }
0x196: {  	_, v2, vm0 =	vpop (xrf1);
	_ =	sdelay $0x4  }
.Ltmp10:
0x197: {  	v1 =	vadd.s32 v2, v1;
	(pc) =	sbr.rel @p0 .LBB3_21-.Ltmp10, $4  }
0x198: {  	s17 =	sand.u32 $0x7F0, s13;
	s13 =	smov.u32 s16;
	[tilespmem:v0+s14+$0x0] =	vst.idx.add.s32.msk vm0, v2;
	v0 =	vadd.s32 $0xFFFFFFFF, v1  }
0x199: {  	s15 =	sadd.s32 $0x10, s15;
	[tilespmem:s17+$0x2E68] =	vst v0  }
0x19a: {  	v0 =	vld [tilespmem:s15+$0x0]  }
0x19b: {  	s16 =	sadd.s32 $0x10, s16  }
0x19c: {  	_ =	sdelay $0x2  }
0x19d: {  	v0 =	vxor.u32 $0xFFFFFFFF, v0  }
0x19e: {  	v0 =	vshrl.u32 v0, $0x8  }
0x19f: {  	v0 =	vand.u32 $0xFF, v0  }
0x1a0: {  	(xrf1) =	vunique.msk.u32 $0xffff, v0;
	_ =	sdelay $0xd  }
0x1a1: {  	v1 =	vld.idx.msk [tilespmem:v0+s14+$0x0], $0xffff;
	_, v2, vm0 =	vpop (xrf1);
	_ =	sdelay $0x4  }
0x1a2: {  	v1 =	vadd.s32 v2, v1  }
0x1a3: {  	s13 =	sand.u32 $0x7F0, s13;
	s16 =	simm.s32 $0x80;
	v62 =	vadd.s32 $0xFFFFFFFF, v1;
	[tilespmem:v0+s14+$0x0] =	vst.idx.add.s32.msk vm0, v2  }
0x1a4: {  	s17 =	simm.s32 $0x2E68;
	s14 =	simm.s32 $0x2468;
	[tilespmem:s13+$0x2E68] =	vst v62;
	s13 =	simm.s32 $0x1  }
0x1a5: {  	[spmem:s10] =	stream.indirect.scatter [tilespmem:s14], [sflag:$0x1], $0x1, s17, s16, $0xb8;
	[tilespmem:$0x1B768] =	vst v63  }
0x1a6: {  	_ =	swait.ge [sflag:s13], $0x80  }
0x1a7: {  	[sflag:s13] =	ssyncset.done $0x0  }
0x1a8: {  	s15 =	simm.s32 $0x2968;
	[sflag:s13] =	ssyncadd.s32 $0xFFFFFF80  }
0x1a9: {  	[spmem:s7] =	stream.indirect.scatter [tilespmem:s15], [sflag:$0x1], $0x1, s17, s16, $0xb8;
	[tilespmem:$0x1B768] =	vst v63  }
0x1aa: {  	_ =	swait.ge [sflag:s13], $0x80  }
0x1ab: {  	[sflag:s13] =	ssyncset.done $0x0  }
0x1ac: {  	s24 =	simm.s32 $0x2EE8;
	s18 =	simm.s32 $0x24E8;
	[sflag:s13] =	ssyncadd.s32 $0xFFFFFF80  }
0x1ad: {  	[spmem:s10] =	stream.indirect.scatter [tilespmem:s18], [sflag:$0x1], $0x1, s24, s16, $0xb8;
	[tilespmem:$0x1B768] =	vst v63  }
0x1ae: {  	_ =	swait.ge [sflag:s13], $0x80  }
0x1af: {  	[sflag:s13] =	ssyncset.done $0x0  }
0x1b0: {  	s25 =	simm.s32 $0x29E8;
	[sflag:s13] =	ssyncadd.s32 $0xFFFFFF80  }
0x1b1: {  	[spmem:s7] =	stream.indirect.scatter [tilespmem:s25], [sflag:$0x1], $0x1, s24, s16, $0xb8;
	[tilespmem:$0x1B768] =	vst v63  }
0x1b2: {  	_ =	swait.ge [sflag:s13], $0x80  }
0x1b3: {  	[sflag:s13] =	ssyncset.done $0x0  }
0x1b4: {  	s26 =	simm.s32 $0x2F68;
	s29 =	simm.s32 $0x2568;
	[sflag:s13] =	ssyncadd.s32 $0xFFFFFF80  }
0x1b5: {  	[spmem:s10] =	stream.indirect.scatter [tilespmem:s29], [sflag:$0x1], $0x1, s26, s16, $0xb8;
	[tilespmem:$0x1B768] =	vst v63  }
0x1b6: {  	_ =	swait.ge [sflag:s13], $0x80  }
0x1b7: {  	[sflag:s13] =	ssyncset.done $0x0  }
0x1b8: {  	s30 =	simm.s32 $0x2A68;
	[sflag:s13] =	ssyncadd.s32 $0xFFFFFF80  }
0x1b9: {  	[spmem:s7] =	stream.indirect.scatter [tilespmem:s30], [sflag:$0x1], $0x1, s26, s16, $0xb8;
	[tilespmem:$0x1B768] =	vst v63  }
0x1ba: {  	_ =	swait.ge [sflag:s13], $0x80  }
0x1bb: {  	[sflag:s13] =	ssyncset.done $0x0  }
0x1bc: {  	s31 =	simm.s32 $0x2FE8;
	s19 =	simm.s32 $0x25E8;
	[sflag:s13] =	ssyncadd.s32 $0xFFFFFF80  }
0x1bd: {  	[spmem:s10] =	stream.indirect.scatter [tilespmem:s19], [sflag:$0x1], $0x1, s31, s16, $0xb8;
	[tilespmem:$0x1B768] =	vst v63  }
0x1be: {  	_ =	swait.ge [sflag:s13], $0x80  }
0x1bf: {  	[sflag:s13] =	ssyncset.done $0x0  }
0x1c0: {  	s20 =	simm.s32 $0x2AE8;
	[sflag:s13] =	ssyncadd.s32 $0xFFFFFF80  }
0x1c1: {  	[spmem:s7] =	stream.indirect.scatter [tilespmem:s20], [sflag:$0x1], $0x1, s31, s16, $0xb8;
	[tilespmem:$0x1B768] =	vst v63  }
0x1c2: {  	_ =	swait.ge [sflag:s13], $0x80  }
0x1c3: {  	[sflag:s13] =	ssyncset.done $0x0  }
0x1c4: {  	s21 =	simm.s32 $0x3068;
	s22 =	simm.s32 $0x2668;
	[sflag:s13] =	ssyncadd.s32 $0xFFFFFF80  }
0x1c5: {  	[spmem:s10] =	stream.indirect.scatter [tilespmem:s22], [sflag:$0x1], $0x1, s21, s16, $0xb8;
	[tilespmem:$0x1B768] =	vst v63  }
0x1c6: {  	_ =	swait.ge [sflag:s13], $0x80  }
0x1c7: {  	[sflag:s13] =	ssyncset.done $0x0  }
0x1c8: {  	s23 =	simm.s32 $0x2B68;
	[sflag:s13] =	ssyncadd.s32 $0xFFFFFF80  }
0x1c9: {  	[spmem:s7] =	stream.indirect.scatter [tilespmem:s23], [sflag:$0x1], $0x1, s21, s16, $0xb8;
	[tilespmem:$0x1B768] =	vst v63  }
0x1ca: {  	_ =	swait.ge [sflag:s13], $0x80  }
0x1cb: {  	[sflag:s13] =	ssyncset.done $0x0  }
0x1cc: {  	s24 =	simm.s32 $0x30E8;
	s25 =	simm.s32 $0x26E8;
	[sflag:s13] =	ssyncadd.s32 $0xFFFFFF80  }
0x1cd: {  	[spmem:s10] =	stream.indirect.scatter [tilespmem:s25], [sflag:$0x1], $0x1, s24, s16, $0xb8;
	[tilespmem:$0x1B768] =	vst v63  }
0x1ce: {  	_ =	swait.ge [sflag:s13], $0x80  }
0x1cf: {  	[sflag:s13] =	ssyncset.done $0x0  }
0x1d0: {  	s26 =	simm.s32 $0x2BE8;
	[sflag:s13] =	ssyncadd.s32 $0xFFFFFF80  }
0x1d1: {  	[spmem:s7] =	stream.indirect.scatter [tilespmem:s26], [sflag:$0x1], $0x1, s24, s16, $0xb8;
	[tilespmem:$0x1B768] =	vst v63  }
0x1d2: {  	_ =	swait.ge [sflag:s13], $0x80  }
0x1d3: {  	[sflag:s13] =	ssyncset.done $0x0  }
0x1d4: {  	s29 =	simm.s32 $0x3168;
	s30 =	simm.s32 $0x2768;
	[sflag:s13] =	ssyncadd.s32 $0xFFFFFF80  }
0x1d5: {  	[spmem:s10] =	stream.indirect.scatter [tilespmem:s30], [sflag:$0x1], $0x1, s29, s16, $0xb8;
	[tilespmem:$0x1B768] =	vst v63  }
0x1d6: {  	_ =	swait.ge [sflag:s13], $0x80  }
0x1d7: {  	[sflag:s13] =	ssyncset.done $0x0  }
0x1d8: {  	s31 =	simm.s32 $0x2C68;
	[sflag:s13] =	ssyncadd.s32 $0xFFFFFF80  }
0x1d9: {  	[spmem:s7] =	stream.indirect.scatter [tilespmem:s31], [sflag:$0x1], $0x1, s29, s16, $0xb8;
	[tilespmem:$0x1B768] =	vst v63  }
0x1da: {  	_ =	swait.ge [sflag:s13], $0x80  }
0x1db: {  	[sflag:s13] =	ssyncset.done $0x0  }
0x1dc: {  	s19 =	simm.s32 $0x31E8;
	s20 =	simm.s32 $0x27E8;
	[sflag:s13] =	ssyncadd.s32 $0xFFFFFF80  }
0x1dd: {  	[spmem:s10] =	stream.indirect.scatter [tilespmem:s20], [sflag:$0x1], $0x1, s19, s16, $0xb8;
	[tilespmem:$0x1B768] =	vst v63  }
0x1de: {  	_ =	swait.ge [sflag:s13], $0x80  }
0x1df: {  	[sflag:s13] =	ssyncset.done $0x0  }
0x1e0: {  	s21 =	simm.s32 $0x2CE8;
	[sflag:s13] =	ssyncadd.s32 $0xFFFFFF80  }
0x1e1: {  	[spmem:s7] =	stream.indirect.scatter [tilespmem:s21], [sflag:$0x1], $0x1, s19, s16, $0xb8;
	[tilespmem:$0x1B768] =	vst v63  }
0x1e2: {  	_ =	swait.ge [sflag:s13], $0x80  }
0x1e3: {  	[sflag:s13] =	ssyncset.done $0x0  }
0x1e4: {  	s22 =	simm.s32 $0x3268;
	s23 =	simm.s32 $0x2868;
	[sflag:s13] =	ssyncadd.s32 $0xFFFFFF80  }
0x1e5: {  	[spmem:s10] =	stream.indirect.scatter [tilespmem:s23], [sflag:$0x1], $0x1, s22, s16, $0xb8;
	[tilespmem:$0x1B768] =	vst v63  }
0x1e6: {  	_ =	swait.ge [sflag:s13], $0x80  }
0x1e7: {  	[sflag:s13] =	ssyncset.done $0x0  }
0x1e8: {  	s24 =	simm.s32 $0x2D68;
	[sflag:s13] =	ssyncadd.s32 $0xFFFFFF80  }
0x1e9: {  	[spmem:s7] =	stream.indirect.scatter [tilespmem:s24], [sflag:$0x1], $0x1, s22, s16, $0xb8;
	[tilespmem:$0x1B768] =	vst v63  }
0x1ea: {  	_ =	swait.ge [sflag:s13], $0x80  }
0x1eb: {  	[sflag:s13] =	ssyncset.done $0x0  }
0x1ec: {  	s25 =	simm.s32 $0x32E8;
	s26 =	simm.s32 $0x28E8;
	[sflag:s13] =	ssyncadd.s32 $0xFFFFFF80  }
0x1ed: {  	[spmem:s10] =	stream.indirect.scatter [tilespmem:s26], [sflag:$0x1], $0x1, s25, s16, $0xb8;
	[tilespmem:$0x1B768] =	vst v63  }
0x1ee: {  	_ =	swait.ge [sflag:s13], $0x80  }
0x1ef: {  	[sflag:s13] =	ssyncset.done $0x0  }
0x1f0: {  	s29 =	simm.s32 $0x2DE8;
	[sflag:s13] =	ssyncadd.s32 $0xFFFFFF80  }
0x1f1: {  	[spmem:s7] =	stream.indirect.scatter [tilespmem:s29], [sflag:$0x1], $0x1, s25, s16, $0xb8;
	[tilespmem:$0x1B768] =	vst v63  }
0x1f2: {  	_ =	swait.ge [sflag:s13], $0x80  }
0x1f3: {  	[sflag:s13] =	ssyncset.done $0x0  }
0x1f4: {  	[sflag:s13] =	ssyncadd.s32 $0xFFFFFF80  }
0x1f5: {  	s30 =	sadd.s32 s11, s10;
	[bflag:$0x0] =	sbarrier.arrive $0xFFFF  }
0x1f6: {  	[tilespmem:s14], [sflag:$0x1] =	stream.linear.gather [spmem:s30], $0x500, $0x38;
	[tilespmem:$0x1B768] =	vst v63  }
0x1f7: {  	_ =	swait.ge [sflag:s13], $0x500  }
0x1f8: {  	[sflag:s13] =	ssyncset.done $0x0  }
0x1f9: {  	s31 =	sadd.s32 s11, s7;
	[sflag:s13] =	ssyncadd.s32 $0xFFFFFB00  }
0x1fa: {  	[tilespmem:s15], [sflag:$0x1] =	stream.linear.gather [spmem:s31], $0x500, $0x38;
	[tilespmem:$0x1B768] =	vst v63  }
0x1fb: {  	_ =	swait.ge [sflag:s13], $0x500  }
0x1fc: {  	[sflag:s13] =	ssyncset.done $0x0  }
0x1fd: {  	v63 =	vimm.s32 $0x0;
	[sflag:s13] =	ssyncadd.s32 $0xFFFFFB00  }
0x1fe: {  	[tilespmem:$0x4668] =	vst v63  }
0x1ff: {  	[tilespmem:$0x4678] =	vst v63  }
0x200: {  	[tilespmem:$0x4688] =	vst v63  }
0x201: {  	[tilespmem:$0x4698] =	vst v63  }
0x202: {  	[tilespmem:$0x46A8] =	vst v63  }
0x203: {  	[tilespmem:$0x46B8] =	vst v63  }
0x204: {  	[tilespmem:$0x46C8] =	vst v63  }
0x205: {  	[tilespmem:$0x46D8] =	vst v63  }
0x206: {  	[tilespmem:$0x46E8] =	vst v63  }
0x207: {  	[tilespmem:$0x46F8] =	vst v63  }
0x208: {  	[tilespmem:$0x4708] =	vst v63  }
0x209: {  	[tilespmem:$0x4718] =	vst v63  }
0x20a: {  	[tilespmem:$0x4728] =	vst v63  }
0x20b: {  	[tilespmem:$0x4738] =	vst v63  }
0x20c: {  	[tilespmem:$0x4748] =	vst v63  }
0x20d: {  	s11 =	simm.s32 $0x0;
	s10 =	simm.s32 $0x40;
	s7 =	simm.s32 $0x4668;
	[tilespmem:$0x4758] =	vst v63  }
.LBB3_23:
0x20e: {  	p0 =	sne.s32 s10, $0x13C0;
	v0 =	vld [tilespmem:s11+$0x2468];
	_ =	sdelay $0x4  }
0x20f: {  	v0 =	vxor.u32 $0xFFFFFFFF, v0  }
0x210: {  	v0 =	vshrl.u32 v0, $0x10  }
0x211: {  	v0 =	vand.u32 $0xFF, v0  }
0x212: {  	(xrf1) =	vunique.msk.u32 $0xffff, v0;
	_ =	sdelay $0xd  }
0x213: {  	_, v1, vm0 =	vpop (xrf1);
	_ =	sdelay $0x1  }
.Ltmp11:
0x214: {  	(pc) =	sbr.rel @p0 .LBB3_23-.Ltmp11, $2  }
0x215: {  	_ =	sdelay $0x2  }
0x216: {  	s11 =	sshra.s32 s10, $0x2;
	s10 =	sadd.s32 $0x40, s10;
	[tilespmem:v0+s7+$0x0] =	vst.idx.add.s32.msk vm0, v1  }
0x217: {  	v0 =	vld [tilespmem:s11+$0x2468];
	_ =	sdelay $0x4  }
0x218: {  	v0 =	vxor.u32 $0xFFFFFFFF, v0  }
0x219: {  	v0 =	vshrl.u32 v0, $0x10  }
0x21a: {  	v0 =	vand.u32 $0xFF, v0  }
0x21b: {  	(xrf1) =	vunique.msk.u32 $0xffff, v0;
	_ =	sdelay $0xd  }
0x21c: {  	_, v1, vm0 =	vpop (xrf1);
	_ =	sdelay $0x4  }
0x21d: {  	s26 =	simm.s32 $0x80  }
0x21e: {  	s10 =	simm.s32 $0x400;
	s29 =	simm.s32 $0x4668;
	s30 =	simm.s32 $0x1;
	[tilespmem:v0+s7+$0x0] =	vst.idx.add.s32.msk vm0, v1  }
0x21f: {  	[spmem:s12] =	stream.strided.scatter [tilespmem:s29], [sflag:$0x1], $0x100, s10, s26, $0x38;
	[tilespmem:$0x1B768] =	vst v63  }
0x220: {  	_ =	swait.ge [sflag:s30], $0x100  }
0x221: {  	[sflag:s30] =	ssyncset.done $0x0  }
0x222: {  	[sflag:s30] =	ssyncadd.s32 $0xFFFFFF00  }
0x223: {  	s31 =	simm.s32 $0x3668;
	[bflag:$0x0] =	sbarrier.arrive $0xFFFF  }
0x224: {  	[tilespmem:s31], [sflag:$0x1] =	stream.linear.gather [spmem:s6], $0x1000, $0x38;
	[tilespmem:$0x1B768] =	vst v63  }
0x225: {  	_ =	swait.ge [sflag:s30], $0x1000  }
0x226: {  	[sflag:s30] =	ssyncset.done $0x0  }
0x227: {  	s7 =	simm.s32 $0x0;
	s6 =	simm.s32 $0x0;
	[sflag:s30] =	ssyncadd.s32 $0xFFFFF000  }
.LBB3_25:
0x228: {  	s10 =	sshll.u32 s7, $0x4  }
0x229: {  	s11 =	sand.u32 $0x70, s10  }
0x22a: {  	s12 =	sshll.u32 s7, $0x7;
	v0 =	vmov s11  }
0x22b: {  	s30 =	sand.u32 $0x400, s12  }
0x22c: {  	s31 =	sand.u32 $0x800, s6;
	s11 =	sadd.s32 $0x3668, s30  }
0x22d: {  	s13 =	sand.u32 $0x380, s6;
	s14 =	sadd.s32 s31, s11  }
0x22e: {  	s15 =	simm.s32 $0x0;
	s13 =	sadd.s32 s13, s14  }
0x22f: {  	v1 =	vimm.s32 $0x0;
	v3 =	vimm.s32 $0x0;
	s12 =	simm.s32 $0x1;
	s14 =	simm.s32 $0x100;
	v2 =	vld.idx.msk [tilespmem:v0+s13+$0x0 ss:$0x1], $0xffff;
	s13 =	simm.s32 $0x80  }
.LBB3_26:
0x230: {  	s16 =	sand.u32 $0x800, s14  }
0x231: {  	p0 =	sne.s32 s12, $0xF;
	s17 =	smov.u32 s12;
	s12 =	sadd.s32 $0x1, s12  }
.Ltmp12:
0x232: {  	s18 =	sand.u32 $0x380, s13;
	s16 =	sadd.s32 s16, s11;
	(pc) =	sbr.rel @p0 .LBB3_26-.Ltmp12, $4  }
0x233: {  	p1 =	slt.u32 s15, s8;
	s15 =	smov.u32 s17;
	s16 =	sadd.s32 s18, s16  }
0x234: {  	v1 =	vadd.s32 v1, v2;
	v4 =	vpsel !p1, $0x0, v2;
	v2 =	vld.idx.msk [tilespmem:v0+s16+$0x0 ss:$0x1], $0xffff  }
0x235: {  	v3 =	vadd.s32 v3, v4  }
0x236: {  	s13 =	sadd.s32 $0x80, s13;
	s14 =	sadd.s32 $0x100, s14  }
0x237: {  	_ = 	snop  }
0x238: {  	p0 =	slt.u32 s15, s8;
	s7 =	sadd.s32 $0x1, s7  }
0x239: {  	v63 =	vpsel !p0, $0x0, v2;
	p0 =	sne.s32 s7, $0x10  }
.Ltmp13:
0x23a: {  	_ = 	snop;
	(pc) =	sbr.rel @p0 .LBB3_25-.Ltmp13, $4  }
0x23b: {  	_ = 	snop  }
0x23c: {  	v0 =	vadd.s32 v1, v2  }
0x23d: {  	v1 =	vadd.s32 v3, v63;
	[tilespmem:s10+$0x4868] =	vst v0  }
0x23e: {  	[tilespmem:s10+$0x4768] =	vst v1  }
0x23f: {  	s12 =	simm.s32 $0x0  }
0x240: {  	v1 =	vld [tilespmem:s12+$0x4868];
	_ =	sdelay $0x4  }
0x241: {  	(xrf0) =	vadd.scan.msk.s32 $0xffff, v1;
	_ =	sdelay $0x1  }
0x242: {  	s10 =	simm.s32 $0x10  }
0x243: {  	v2 =	vld [tilespmem:s10+$0x4868];
	_ =	sdelay $0x2  }
0x244: {  	v3, _, _ =	vpop (xrf0)  }
0x245: {  	(v2sf) =	vpush v3, $0xF  }
0x246: {  	v4 =	vld [tilespmem:s12+$0x4768];
	(xrf0) =	vadd.scan.msk.s32 $0xffff, v2;
	_ =	sdelay $0x1  }
0x247: {  	s7 =	simm.s32 $0x20  }
0x248: {  	s11 =	simm.s32 $0x0;
	v0 =	vld [tilespmem:s7+$0x4868]  }
0x249: {  	v1 =	vsub.s32 s11, v1  }
0x24a: {  	v1 =	vadd.s32 v4, v1  }
0x24b: {  	v4 =	vadd.s32 v3, v1;
	v3, _, _ =	vpop (xrf0)  }
0x24c: {  	(v2sf) =	vpush v3, $0xF  }
0x24d: {  	(xrf0) =	vadd.scan.msk.s32 $0xffff, v0;
	_ =	sdelay $0x1  }
0x24e: {  	s6 =	simm.s32 $0x30  }
0x24f: {  	v1 =	vld [tilespmem:s6+$0x4868];
	[tilespmem:s12+$0x4768] =	vst v4  }
0x250: {  	v5 =	vld [tilespmem:s10+$0x4768];
	_ =	sdelay $0x1  }
0x251: {  	s13 =	simm.s32 $0x140;
	s12 =	simm.s32 $0x100;
	v4, _, _ =	vpop (xrf0);
	s14 =	spop (v2sf)  }
.LBB3_29:
0x252: {  	p0 =	sne.s32 s13, $0x3C0;
	(v2sf) =	vpush v4, $0xF;
	s11 =	sadd.s32 s11, s14  }
0x253: {  	(xrf0) =	vadd.scan.msk.s32 $0xffff, v1;
	v6 =	vsub.s32 s11, v2;
	v2 =	vmov v0;
	v0 =	vmov v1  }
0x254: {  	v1 =	vadd.s32 v5, v6  }
.Ltmp14:
0x255: {  	s14 =	sshra.s32 s12, $0x2;
	s12 =	smov.u32 s13;
	v5 =	vadd.s32 v3, v1;
	v3 =	vmov v4;
	(pc) =	sbr.rel @p0 .LBB3_29-.Ltmp14, $3  }
0x256: {  	v1 =	vld [tilespmem:s14+$0x4868];
	[tilespmem:s10+$0x4768] =	vst v5;
	s10 =	smov.u32 s7;
	s7 =	smov.u32 s6;
	s6 =	smov.u32 s14  }
0x257: {  	v5 =	vld [tilespmem:s10+$0x4768];
	_ =	sdelay $0x1  }
0x258: {  	s13 =	sadd.s32 $0x40, s13;
	v4, _, _ =	vpop (xrf0);
	s14 =	spop (v2sf)  }
0x259: {  	(v2sf) =	vpush v4, $0xF;
	s11 =	sadd.s32 s11, s14  }
0x25a: {  	(xrf0) =	vadd.scan.msk.s32 $0xffff, v1;
	v2 =	vsub.s32 s11, v2  }
0x25b: {  	s12 =	sshra.s32 s12, $0x2;
	v2 =	vadd.s32 v5, v2  }
0x25c: {  	v6 =	vld [tilespmem:s12+$0x4868];
	v2 =	vadd.s32 v3, v2  }
0x25d: {  	[tilespmem:s10+$0x4768] =	vst v2  }
0x25e: {  	v2 =	vld [tilespmem:s7+$0x4768];
	_ =	sdelay $0x1  }
0x25f: {  	v3, _, _ =	vpop (xrf0);
	s26 =	spop (v2sf)  }
0x260: {  	(xrf0) =	vadd.scan.msk.s32 $0xffff, v6;
	(v2sf) =	vpush v3, $0xF;
	s10 =	sadd.s32 s11, s26  }
0x261: {  	v0 =	vsub.s32 s10, v0  }
0x262: {  	v0 =	vadd.s32 v2, v0  }
0x263: {  	v0 =	vadd.s32 v4, v0  }
0x264: {  	[tilespmem:s7+$0x4768] =	vst v0  }
0x265: {  	v2 =	vld [tilespmem:s6+$0x4768]  }
0x266: {  	v0, _, _ =	vpop (xrf0)  }
0x267: {  	(v2sf) =	vpush v0, $0xF;
	s29 =	spop (v2sf)  }
0x268: {  	s7 =	sadd.s32 s10, s29  }
0x269: {  	v1 =	vsub.s32 s7, v1  }
0x26a: {  	v1 =	vadd.s32 v2, v1  }
0x26b: {  	v1 =	vadd.s32 v3, v1  }
0x26c: {  	[tilespmem:s6+$0x4768] =	vst v1  }
0x26d: {  	v1 =	vld [tilespmem:s12+$0x4768];
	_ =	sdelay $0x1  }
0x26e: {  	s30 =	spop (v2sf)  }
0x26f: {  	s6 =	sadd.s32 s7, s30  }
0x270: {  	v2 =	vsub.s32 s6, v6  }
0x271: {  	v1 =	vadd.s32 v1, v2  }
0x272: {  	v0 =	vadd.s32 v0, v1  }
0x273: {  	s10 =	simm.s32 $0x2468;
	[tilespmem:s12+$0x4768] =	vst v0  }
0x274: {  	s11 =	simm.s32 $0x10;
	v0 =	vld [tilespmem:s10+$0x0]  }
0x275: {  	s7 =	simm.s32 $0x4768;
	s6 =	simm.s32 $0x0;
	s31 =	spop (v2sf)  }
.LBB3_31:
0x276: {  	p0 =	sne.s32 s11, $0x4F0;
	_ =	sdelay $0x2  }
0x277: {  	v0 =	vxor.u32 $0xFFFFFFFF, v0  }
0x278: {  	v0 =	vshrl.u32 v0, $0x10  }
0x279: {  	v0 =	vand.u32 $0xFF, v0  }
0x27a: {  	(xrf1) =	vunique.msk.u32 $0xffff, v0;
	_ =	sdelay $0xc  }
0x27b: {  	v1 =	vld.idx.msk [tilespmem:v0+s7+$0x0], $0xffff  }
0x27c: {  	_, v2, vm0 =	vpop (xrf1);
	_ =	sdelay $0x4  }
.Ltmp15:
0x27d: {  	v1 =	vadd.s32 v2, v1;
	(pc) =	sbr.rel @p0 .LBB3_31-.Ltmp15, $4  }
0x27e: {  	s12 =	sand.u32 $0x7F0, s6;
	s6 =	smov.u32 s11;
	[tilespmem:v0+s7+$0x0] =	vst.idx.add.s32.msk vm0, v2;
	v0 =	vadd.s32 $0xFFFFFFFF, v1  }
0x27f: {  	s10 =	sadd.s32 $0x10, s10;
	[tilespmem:s12+$0x2E68] =	vst v0  }
0x280: {  	v0 =	vld [tilespmem:s10+$0x0]  }
0x281: {  	s11 =	sadd.s32 $0x10, s11  }
0x282: {  	_ =	sdelay $0x2  }
0x283: {  	v0 =	vxor.u32 $0xFFFFFFFF, v0  }
0x284: {  	v0 =	vshrl.u32 v0, $0x10  }
0x285: {  	v0 =	vand.u32 $0xFF, v0  }
0x286: {  	(xrf1) =	vunique.msk.u32 $0xffff, v0;
	_ =	sdelay $0xd  }
0x287: {  	v1 =	vld.idx.msk [tilespmem:v0+s7+$0x0], $0xffff;
	_, v2, vm0 =	vpop (xrf1);
	_ =	sdelay $0x4  }
0x288: {  	v1 =	vadd.s32 v2, v1  }
0x289: {  	s6 =	sand.u32 $0x7F0, s6;
	s12 =	simm.s32 $0x2E68;
	[tilespmem:v0+s7+$0x0] =	vst.idx.add.s32.msk vm0, v2;
	v0 =	vadd.s32 $0xFFFFFFFF, v1  }
0x28a: {  	s10 =	simm.s32 $0x2468;
	s7 =	simm.s32 $0x80;
	[tilespmem:s6+$0x2E68] =	vst v0;
	s6 =	simm.s32 $0x1  }
0x28b: {  	[spmem:s1] =	stream.indirect.scatter [tilespmem:s10], [sflag:$0x1], $0x1, s12, s7, $0xb8;
	[tilespmem:$0x1B768] =	vst v63  }
0x28c: {  	_ =	swait.ge [sflag:s6], $0x80  }
0x28d: {  	[sflag:s6] =	ssyncset.done $0x0  }
0x28e: {  	s11 =	simm.s32 $0x2968;
	[sflag:s6] =	ssyncadd.s32 $0xFFFFFF80  }
0x28f: {  	[spmem:s0] =	stream.indirect.scatter [tilespmem:s11], [sflag:$0x1], $0x1, s12, s7, $0xb8;
	[tilespmem:$0x1B768] =	vst v63  }
0x290: {  	_ =	swait.ge [sflag:s6], $0x80  }
0x291: {  	[sflag:s6] =	ssyncset.done $0x0  }
0x292: {  	s17 =	simm.s32 $0x2EE8;
	s13 =	simm.s32 $0x24E8;
	[sflag:s6] =	ssyncadd.s32 $0xFFFFFF80  }
0x293: {  	[spmem:s1] =	stream.indirect.scatter [tilespmem:s13], [sflag:$0x1], $0x1, s17, s7, $0xb8;
	[tilespmem:$0x1B768] =	vst v63  }
0x294: {  	_ =	swait.ge [sflag:s6], $0x80  }
0x295: {  	[sflag:s6] =	ssyncset.done $0x0  }
0x296: {  	s18 =	simm.s32 $0x29E8;
	[sflag:s6] =	ssyncadd.s32 $0xFFFFFF80  }
0x297: {  	[spmem:s0] =	stream.indirect.scatter [tilespmem:s18], [sflag:$0x1], $0x1, s17, s7, $0xb8;
	[tilespmem:$0x1B768] =	vst v63  }
0x298: {  	_ =	swait.ge [sflag:s6], $0x80  }
0x299: {  	[sflag:s6] =	ssyncset.done $0x0  }
0x29a: {  	s19 =	simm.s32 $0x2F68;
	s20 =	simm.s32 $0x2568;
	[sflag:s6] =	ssyncadd.s32 $0xFFFFFF80  }
0x29b: {  	[spmem:s1] =	stream.indirect.scatter [tilespmem:s20], [sflag:$0x1], $0x1, s19, s7, $0xb8;
	[tilespmem:$0x1B768] =	vst v63  }
0x29c: {  	_ =	swait.ge [sflag:s6], $0x80  }
0x29d: {  	[sflag:s6] =	ssyncset.done $0x0  }
0x29e: {  	s21 =	simm.s32 $0x2A68;
	[sflag:s6] =	ssyncadd.s32 $0xFFFFFF80  }
0x29f: {  	[spmem:s0] =	stream.indirect.scatter [tilespmem:s21], [sflag:$0x1], $0x1, s19, s7, $0xb8;
	[tilespmem:$0x1B768] =	vst v63  }
0x2a0: {  	_ =	swait.ge [sflag:s6], $0x80  }
0x2a1: {  	[sflag:s6] =	ssyncset.done $0x0  }
0x2a2: {  	s22 =	simm.s32 $0x2FE8;
	s23 =	simm.s32 $0x25E8;
	[sflag:s6] =	ssyncadd.s32 $0xFFFFFF80  }
0x2a3: {  	[spmem:s1] =	stream.indirect.scatter [tilespmem:s23], [sflag:$0x1], $0x1, s22, s7, $0xb8;
	[tilespmem:$0x1B768] =	vst v63  }
0x2a4: {  	_ =	swait.ge [sflag:s6], $0x80  }
0x2a5: {  	[sflag:s6] =	ssyncset.done $0x0  }
0x2a6: {  	s24 =	simm.s32 $0x2AE8;
	[sflag:s6] =	ssyncadd.s32 $0xFFFFFF80  }
0x2a7: {  	[spmem:s0] =	stream.indirect.scatter [tilespmem:s24], [sflag:$0x1], $0x1, s22, s7, $0xb8;
	[tilespmem:$0x1B768] =	vst v63  }
0x2a8: {  	_ =	swait.ge [sflag:s6], $0x80  }
0x2a9: {  	[sflag:s6] =	ssyncset.done $0x0  }
0x2aa: {  	s25 =	simm.s32 $0x3068;
	s26 =	simm.s32 $0x2668;
	[sflag:s6] =	ssyncadd.s32 $0xFFFFFF80  }
0x2ab: {  	[spmem:s1] =	stream.indirect.scatter [tilespmem:s26], [sflag:$0x1], $0x1, s25, s7, $0xb8;
	[tilespmem:$0x1B768] =	vst v63  }
0x2ac: {  	_ =	swait.ge [sflag:s6], $0x80  }
0x2ad: {  	[sflag:s6] =	ssyncset.done $0x0  }
0x2ae: {  	s29 =	simm.s32 $0x2B68;
	[sflag:s6] =	ssyncadd.s32 $0xFFFFFF80  }
0x2af: {  	[spmem:s0] =	stream.indirect.scatter [tilespmem:s29], [sflag:$0x1], $0x1, s25, s7, $0xb8;
	[tilespmem:$0x1B768] =	vst v63  }
0x2b0: {  	_ =	swait.ge [sflag:s6], $0x80  }
0x2b1: {  	[sflag:s6] =	ssyncset.done $0x0  }
0x2b2: {  	s30 =	simm.s32 $0x30E8;
	s31 =	simm.s32 $0x26E8;
	[sflag:s6] =	ssyncadd.s32 $0xFFFFFF80  }
0x2b3: {  	[spmem:s1] =	stream.indirect.scatter [tilespmem:s31], [sflag:$0x1], $0x1, s30, s7, $0xb8;
	[tilespmem:$0x1B768] =	vst v63  }
0x2b4: {  	_ =	swait.ge [sflag:s6], $0x80  }
0x2b5: {  	[sflag:s6] =	ssyncset.done $0x0  }
0x2b6: {  	s14 =	simm.s32 $0x2BE8;
	[sflag:s6] =	ssyncadd.s32 $0xFFFFFF80  }
0x2b7: {  	[spmem:s0] =	stream.indirect.scatter [tilespmem:s14], [sflag:$0x1], $0x1, s30, s7, $0xb8;
	[tilespmem:$0x1B768] =	vst v63  }
0x2b8: {  	_ =	swait.ge [sflag:s6], $0x80  }
0x2b9: {  	[sflag:s6] =	ssyncset.done $0x0  }
0x2ba: {  	s15 =	simm.s32 $0x3168;
	s16 =	simm.s32 $0x2768;
	[sflag:s6] =	ssyncadd.s32 $0xFFFFFF80  }
0x2bb: {  	[spmem:s1] =	stream.indirect.scatter [tilespmem:s16], [sflag:$0x1], $0x1, s15, s7, $0xb8;
	[tilespmem:$0x1B768] =	vst v63  }
0x2bc: {  	_ =	swait.ge [sflag:s6], $0x80  }
0x2bd: {  	[sflag:s6] =	ssyncset.done $0x0  }
0x2be: {  	s17 =	simm.s32 $0x2C68;
	[sflag:s6] =	ssyncadd.s32 $0xFFFFFF80  }
0x2bf: {  	[spmem:s0] =	stream.indirect.scatter [tilespmem:s17], [sflag:$0x1], $0x1, s15, s7, $0xb8;
	[tilespmem:$0x1B768] =	vst v63  }
0x2c0: {  	_ =	swait.ge [sflag:s6], $0x80  }
0x2c1: {  	[sflag:s6] =	ssyncset.done $0x0  }
0x2c2: {  	s18 =	simm.s32 $0x31E8;
	s19 =	simm.s32 $0x27E8;
	[sflag:s6] =	ssyncadd.s32 $0xFFFFFF80  }
0x2c3: {  	[spmem:s1] =	stream.indirect.scatter [tilespmem:s19], [sflag:$0x1], $0x1, s18, s7, $0xb8;
	[tilespmem:$0x1B768] =	vst v63  }
0x2c4: {  	_ =	swait.ge [sflag:s6], $0x80  }
0x2c5: {  	[sflag:s6] =	ssyncset.done $0x0  }
0x2c6: {  	s20 =	simm.s32 $0x2CE8;
	[sflag:s6] =	ssyncadd.s32 $0xFFFFFF80  }
0x2c7: {  	[spmem:s0] =	stream.indirect.scatter [tilespmem:s20], [sflag:$0x1], $0x1, s18, s7, $0xb8;
	[tilespmem:$0x1B768] =	vst v63  }
0x2c8: {  	_ =	swait.ge [sflag:s6], $0x80  }
0x2c9: {  	[sflag:s6] =	ssyncset.done $0x0  }
0x2ca: {  	s21 =	simm.s32 $0x3268;
	s22 =	simm.s32 $0x2868;
	[sflag:s6] =	ssyncadd.s32 $0xFFFFFF80  }
0x2cb: {  	[spmem:s1] =	stream.indirect.scatter [tilespmem:s22], [sflag:$0x1], $0x1, s21, s7, $0xb8;
	[tilespmem:$0x1B768] =	vst v63  }
0x2cc: {  	_ =	swait.ge [sflag:s6], $0x80  }
0x2cd: {  	[sflag:s6] =	ssyncset.done $0x0  }
0x2ce: {  	s23 =	simm.s32 $0x2D68;
	[sflag:s6] =	ssyncadd.s32 $0xFFFFFF80  }
0x2cf: {  	[spmem:s0] =	stream.indirect.scatter [tilespmem:s23], [sflag:$0x1], $0x1, s21, s7, $0xb8;
	[tilespmem:$0x1B768] =	vst v63  }
0x2d0: {  	_ =	swait.ge [sflag:s6], $0x80  }
0x2d1: {  	[sflag:s6] =	ssyncset.done $0x0  }
0x2d2: {  	s24 =	simm.s32 $0x32E8;
	s25 =	simm.s32 $0x28E8;
	[sflag:s6] =	ssyncadd.s32 $0xFFFFFF80  }
0x2d3: {  	[spmem:s1] =	stream.indirect.scatter [tilespmem:s25], [sflag:$0x1], $0x1, s24, s7, $0xb8;
	[tilespmem:$0x1B768] =	vst v63  }
0x2d4: {  	_ =	swait.ge [sflag:s6], $0x80  }
0x2d5: {  	[sflag:s6] =	ssyncset.done $0x0  }
0x2d6: {  	s26 =	simm.s32 $0x2DE8;
	[sflag:s6] =	ssyncadd.s32 $0xFFFFFF80  }
0x2d7: {  	[spmem:s0] =	stream.indirect.scatter [tilespmem:s26], [sflag:$0x1], $0x1, s24, s7, $0xb8;
	[tilespmem:$0x1B768] =	vst v63  }
0x2d8: {  	_ =	swait.ge [sflag:s6], $0x80  }
0x2d9: {  	s7 =	smul.u32 $0x140, s8;
	[sflag:s6] =	ssyncset.done $0x0  }
0x2da: {  	[sflag:s6] =	ssyncadd.s32 $0xFFFFFF80  }
0x2db: {  	s29 =	sadd.s32 s7, s1;
	[bflag:$0x0] =	sbarrier.arrive $0xFFFF  }
0x2dc: {  	[tilespmem:s10], [sflag:$0x1] =	stream.linear.gather [spmem:s29], $0x140, $0x38;
	[tilespmem:$0x1B768] =	vst v63  }
0x2dd: {  	_ =	swait.ge [sflag:s6], $0x140  }
0x2de: {  	[sflag:s6] =	ssyncset.done $0x0  }
0x2df: {  	s30 =	sadd.s32 s7, s0;
	[sflag:s6] =	ssyncadd.s32 $0xFFFFFEC0  }
0x2e0: {  	[tilespmem:s11], [sflag:$0x1] =	stream.linear.gather [spmem:s30], $0x140, $0x38;
	[tilespmem:$0x1B768] =	vst v63  }
0x2e1: {  	_ =	swait.ge [sflag:s6], $0x140  }
0x2e2: {  	[sflag:s6] =	ssyncset.done $0x0  }
0x2e3: {  	s31 =	simm.s32 $0x0;
	s0 =	simm.s32 $0x4968;
	[sflag:s6] =	ssyncadd.s32 $0xFFFFFEC0  }
0x2e4: {  	[tilespmem:s0], [sflag:$0x1] =	stream.linear.gather [hbm4b:s5+s31], $0x5000, $0x38;
	[tilespmem:$0x1B768] =	vst v63  }
0x2e5: {  	_ =	swait.ge [sflag:s6], $0x5000  }
0x2e6: {  	[sflag:s6] =	ssyncset.done $0x0  }
0x2e7: {  	s1 =	simm.s32 $0x9968;
	[sflag:s6] =	ssyncadd.s32 $0xFFFFB000  }
0x2e8: {  	[tilespmem:s1], [sflag:$0x1] =	stream.linear.gather [hbm4b:s4+s31], $0x5000, $0x38;
	[tilespmem:$0x1B768] =	vst v63  }
0x2e9: {  	_ =	swait.ge [sflag:s6], $0x5000  }
0x2ea: {  	[sflag:s6] =	ssyncset.done $0x0  }
0x2eb: {  	s4 =	simm.s32 $0xE968;
	[sflag:s6] =	ssyncadd.s32 $0xFFFFB000  }
0x2ec: {  	[tilespmem:s4], [sflag:$0x1] =	stream.linear.gather [hbm4b:s3+s31], $0x5000, $0x38;
	[tilespmem:$0x1B768] =	vst v63  }
0x2ed: {  	_ =	swait.ge [sflag:s6], $0x5000  }
0x2ee: {  	[sflag:s6] =	ssyncset.done $0x0  }
0x2ef: {  	s3 =	simm.s32 $0x13968;
	[sflag:s6] =	ssyncadd.s32 $0xFFFFB000  }
0x2f0: {  	[tilespmem:s3], [sflag:$0x1] =	stream.linear.gather [hbm4b:s2+s31], $0x5000, $0x38;
	[tilespmem:$0x1B768] =	vst v63  }
0x2f1: {  	_ =	swait.ge [sflag:s6], $0x5000  }
0x2f2: {  	[sflag:s6] =	ssyncset.done $0x0  }
0x2f3: {  	s2 =	simm.s32 $0x0;
	[sflag:s6] =	ssyncadd.s32 $0xFFFFB000  }
0x2f4: {  	v2 =	vld [tilespmem:s2+$0x2968];
	_ =	sdelay $0x2  }
0x2f5: {  	v3 =	vld [tilespmem:s2+$0x2468];
	_ =	sdelay $0x2  }
0x2f6: {  	v0 =	vlaneseq.u32  }
0x2f7: {  	v4 =	vor.u32 s7, v0  }
0x2f8: {  	vm1 =	vlt.u32 v4, $0x1388;
	vm15 =	vgt.s32 v3, $0x0;
	v5 =	vld.idx.msk [tilespmem:v2+s0+$0x0], $0xffff  }
0x2f9: {  	v1 =	vimm.s32 $0x0;
	vm0 =	vmand vm1, vm15;
	v6 =	vld.idx.msk [tilespmem:v2+s1+$0x0], $0xffff  }
0x2fa: {  	v8 =	vsel vm0, $0x1, v1;
	v7 =	vld.idx.msk [tilespmem:v2+s4+$0x0], $0xffff  }
0x2fb: {  	v9 =	vld.idx.msk [tilespmem:v2+s3+$0x0], $0xffff;
	[tilespmem:s2+$0x193E8] =	vst v8  }
0x2fc: {  	v2 =	vor.u32 $0x3F000000, v3;
	[tilespmem:s2+$0x19268] =	vst v4  }
0x2fd: {  	[tilespmem:s2+$0x190E8] =	vst v2  }
0x2fe: {  	[tilespmem:s2+$0x18968] =	vst v5  }
0x2ff: {  	s5 =	simm.s32 $0x10;
	[tilespmem:s2+$0x18AE8] =	vst v6  }
0x300: {  	v2 =	vld [tilespmem:s5+$0x2968]  }
0x301: {  	v3 =	vsub.f32 v7, v5;
	v4 =	vsub.f32 v9, v6;
	[tilespmem:s2+$0x18C68] =	vst v7  }
0x302: {  	s6 =	simm.s32 $0x80;
	[tilespmem:s2+$0x18DE8] =	vst v9  }
.LBB3_33:
0x303: {  	p0 =	sne.s32 s6, $0x4C0;
	v5 =	vld [tilespmem:s5+$0x2468];
	v3 =	vadd.f32 $1.000000000e+00, v3;
	v4 =	vadd.f32 $1.000000000e+00, v4;
	_ =	sdelay $0x1  }
0x304: {  	v3 =	vmul.f32 v4, v3  }
0x305: {  	s7 =	sadd.s32 $0x10, s7  }
0x306: {  	v4 =	vor.u32 s7, v0;
	[tilespmem:s2+$0x18F68] =	vst v3;
	s2 =	smov.u32 s5  }
0x307: {  	vm1 =	vlt.u32 v4, $0x1388;
	vm0 =	vgt.s32 v5, $0x0;
	v3 =	vld.idx.msk [tilespmem:v2+s0+$0x0], $0xffff  }
0x308: {  	vm0 =	vmand vm1, vm0;
	v6 =	vld.idx.msk [tilespmem:v2+s1+$0x0], $0xffff  }
0x309: {  	v7 =	vld.idx.msk [tilespmem:v2+s4+$0x0], $0xffff;
	v8 =	vsel vm0, $0x1, v1  }
0x30a: {  	v9 =	vld.idx.msk [tilespmem:v2+s3+$0x0], $0xffff;
	[tilespmem:s2+$0x193E8] =	vst v8  }
0x30b: {  	v2 =	vor.u32 $0x3F000000, v5;
	[tilespmem:s2+$0x19268] =	vst v4  }
0x30c: {  	[tilespmem:s2+$0x190E8] =	vst v2  }
.Ltmp16:
0x30d: {  	[tilespmem:s2+$0x18968] =	vst v3;
	(pc) =	sbr.rel @p0 .LBB3_33-.Ltmp16, $4  }
0x30e: {  	s5 =	sshra.s32 s6, $0x2;
	[tilespmem:s2+$0x18AE8] =	vst v6  }
0x30f: {  	v2 =	vld [tilespmem:s5+$0x2968];
	[tilespmem:s2+$0x18C68] =	vst v7  }
0x310: {  	v3 =	vsub.f32 v7, v3;
	v4 =	vsub.f32 v9, v6;
	[tilespmem:s2+$0x18DE8] =	vst v9  }
0x311: {  	s6 =	sadd.s32 $0x40, s6  }
0x312: {  	_ = 	snop  }
0x313: {  	v3 =	vadd.f32 $1.000000000e+00, v3;
	v4 =	vadd.f32 $1.000000000e+00, v4;
	_ =	sdelay $0x1  }
0x314: {  	v3 =	vmul.f32 v4, v3;
	_ =	sdelay $0x1  }
0x315: {  	v62 =	vld [tilespmem:s5+$0x2468];
	[tilespmem:s2+$0x18F68] =	vst v3  }
0x316: {  	v3 =	vld.idx.msk [tilespmem:v2+s0+$0x0], $0xffff  }
0x317: {  	v5 =	vld.idx.msk [tilespmem:v2+s1+$0x0], $0xffff  }
0x318: {  	v6 =	vld.idx.msk [tilespmem:v2+s4+$0x0], $0xffff  }
0x319: {  	s31 =	sadd.s32 $0x10, s7;
	v2 =	vld.idx.msk [tilespmem:v2+s3+$0x0], $0xffff  }
0x31a: {  	v0 =	vor.u32 s31, v0  }
0x31b: {  	vm1 =	vlt.u32 v0, $0x1388;
	vm0 =	vgt.s32 v62, $0x0  }
0x31c: {  	vm0 =	vmand vm1, vm0  }
0x31d: {  	[tilespmem:s5+$0x19268] =	vst v0;
	v1 =	vsel vm0, $0x1, v1  }
0x31e: {  	[tilespmem:s5+$0x193E8] =	vst v1;
	v1 =	vor.u32 $0x3F000000, v62;
	v0 =	vsub.f32 v6, v3;
	v63 =	vsub.f32 v2, v5  }
0x31f: {  	[tilespmem:s5+$0x190E8] =	vst v1  }
0x320: {  	[tilespmem:s5+$0x18968] =	vst v3;
	v0 =	vadd.f32 $1.000000000e+00, v0;
	v1 =	vadd.f32 $1.000000000e+00, v63  }
0x321: {  	[tilespmem:s5+$0x18AE8] =	vst v5  }
0x322: {  	[tilespmem:s5+$0x18C68] =	vst v6;
	v0 =	vmul.f32 v1, v0  }
0x323: {  	[tilespmem:s5+$0x18DE8] =	vst v2  }
0x324: {  	s6 =	simm.s32 $0x18968;
	[tilespmem:s5+$0x18F68] =	vst v0;
	v0 =	vimm.s32 $0x40000000  }
0x325: {  	s7 =	simm.s32 $0x18AE8;
	s10 =	simm.s32 $0x0;
	s11 =	simm.s32 $0x40;
	[tilespmem:$0x193A8] =	vst v0;
	v0 =	vimm.s32 $0x0  }
0x326: {  	s2 =	simm.s32 $0x190E8;
	s0 =	simm.s32 $0x0;
	s4 =	simm.s32 $0x18DE8;
	[tilespmem:$0x19528] =	vst v0  }
0x327: {  	s3 =	simm.s32 $0x18F68;
	s1 =	simm.s32 $0x19268;
	s5 =	simm.s32 $0x18C68;
	[tilespmem:$0x196A8] =	vst v0  }
.LBB3_35:
0x328: {  	p0 =	seq.s32 s11, $0x4C0;
	v1 =	vld [tilespmem:s10+$0x193E8]  }
0x329: {  	v2 =	vld [tilespmem:s10+$0x18968];
	_ =	sdelay $0x3  }
0x32a: {  	vm0 =	vne.s32 v1, $0x0  }
0x32b: {  	v1 =	vsel vm0, $0xFFFFFFFF, v0;
	v3 =	vsel vm0, $0x1, v0  }
0x32c: {  	(xrf0) =	vadd.scan.msk.s32 $0xffff, v3;
	_ =	sdelay $0x5  }
0x32d: {  	v1 =	vadd.s32 s0, v1;
	v3, _, _ =	vpop (xrf0)  }
0x32e: {  	v1 =	vadd.s32 v3, v1;
	(v2sf) =	vpush v3, $0xF;
	_ =	sdelay $0x4  }
0x32f: {  	[tilespmem:v1+s6+$0x0] =	vst.idx.msk vm0, v2  }
0x330: {  	v2 =	vld [tilespmem:s10+$0x18AE8];
	_ =	sdelay $0x4  }
0x331: {  	[tilespmem:v1+s7+$0x0] =	vst.idx.msk vm0, v2  }
0x332: {  	v2 =	vld [tilespmem:s10+$0x18C68];
	_ =	sdelay $0x2  }
0x333: {  	s12 =	spop (v2sf)  }
0x334: {  	s0 =	sadd.s32 s0, s12  }
0x335: {  	[tilespmem:v1+s5+$0x0] =	vst.idx.msk vm0, v2  }
0x336: {  	v2 =	vld [tilespmem:s10+$0x18DE8];
	_ =	sdelay $0x4  }
0x337: {  	[tilespmem:v1+s4+$0x0] =	vst.idx.msk vm0, v2  }
0x338: {  	v2 =	vld [tilespmem:s10+$0x18F68];
	_ =	sdelay $0x4  }
0x339: {  	[tilespmem:v1+s3+$0x0] =	vst.idx.msk vm0, v2  }
0x33a: {  	v2 =	vld [tilespmem:s10+$0x190E8];
	_ =	sdelay $0x4  }
0x33b: {  	[tilespmem:v1+s2+$0x0] =	vst.idx.msk vm0, v2  }
0x33c: {  	v2 =	vld [tilespmem:s10+$0x19268]  }
.Ltmp17:
0x33d: {  	(pc) =	sbr.rel @!p0 .LBB3_35-.Ltmp17, $2  }
0x33e: {  	_ =	sdelay $0x2  }
0x33f: {  	s10 =	sshra.s32 s11, $0x2;
	s11 =	sadd.s32 $0x40, s11;
	[tilespmem:v1+s1+$0x0] =	vst.idx.msk vm0, v2  }
0x340: {  	v1 =	vld [tilespmem:s10+$0x193E8];
	_ =	sdelay $0x4  }
0x341: {  	vm0 =	vne.s32 v1, $0x0  }
0x342: {  	v1 =	vsel vm0, $0x1, v0  }
0x343: {  	(xrf0) =	vadd.scan.msk.s32 $0xffff, v1;
	_ =	sdelay $0x4  }
0x344: {  	v0 =	vsel vm0, $0xFFFFFFFF, v0  }
0x345: {  	v0 =	vadd.s32 s0, v0;
	v1, _, _ =	vpop (xrf0)  }
0x346: {  	v2 =	vld [tilespmem:s10+$0x18968];
	v0 =	vadd.s32 v1, v0;
	_ =	sdelay $0x4  }
0x347: {  	[tilespmem:v0+s6+$0x0] =	vst.idx.msk vm0, v2  }
0x348: {  	v2 =	vld [tilespmem:s10+$0x18AE8];
	_ =	sdelay $0x4  }
0x349: {  	[tilespmem:v0+s7+$0x0] =	vst.idx.msk vm0, v2  }
0x34a: {  	v2 =	vld [tilespmem:s10+$0x18C68];
	_ =	sdelay $0x4  }
0x34b: {  	[tilespmem:v0+s5+$0x0] =	vst.idx.msk vm0, v2  }
0x34c: {  	v2 =	vld [tilespmem:s10+$0x18DE8];
	_ =	sdelay $0x4  }
0x34d: {  	[tilespmem:v0+s4+$0x0] =	vst.idx.msk vm0, v2  }
0x34e: {  	(v2sf) =	vpush v1, $0xF;
	v2 =	vld [tilespmem:s10+$0x18F68];
	_ =	sdelay $0x4  }
0x34f: {  	[tilespmem:v0+s3+$0x0] =	vst.idx.msk vm0, v2  }
0x350: {  	v1 =	vld [tilespmem:s10+$0x190E8];
	_ =	sdelay $0x4  }
0x351: {  	[tilespmem:v0+s2+$0x0] =	vst.idx.msk vm0, v1  }
0x352: {  	v1 =	vld [tilespmem:s10+$0x19268];
	_ =	sdelay $0x2  }
0x353: {  	s29 =	spop (v2sf)  }
0x354: {  	s30 =	simm.s32 $0x0;
	s23 =	sadd.s32 s0, s29;
	v2 =	vlaneseq.u32  }
0x355: {  	v3 =	vor.u32 s30, v2;
	[tilespmem:v0+s1+$0x0] =	vst.idx.msk vm0, v1;
	v0 =	vmov s23  }
0x356: {  	v1 =	vimm.s32 $0x0;
	vm0 =	vlt.s32 v3, v0  }
0x357: {  	s1 =	simm.s32 $0x193E8;
	v3 =	vsel vm0, $0x1, v1  }
0x358: {  	s0 =	simm.s32 $0x19268;
	[tilespmem:s1+$0x0] =	vst v3  }
0x359: {  	v3 =	vld [tilespmem:s0+$0x0];
	_ =	sdelay $0x2  }
0x35a: {  	s31 =	simm.s32 $0x10  }
0x35b: {  	v4 =	vor.u32 s31, v2;
	s2 =	simm.s32 $0x20  }
.LBB3_37:
0x35c: {  	p0 =	sne.s32 s2, $0x130;
	v3 =	vnsel vm0, $0x40000000, v3;
	vm0 =	vlt.s32 v4, v0  }
0x35d: {  	s1 =	sadd.s32 $0x10, s1;
	v4 =	vsel vm0, $0x1, v1;
	[tilespmem:s0+$0x0] =	vst v3  }
0x35e: {  	s0 =	sadd.s32 $0x10, s0;
	[tilespmem:s1+$0x0] =	vst v4  }
.Ltmp18:
0x35f: {  	v3 =	vld [tilespmem:s0+$0x0];
	(pc) =	sbr.rel @p0 .LBB3_37-.Ltmp18, $2  }
0x360: {  	_ =	sdelay $0x2  }
0x361: {  	v4 =	vor.u32 s2, v2;
	s2 =	sadd.s32 $0x10, s2  }
0x362: {  	vm1 =	vlt.s32 v4, v0;
	v0 =	vnsel vm0, $0x40000000, v3  }
0x363: {  	s1 =	sadd.s32 $0x10, s1;
	v1 =	vsel vm1, $0x1, v1;
	[tilespmem:s0+$0x0] =	vst v0  }
0x364: {  	s18 =	sadd.s32 $0x10, s0;
	[tilespmem:s1+$0x0] =	vst v1  }
0x365: {  	v0 =	vld [tilespmem:s18+$0x0];
	_ =	sdelay $0x4  }
0x366: {  	p0 =	sne.s32 s8, $0x0;
	v0 =	vnsel vm1, $0x40000000, v0  }
0x367: {  	s19 =	sadd.s32 $0x100, s9;
	[tilespmem:s18+$0x0] =	vst v0;
	v0 =	vimm.s32 @!p0 $0x0  }
0x368: {  	s20 =	sadd.s32 $0x200, s9;
	s0 =	simm.s32 @!p0 $0x1A7E8;
	s1 =	simm.s32 @!p0 $0x1;
	[tilespmem:$0x1A7E8] =	vst @!p0 v0  }
0x369: {  	[spmem:s28] =	stream.linear.scatter @!p0 [tilespmem:s0], [sflag:$0x1], $0x10, $0x38;
	[tilespmem:$0x1B768] =	vst v63  }
0x36a: {  	s21 =	sadd.s32 $0x300, s9;
	s22 =	sadd.s32 $0x400, s9;
	_ =	swait.ge @!p0 [sflag:s1], $0x10  }
0x36b: {  	s24 =	sadd.s32 $0x500, s9;
	s25 =	sadd.s32 $0x180, s9;
	[sflag:s1] =	ssyncset.done @!p0 $0x0  }
0x36c: {  	s2 =	sadd.s32 @!p0 $0x10, s28;
	[dreg:$0xf] =	wrdreg s19;
	[sflag:s1] =	ssyncadd.s32 @!p0 $0xFFFFFFF0  }
0x36d: {  	[spmem:s2] =	stream.linear.scatter @!p0 [tilespmem:s0], [sflag:$0x1], $0x10, $0x38;
	[tilespmem:$0x1B768] =	vst v63  }
0x36e: {  	s26 =	sadd.s32 $0x280, s9;
	_ =	swait.ge @!p0 [sflag:s1], $0x10;
	[dreg:$0x10] =	wrdreg s20  }
0x36f: {  	s29 =	sadd.s32 $0x380, s9;
	s30 =	sadd.s32 $0x480, s9;
	[dreg:$0x11] =	wrdreg s21  }
0x370: {  	s31 =	sadd.s32 $0x580, s9;
	[dreg:$0x12] =	wrdreg s22;
	[sflag:s1] =	ssyncset.done @!p0 $0x0  }
0x371: {  	s3 =	simm.s32 $0x18968;
	[dreg:$0x13] =	wrdreg s24;
	[sflag:s1] =	ssyncadd.s32 @!p0 $0xFFFFFFF0  }
0x372: {  	s4 =	simm.s32 $0x18AE8;
	s5 =	simm.s32 $0x18C68;
	[bflag:$0x0] =	sbarrier.arrive $0xFFFF  }
.Ltmp19:
0x373: {  	s6 =	simm.s32 $0x18DE8;
	[dreg:$0x14] =	wrdreg s25;
	(pc) =	sbr.rel .LBB3_39-.Ltmp19, $4  }
0x374: {  	s7 =	simm.s32 $0x193E8;
	s19 =	simm.s32 $0x196E8;
	[dreg:$0x15] =	wrdreg s26  }
0x375: {  	s0 =	simm.s32 $0x18F68;
	s20 =	simm.s32 $0x1A6E8;
	[dreg:$0x16] =	wrdreg s29  }
0x376: {  	v2 =	vimm.f32 $-4.000000000e+06;
	s24 =	simm.s32 $0x1;
	s21 =	simm.s32 $0x19268;
	[dreg:$0x17] =	wrdreg s30  }
0x377: {  	v3 =	vimm.f32 $1.000000000e+00;
	v1 =	vlaneseq.u32;
	v0 =	vimm.s32 $0x0;
	s1 =	simm.s32 $0x190E8;
	[dreg:$0x18] =	wrdreg s31;
	s26 =	simm.s32 $0x0  }
.LBB3_73:
0x378: {  	v4 =	vld [tilespmem:$0x1A808];
	_ =	sdelay $0x4  }
0x379: {  	(v2sf) =	vpush v4, $0x0;
	_ =	sdelay $0x9  }
0x37a: {  	p1 =	sne.s32 s26, $0x20  }
.Ltmp20:
0x37b: {  	_ = 	snop;
	(pc) =	sbr.rel @!p1 .LBB3_74-.Ltmp20, $2  }
0x37c: {  	_ =	sdelay $0x2  }
0x37d: {  	s23 =	spop (v2sf)  }
.LBB3_39:
0x37e: {  	s2 =	simm.s32 $0x0  }
0x37f: {  	v5 =	vld [tilespmem:s2+$0x19268]  }
0x380: {  	s22 =	smov.u32 s26;
	s25 =	simm.s32 $0x10;
	s26 =	sadd.s32 $0x1, s26  }
0x381: {  	s29 =	simm.s32 $0x20;
	v6 =	vld [tilespmem:s25+$0x19268];
	s10 =	smul.u32 $0xA0, s26  }
0x382: {  	v7 =	vld [tilespmem:s29+$0x19268]  }
0x383: {  	v4 =	vmov s10  }
0x384: {  	vm0 =	vlt.s32 v5, v4  }
0x385: {  	v5 =	vsel vm0, $0x1, v0  }
0x386: {  	vm13 =	vlt.s32 v6, v4;
	(xrf0) =	vadd.scan.msk.s32 $0xffff, v5  }
0x387: {  	vm14 =	vlt.s32 v7, v4;
	v5 =	vsel vm13, $0x1, v0  }
0x388: {  	(xrf0) =	vadd.scan.msk.s32 $0xffff, v5;
	v5 =	vsel vm14, $0x1, v0  }
0x389: {  	s30 =	simm.s32 $0x30;
	(xrf0) =	vadd.scan.msk.s32 $0xffff, v5  }
0x38a: {  	v6 =	vld [tilespmem:s30+$0x19268];
	_ =	sdelay $0x1  }
0x38b: {  	v5, _, _ =	vpop (xrf0)  }
0x38c: {  	(v2sf) =	vpush v5, $0xF  }
0x38d: {  	v5, _, _ =	vpop (xrf0)  }
0x38e: {  	vm15 =	vlt.s32 v6, v4;
	(v2sf) =	vpush v5, $0xF;
	v6, _, _ =	vpop (xrf0)  }
0x38f: {  	(v2sf) =	vpush v6, $0xF;
	_ =	sdelay $0x5  }
0x390: {  	s31 =	simm.s32 $0x40;
	v5 =	vsel vm15, $0x1, v0  }
0x391: {  	(xrf0) =	vadd.scan.msk.s32 $0xffff, v5;
	v5 =	vld [tilespmem:s31+$0x19268];
	_ =	sdelay $0x1  }
0x392: {  	s2 =	simm.s32 $0x0;
	s10 =	simm.s32 $0x140  }
.LBB3_40:
0x393: {  	p1 =	sne.s32 s10, $0x4C0  }
.Ltmp21:
0x394: {  	s11 =	sshra.s32 s10, $0x2;
	(pc) =	sbr.rel @p1 .LBB3_40-.Ltmp21, $4  }
0x395: {  	s10 =	sadd.s32 $0x40, s10;
	s12 =	spop (v2sf);
	vm0 =	vlt.s32 v5, v4  }
0x396: {  	s2 =	sadd.s32 s2, s12;
	v5 =	vld [tilespmem:s11+$0x19268];
	v7 =	vsel vm0, $0x1, v0  }
0x397: {  	(xrf0) =	vadd.scan.msk.s32 $0xffff, v7;
	v6, _, _ =	vpop (xrf0)  }
0x398: {  	(v2sf) =	vpush v6, $0xF  }
0x399: {  	_ =	sdelay $0x1  }
0x39a: {  	vm0 =	vlt.s32 v5, v4  }
0x39b: {  	v4 =	vsel vm0, $0x1, v0  }
0x39c: {  	(xrf0) =	vadd.scan.msk.s32 $0xffff, v4;
	_ =	sdelay $0x4  }
0x39d: {  	v4, _, _ =	vpop (xrf0)  }
0x39e: {  	(v2sf) =	vpush v4, $0xF;
	v4, _, _ =	vpop (xrf0)  }
0x39f: {  	(v2sf) =	vpush v4, $0xF;
	_ =	sdelay $0xa  }
0x3a0: {  	s10 =	spop (v2sf)  }
0x3a1: {  	s11 =	spop (v2sf);
	s2 =	sadd.s32 s2, s10  }
0x3a2: {  	s2 =	sadd.s32 s2, s11;
	s25 =	spop (v2sf)  }
0x3a3: {  	s2 =	sadd.s32 s2, s25;
	s29 =	spop (v2sf)  }
0x3a4: {  	s31 =	sshrl.u32 s22, $0x1;
	s2 =	sadd.s32 s2, s29;
	s30 =	spop (v2sf)  }
0x3a5: {  	p1 =	seq.s32 s8, s31;
	s25 =	sadd.s32 s2, s30  }
0x3a6: {  	s25 =	simm.s32 @!p1 $0x0  }
0x3a7: {  	p1 =	sgt.s32 s25, $0x0  }
.Ltmp22:
0x3a8: {  	_ = 	snop;
	(pc) =	sbr.rel @!p1 .LBB3_42-.Ltmp22, $1  }
0x3a9: {  	_ =	sdelay $0x3  }
0x3aa: {  	s11 =	simm.s32 $0x193E8  }
0x3ab: {  	v5 =	vld [tilespmem:s11+$0x0];
	_ =	sdelay $0x1  }
0x3ac: {  	s10 =	simm.s32 $0x0  }
0x3ad: {  	v4 =	vmov s25;
	v6 =	vor.u32 s10, v1  }
0x3ae: {  	vm0 =	vlt.s32 v6, v4  }
0x3af: {  	s2 =	simm.s32 $0x19568;
	v5 =	vnsel vm0, $0x0, v5  }
0x3b0: {  	s10 =	simm.s32 $0x193F8;
	[tilespmem:s2+$0x0] =	vst v5  }
0x3b1: {  	s12 =	simm.s32 $0x20;
	s11 =	simm.s32 $0x10;
	v5 =	vld [tilespmem:s10+$0x0]  }
.LBB3_44:
0x3b2: {  	p2 =	seq.s32 s12, $0x140;
	_ =	sdelay $0x1  }
.Ltmp23:
0x3b3: {  	v6 =	vor.u32 s11, v1;
	s11 =	smov.u32 s12;
	(pc) =	sbr.rel @!p2 .LBB3_44-.Ltmp23, $4  }
0x3b4: {  	vm0 =	vlt.s32 v6, v4  }
0x3b5: {  	s2 =	sadd.s32 $0x10, s2;
	v5 =	vnsel vm0, $0x0, v5  }
0x3b6: {  	s10 =	sadd.s32 $0x10, s10;
	[tilespmem:s2+$0x0] =	vst v5  }
0x3b7: {  	s12 =	sadd.s32 $0x10, s12;
	v5 =	vld [tilespmem:s10+$0x0]  }
0x3b8: {  	_ = 	snop  }
.Ltmp24:
0x3b9: {  	_ = 	snop;
	(pc) =	sbr.rel .LBB3_46-.Ltmp24, $4  }
0x3ba: {  	v6 =	vor.u32 s11, v1  }
0x3bb: {  	vm0 =	vlt.s32 v6, v4  }
0x3bc: {  	s2 =	sadd.s32 $0x10, s2;
	s31 =	sadd.s32 $0xF, s25;
	v4 =	vnsel vm0, $0x0, v5  }
0x3bd: {  	s10 =	simm.s32 $0x0;
	[tilespmem:s2+$0x0] =	vst v4;
	s2 =	sshra.s32 s31, $0x4  }
.LBB3_49:
0x3be: {  	s10 =	sadd.s32 $0x1, s10  }
0x3bf: {  	p2 =	sne.s32 s10, s25  }
.Ltmp25:
0x3c0: {  	_ = 	snop;
	(pc) =	sbr.rel @!p2 .LBB3_50-.Ltmp25, $1  }
0x3c1: {  	_ =	sdelay $0x3  }
.LBB3_46:
0x3c2: {  	v4 =	vld [tilespmem:s10+$0x19568];
	_ =	sdelay $0x4  }
0x3c3: {  	(v2sf) =	vpush v4, $0x0;
	_ =	sdelay $0xe  }
0x3c4: {  	s11 =	spop (v2sf)  }
0x3c5: {  	p2 =	seq.s32 s11, $0x0  }
0x3c6: {  	s17 =	sshrl.u32 @!p2 s10, $0x4  }
0x3c7: {  	p3 =	sge.s32 @!p2 s17, s2  }
0x3c8: {  	p3 =	por p2, p3  }
.Ltmp26:
0x3c9: {  	_ = 	snop;
	(pc) =	sbr.rel @p3 .LBB3_49-.Ltmp26, $1  }
0x3ca: {  	_ =	sdelay $0x3  }
0x3cb: {  	s11 =	sshll.u32 s10, $0x2;
	v4 =	vld.msk @!p2 [tilespmem:s10+$0x18968 ss:$0x0], $0xffff  }
0x3cc: {  	v5 =	vld.msk @!p2 [tilespmem:s10+$0x18AE8 ss:$0x0], $0xffff;
	s11 =	sshra.s32 s11, $0x2  }
0x3cd: {  	v6 =	vld.msk @!p2 [tilespmem:s10+$0x18C68 ss:$0x0], $0xffff;
	s15 =	sand.u32 $0xFFFFFFF0, s11  }
0x3ce: {  	v7 =	vld.msk @!p2 [tilespmem:s10+$0x18DE8 ss:$0x0], $0xffff;
	s18 =	sadd.s32 $0x18968, s15  }
0x3cf: {  	s11 =	sadd.s32 $0x18C68, s15;
	v8 =	vld [tilespmem:s18+$0x0]  }
0x3d0: {  	s12 =	sadd.s32 $0x18AE8, s15;
	v9 =	vld [tilespmem:s11+$0x0]  }
0x3d1: {  	s13 =	sadd.s32 $0x18DE8, s15;
	v10 =	vld [tilespmem:s12+$0x0]  }
0x3d2: {  	v11 =	vld [tilespmem:s13+$0x0];
	_ =	sdelay $0x3  }
0x3d3: {  	s14 =	sadd.s32 $0x18F68, s15;
	v12 =	vmax.f32 v4, v8  }
0x3d4: {  	v13 =	vld [tilespmem:s14+$0x0];
	v10 =	vmax.f32 v5, v10;
	v9 =	vmin.f32 v6, v9;
	v11 =	vmin.f32 v7, v11  }
0x3d5: {  	v8 =	vld.msk @!p2 [tilespmem:s10+$0x18F68 ss:$0x0], $0xffff;
	v9 =	vsub.f32 v9, v12;
	v10 =	vsub.f32 v11, v10;
	_ =	sdelay $0x1  }
0x3d6: {  	v9 =	vadd.f32 $1.000000000e+00, v9;
	v10 =	vadd.f32 $1.000000000e+00, v10;
	_ =	sdelay $0x1  }
0x3d7: {  	v9 =	vmax.f32 v9, $0.0e+00;
	v10 =	vmax.f32 v10, $0.0e+00  }
0x3d8: {  	v9 =	vmul.f32 v10, v9;
	v10 =	vadd.f32 v13, v8;
	_ =	sdelay $0x1  }
0x3d9: {  	v10 =	vsub.f32 v10, v9;
	_ =	sdelay $0x1  }
0x3da: {  	(erf) = vrcp.f32 v10;
	_ =	sdelay $0x7  }
0x3db: {  	s15 =	sadd.s32 $0x19568, s15  }
0x3dc: {  	s17 =	sadd.s32 $0x1, s17;
	v10 =	vld [tilespmem:s15+$0x0];
	v11 =	vpop (erf)  }
0x3dd: {  	s16 =	sand.u32 $0xFFFFFFF0, s10;
	p2 =	slt.s32 s17, s2;
	v11 =	vmul.f32 v11, v9  }
.Ltmp27:
0x3de: {  	v63 =	vor.u32 s16, v1;
	v9 =	vmov s10;
	(pc) =	sbr.rel @!p2 .LBB3_49-.Ltmp27, $4  }
0x3df: {  	vm1 =	vgt.u32 v63, v9;
	vm0 =	vgt.f32 v11, $4.000000060e-01  }
0x3e0: {  	vm0 =	vmand vm1, vm0  }
0x3e1: {  	v10 =	vsel vm0, $0x0, v10  }
0x3e2: {  	s18 =	sadd.s32 $0x10, s18;
	[tilespmem:s15+$0x0] =	vst v10  }
.LBB3_48:
0x3e3: {  	v10 =	vld [tilespmem:s18+$0x0];
	s11 =	sadd.s32 $0x10, s11  }
0x3e4: {  	s12 =	sadd.s32 $0x10, s12;
	v11 =	vld [tilespmem:s11+$0x0]  }
0x3e5: {  	s13 =	sadd.s32 $0x10, s13;
	v12 =	vld [tilespmem:s12+$0x0]  }
0x3e6: {  	s17 =	sadd.s32 $0x1, s17;
	v13 =	vld [tilespmem:s13+$0x0]  }
0x3e7: {  	p2 =	slt.s32 s17, s2;
	_ =	sdelay $0x2  }
0x3e8: {  	v10 =	vmax.f32 v4, v10  }
0x3e9: {  	s14 =	sadd.s32 $0x10, s14;
	v11 =	vmin.f32 v6, v11;
	v12 =	vmax.f32 v5, v12;
	v13 =	vmin.f32 v7, v13  }
0x3ea: {  	v10 =	vsub.f32 v11, v10;
	v14 =	vld [tilespmem:s14+$0x0];
	v11 =	vsub.f32 v13, v12;
	_ =	sdelay $0x1  }
0x3eb: {  	v10 =	vadd.f32 $1.000000000e+00, v10;
	v11 =	vadd.f32 $1.000000000e+00, v11;
	_ =	sdelay $0x1  }
0x3ec: {  	v10 =	vmax.f32 v10, $0.0e+00;
	v11 =	vmax.f32 v11, $0.0e+00  }
0x3ed: {  	v10 =	vmul.f32 v11, v10;
	v11 =	vadd.f32 v14, v8;
	_ =	sdelay $0x1  }
0x3ee: {  	v11 =	vsub.f32 v11, v10;
	_ =	sdelay $0x1  }
0x3ef: {  	(erf) = vrcp.f32 v11;
	_ =	sdelay $0x7  }
0x3f0: {  	s15 =	sadd.s32 $0x10, s15  }
0x3f1: {  	v11 =	vld [tilespmem:s15+$0x0];
	v12 =	vpop (erf)  }
0x3f2: {  	s16 =	sadd.s32 $0x10, s16;
	v10 =	vmul.f32 v12, v10  }
.Ltmp28:
0x3f3: {  	v12 =	vor.u32 s16, v1;
	(pc) =	sbr.rel @p2 .LBB3_48-.Ltmp28, $4  }
0x3f4: {  	vm1 =	vgt.u32 v12, v9;
	vm0 =	vgt.f32 v10, $4.000000060e-01  }
0x3f5: {  	vm0 =	vmand vm1, vm0  }
0x3f6: {  	v10 =	vsel vm0, $0x0, v11  }
0x3f7: {  	s18 =	sadd.s32 $0x10, s18;
	[tilespmem:s15+$0x0] =	vst v10  }
.Ltmp29:
0x3f8: {  	_ = 	snop;
	(pc) =	sbr.rel .LBB3_49-.Ltmp29, $1  }
0x3f9: {  	_ =	sdelay $0x3  }
.LBB3_50:
0x3fa: {  	s10 =	simm.s32 $0x0;
	s2 =	simm.s32 $0x0;
	s11 =	simm.s32 $0x40  }
.LBB3_51:
0x3fb: {  	p2 =	sne.s32 s11, $0x240;
	v4 =	vld [tilespmem:s2+$0x19568]  }
0x3fc: {  	v5 =	vld [tilespmem:s2+$0x18968];
	_ =	sdelay $0x3  }
0x3fd: {  	vm0 =	vne.s32 v4, $0x0  }
0x3fe: {  	v4 =	vsel vm0, $0xFFFFFFFF, v0;
	v6 =	vsel vm0, $0x1, v0  }
0x3ff: {  	(xrf0) =	vadd.scan.msk.s32 $0xffff, v6;
	_ =	sdelay $0x5  }
0x400: {  	v4 =	vadd.s32 s10, v4;
	v6, _, _ =	vpop (xrf0)  }
0x401: {  	v4 =	vadd.s32 v6, v4;
	(v2sf) =	vpush v6, $0xF  }
0x402: {  	v6 =	vshll.u32 v4, $0x3  }
0x403: {  	v7 =	vand.u32 $0x7F, v4;
	v6 =	vand.u32 $0xFFFFFC00, v6  }
0x404: {  	v6 =	vor.u32 v7, v6  }
0x405: {  	v7 =	vor.u32 $0x80, v6;
	_ =	sdelay $0x4  }
0x406: {  	[tilespmem:v7+s19+$0x0] =	vst.idx.msk vm0, v5  }
0x407: {  	v7 =	vor.u32 $0x100, v6;
	v5 =	vld [tilespmem:s2+$0x18AE8];
	_ =	sdelay $0x4  }
0x408: {  	[tilespmem:v7+s19+$0x0] =	vst.idx.msk vm0, v5;
	s12 =	spop (v2sf)  }
0x409: {  	v7 =	vor.u32 $0x180, v6;
	v5 =	vld [tilespmem:s2+$0x18C68];
	s10 =	sadd.s32 s10, s12;
	_ =	sdelay $0x4  }
0x40a: {  	[tilespmem:v7+s19+$0x0] =	vst.idx.msk vm0, v5  }
0x40b: {  	v7 =	vor.u32 $0x200, v6;
	v5 =	vld [tilespmem:s2+$0x18DE8];
	_ =	sdelay $0x4  }
0x40c: {  	[tilespmem:v7+s19+$0x0] =	vst.idx.msk vm0, v5  }
0x40d: {  	v6 =	vor.u32 $0x280, v6;
	v5 =	vld [tilespmem:s2+$0x18F68];
	_ =	sdelay $0x4  }
0x40e: {  	[tilespmem:v6+s19+$0x0] =	vst.idx.msk vm0, v5  }
0x40f: {  	v5 =	vld [tilespmem:s2+$0x190E8]  }
.Ltmp30:
0x410: {  	(pc) =	sbr.rel @p2 .LBB3_51-.Ltmp30, $2  }
0x411: {  	_ =	sdelay $0x2  }
0x412: {  	s2 =	sshra.s32 s11, $0x2;
	s11 =	sadd.s32 $0x40, s11;
	[tilespmem:v4+s20+$0x0] =	vst.idx.msk vm0, v5  }
0x413: {  	v4 =	vld [tilespmem:s2+$0x19568];
	_ =	sdelay $0x4  }
0x414: {  	vm0 =	vne.s32 v4, $0x0  }
0x415: {  	v4 =	vsel vm0, $0x1, v0  }
0x416: {  	(xrf0) =	vadd.scan.msk.s32 $0xffff, v4;
	_ =	sdelay $0x4  }
0x417: {  	v4 =	vsel vm0, $0xFFFFFFFF, v0  }
0x418: {  	v4 =	vadd.s32 s10, v4;
	v5, _, _ =	vpop (xrf0)  }
0x419: {  	v4 =	vadd.s32 v5, v4  }
0x41a: {  	v6 =	vshll.u32 v4, $0x3  }
0x41b: {  	v7 =	vand.u32 $0x7F, v4;
	v6 =	vand.u32 $0xFFFFFC00, v6  }
0x41c: {  	v6 =	vor.u32 v7, v6  }
0x41d: {  	v7 =	vld [tilespmem:s2+$0x18968];
	v8 =	vor.u32 $0x80, v6;
	_ =	sdelay $0x4  }
0x41e: {  	[tilespmem:v8+s19+$0x0] =	vst.idx.msk vm0, v7  }
0x41f: {  	v8 =	vor.u32 $0x100, v6;
	v7 =	vld [tilespmem:s2+$0x18AE8];
	_ =	sdelay $0x3  }
0x420: {  	(v2sf) =	vpush v5, $0xF  }
0x421: {  	[tilespmem:v8+s19+$0x0] =	vst.idx.msk vm0, v7  }
0x422: {  	v7 =	vor.u32 $0x180, v6;
	v5 =	vld [tilespmem:s2+$0x18C68];
	_ =	sdelay $0x4  }
0x423: {  	[tilespmem:v7+s19+$0x0] =	vst.idx.msk vm0, v5  }
0x424: {  	v7 =	vor.u32 $0x200, v6;
	v5 =	vld [tilespmem:s2+$0x18DE8];
	_ =	sdelay $0x4  }
0x425: {  	[tilespmem:v7+s19+$0x0] =	vst.idx.msk vm0, v5  }
0x426: {  	v6 =	vor.u32 $0x280, v6;
	v5 =	vld [tilespmem:s2+$0x18F68]  }
0x427: {  	s11 =	spop (v2sf)  }
0x428: {  	s10 =	sadd.s32 s10, s11  }
0x429: {  	s11 =	ssub.s32 $0x0, s10;
	v7 =	vadd.s32 s10, v1  }
0x42a: {  	s11 =	sand.u32 $0x3, s11;
	v8 =	vshll.u32 v7, $0x3  }
0x42b: {  	[tilespmem:v6+s19+$0x0] =	vst.idx.msk vm0, v5;
	v5 =	vmov s11;
	v6 =	vand.u32 $0x7F, v7;
	v7 =	vand.u32 $0xFFFFFC00, v8  }
0x42c: {  	v8 =	vld [tilespmem:s2+$0x190E8];
	vm1 =	vgt.u32 v5, v1;
	v5 =	vor.u32 v6, v7  }
0x42d: {  	v6 =	vor.u32 $0x80, v5  }
0x42e: {  	v7 =	vor.u32 $0x100, v5  }
0x42f: {  	v9 =	vor.u32 $0x180, v5  }
0x430: {  	v10 =	vor.u32 $0x200, v5  }
0x431: {  	[tilespmem:v4+s20+$0x0] =	vst.idx.msk vm0, v8;
	v4 =	vor.u32 $0x280, v5  }
0x432: {  	[tilespmem:v6+s19+$0x0] =	vst.idx.msk vm1, v2  }
0x433: {  	[tilespmem:v7+s19+$0x0] =	vst.idx.msk vm1, v2  }
0x434: {  	[tilespmem:v9+s19+$0x0] =	vst.idx.msk vm1, v2  }
0x435: {  	[tilespmem:v10+s19+$0x0] =	vst.idx.msk vm1, v2  }
0x436: {  	s13 =	rddreg [dreg:$0xf];
	s12 =	simm.s32 $0x19768;
	[tilespmem:v4+s19+$0x0] =	vst.idx.msk vm1, v3  }
0x437: {  	[spmem:s13] =	stream.linear.scatter [tilespmem:s12], [sflag:$0x1], $0x80, $0x38;
	[tilespmem:$0x1B768] =	vst v63  }
0x438: {  	s14 =	rddreg [dreg:$0x14];
	s13 =	simm.s32 $0x19B68  }
0x439: {  	[spmem:s14] =	stream.linear.scatter [tilespmem:s13], [sflag:$0x1], $0x80, $0x38;
	[tilespmem:$0x1B768] =	vst v63  }
0x43a: {  	_ =	swait.ge [sflag:s24], $0x100  }
0x43b: {  	[sflag:s24] =	ssyncset.done $0x0  }
0x43c: {  	s14 =	simm.s32 $0x197E8;
	s15 =	rddreg [dreg:$0x10];
	[sflag:s24] =	ssyncadd.s32 $0xFFFFFF00  }
0x43d: {  	[spmem:s15] =	stream.linear.scatter [tilespmem:s14], [sflag:$0x1], $0x80, $0x38;
	[tilespmem:$0x1B768] =	vst v63  }
0x43e: {  	s16 =	rddreg [dreg:$0x15];
	s15 =	simm.s32 $0x19BE8  }
0x43f: {  	[spmem:s16] =	stream.linear.scatter [tilespmem:s15], [sflag:$0x1], $0x80, $0x38;
	[tilespmem:$0x1B768] =	vst v63  }
0x440: {  	_ =	swait.ge [sflag:s24], $0x100  }
0x441: {  	[sflag:s24] =	ssyncset.done $0x0  }
0x442: {  	s16 =	simm.s32 $0x19868;
	s17 =	rddreg [dreg:$0x11];
	[sflag:s24] =	ssyncadd.s32 $0xFFFFFF00  }
0x443: {  	[spmem:s17] =	stream.linear.scatter [tilespmem:s16], [sflag:$0x1], $0x80, $0x38;
	[tilespmem:$0x1B768] =	vst v63  }
0x444: {  	s18 =	rddreg [dreg:$0x16];
	s17 =	simm.s32 $0x19C68  }
0x445: {  	[spmem:s18] =	stream.linear.scatter [tilespmem:s17], [sflag:$0x1], $0x80, $0x38;
	[tilespmem:$0x1B768] =	vst v63  }
0x446: {  	_ =	swait.ge [sflag:s24], $0x100  }
0x447: {  	[sflag:s24] =	ssyncset.done $0x0  }
0x448: {  	s18 =	simm.s32 $0x198E8;
	s29 =	rddreg [dreg:$0x12];
	[sflag:s24] =	ssyncadd.s32 $0xFFFFFF00  }
0x449: {  	[spmem:s29] =	stream.linear.scatter [tilespmem:s18], [sflag:$0x1], $0x80, $0x38;
	[tilespmem:$0x1B768] =	vst v63  }
0x44a: {  	s30 =	rddreg [dreg:$0x17];
	s29 =	simm.s32 $0x19CE8  }
0x44b: {  	[spmem:s30] =	stream.linear.scatter [tilespmem:s29], [sflag:$0x1], $0x80, $0x38;
	[tilespmem:$0x1B768] =	vst v63  }
0x44c: {  	_ =	swait.ge [sflag:s24], $0x100  }
0x44d: {  	[sflag:s24] =	ssyncset.done $0x0  }
0x44e: {  	s9 =	simm.s32 $0x19968;
	s31 =	rddreg [dreg:$0x13];
	[sflag:s24] =	ssyncadd.s32 $0xFFFFFF00  }
0x44f: {  	[spmem:s31] =	stream.linear.scatter [tilespmem:s9], [sflag:$0x1], $0x80, $0x38;
	[tilespmem:$0x1B768] =	vst v63  }
0x450: {  	s11 =	simm.s32 $0x19D68;
	s9 =	rddreg [dreg:$0x18]  }
0x451: {  	[spmem:s9] =	stream.linear.scatter [tilespmem:s11], [sflag:$0x1], $0x80, $0x38;
	[tilespmem:$0x1B768] =	vst v63  }
0x452: {  	_ =	swait.ge [sflag:s24], $0x100  }
0x453: {  	[sflag:s24] =	ssyncset.done $0x0  }
0x454: {  	[sflag:s24] =	ssyncadd.s32 $0xFFFFFF00  }
0x455: {  	s30 =	sshll.u32 s22, $0x8;
	s31 =	rddreg [dreg:$0x9]  }
0x456: {  	s9 =	sadd.s32 s30, s31  }
0x457: {  	[spmem:s9] =	stream.linear.scatter [tilespmem:s12], [sflag:$0x1], $0x80, $0x38;
	[tilespmem:$0x1B768] =	vst v63  }
0x458: {  	s11 =	sadd.s32 $0x80, s9  }
0x459: {  	[spmem:s11] =	stream.linear.scatter [tilespmem:s13], [sflag:$0x1], $0x80, $0x38;
	[tilespmem:$0x1B768] =	vst v63  }
0x45a: {  	_ =	swait.ge [sflag:s24], $0x100  }
0x45b: {  	[sflag:s24] =	ssyncset.done $0x0  }
0x45c: {  	[sflag:s24] =	ssyncadd.s32 $0xFFFFFF00  }
0x45d: {  	s12 =	rddreg [dreg:$0xa]  }
0x45e: {  	s13 =	sadd.s32 s30, s12  }
0x45f: {  	[spmem:s13] =	stream.linear.scatter [tilespmem:s14], [sflag:$0x1], $0x80, $0x38;
	[tilespmem:$0x1B768] =	vst v63  }
0x460: {  	s11 =	sadd.s32 $0x80, s13  }
0x461: {  	[spmem:s11] =	stream.linear.scatter [tilespmem:s15], [sflag:$0x1], $0x80, $0x38;
	[tilespmem:$0x1B768] =	vst v63  }
0x462: {  	_ =	swait.ge [sflag:s24], $0x100  }
0x463: {  	[sflag:s24] =	ssyncset.done $0x0  }
0x464: {  	[sflag:s24] =	ssyncadd.s32 $0xFFFFFF00  }
0x465: {  	s14 =	rddreg [dreg:$0xb]  }
0x466: {  	s15 =	sadd.s32 s30, s14  }
0x467: {  	[spmem:s15] =	stream.linear.scatter [tilespmem:s16], [sflag:$0x1], $0x80, $0x38;
	[tilespmem:$0x1B768] =	vst v63  }
0x468: {  	s11 =	sadd.s32 $0x80, s15  }
0x469: {  	[spmem:s11] =	stream.linear.scatter [tilespmem:s17], [sflag:$0x1], $0x80, $0x38;
	[tilespmem:$0x1B768] =	vst v63  }
0x46a: {  	_ =	swait.ge [sflag:s24], $0x100  }
0x46b: {  	[sflag:s24] =	ssyncset.done $0x0  }
0x46c: {  	[sflag:s24] =	ssyncadd.s32 $0xFFFFFF00  }
0x46d: {  	s16 =	rddreg [dreg:$0xc]  }
0x46e: {  	s17 =	sadd.s32 s30, s16  }
0x46f: {  	[spmem:s17] =	stream.linear.scatter [tilespmem:s18], [sflag:$0x1], $0x80, $0x38;
	[tilespmem:$0x1B768] =	vst v63  }
0x470: {  	s11 =	sadd.s32 $0x80, s17  }
0x471: {  	[spmem:s11] =	stream.linear.scatter [tilespmem:s29], [sflag:$0x1], $0x80, $0x38;
	[tilespmem:$0x1B768] =	vst v63  }
0x472: {  	_ =	swait.ge [sflag:s24], $0x100  }
0x473: {  	[sflag:s24] =	ssyncset.done $0x0  }
0x474: {  	[sflag:s24] =	ssyncadd.s32 $0xFFFFFF00  }
0x475: {  	s18 =	rddreg [dreg:$0xd]  }
0x476: {  	s2 =	sadd.s32 s30, s18  }
0x477: {  	[spmem:s2] =	stream.linear.scatter [tilespmem:s20], [sflag:$0x1], $0x100, $0x38;
	[tilespmem:$0x1B768] =	vst v63  }
0x478: {  	_ =	swait.ge [sflag:s24], $0x100  }
0x479: {  	s2 =	sand.u32 $0x10, s22;
	[sflag:s24] =	ssyncset.done $0x0  }
0x47a: {  	s30 =	simm.s32 $0x1A7E8;
	s29 =	sadd.s32 s2, s28;
	[sflag:s24] =	ssyncadd.s32 $0xFFFFFF00  }
0x47b: {  	[tilespmem:s30], [sflag:$0x1] =	stream.linear.gather [spmem:s29], $0x10, $0x38;
	[tilespmem:$0x1B768] =	vst v63  }
0x47c: {  	_ =	swait.ge [sflag:s24], $0x10  }
0x47d: {  	[sflag:s24] =	ssyncset.done $0x0  }
0x47e: {  	[sflag:s24] =	ssyncadd.s32 $0xFFFFFFF0  }
0x47f: {  	v6 =	vld [tilespmem:$0x1A7E8];
	_ =	sdelay $0x1  }
0x480: {  	s31 =	sand.u32 $0xF, s22  }
0x481: {  	v4 =	vmov s31  }
0x482: {  	v5 =	vmov s23;
	v7 =	vadd.s32 s25, v1;
	vm0 =	veq.s32 v4, v1  }
0x483: {  	vm1 =	vlt.s32 v7, v5;
	v6 =	vsel vm0, s10, v6  }
0x484: {  	[tilespmem:$0x1A7E8] =	vst v6  }
0x485: {  	[spmem:s29] =	stream.linear.scatter [tilespmem:s30], [sflag:$0x1], $0x10, $0x38;
	[tilespmem:$0x1B768] =	vst v63  }
0x486: {  	_ =	swait.ge [sflag:s24], $0x10  }
0x487: {  	[sflag:s24] =	ssyncset.done $0x0  }
0x488: {  	[sflag:s24] =	ssyncadd.s32 $0xFFFFFFF0  }
0x489: {  	v6 =	vld.idx.msk [tilespmem:v7+s3+$0x0], vm1;
	_ =	sdelay $0x3  }
0x48a: {  	s10 =	simm.s32 $0x0  }
0x48b: {  	[tilespmem:s10+$0x18968] =	vst v6  }
0x48c: {  	v6 =	vld.idx.msk [tilespmem:v7+s4+$0x0], vm1;
	_ =	sdelay $0x4  }
0x48d: {  	[tilespmem:s10+$0x18AE8] =	vst v6  }
0x48e: {  	v6 =	vld.idx.msk [tilespmem:v7+s5+$0x0], vm1;
	_ =	sdelay $0x4  }
0x48f: {  	[tilespmem:s10+$0x18C68] =	vst v6  }
0x490: {  	v6 =	vld.idx.msk [tilespmem:v7+s6+$0x0], vm1;
	_ =	sdelay $0x4  }
0x491: {  	[tilespmem:s10+$0x18DE8] =	vst v6  }
0x492: {  	v6 =	vld.idx.msk [tilespmem:v7+s0+$0x0], vm1;
	_ =	sdelay $0x4  }
0x493: {  	[tilespmem:s10+$0x18F68] =	vst v6  }
0x494: {  	v6 =	vld.idx.msk [tilespmem:v7+s1+$0x0], vm1;
	_ =	sdelay $0x4  }
0x495: {  	[tilespmem:s10+$0x190E8] =	vst v6  }
0x496: {  	v6 =	vld.idx.msk [tilespmem:v7+s7+$0x0], vm1;
	_ =	sdelay $0x3  }
0x497: {  	vm0 =	vmmov vm1  }
0x498: {  	v6 =	vnsel vm0, $0x0, v6  }
0x499: {  	s12 =	sadd.s32 $0x10, s25;
	[tilespmem:s10+$0x193E8] =	vst v6  }
0x49a: {  	s13 =	simm.s32 $0x80;
	s11 =	simm.s32 $0x40;
	v6 =	vadd.s32 s12, v1;
	v7 =	vld.idx.msk [tilespmem:v7+s21+$0x0], vm1  }
.LBB3_53:
0x49b: {  	p2 =	sne.s32 s13, $0x4C0;
	vm1 =	vlt.s32 v6, v5;
	_ =	sdelay $0x3  }
0x49c: {  	v7 =	vnsel vm0, $0x40000000, v7;
	vm0 =	vmmov vm1  }
0x49d: {  	[tilespmem:s10+$0x19268] =	vst v7  }
0x49e: {  	v7 =	vld.idx.msk [tilespmem:v6+s3+$0x0], vm1;
	_ =	sdelay $0x4  }
0x49f: {  	s10 =	sshra.s32 s11, $0x2;
	s11 =	smov.u32 s13  }
0x4a0: {  	[tilespmem:s10+$0x18968] =	vst v7  }
0x4a1: {  	v7 =	vld.idx.msk [tilespmem:v6+s4+$0x0], vm1;
	_ =	sdelay $0x5  }
0x4a2: {  	[tilespmem:s10+$0x18AE8] =	vst v7  }
0x4a3: {  	v7 =	vld.idx.msk [tilespmem:v6+s5+$0x0], vm1;
	_ =	sdelay $0x5  }
0x4a4: {  	[tilespmem:s10+$0x18C68] =	vst v7  }
0x4a5: {  	v7 =	vld.idx.msk [tilespmem:v6+s6+$0x0], vm1;
	_ =	sdelay $0x5  }
0x4a6: {  	[tilespmem:s10+$0x18DE8] =	vst v7  }
0x4a7: {  	v7 =	vld.idx.msk [tilespmem:v6+s0+$0x0], vm1;
	_ =	sdelay $0x5  }
0x4a8: {  	[tilespmem:s10+$0x18F68] =	vst v7  }
0x4a9: {  	v7 =	vld.idx.msk [tilespmem:v6+s1+$0x0], vm1;
	_ =	sdelay $0x5  }
0x4aa: {  	[tilespmem:s10+$0x190E8] =	vst v7  }
0x4ab: {  	v7 =	vld.idx.msk [tilespmem:v6+s7+$0x0], vm0;
	_ =	sdelay $0x4  }
.Ltmp31:
0x4ac: {  	(pc) =	sbr.rel @p2 .LBB3_53-.Ltmp31, $4  }
0x4ad: {  	v7 =	vnsel vm0, $0x0, v7  }
0x4ae: {  	[tilespmem:s10+$0x193E8] =	vst v7  }
0x4af: {  	s12 =	sadd.s32 $0x10, s12;
	v7 =	vld.idx.msk [tilespmem:v6+s21+$0x0], vm0  }
0x4b0: {  	s13 =	sadd.s32 $0x40, s13;
	v6 =	vadd.s32 s12, v1  }
0x4b1: {  	vm1 =	vlt.s32 v6, v5;
	_ =	sdelay $0x3  }
0x4b2: {  	v5 =	vnsel vm0, $0x40000000, v7  }
0x4b3: {  	[tilespmem:s10+$0x19268] =	vst v5  }
0x4b4: {  	v5 =	vld.idx.msk [tilespmem:v6+s3+$0x0], vm1;
	_ =	sdelay $0x3  }
0x4b5: {  	s31 =	sshra.s32 s11, $0x2  }
0x4b6: {  	[tilespmem:s31+$0x18968] =	vst v5  }
0x4b7: {  	v5 =	vld.idx.msk [tilespmem:v6+s4+$0x0], vm1;
	_ =	sdelay $0x4  }
0x4b8: {  	[tilespmem:s31+$0x18AE8] =	vst v5  }
0x4b9: {  	v5 =	vld.idx.msk [tilespmem:v6+s5+$0x0], vm1;
	_ =	sdelay $0x4  }
0x4ba: {  	[tilespmem:s31+$0x18C68] =	vst v5  }
0x4bb: {  	v5 =	vld.idx.msk [tilespmem:v6+s6+$0x0], vm1;
	_ =	sdelay $0x4  }
0x4bc: {  	[tilespmem:s31+$0x18DE8] =	vst v5  }
0x4bd: {  	v5 =	vld.idx.msk [tilespmem:v6+s0+$0x0], vm1;
	_ =	sdelay $0x4  }
0x4be: {  	[tilespmem:s31+$0x18F68] =	vst v5  }
0x4bf: {  	v5 =	vld.idx.msk [tilespmem:v6+s1+$0x0], vm1;
	_ =	sdelay $0x4  }
0x4c0: {  	[tilespmem:s31+$0x190E8] =	vst v5  }
0x4c1: {  	v5 =	vld.idx.msk [tilespmem:v6+s7+$0x0], vm1;
	_ =	sdelay $0x3  }
0x4c2: {  	vm15 =	vmmov vm1  }
0x4c3: {  	v5 =	vnsel vm15, $0x0, v5  }
0x4c4: {  	[tilespmem:s31+$0x193E8] =	vst v5  }
0x4c5: {  	v5 =	vld.idx.msk [tilespmem:v6+s21+$0x0], vm1;
	_ =	sdelay $0x1  }
.Ltmp32:
0x4c6: {  	_ = 	snop;
	(pc) =	sbr.rel .LBB3_55-.Ltmp32, $3  }
0x4c7: {  	_ =	sdelay $0x1  }
0x4c8: {  	v5 =	vnsel vm15, $0x40000000, v5  }
0x4c9: {  	[tilespmem:s31+$0x19268] =	vst v5  }
.LBB3_42:
0x4ca: {  	s10 =	sand.u32 $0xF, s22  }
0x4cb: {  	s2 =	sand.u32 $0x10, s22;
	v4 =	vmov s10  }
.LBB3_55:
0x4cc: {  	s25 =	simm.s32 @!p1 $0x0  }
0x4cd: {  	s10 =	ssub.s32 s23, s25  }
0x4ce: {  	v5 =	vmov s10  }
0x4cf: {  	[tilespmem:$0x1A808] =	vst v5  }
0x4d0: {  	s2 =	sadd.s32 s2, s28;
	s9 =	simm.s32 $0x1A7E8;
	[bflag:$0x0] =	sbarrier.arrive $0xFFFF  }
0x4d1: {  	[tilespmem:s9], [sflag:$0x1] =	stream.linear.gather [spmem:s2], $0x10, $0x38;
	[tilespmem:$0x1B768] =	vst v63  }
0x4d2: {  	_ =	swait.ge [sflag:s24], $0x10  }
0x4d3: {  	[sflag:s24] =	ssyncset.done $0x0  }
0x4d4: {  	[sflag:s24] =	ssyncadd.s32 $0xFFFFFFF0  }
0x4d5: {  	v5 =	vld [tilespmem:$0x1A7E8];
	_ =	sdelay $0x4  }
0x4d6: {  	v4 =	vperm.xlane v5, v4;
	_ =	sdelay $0x1  }
0x4d7: {  	(v2sf) =	vpush v4, $0x0;
	_ =	sdelay $0xe  }
0x4d8: {  	p1 =	slt.s32 s10, $0x1;
	s2 =	spop (v2sf)  }
0x4d9: {  	p2 =	slt.s32 @!p1 s2, $0x1  }
0x4da: {  	p1 =	por p1, p2  }
.Ltmp33:
0x4db: {  	_ = 	snop;
	(pc) =	sbr.rel @p1 .LBB3_73-.Ltmp33, $1  }
0x4dc: {  	_ =	sdelay $0x3  }
0x4dd: {  	s9 =	rddreg [dreg:$0xf];
	s11 =	simm.s32 $0x19F68  }
0x4de: {  	[tilespmem:s11], [sflag:$0x1] =	stream.linear.gather [spmem:s9], $0x80, $0x38;
	[tilespmem:$0x1B768] =	vst v63  }
0x4df: {  	s28 =	rddreg [dreg:$0x14];
	s29 =	simm.s32 $0x1A368  }
0x4e0: {  	[tilespmem:s29], [sflag:$0x1] =	stream.linear.gather [spmem:s28], $0x80, $0x38;
	[tilespmem:$0x1B768] =	vst v63  }
0x4e1: {  	_ =	swait.ge [sflag:s24], $0x100  }
0x4e2: {  	[sflag:s24] =	ssyncset.done $0x0  }
0x4e3: {  	s31 =	simm.s32 $0x19FE8;
	s30 =	rddreg [dreg:$0x10];
	[sflag:s24] =	ssyncadd.s32 $0xFFFFFF00  }
0x4e4: {  	[tilespmem:s31], [sflag:$0x1] =	stream.linear.gather [spmem:s30], $0x80, $0x38;
	[tilespmem:$0x1B768] =	vst v63  }
0x4e5: {  	s13 =	simm.s32 $0x1A3E8;
	s12 =	rddreg [dreg:$0x15]  }
0x4e6: {  	[tilespmem:s13], [sflag:$0x1] =	stream.linear.gather [spmem:s12], $0x80, $0x38;
	[tilespmem:$0x1B768] =	vst v63  }
0x4e7: {  	_ =	swait.ge [sflag:s24], $0x100  }
0x4e8: {  	[sflag:s24] =	ssyncset.done $0x0  }
0x4e9: {  	s15 =	simm.s32 $0x1A068;
	s14 =	rddreg [dreg:$0x11];
	[sflag:s24] =	ssyncadd.s32 $0xFFFFFF00  }
0x4ea: {  	[tilespmem:s15], [sflag:$0x1] =	stream.linear.gather [spmem:s14], $0x80, $0x38;
	[tilespmem:$0x1B768] =	vst v63  }
0x4eb: {  	s17 =	simm.s32 $0x1A468;
	s16 =	rddreg [dreg:$0x16]  }
0x4ec: {  	[tilespmem:s17], [sflag:$0x1] =	stream.linear.gather [spmem:s16], $0x80, $0x38;
	[tilespmem:$0x1B768] =	vst v63  }
0x4ed: {  	_ =	swait.ge [sflag:s24], $0x100  }
0x4ee: {  	s22 =	simm.s32 $0x1A0E8;
	[sflag:s24] =	ssyncset.done $0x0  }
0x4ef: {  	s25 =	simm.s32 $0x1A4E8;
	s18 =	rddreg [dreg:$0x12];
	[sflag:s24] =	ssyncadd.s32 $0xFFFFFF00  }
0x4f0: {  	[tilespmem:s22], [sflag:$0x1] =	stream.linear.gather [spmem:s18], $0x80, $0x38;
	[tilespmem:$0x1B768] =	vst v63  }
0x4f1: {  	s2 =	sadd.s32 $0x3, s2;
	s10 =	sadd.s32 $0xF, s10;
	s23 =	rddreg [dreg:$0x17]  }
0x4f2: {  	[tilespmem:s25], [sflag:$0x1] =	stream.linear.gather [spmem:s23], $0x80, $0x38;
	[tilespmem:$0x1B768] =	vst v63  }
0x4f3: {  	s29 =	simm.s32 $0x1A168;
	s23 =	sshra.s32 s2, $0x2;
	_ =	swait.ge [sflag:s24], $0x100  }
0x4f4: {  	s22 =	sshra.s32 s10, $0x4;
	p1 =	slt.s32 s23, $0x1;
	[sflag:s24] =	ssyncset.done $0x0  }
0x4f5: {  	s28 =	rddreg [dreg:$0x13];
	p2 =	sgt.s32 @!p1 s22, $0x0;
	[sflag:s24] =	ssyncadd.s32 $0xFFFFFF00  }
0x4f6: {  	[tilespmem:s29], [sflag:$0x1] =	stream.linear.gather [spmem:s28], $0x80, $0x38;
	[tilespmem:$0x1B768] =	vst v63  }
0x4f7: {  	s31 =	simm.s32 $0x1A568;
	s30 =	rddreg [dreg:$0x18];
	p1 =	por p1, !p2  }
0x4f8: {  	[tilespmem:s31], [sflag:$0x1] =	stream.linear.gather [spmem:s30], $0x80, $0x38;
	[tilespmem:$0x1B768] =	vst v63  }
.Ltmp34:
0x4f9: {  	_ = 	snop;
	(pc) =	sbr.rel @!p1 .LBB3_60-.Ltmp34, $4  }
.Ltmp35:
0x4fa: {  	_ = 	snop;
	(pc) =	sbr.rel @p1 .LBB3_57-.Ltmp35, $4  }
0x4fb: {  	_ =	swait.ge [sflag:s24], $0x100  }
0x4fc: {  	[sflag:s24] =	ssyncset.done $0x0  }
0x4fd: {  	s25 =	simm.s32 $0x0;
	[sflag:s24] =	ssyncadd.s32 $0xFFFFFF00  }
0x4fe: {  	_ = 	snop  }
.LBB3_61:
.Ltmp36:
0x4ff: {  	(pc) =	sbr.rel .LBB3_65-.Ltmp36, $2  }
0x500: {  	_ =	sdelay $0x2  }
0x501: {  	s29 =	simm.s32 $0x193E8  }
.LBB3_63:
.Ltmp37:
0x502: {  	(pc) =	sbr.rel .LBB3_65-.Ltmp37, $2  }
0x503: {  	_ =	sdelay $0x2  }
0x504: {  	s29 =	simm.s32 $0x193E8  }
.LBB3_60:
0x505: {  	s2 =	sshll.u32 s25, $0x2;
	s10 =	sshll.u32 s25, $0x5;
	s18 =	simm.s32 $0x18F68  }
0x506: {  	s11 =	simm.s32 $0x18968;
	s2 =	sand.u32 $0x7C, s2;
	s10 =	sand.u32 $0xFFFFFC00, s10;
	v24 =	vld [tilespmem:s18+$0x0]  }
0x507: {  	s29 =	simm.s32 $0x18C68;
	v9 =	vld [tilespmem:s11+$0x0];
	s2 =	sor.u32 s2, s10  }
0x508: {  	v27 =	vld [tilespmem:s29+$0x0];
	s2 =	sadd.s32 $0x19EE8, s2  }
0x509: {  	v10 =	vld.msk [tilespmem:s2+$0x80 ss:$0x0], $0xffff  }
0x50a: {  	v4 =	vld.msk [tilespmem:s2+$0x100 ss:$0x0], $0xffff  }
0x50b: {  	v11 =	vld.msk [tilespmem:s2+$0x180 ss:$0x0], $0xffff  }
0x50c: {  	v5 =	vld.msk [tilespmem:s2+$0x200 ss:$0x0], $0xffff  }
0x50d: {  	v13 =	vld.msk [tilespmem:s2+$0x280 ss:$0x0], $0xffff  }
0x50e: {  	v14 =	vld.msk [tilespmem:s2+$0x81 ss:$0x0], $0xffff  }
0x50f: {  	v6 =	vld.msk [tilespmem:s2+$0x101 ss:$0x0], $0xffff  }
0x510: {  	v15 =	vld.msk [tilespmem:s2+$0x181 ss:$0x0], $0xffff  }
0x511: {  	v7 =	vld.msk [tilespmem:s2+$0x201 ss:$0x0], $0xffff  }
0x512: {  	v18 =	vld.msk [tilespmem:s2+$0x281 ss:$0x0], $0xffff  }
0x513: {  	v19 =	vld.msk [tilespmem:s2+$0x82 ss:$0x0], $0xffff  }
0x514: {  	v8 =	vld.msk [tilespmem:s2+$0x102 ss:$0x0], $0xffff  }
0x515: {  	v20 =	vld.msk [tilespmem:s2+$0x83 ss:$0x0], $0xffff  }
0x516: {  	v21 =	vld.msk [tilespmem:s2+$0x182 ss:$0x0], $0xffff  }
0x517: {  	v22 =	vld.msk [tilespmem:s2+$0x183 ss:$0x0], $0xffff  }
0x518: {  	v23 =	vld.msk [tilespmem:s2+$0x282 ss:$0x0], $0xffff;
	v25 =	vadd.f32 v24, v13  }
0x519: {  	p2 =	sne.s32 s22, $0x1;
	v12 =	vld.msk [tilespmem:s2+$0x202 ss:$0x0], $0xffff;
	v28 =	vmax.f32 v10, v9;
	v29 =	vmax.f32 v14, v9;
	v26 =	vadd.f32 v24, v18  }
.Ltmp38:
0x51a: {  	v16 =	vld.msk [tilespmem:s2+$0x103 ss:$0x0], $0xffff;
	v30 =	vmin.f32 v11, v27;
	v31 =	vmax.f32 v19, v9;
	v32 =	vmax.f32 v20, v9;
	(pc) =	sbr.rel @!p2 .LBB3_61-.Ltmp38, $4  }
0x51b: {  	v17 =	vld.msk [tilespmem:s2+$0x203 ss:$0x0], $0xffff;
	v33 =	vmin.f32 v21, v27;
	v30 =	vsub.f32 v30, v28;
	v28 =	vmin.f32 v15, v27  }
0x51c: {  	s30 =	simm.s32 $0x18AE8;
	v9 =	vld.msk [tilespmem:s2+$0x283 ss:$0x0], $0xffff;
	v31 =	vsub.f32 v33, v31;
	v27 =	vmin.f32 v22, v27;
	v34 =	vsub.f32 v28, v29  }
0x51d: {  	s31 =	simm.s32 $0x18DE8;
	v28 =	vld [tilespmem:s30+$0x0];
	v32 =	vsub.f32 v27, v32;
	v27 =	vadd.f32 v24, v23  }
0x51e: {  	s28 =	simm.s32 $0x193E8;
	s12 =	sadd.s32 $0xFFFFFFFF, s22;
	p1 =	por $0x0, $0x0;
	v29 =	vld [tilespmem:s31+$0x0];
	v33 =	vadd.f32 $1.000000000e+00, v30;
	v30 =	vadd.f32 $1.000000000e+00, v34  }
0x51f: {  	_ =	sdelay $0x2  }
0x520: {  	v31 =	vadd.f32 $1.000000000e+00, v31;
	v32 =	vadd.f32 $1.000000000e+00, v32;
	v33 =	vmax.f32 v33, $0.0e+00  }
0x521: {  	v34 =	vmax.f32 v4, v28;
	v36 =	vmax.f32 v6, v28;
	v35 =	vmin.f32 v5, v29  }
0x522: {  	v37 =	vmax.f32 v8, v28;
	v56 =	vmin.f32 v7, v29;
	v34 =	vsub.f32 v35, v34  }
0x523: {  	v28 =	vmax.f32 v16, v28;
	v57 =	vmin.f32 v12, v29;
	v35 =	vsub.f32 v56, v36  }
0x524: {  	v29 =	vmin.f32 v17, v29;
	v36 =	vsub.f32 v57, v37;
	v34 =	vadd.f32 $1.000000000e+00, v34  }
0x525: {  	v30 =	vmax.f32 v30, $0.0e+00;
	v28 =	vsub.f32 v29, v28;
	v35 =	vadd.f32 $1.000000000e+00, v35  }
0x526: {  	v31 =	vmax.f32 v31, $0.0e+00;
	v58 =	vadd.f32 $1.000000000e+00, v36;
	v29 =	vmax.f32 v34, $0.0e+00  }
0x527: {  	v28 =	vadd.f32 $1.000000000e+00, v28;
	v59 =	vmax.f32 v35, $0.0e+00;
	v29 =	vmul.f32 v29, v33  }
0x528: {  	v32 =	vmax.f32 v32, $0.0e+00;
	v60 =	vmax.f32 v58, $0.0e+00;
	v30 =	vmul.f32 v59, v30  }
0x529: {  	v28 =	vmax.f32 v28, $0.0e+00;
	v31 =	vmul.f32 v60, v31;
	v25 =	vsub.f32 v25, v29  }
0x52a: {  	v24 =	vadd.f32 v24, v9;
	v28 =	vmul.f32 v28, v32;
	v26 =	vsub.f32 v26, v30  }
0x52b: {  	v27 =	vsub.f32 v27, v31;
	(erf) = vrcp.f32 v25  }
0x52c: {  	v24 =	vsub.f32 v24, v28;
	(erf) = vrcp.f32 v26  }
0x52d: {  	(erf) = vrcp.f32 v27  }
0x52e: {  	(erf) = vrcp.f32 v24;
	_ =	sdelay $0x5  }
0x52f: {  	v24 =	vpop (erf)  }
0x530: {  	v25 =	vpop (erf)  }
0x531: {  	v26 =	vpop (erf)  }
0x532: {  	v24 =	vmul.f32 v24, v29;
	v25 =	vmul.f32 v25, v30;
	v27 =	vpop (erf)  }
0x533: {  	v29 =	vld [tilespmem:s28+$0x0];
	v26 =	vmul.f32 v26, v31;
	v27 =	vmul.f32 v27, v28  }
0x534: {  	vm0 =	vgt.f32 v24, $4.000000060e-01  }
0x535: {  	vm1 =	vgt.f32 v25, $4.000000060e-01;
	vm2 =	vgt.f32 v26, $4.000000060e-01;
	vm3 =	vgt.f32 v27, $4.000000060e-01  }
0x536: {  	vm0 =	vmor vm0, vm1;
	vm15 =	vmor vm2, vm3  }
0x537: {  	vm0 =	vmor vm0, vm15  }
0x538: {  	v24 =	vsel vm0, $0x0, v29  }
0x539: {  	s30 =	simm.s32 $0x18978;
	[tilespmem:s28+$0x0] =	vst v24  }
0x53a: {  	s31 =	simm.s32 $0x18C78;
	v27 =	vld [tilespmem:s30+$0x0]  }
0x53b: {  	s2 =	simm.s32 $0x18F78;
	v28 =	vld [tilespmem:s31+$0x0]  }
0x53c: {  	v24 =	vld [tilespmem:s2+$0x0];
	_ =	sdelay $0x3  }
0x53d: {  	v29 =	vmax.f32 v10, v27;
	v31 =	vmin.f32 v11, v28  }
0x53e: {  	s10 =	simm.s32 $0x18AF8;
	p2 =	sne.s32 s12, $0x1;
	v25 =	vadd.f32 v24, v13;
	v29 =	vsub.f32 v31, v29  }
.Ltmp39:
0x53f: {  	s11 =	simm.s32 $0x18DF8;
	v62 =	vmin.f32 v21, v28;
	v63 =	vmin.f32 v22, v28;
	v31 =	vmin.f32 v15, v28;
	v28 =	vld [tilespmem:s10+$0x0];
	(pc) =	sbr.rel @!p2 .LBB3_63-.Ltmp39, $4  }
0x540: {  	v30 =	vmax.f32 v14, v27;
	v26 =	vadd.f32 v24, v18;
	v33 =	vadd.f32 $1.000000000e+00, v29;
	v29 =	vld [tilespmem:s11+$0x0]  }
0x541: {  	v61 =	vmax.f32 v19, v27;
	v27 =	vmax.f32 v20, v27;
	v30 =	vsub.f32 v31, v30  }
0x542: {  	v32 =	vsub.f32 v63, v27;
	v31 =	vsub.f32 v62, v61  }
0x543: {  	s12 =	sadd.s32 $0xFFFFFFFF, s12;
	p1 =	por $0x1, $0x1;
	s29 =	simm.s32 $0x193E8;
	v27 =	vadd.f32 v24, v23;
	v30 =	vadd.f32 $1.000000000e+00, v30  }
.LBB3_64:
0x544: {  	p2 =	sne.s32 s12, $0x1;
	v33 =	vmax.f32 v33, $0.0e+00;
	v31 =	vadd.f32 $1.000000000e+00, v31;
	v32 =	vadd.f32 $1.000000000e+00, v32  }
0x545: {  	v34 =	vmax.f32 v4, v28;
	v36 =	vmax.f32 v6, v28;
	v35 =	vmin.f32 v5, v29  }
0x546: {  	v37 =	vmax.f32 v8, v28;
	v34 =	vsub.f32 v35, v34;
	v35 =	vmin.f32 v7, v29  }
0x547: {  	v28 =	vmax.f32 v16, v28;
	v35 =	vsub.f32 v35, v36;
	v36 =	vmin.f32 v12, v29  }
0x548: {  	v29 =	vmin.f32 v17, v29;
	v34 =	vadd.f32 $1.000000000e+00, v34;
	v36 =	vsub.f32 v36, v37  }
0x549: {  	v30 =	vmax.f32 v30, $0.0e+00;
	v28 =	vsub.f32 v29, v28;
	v35 =	vadd.f32 $1.000000000e+00, v35  }
0x54a: {  	v31 =	vmax.f32 v31, $0.0e+00;
	v29 =	vmax.f32 v34, $0.0e+00;
	v34 =	vadd.f32 $1.000000000e+00, v36  }
0x54b: {  	v28 =	vadd.f32 $1.000000000e+00, v28;
	v29 =	vmul.f32 v29, v33;
	v33 =	vmax.f32 v35, $0.0e+00  }
0x54c: {  	v32 =	vmax.f32 v32, $0.0e+00;
	v30 =	vmul.f32 v33, v30;
	v33 =	vmax.f32 v34, $0.0e+00  }
0x54d: {  	v28 =	vmax.f32 v28, $0.0e+00;
	v25 =	vsub.f32 v25, v29;
	v31 =	vmul.f32 v33, v31  }
0x54e: {  	v24 =	vadd.f32 v24, v9;
	v28 =	vmul.f32 v28, v32;
	v26 =	vsub.f32 v26, v30  }
0x54f: {  	v27 =	vsub.f32 v27, v31;
	(erf) = vrcp.f32 v25  }
0x550: {  	v24 =	vsub.f32 v24, v28;
	(erf) = vrcp.f32 v26  }
0x551: {  	(erf) = vrcp.f32 v27  }
0x552: {  	(erf) = vrcp.f32 v24;
	_ =	sdelay $0x5  }
0x553: {  	v24 =	vpop (erf)  }
0x554: {  	v25 =	vpop (erf)  }
0x555: {  	v26 =	vpop (erf)  }
0x556: {  	s29 =	sadd.s32 $0x10, s29;
	v24 =	vmul.f32 v24, v29;
	v25 =	vmul.f32 v25, v30;
	v27 =	vpop (erf)  }
0x557: {  	v26 =	vmul.f32 v26, v31;
	v29 =	vld [tilespmem:s29+$0x0];
	v27 =	vmul.f32 v27, v28  }
0x558: {  	vm0 =	vgt.f32 v24, $4.000000060e-01  }
0x559: {  	vm1 =	vgt.f32 v25, $4.000000060e-01;
	vm2 =	vgt.f32 v26, $4.000000060e-01;
	vm3 =	vgt.f32 v27, $4.000000060e-01  }
0x55a: {  	vm0 =	vmor vm0, vm1;
	vm1 =	vmor vm2, vm3  }
0x55b: {  	vm0 =	vmor vm0, vm1  }
0x55c: {  	v24 =	vsel vm0, $0x0, v29  }
0x55d: {  	s2 =	sadd.s32 $0x10, s2;
	[tilespmem:s29+$0x0] =	vst v24  }
0x55e: {  	s30 =	sadd.s32 $0x10, s30;
	v24 =	vld [tilespmem:s2+$0x0]  }
0x55f: {  	s31 =	sadd.s32 $0x10, s31;
	v27 =	vld [tilespmem:s30+$0x0]  }
0x560: {  	v30 =	vld [tilespmem:s31+$0x0];
	_ =	sdelay $0x2  }
0x561: {  	v25 =	vadd.f32 v24, v13  }
0x562: {  	s10 =	sadd.s32 $0x10, s10;
	v26 =	vadd.f32 v24, v18;
	v31 =	vmax.f32 v10, v27;
	v32 =	vmax.f32 v14, v27  }
.Ltmp40:
0x563: {  	s11 =	sadd.s32 $0x10, s11;
	v34 =	vmax.f32 v19, v27;
	v27 =	vmax.f32 v20, v27;
	v28 =	vld [tilespmem:s10+$0x0];
	v33 =	vmin.f32 v11, v30;
	(pc) =	sbr.rel @p2 .LBB3_64-.Ltmp40, $4  }
0x564: {  	v35 =	vmin.f32 v21, v30;
	v29 =	vld [tilespmem:s11+$0x0];
	v33 =	vsub.f32 v33, v31;
	v31 =	vmin.f32 v15, v30  }
0x565: {  	v30 =	vmin.f32 v22, v30;
	v36 =	vsub.f32 v31, v32;
	v31 =	vsub.f32 v35, v34  }
0x566: {  	v32 =	vsub.f32 v30, v27;
	v33 =	vadd.f32 $1.000000000e+00, v33  }
0x567: {  	s12 =	sadd.s32 $0xFFFFFFFF, s12;
	v27 =	vadd.f32 v24, v23;
	v30 =	vadd.f32 $1.000000000e+00, v36  }
.LBB3_65:
0x568: {  	_ =	sdelay $0x1  }
0x569: {  	v10 =	vmax.f32 v33, $0.0e+00;
	v11 =	vadd.f32 $1.000000000e+00, v31;
	v13 =	vadd.f32 $1.000000000e+00, v32  }
0x56a: {  	v4 =	vmax.f32 v4, v28;
	v6 =	vmax.f32 v6, v28;
	v5 =	vmin.f32 v5, v29  }
0x56b: {  	v50 =	vmax.f32 v8, v28;
	v4 =	vsub.f32 v5, v4;
	v5 =	vmin.f32 v7, v29  }
0x56c: {  	v52 =	vmax.f32 v16, v28;
	v51 =	vmin.f32 v12, v29;
	v5 =	vsub.f32 v5, v6  }
0x56d: {  	v53 =	vmin.f32 v17, v29;
	v6 =	vsub.f32 v51, v50;
	v4 =	vadd.f32 $1.000000000e+00, v4  }
0x56e: {  	v54 =	vmax.f32 v30, $0.0e+00;
	v7 =	vsub.f32 v53, v52;
	v5 =	vadd.f32 $1.000000000e+00, v5  }
0x56f: {  	v55 =	vmax.f32 v11, $0.0e+00;
	v6 =	vadd.f32 $1.000000000e+00, v6;
	v4 =	vmax.f32 v4, $0.0e+00  }
0x570: {  	v7 =	vadd.f32 $1.000000000e+00, v7;
	v4 =	vmul.f32 v4, v10;
	v5 =	vmax.f32 v5, $0.0e+00  }
0x571: {  	v56 =	vmax.f32 v13, $0.0e+00;
	v6 =	vmax.f32 v6, $0.0e+00;
	v5 =	vmul.f32 v5, v54  }
0x572: {  	v7 =	vmax.f32 v7, $0.0e+00;
	v6 =	vmul.f32 v6, v55;
	v57 =	vsub.f32 v25, v4  }
0x573: {  	v9 =	vadd.f32 v24, v9;
	v7 =	vmul.f32 v7, v56;
	v58 =	vsub.f32 v26, v5  }
0x574: {  	v59 =	vsub.f32 v27, v6;
	(erf) = vrcp.f32 v57  }
0x575: {  	v9 =	vsub.f32 v9, v7;
	(erf) = vrcp.f32 v58  }
0x576: {  	(erf) = vrcp.f32 v59  }
0x577: {  	(erf) = vrcp.f32 v9;
	_ =	sdelay $0x5  }
0x578: {  	v60 =	vpop (erf)  }
0x579: {  	v61 =	vpop (erf)  }
0x57a: {  	s2 =	sadd.s32 @p1 $0x10, s29;
	v10 =	vpop (erf)  }
0x57b: {  	s28 =	smov.u32 @p1 s2;
	v4 =	vmul.f32 v60, v4;
	v5 =	vmul.f32 v61, v5;
	v62 =	vpop (erf)  }
0x57c: {  	s25 =	sadd.s32 $0x1, s25;
	v63 =	vld [tilespmem:s28+$0x0];
	v6 =	vmul.f32 v10, v6;
	v7 =	vmul.f32 v62, v7  }
0x57d: {  	p1 =	seq.s32 s25, s23;
	vm0 =	vgt.f32 v4, $4.000000060e-01  }
.Ltmp41:
0x57e: {  	vm1 =	vgt.f32 v5, $4.000000060e-01;
	vm2 =	vgt.f32 v6, $4.000000060e-01;
	vm3 =	vgt.f32 v7, $4.000000060e-01;
	(pc) =	sbr.rel @!p1 .LBB3_60-.Ltmp41, $4  }
0x57f: {  	vm0 =	vmor vm0, vm1;
	vm15 =	vmor vm2, vm3  }
0x580: {  	vm0 =	vmor vm0, vm15  }
0x581: {  	v4 =	vsel vm0, $0x0, v63  }
0x582: {  	[tilespmem:s28+$0x0] =	vst v4  }
.LBB3_57:
0x583: {  	p1 =	sgt.s32 s22, $0x0  }
.Ltmp42:
0x584: {  	_ = 	snop;
	(pc) =	sbr.rel @!p1 .LBB3_70-.Ltmp42, $2  }
0x585: {  	_ =	sdelay $0x2  }
0x586: {  	s23 =	simm.s32 $0x0;
	s2 =	simm.s32 $0x0  }
0x587: {  	p2 =	seq.s32 s22, $0x1  }
.Ltmp43:
0x588: {  	_ = 	snop;
	(pc) =	sbr.rel @p2 .LBB3_59-.Ltmp43, $4  }
0x589: {  	s11 =	simm.s32 $0x193E8  }
0x58a: {  	s10 =	simm.s32 $0x18968;
	s2 =	simm.s32 $0x18AE8;
	s31 =	simm.s32 $0x18C68  }
0x58b: {  	s30 =	simm.s32 $0x18DE8;
	s29 =	simm.s32 $0x18F68;
	s28 =	simm.s32 $0x190E8  }
0x58c: {  	s25 =	simm.s32 $0x19268;
	p1 =	por $0x0, $0x0;
	v4 =	vld [tilespmem:s11+$0x0];
	s11 =	sadd.s32 $0xFFFFFFFF, s22  }
0x58d: {  	_ =	sdelay $0x3  }
0x58e: {  	vm0 =	vne.s32 v4, $0x0  }
0x58f: {  	v4 =	vsel vm0, $0x1, v0  }
0x590: {  	(xrf0) =	vadd.scan.msk.s32 $0xffff, v4;
	_ =	sdelay $0x4  }
0x591: {  	v4 =	vsel vm0, $0xFFFFFFFF, v0  }
0x592: {  	v4 =	vadd.s32 s23, v4;
	v5, _, _ =	vpop (xrf0)  }
0x593: {  	v6 =	vld [tilespmem:s10+$0x0];
	v4 =	vadd.s32 v5, v4;
	_ =	sdelay $0x4  }
0x594: {  	[tilespmem:v4+s3+$0x0] =	vst.idx.msk vm0, v6  }
0x595: {  	v6 =	vld [tilespmem:s2+$0x0];
	_ =	sdelay $0x4  }
0x596: {  	[tilespmem:v4+s4+$0x0] =	vst.idx.msk vm0, v6  }
0x597: {  	v6 =	vld [tilespmem:s31+$0x0];
	_ =	sdelay $0x4  }
0x598: {  	[tilespmem:v4+s5+$0x0] =	vst.idx.msk vm0, v6  }
0x599: {  	v6 =	vld [tilespmem:s30+$0x0];
	_ =	sdelay $0x4  }
0x59a: {  	[tilespmem:v4+s6+$0x0] =	vst.idx.msk vm0, v6  }
0x59b: {  	(v2sf) =	vpush v5, $0xF;
	v5 =	vld [tilespmem:s29+$0x0];
	_ =	sdelay $0x4  }
0x59c: {  	[tilespmem:v4+s0+$0x0] =	vst.idx.msk vm0, v5  }
0x59d: {  	v5 =	vld [tilespmem:s28+$0x0];
	_ =	sdelay $0x4  }
0x59e: {  	[tilespmem:v4+s1+$0x0] =	vst.idx.msk vm0, v5  }
0x59f: {  	v5 =	vld [tilespmem:s25+$0x0]  }
0x5a0: {  	p2 =	seq.s32 s11, $0x1  }
.Ltmp44:
0x5a1: {  	_ = 	snop;
	(pc) =	sbr.rel @p2 .LBB3_67-.Ltmp44, $4  }
0x5a2: {  	s17 =	simm.s32 $0x193F8;
	s18 =	sadd.s32 $0xFFFFFFFF, s11;
	s10 =	simm.s32 $0x18978  }
0x5a3: {  	p1 =	por $0x1, $0x1;
	s16 =	simm.s32 $0x18AE8;
	s15 =	simm.s32 $0x18C68  }
0x5a4: {  	s13 =	simm.s32 $0x18DE8;
	s14 =	simm.s32 $0x18F68;
	s22 =	spop (v2sf);
	[tilespmem:v4+s21+$0x0] =	vst.idx.msk vm0, v5  }
0x5a5: {  	s12 =	simm.s32 $0x190E8;
	s11 =	simm.s32 $0x19268;
	s22 =	sadd.s32 $0x0, s22;
	v4 =	vld [tilespmem:s17+$0x0]  }
.LBB3_68:
0x5a6: {  	p2 =	seq.s32 s18, $0x1;
	v5 =	vld [tilespmem:s10+$0x0];
	_ =	sdelay $0x3  }
0x5a7: {  	vm0 =	vne.s32 v4, $0x0  }
0x5a8: {  	v4 =	vsel vm0, $0xFFFFFFFF, v0;
	v6 =	vsel vm0, $0x1, v0  }
0x5a9: {  	(xrf0) =	vadd.scan.msk.s32 $0xffff, v6;
	_ =	sdelay $0x5  }
0x5aa: {  	v4 =	vadd.s32 s22, v4;
	v6, _, _ =	vpop (xrf0)  }
0x5ab: {  	v4 =	vadd.s32 v6, v4;
	(v2sf) =	vpush v6, $0xF;
	_ =	sdelay $0x4  }
0x5ac: {  	s16 =	sadd.s32 $0x10, s16;
	[tilespmem:v4+s3+$0x0] =	vst.idx.msk vm0, v5  }
0x5ad: {  	v5 =	vld [tilespmem:s16+$0x0];
	_ =	sdelay $0x4  }
0x5ae: {  	s15 =	sadd.s32 $0x10, s15;
	[tilespmem:v4+s4+$0x0] =	vst.idx.msk vm0, v5  }
0x5af: {  	v5 =	vld [tilespmem:s15+$0x0];
	_ =	sdelay $0x2  }
0x5b0: {  	s9 =	spop (v2sf)  }
0x5b1: {  	s22 =	sadd.s32 s22, s9  }
0x5b2: {  	s13 =	sadd.s32 $0x10, s13;
	[tilespmem:v4+s5+$0x0] =	vst.idx.msk vm0, v5  }
0x5b3: {  	v5 =	vld [tilespmem:s13+$0x0];
	_ =	sdelay $0x4  }
0x5b4: {  	s14 =	sadd.s32 $0x10, s14;
	[tilespmem:v4+s6+$0x0] =	vst.idx.msk vm0, v5  }
0x5b5: {  	v5 =	vld [tilespmem:s14+$0x0];
	_ =	sdelay $0x4  }
0x5b6: {  	s12 =	sadd.s32 $0x10, s12;
	[tilespmem:v4+s0+$0x0] =	vst.idx.msk vm0, v5  }
0x5b7: {  	v5 =	vld [tilespmem:s12+$0x0];
	_ =	sdelay $0x4  }
0x5b8: {  	s11 =	sadd.s32 $0x10, s11;
	[tilespmem:v4+s1+$0x0] =	vst.idx.msk vm0, v5  }
0x5b9: {  	v5 =	vld [tilespmem:s11+$0x0];
	_ =	sdelay $0x1  }
.Ltmp45:
0x5ba: {  	(pc) =	sbr.rel @!p2 .LBB3_68-.Ltmp45, $3  }
0x5bb: {  	_ =	sdelay $0x1  }
0x5bc: {  	s17 =	sadd.s32 $0x10, s17;
	[tilespmem:v4+s21+$0x0] =	vst.idx.msk vm0, v5  }
0x5bd: {  	s18 =	sadd.s32 $0xFFFFFFFF, s18;
	s10 =	sadd.s32 $0x10, s10;
	v4 =	vld [tilespmem:s17+$0x0]  }
.LBB3_69:
0x5be: {  	_ =	sdelay $0x3  }
0x5bf: {  	vm0 =	vne.s32 v4, $0x0  }
0x5c0: {  	v4 =	vsel vm0, $0x1, v0  }
0x5c1: {  	(xrf0) =	vadd.scan.msk.s32 $0xffff, v4;
	_ =	sdelay $0x4  }
0x5c2: {  	v4 =	vsel vm0, $0xFFFFFFFF, v0  }
0x5c3: {  	v4 =	vadd.s32 s22, v4;
	v5, _, _ =	vpop (xrf0)  }
0x5c4: {  	v6 =	vld [tilespmem:s10+$0x0];
	v4 =	vadd.s32 v5, v4;
	_ =	sdelay $0x3  }
0x5c5: {  	s9 =	sadd.s32 @p1 $0x10, s16  }
0x5c6: {  	s2 =	smov.u32 @p1 s9;
	[tilespmem:v4+s3+$0x0] =	vst.idx.msk vm0, v6  }
0x5c7: {  	v6 =	vld [tilespmem:s2+$0x0];
	_ =	sdelay $0x3  }
0x5c8: {  	s2 =	sadd.s32 @p1 $0x10, s15  }
0x5c9: {  	s31 =	smov.u32 @p1 s2;
	[tilespmem:v4+s4+$0x0] =	vst.idx.msk vm0, v6  }
0x5ca: {  	v6 =	vld [tilespmem:s31+$0x0];
	_ =	sdelay $0x3  }
0x5cb: {  	s2 =	sadd.s32 @p1 $0x10, s13  }
0x5cc: {  	s30 =	smov.u32 @p1 s2;
	[tilespmem:v4+s5+$0x0] =	vst.idx.msk vm0, v6  }
0x5cd: {  	v6 =	vld [tilespmem:s30+$0x0];
	_ =	sdelay $0x3  }
0x5ce: {  	s2 =	sadd.s32 @p1 $0x10, s14  }
0x5cf: {  	s29 =	smov.u32 @p1 s2;
	[tilespmem:v4+s6+$0x0] =	vst.idx.msk vm0, v6  }
0x5d0: {  	v6 =	vld [tilespmem:s29+$0x0]  }
0x5d1: {  	(v2sf) =	vpush v5, $0xF;
	_ =	sdelay $0x2  }
0x5d2: {  	s2 =	sadd.s32 @p1 $0x10, s12  }
0x5d3: {  	s28 =	smov.u32 @p1 s2;
	[tilespmem:v4+s0+$0x0] =	vst.idx.msk vm0, v6  }
0x5d4: {  	v5 =	vld [tilespmem:s28+$0x0];
	_ =	sdelay $0x3  }
0x5d5: {  	s2 =	sadd.s32 @p1 $0x10, s11  }
0x5d6: {  	s25 =	smov.u32 @p1 s2;
	[tilespmem:v4+s1+$0x0] =	vst.idx.msk vm0, v5  }
0x5d7: {  	v5 =	vld [tilespmem:s25+$0x0];
	_ =	sdelay $0x3  }
0x5d8: {  	s31 =	spop (v2sf)  }
0x5d9: {  	s2 =	sadd.s32 s22, s31;
	[tilespmem:v4+s21+$0x0] =	vst.idx.msk vm0, v5  }
.LBB3_70:
0x5da: {  	v4 =	vmov s2;
	v5 =	vor.u32 s23, v1  }
0x5db: {  	vm0 =	vlt.s32 v5, v4  }
0x5dc: {  	s10 =	simm.s32 $0x193E8;
	v5 =	vsel vm0, $0x1, v0  }
0x5dd: {  	s2 =	simm.s32 $0x19268;
	[tilespmem:s10+$0x0] =	vst v5  }
0x5de: {  	v5 =	vld [tilespmem:s2+$0x0];
	_ =	sdelay $0x2  }
0x5df: {  	s9 =	simm.s32 $0x10  }
0x5e0: {  	s11 =	simm.s32 $0x20;
	s28 =	rddreg [dreg:$0x7];
	v6 =	vor.u32 s9, v1  }
.LBB3_71:
0x5e1: {  	p1 =	sne.s32 s11, $0x130;
	v5 =	vnsel vm0, $0x40000000, v5;
	vm0 =	vlt.s32 v6, v4  }
0x5e2: {  	s10 =	sadd.s32 $0x10, s10;
	v6 =	vsel vm0, $0x1, v0;
	[tilespmem:s2+$0x0] =	vst v5  }
0x5e3: {  	s2 =	sadd.s32 $0x10, s2;
	[tilespmem:s10+$0x0] =	vst v6  }
.Ltmp46:
0x5e4: {  	v5 =	vld [tilespmem:s2+$0x0];
	(pc) =	sbr.rel @p1 .LBB3_71-.Ltmp46, $2  }
0x5e5: {  	_ =	sdelay $0x2  }
0x5e6: {  	v6 =	vor.u32 s11, v1;
	s11 =	sadd.s32 $0x10, s11  }
0x5e7: {  	vm1 =	vlt.s32 v6, v4;
	v5 =	vnsel vm0, $0x40000000, v5  }
0x5e8: {  	s9 =	sadd.s32 $0x10, s10;
	v6 =	vsel vm1, $0x1, v0;
	[tilespmem:s2+$0x0] =	vst v5  }
0x5e9: {  	s31 =	sadd.s32 $0x10, s2;
	[tilespmem:s9+$0x0] =	vst v6  }
0x5ea: {  	v5 =	vld [tilespmem:s31+$0x0];
	_ =	sdelay $0x2  }
.Ltmp47:
0x5eb: {  	_ = 	snop;
	(pc) =	sbr.rel .LBB3_73-.Ltmp47, $4  }
0x5ec: {  	_ = 	snop  }
0x5ed: {  	v5 =	vnsel vm1, $0x40000000, v5  }
0x5ee: {  	[tilespmem:s31+$0x0] =	vst v5  }
0x5ef: {  	[tilespmem:$0x1A808] =	vst v4  }
.LBB3_59:
.Ltmp48:
0x5f0: {  	(pc) =	sbr.rel .LBB3_69-.Ltmp48, $4  }
0x5f1: {  	_ = 	snop  }
0x5f2: {  	s22 =	simm.s32 $0x0  }
0x5f3: {  	s16 =	simm.s32 $0x18AE8;
	s15 =	simm.s32 $0x18C68;
	s13 =	simm.s32 $0x18DE8  }
0x5f4: {  	s14 =	simm.s32 $0x18F68;
	s12 =	simm.s32 $0x190E8;
	s11 =	simm.s32 $0x19268  }
.LBB3_67:
.Ltmp49:
0x5f5: {  	(pc) =	sbr.rel .LBB3_69-.Ltmp49, $3  }
0x5f6: {  	_ =	sdelay $0x1  }
0x5f7: {  	s16 =	simm.s32 $0x18AE8;
	s15 =	simm.s32 $0x18C68;
	s13 =	simm.s32 $0x18DE8  }
0x5f8: {  	s14 =	simm.s32 $0x18F68;
	s12 =	simm.s32 $0x190E8;
	s11 =	simm.s32 $0x19268  }
.LBB3_74:
0x5f9: {  	[bflag:$0x0] =	sbarrier.arrive $0xFFFF  }
0x5fa: {  	_ =	sfence.sel @p0 $0x180000  }
0x5fb: {  	[bflag:$0x0] =	sbarrier.arrive @p0 $0xFFFF  }
0x5fc: {  	_ =	strace @p0 $0x90000047  }
0x5fd: {  	[bflag:$0x2] =	sbarrier.arrive @p0 $0xFFFF  }
0x5fe: {  	_ =	shalt @p0  }
.LBB3_75:
0x5ff: {  	s0 =	simm.s32 $0x1A7E8;
	s31 =	simm.s32 $0x1  }
0x600: {  	[tilespmem:s0], [sflag:$0x1] =	stream.linear.gather [spmem:s28], $0x20, $0x38;
	[tilespmem:$0x1B768] =	vst v63  }
0x601: {  	_ =	swait.ge [sflag:s31], $0x20  }
0x602: {  	[sflag:s31] =	ssyncset.done $0x0  }
0x603: {  	v0 =	vimm.f32 $0.0e+00;
	s1 =	simm.s32 $0x0;
	s0 =	simm.s32 $0x0;
	[sflag:s31] =	ssyncadd.s32 $0xFFFFFFE0  }
.LBB3_76:
0x604: {  	p0 =	sne.s32 s1, $0x3A80  }
.Ltmp50:
0x605: {  	_ = 	snop;
	(pc) =	sbr.rel @p0 .LBB3_76-.Ltmp50, $3  }
0x606: {  	_ =	sdelay $0x1  }
0x607: {  	s2 =	sshra.s32 s1, $0x2  }
0x608: {  	s1 =	sadd.s32 $0x40, s1;
	[tilespmem:s2+$0x1A868] =	vst v0  }
.Ltmp51:
0x609: {  	(pc) =	sbr.rel .LBB3_78-.Ltmp51, $4  }
0x60a: {  	s1 =	simm.s32 $0x19F68;
	s2 =	simm.s32 $0x1A368  }
0x60b: {  	s3 =	simm.s32 $0x1;
	s4 =	simm.s32 $0x19FE8;
	s5 =	simm.s32 $0x1A3E8  }
0x60c: {  	s6 =	simm.s32 $0x1A068;
	s7 =	simm.s32 $0x1A468;
	s8 =	simm.s32 $0x1A0E8  }
0x60d: {  	s9 =	simm.s32 $0x1A4E8;
	v0 =	vlaneseq.u32;
	s10 =	simm.s32 $0x1A868;
	s11 =	simm.s32 $0x0  }
.LBB3_82:
0x60e: {  	s11 =	sadd.s32 $0x1, s11  }
0x60f: {  	s0 =	sadd.s32 s0, s12;
	p0 =	sne.s32 s11, $0x20  }
0x610: {  	s0 =	simm.s32 @!p0 $0x0;
	s1 =	simm.s32 @!p0 $0x1A868;
	s2 =	rddreg @!p0 [dreg:$0x1]  }
0x611: {  	[hbm4b:s2+s0] =	stream.linear.scatter @!p0 [tilespmem:s1], [sflag:$0x1], $0xF00, $0x38;
	[tilespmem:$0x1B768] =	vst v63  }
0x612: {  	s0 =	simm.s32 @!p0 $0x1  }
0x613: {  	_ =	swait.ge @!p0 [sflag:s0], $0xF00  }
0x614: {  	[sflag:s0] =	ssyncset.done @!p0 $0x0  }
0x615: {  	[sflag:s0] =	ssyncadd.s32 @!p0 $0xFFFFF100  }
0x616: {  	_ =	sfence.sel @!p0 $0x180000  }
0x617: {  	[bflag:$0x0] =	sbarrier.arrive @!p0 $0xFFFF  }
0x618: {  	_ =	strace @!p0 $0x90000047  }
0x619: {  	[bflag:$0x2] =	sbarrier.arrive @!p0 $0xFFFF  }
0x61a: {  	s0 =	rddreg @!p0 [dreg:$0xe]  }
0x61b: {  	s0 =	sadd.s32 @!p0 $0x100000, s0  }
0x61c: {  	[sflag:s0] =	ssyncadd.tile.s32 @!p0 $0x1;
	_ =	shalt @!p0  }
.Ltmp52:
0x61d: {  	_ = 	snop;
	(pc) =	sbr.rel .LBB3_78-.Ltmp52, $4  }
0x61e: {  	_ = 	snop  }
0x61f: {  	_ = 	snop  }
0x620: {  	_ = 	snop  }
0x621: {  	_ = 	snop  }
.LBB3_78:
0x622: {  	s12 =	sand.u32 $0x10, s11  }
0x623: {  	v1 =	vld [tilespmem:s12+$0x1A7E8];
	_ =	sdelay $0x3  }
0x624: {  	v2 =	vmov s11  }
0x625: {  	v1 =	vperm.xlane v1, v2;
	_ =	sdelay $0x1  }
0x626: {  	(v2sf) =	vpush v1, $0x0;
	_ =	sdelay $0xe  }
0x627: {  	s12 =	spop (v2sf)  }
0x628: {  	p0 =	slt.s32 s12, $0x1  }
.Ltmp53:
0x629: {  	_ = 	snop;
	(pc) =	sbr.rel @p0 .LBB3_82-.Ltmp53, $1  }
0x62a: {  	_ =	sdelay $0x3  }
0x62b: {  	s13 =	sshll.u32 s11, $0x8;
	s14 =	rddreg [dreg:$0x9]  }
0x62c: {  	s14 =	sadd.s32 s13, s14  }
0x62d: {  	[tilespmem:s1], [sflag:$0x1] =	stream.linear.gather [spmem:s14], $0x80, $0x38;
	[tilespmem:$0x1B768] =	vst v63  }
0x62e: {  	s14 =	sadd.s32 $0x80, s14  }
0x62f: {  	[tilespmem:s2], [sflag:$0x1] =	stream.linear.gather [spmem:s14], $0x80, $0x38;
	[tilespmem:$0x1B768] =	vst v63  }
0x630: {  	_ =	swait.ge [sflag:s3], $0x100  }
0x631: {  	[sflag:s3] =	ssyncset.done $0x0  }
0x632: {  	[sflag:s3] =	ssyncadd.s32 $0xFFFFFF00  }
0x633: {  	s26 =	rddreg [dreg:$0xa]  }
0x634: {  	s14 =	sadd.s32 s13, s26  }
0x635: {  	[tilespmem:s4], [sflag:$0x1] =	stream.linear.gather [spmem:s14], $0x80, $0x38;
	[tilespmem:$0x1B768] =	vst v63  }
0x636: {  	s14 =	sadd.s32 $0x80, s14  }
0x637: {  	[tilespmem:s5], [sflag:$0x1] =	stream.linear.gather [spmem:s14], $0x80, $0x38;
	[tilespmem:$0x1B768] =	vst v63  }
0x638: {  	_ =	swait.ge [sflag:s3], $0x100  }
0x639: {  	[sflag:s3] =	ssyncset.done $0x0  }
0x63a: {  	[sflag:s3] =	ssyncadd.s32 $0xFFFFFF00  }
0x63b: {  	s28 =	rddreg [dreg:$0xb]  }
0x63c: {  	s14 =	sadd.s32 s13, s28  }
0x63d: {  	[tilespmem:s6], [sflag:$0x1] =	stream.linear.gather [spmem:s14], $0x80, $0x38;
	[tilespmem:$0x1B768] =	vst v63  }
0x63e: {  	s14 =	sadd.s32 $0x80, s14  }
0x63f: {  	[tilespmem:s7], [sflag:$0x1] =	stream.linear.gather [spmem:s14], $0x80, $0x38;
	[tilespmem:$0x1B768] =	vst v63  }
0x640: {  	_ =	swait.ge [sflag:s3], $0x100  }
0x641: {  	[sflag:s3] =	ssyncset.done $0x0  }
0x642: {  	[sflag:s3] =	ssyncadd.s32 $0xFFFFFF00  }
0x643: {  	s29 =	rddreg [dreg:$0xc]  }
0x644: {  	s14 =	sadd.s32 s13, s29  }
0x645: {  	[tilespmem:s8], [sflag:$0x1] =	stream.linear.gather [spmem:s14], $0x80, $0x38;
	[tilespmem:$0x1B768] =	vst v63  }
0x646: {  	s14 =	sadd.s32 $0x80, s14  }
0x647: {  	[tilespmem:s9], [sflag:$0x1] =	stream.linear.gather [spmem:s14], $0x80, $0x38;
	[tilespmem:$0x1B768] =	vst v63  }
0x648: {  	_ =	swait.ge [sflag:s3], $0x100  }
0x649: {  	[sflag:s3] =	ssyncset.done $0x0  }
0x64a: {  	[sflag:s3] =	ssyncadd.s32 $0xFFFFFF00  }
0x64b: {  	s30 =	rddreg [dreg:$0xd]  }
0x64c: {  	s15 =	simm.s32 $0x0;
	s14 =	sadd.s32 s13, s30;
	s13 =	simm.s32 $0x1A6E8  }
0x64d: {  	v2 =	vmov s0;
	v1 =	vbroadcast v1, $0x0;
	v3 =	vor.u32 s15, v0;
	[tilespmem:s13], [sflag:$0x1] =	stream.linear.gather [spmem:s14], $0x100, $0x38;
	[tilespmem:$0x1B768] =	vst v63  }
0x64e: {  	s31 =	sand.u32 $0x70, s15;
	s15 =	sand.u32 $0x400, s15;
	v4 =	vadd.s32 v2, v3;
	_ =	swait.ge [sflag:s3], $0x100  }
0x64f: {  	vm0 =	vlt.s32 v3, v1;
	vm1 =	vlt.s32 v4, $0x2EE;
	s14 =	sor.u32 s31, s15;
	[sflag:s3] =	ssyncset.done $0x0  }
0x650: {  	v3 =	vmul.u32 $0x5, v4;
	vm0 =	vmand vm0, vm1;
	s14 =	sadd.s32 $0x19EE8, s14;
	[sflag:s3] =	ssyncadd.s32 $0xFFFFFF00  }
0x651: {  	v4 =	vld [tilespmem:s14+$0x80];
	_ =	sdelay $0x4  }
0x652: {  	[tilespmem:v3+s10+$0x0] =	vst.idx.msk vm0, v4  }
0x653: {  	v4 =	vadd.s32 $0x1, v3;
	v5 =	vld [tilespmem:s14+$0x100];
	_ =	sdelay $0x4  }
0x654: {  	[tilespmem:v4+s10+$0x0] =	vst.idx.msk vm0, v5  }
0x655: {  	v4 =	vadd.s32 $0x2, v3;
	v5 =	vld [tilespmem:s14+$0x180];
	_ =	sdelay $0x4  }
0x656: {  	[tilespmem:v4+s10+$0x0] =	vst.idx.msk vm0, v5  }
0x657: {  	v4 =	vadd.s32 $0x3, v3;
	v5 =	vld [tilespmem:s14+$0x200];
	_ =	sdelay $0x4  }
0x658: {  	[tilespmem:v4+s10+$0x0] =	vst.idx.msk vm0, v5  }
0x659: {  	v3 =	vadd.s32 $0x4, v3;
	v4 =	vld [tilespmem:s13+$0x0]  }
0x65a: {  	s15 =	simm.s32 $0x10  }
0x65b: {  	s16 =	simm.s32 $0x20;
	s14 =	simm.s32 $0x80;
	v5 =	vor.u32 s15, v0  }
.LBB3_80:
0x65c: {  	p0 =	sne.s32 s16, $0x90;
	v6 =	vadd.s32 v2, v5;
	s15 =	sand.u32 $0x70, s15;
	s17 =	sand.u32 $0x400, s14  }
0x65d: {  	vm1 =	vlt.s32 v5, v1;
	vm2 =	vlt.s32 v6, $0x2EE;
	s17 =	sor.u32 s15, s17;
	s15 =	smov.u32 s16  }
0x65e: {  	v5 =	vmul.u32 $0x5, v6;
	s17 =	sadd.s32 $0x19EE8, s17;
	[tilespmem:v3+s10+$0x0] =	vst.idx.msk vm0, v4;
	vm0 =	vmand vm1, vm2  }
0x65f: {  	v3 =	vld [tilespmem:s17+$0x80];
	_ =	sdelay $0x4  }
0x660: {  	[tilespmem:v5+s10+$0x0] =	vst.idx.msk vm0, v3  }
0x661: {  	v3 =	vadd.s32 $0x1, v5;
	v4 =	vld [tilespmem:s17+$0x100];
	_ =	sdelay $0x4  }
0x662: {  	[tilespmem:v3+s10+$0x0] =	vst.idx.msk vm0, v4  }
0x663: {  	v3 =	vadd.s32 $0x2, v5;
	v4 =	vld [tilespmem:s17+$0x180];
	_ =	sdelay $0x4  }
0x664: {  	[tilespmem:v3+s10+$0x0] =	vst.idx.msk vm0, v4  }
0x665: {  	v3 =	vadd.s32 $0x3, v5;
	v4 =	vld [tilespmem:s17+$0x200];
	_ =	sdelay $0x3  }
.Ltmp54:
0x666: {  	(pc) =	sbr.rel @p0 .LBB3_80-.Ltmp54, $3  }
0x667: {  	s13 =	sadd.s32 $0x10, s13;
	[tilespmem:v3+s10+$0x0] =	vst.idx.msk vm0, v4  }
0x668: {  	v3 =	vadd.s32 $0x4, v5;
	v4 =	vld [tilespmem:s13+$0x0];
	_ =	sdelay $0x1  }
0x669: {  	s14 =	sadd.s32 $0x80, s14;
	s16 =	sadd.s32 $0x10, s16;
	v5 =	vor.u32 s15, v0  }
0x66a: {  	_ =	sdelay $0x2  }
0x66b: {  	v2 =	vadd.s32 v2, v5;
	s15 =	sand.u32 $0x70, s15;
	s14 =	sand.u32 $0x400, s14  }
0x66c: {  	vm1 =	vlt.s32 v5, v1;
	vm2 =	vlt.s32 v2, $0x2EE;
	s14 =	sor.u32 s15, s14  }
0x66d: {  	v1 =	vmul.u32 $0x5, v2;
	vm1 =	vmand vm1, vm2;
	s14 =	sadd.s32 $0x19EE8, s14;
	[tilespmem:v3+s10+$0x0] =	vst.idx.msk vm0, v4  }
0x66e: {  	v2 =	vld [tilespmem:s14+$0x80];
	_ =	sdelay $0x4  }
0x66f: {  	[tilespmem:v1+s10+$0x0] =	vst.idx.msk vm1, v2  }
0x670: {  	v2 =	vadd.s32 $0x1, v1;
	v3 =	vld [tilespmem:s14+$0x100];
	_ =	sdelay $0x4  }
0x671: {  	[tilespmem:v2+s10+$0x0] =	vst.idx.msk vm1, v3  }
0x672: {  	v2 =	vadd.s32 $0x2, v1;
	v3 =	vld [tilespmem:s14+$0x180];
	_ =	sdelay $0x4  }
0x673: {  	[tilespmem:v2+s10+$0x0] =	vst.idx.msk vm1, v3  }
0x674: {  	v2 =	vadd.s32 $0x3, v1;
	v3 =	vld [tilespmem:s14+$0x200];
	_ =	sdelay $0x4  }
0x675: {  	s13 =	sadd.s32 $0x10, s13;
	[tilespmem:v2+s10+$0x0] =	vst.idx.msk vm1, v3  }
0x676: {  	v1 =	vadd.s32 $0x4, v1;
	v2 =	vld [tilespmem:s13+$0x0]  }
.Ltmp55:
0x677: {  	_ = 	snop;
	(pc) =	sbr.rel .LBB3_82-.Ltmp55, $2  }
0x678: {  	_ =	sdelay $0x2  }
0x679: {  	[tilespmem:v1+s10+$0x0] =	vst.idx.msk vm1, v2  }
.Lfunc_end3:
_tile_overlayer_lowered:
.L_overlay_start_3:
0x67a: {  	(tag) =	ssettag $0x3  }
0x67b: {  	s0 =	rddreg [dreg:$0x0];
	s2 =	stileid.u32  }
0x67c: {  	s1 =	rddreg [dreg:$0x1];
	p0 =	sne.s32 s2, $0x0  }
0x67d: {  	s3 =	rddreg [dreg:$0x2];
	[bflag:$0x3] =	sbarrier.arrive $0xFFFF;
	s2 =	simm.s32 @!p0 $0x1C01  }
0x67e: {  	[timem:s3], [sflag:s2] =	dma.local @!p0 [hbm:s0], s1  }
0x67f: {  	s0 =	simm.s32 @!p0 $0x1  }
0x680: {  	_ =	swait.ge @!p0 [sflag:s0], s1  }
0x681: {  	s1 =	ssub.s32 @!p0 $0x0, s1;
	[sflag:s0] =	ssyncset.done @!p0 $0x0  }
0x682: {  	[sflag:s0] =	ssyncadd.s32 @!p0 s1  }
0x683: {  	[bflag:$0x3] =	sbarrier.arrive $0xFFFF  }
0x684: {  	_ =	shalt  }

</sc_bundles>
